<compile_context>
chip_gen: v7x
topology: tpu7x:2x2x1
jax: 0.10.2.dev20260603
libtpu: 0.0.44.dev20260713+nightly
codegen_flags: <defaults>
</compile_context>

<pallas_src>
import jax
import jax.numpy as jnp
from jax import lax
from jax.experimental import pallas as pl
from jax.experimental.pallas import tpu as pltpu
from jax.experimental.pallas import tpu_sc as plsc

N = 10000
E = 320000
D = 128
H = 8
DH = 16

NC = 2
NS = 16
NPAD = 10240
HH = H // NC
DN = HH * NPAD
SL = DN // NS
EPT = E // NS
C1 = 400
NCH1 = EPT // C1
NG1 = C1 // 16
C2 = 800
NCH2 = EPT // C2
NR = NPAD // 2
KS = 10
SUB = C2 // KS
ABLK = H * C1
RPT = NR // NS
RF = 16
NRF = RPT // RF

_MESH = dict(core_axis_name="c", subcore_axis_name="s")


def _l0_body(x_ref, w_ref, alx_ref, arx_ref, f_ref, el_ref, er_ref):
    f = jnp.dot(x_ref[0], w_ref[0], preferred_element_type=jnp.float32)
    f_ref[0] = f
    el_ref[0] = jnp.dot(f, alx_ref[0], preferred_element_type=jnp.float32)
    er_ref[0] = jnp.dot(f, arx_ref[0], preferred_element_type=jnp.float32)


def _l0(xs, Ws, ALx, ARx):
    BM = 1000
    return pl.pallas_call(
        _l0_body,
        grid=(2, N // BM),
        in_specs=[
            pl.BlockSpec((1, BM, D), lambda m, i: (m, i, 0)),
            pl.BlockSpec((1, D, D), lambda m, i: (m, 0, 0)),
            pl.BlockSpec((1, D, H), lambda m, i: (m, 0, 0)),
            pl.BlockSpec((1, D, H), lambda m, i: (m, 0, 0)),
        ],
        out_specs=[
            pl.BlockSpec((1, BM, D), lambda m, i: (m, i, 0)),
            pl.BlockSpec((1, BM, H), lambda m, i: (m, i, 0)),
            pl.BlockSpec((1, BM, H), lambda m, i: (m, i, 0)),
        ],
        out_shape=[
            jax.ShapeDtypeStruct((2, N, D), jnp.float32),
            jax.ShapeDtypeStruct((2, N, H), jnp.float32),
            jax.ShapeDtypeStruct((2, N, H), jnp.float32),
        ],
    )(xs, Ws, ALx, ARx)


def _i16():
    return lax.iota(jnp.int32, 16)


def _l1_body(elTf, erTf, edpf, alphaTf, partsf, rdf,
             el_v, er_v, den_v, ed1_v,
             alb_v, reda_v, redb_v):
    cid = lax.axis_index("c")
    sid = lax.axis_index("s")
    hbase = cid * HH

    for mp in range(2):
        tab = mp * H * NPAD + hbase * NPAD
        pltpu.sync_copy(elTf.at[pl.ds(tab, DN)], el_v)
        pltpu.sync_copy(erTf.at[pl.ds(tab, DN)], er_v)

        def zero_body(i, _):
            den_v[pl.ds(i * 16, 16)] = jnp.zeros((16,), jnp.float32)
            return 0
        lax.fori_loop(0, DN // 16, zero_body, 0)

        def cha_body(ch, _):
            cb = (mp * E + sid * EPT) * 2 + ch * (2 * C1)
            pltpu.sync_copy(edpf.at[pl.ds(cb, 2 * C1)], ed1_v)

            def g_body(g, _):
                s16 = ed1_v[pl.ds(g * 16, 16)]
                d16 = ed1_v[pl.ds(C1 + g * 16, 16)]
                for h in range(HH):
                    el = plsc.load_gather(el_v, [s16 + h * NPAD])
                    er = plsc.load_gather(er_v, [d16 + h * NPAD])
                    e = el + er
                    e = jnp.maximum(e, 0.2 * e)
                    ee = jnp.exp(e)
                    plsc.addupdate_scatter(den_v, [d16 + h * NPAD], ee)
                return 0
            lax.fori_loop(0, NG1, g_body, 0)
            return 0
        lax.fori_loop(0, NCH1, cha_body, 0)

        pbase = cid * (NS * DN)
        pltpu.sync_copy(den_v, partsf.at[pl.ds(pbase + sid * DN, DN)])
        plsc.subcore_barrier()
        off = sid * SL
        pltpu.sync_copy(partsf.at[pl.ds(pbase + off, SL)], reda_v)

        def red_body(t, _):
            pltpu.sync_copy(partsf.at[pl.ds(pbase + t * DN + off, SL)],
                            redb_v)

            def add_body(v, _):
                sl = pl.ds(v * 16, 16)
                reda_v[sl] = reda_v[sl] + redb_v[sl]
                return 0
            lax.fori_loop(0, SL // 16, add_body, 0)
            return 0
        lax.fori_loop(1, NS, red_body, 0)

        def rcp_body(v, _):
            sl = pl.ds(v * 16, 16)
            reda_v[sl] = 1.0 / reda_v[sl]
            return 0
        lax.fori_loop(0, SL // 16, rcp_body, 0)
        pltpu.sync_copy(reda_v, rdf.at[pl.ds(cid * DN + off, SL)])
        plsc.subcore_barrier()
        pltpu.sync_copy(rdf.at[pl.ds(cid * DN, DN)], den_v)

        def chb_body(ch, _):
            cb = (mp * E + sid * EPT) * 2 + ch * (2 * C1)
            pltpu.sync_copy(edpf.at[pl.ds(cb, 2 * C1)], ed1_v)

            def g_body(g, _):
                s16 = ed1_v[pl.ds(g * 16, 16)]
                d16 = ed1_v[pl.ds(C1 + g * 16, 16)]
                for h in range(HH):
                    el = plsc.load_gather(el_v, [s16 + h * NPAD])
                    er = plsc.load_gather(er_v, [d16 + h * NPAD])
                    e = el + er
                    e = jnp.maximum(e, 0.2 * e)
                    ee = jnp.exp(e)
                    rd = plsc.load_gather(den_v, [d16 + h * NPAD])
                    alb_v[pl.ds(h * C1 + g * 16, 16)] = ee * rd
                return 0
            lax.fori_loop(0, NG1, g_body, 0)
            blk = sid * NCH1 + ch
            dsto = mp * H * E + blk * ABLK + cid * (HH * C1)
            pltpu.sync_copy(alb_v, alphaTf.at[pl.ds(dsto, HH * C1)])
            return 0
        lax.fori_loop(0, NCH1, chb_body, 0)


def _l1(elTf, erTf, edpf):
    return pl.kernel(
        _l1_body,
        out_type=[jax.ShapeDtypeStruct((2 * H * E,), jnp.float32),
                  jax.ShapeDtypeStruct((NC * NS * DN,), jnp.float32),
                  jax.ShapeDtypeStruct((NC * DN,), jnp.float32)],
        mesh=plsc.VectorSubcoreMesh(**_MESH),
        compiler_params=pltpu.CompilerParams(needs_layout_passes=False),
        scratch_types=[
            pltpu.VMEM((DN,), jnp.float32),
            pltpu.VMEM((DN,), jnp.float32),
            pltpu.VMEM((DN,), jnp.float32),
            pltpu.VMEM((2 * C1,), jnp.int32),
            pltpu.VMEM((HH * C1,), jnp.float32),
            pltpu.VMEM((SL,), jnp.float32),
            pltpu.VMEM((SL,), jnp.float32),
        ],
    )(elTf, erTf, edpf)[0]


def _l2_body(featsF, edpf, alphaTf, xsF, zs, attn, embP,
             rowsA_v, rowsB_v, scA_v, scB_v, ed_v, aT_v, ao_v, idx_v, acc_s,
             gsemA, gsemB, ssemA, ssemB):
    cid = lax.axis_index("c")
    sid = lax.axis_index("s")
    mp = cid
    i16 = _i16()
    mpN = jnp.full((16,), 1, jnp.int32) * (mp * N)

    def prep_idx(k, buf, lo16):
        b = k // 5
        inner0 = k * SUB - b * C1

        def q_body(q, _):
            sl = pl.ds(q * 16, 16)
            so = b * (2 * C1) + inner0 + q * 16
            t = ed_v[pl.ds(so + C1, 16)] - lo16
            keep = (t >= 0) & (t < NR)
            sv = ed_v[pl.ds(so, 16)] + mpN
            idx_v[2 * buf, sl] = jnp.where(keep, sv, -1)
            idx_v[2 * buf + 1, sl] = jnp.where(keep, t, NR)
            return 0
        lax.fori_loop(0, SUB // 16, q_body, 0)

    def scale(k, rows_v, sc_v, rng):
        b = k // 5
        inner0 = k * SUB - b * C1

        if rng == 0:
            def a_body(g, _):
                e8 = (i16 + g * 16 + k * SUB) * 8
                for h in range(H):
                    a_h = aT_v[pl.ds(b * ABLK + h * C1 + inner0 + g * 16,
                                     16)]
                    plsc.store_scatter(ao_v, [e8 + h], a_h)
                return 0
            lax.fori_loop(0, SUB // 16, a_body, 0)

        one = jnp.full((16,), 1, jnp.int32)

        def e_body(i, _):
            ri = one * i
            abase = b * ABLK + inner0 + i
            for h in range(H):
                ci = i16 + h * DH
                asp = plsc.load_gather(aT_v, [one * (abase + h * C1)])
                cv = plsc.load_gather(rows_v, [ri, ci])
                plsc.store_scatter(sc_v, [ri, ci], cv * asp)
            return 0
        lax.fori_loop(0, SUB, e_body, 0)

    for rng in range(2):
        lo = rng * NR
        lo16 = jnp.full((16,), lo, jnp.int32)

        def z_body(k, _):
            pltpu.sync_copy(zs, acc_s.at[pl.ds(sid * RPT + k * RF, RF), :])
            return 0
        lax.fori_loop(0, NRF, z_body, 0)
        plsc.subcore_barrier()

        def ch_body(ch, _):
            pltpu.sync_copy(
                edpf.at[pl.ds((mp * E + sid * EPT) * 2 + ch * (2 * C2),
                              2 * C2)], ed_v)
            cblk = sid * NCH1 + ch * 2
            pltpu.sync_copy(
                alphaTf.at[pl.ds(mp * H * E + cblk * ABLK, 2 * ABLK)], aT_v)

            def pair_body(i, _):
                kA = 2 * i
                kB = 2 * i + 1
                prep_idx(kA, 0, lo16)
                gA = pltpu.async_copy(
                    featsF.at[plsc.Indices(idx_v.at[0], ignored_value=-1)],
                    rowsA_v, gsemA)
                prep_idx(kB, 1, lo16)
                gB = pltpu.async_copy(
                    featsF.at[plsc.Indices(idx_v.at[2], ignored_value=-1)],
                    rowsB_v, gsemB)
                gA.wait()
                scale(kA, rowsA_v, scA_v, rng)
                sA = pltpu.async_copy(
                    scA_v,
                    acc_s.at[plsc.Indices(idx_v.at[1], ignored_value=NR)],
                    ssemA, add=True)
                gB.wait()
                scale(kB, rowsB_v, scB_v, rng)
                sB = pltpu.async_copy(
                    scB_v,
                    acc_s.at[plsc.Indices(idx_v.at[3], ignored_value=NR)],
                    ssemB, add=True)
                sA.wait()
                sB.wait()
                return 0
            lax.fori_loop(0, KS // 2, pair_body, 0)

            if rng == 0:
                pltpu.sync_copy(
                    ao_v,
                    attn.at[pl.ds((mp * E + sid * EPT + ch * C2) * H,
                                  C2 * H)])
            return 0
        lax.fori_loop(0, NCH2, ch_body, 0)
        plsc.subcore_barrier()

        def fin_body(k, _):
            rb = sid * RPT + k * RF
            pltpu.sync_copy(acc_s.at[pl.ds(rb, RF), :],
                            rowsA_v.at[pl.ds(0, RF), :])
            pltpu.sync_copy(xsF.at[pl.ds(mp * NPAD + lo + rb, RF), :],
                            rowsA_v.at[pl.ds(RF, RF), :])

            def r_body(r, _):
                rs0 = jnp.full((16,), 1, jnp.int32) * r
                for j in range(H):
                    ci = i16 + j * DH
                    ov = plsc.load_gather(rowsA_v, [rs0, ci])
                    xv = plsc.load_gather(rowsA_v, [rs0 + RF, ci])
                    sv = ov + xv
                    res = jnp.where(sv > 0.0, sv, jnp.exp(sv) - 1.0)
                    plsc.store_scatter(rowsA_v, [rs0 + 2 * RF, ci], res)
                return 0
            lax.fori_loop(0, RF, r_body, 0)
            pltpu.sync_copy(rowsA_v.at[pl.ds(2 * RF, RF), :],
                            embP.at[mp, pl.ds(lo + rb, RF), :])
            return 0
        lax.fori_loop(0, NRF, fin_body, 0)
        plsc.subcore_barrier()


def _l2(featsF, edpf, alphaTf, xsF, zs):
    return pl.kernel(
        _l2_body,
        out_type=[
            jax.ShapeDtypeStruct((2 * E * H,), jnp.float32),
            jax.ShapeDtypeStruct((2, NPAD, D), jnp.float32),
        ],
        mesh=plsc.VectorSubcoreMesh(**_MESH),
        compiler_params=pltpu.CompilerParams(needs_layout_passes=False),
        scratch_types=[
            pltpu.VMEM((SUB, D), jnp.float32),
            pltpu.VMEM((SUB, D), jnp.float32),
            pltpu.VMEM((SUB, D), jnp.float32),
            pltpu.VMEM((SUB, D), jnp.float32),
            pltpu.VMEM((2 * C2,), jnp.int32),
            pltpu.VMEM((2 * ABLK,), jnp.float32),
            pltpu.VMEM((C2 * H,), jnp.float32),
            pltpu.VMEM((4, SUB), jnp.int32),
            pltpu.VMEM_SHARED((NR + 8, D), jnp.float32),
            pltpu.SemaphoreType.DMA,
            pltpu.SemaphoreType.DMA,
            pltpu.SemaphoreType.DMA,
            pltpu.SemaphoreType.DMA,
        ],
    )(featsF, edpf, alphaTf, xsF, zs)


def _attn_mix(a):
    rows = jnp.arange(D) // DH
    return jnp.where(jnp.arange(H)[None, :] == rows[:, None],
                     a.reshape(D)[:, None], 0.0)


def kernel(x0, edge_index0, x1, edge_index1, W0, al0, ar0, b0,
           W1, al1, ar1, b1):
    xs = jnp.stack([x0, x1])
    Ws = jnp.stack([W0, W1])
    ALx = jnp.stack([_attn_mix(al0), _attn_mix(al1)])
    ARx = jnp.stack([_attn_mix(ar0), _attn_mix(ar1)])
    srcsf = jnp.concatenate([edge_index0[0], edge_index1[0]])
    dstsf = jnp.concatenate([edge_index0[1], edge_index1[1]])
    edpf = jnp.concatenate(
        [srcsf.reshape(2, E // C1, C1), dstsf.reshape(2, E // C1, C1)],
        axis=2).reshape(-1)
    zs = jnp.zeros((RF, D), jnp.float32)

    feats, el, er = _l0(xs, Ws, ALx, ARx)
    elTf = jnp.pad(jnp.swapaxes(el, 1, 2),
                   ((0, 0), (0, 0), (0, NPAD - N))).reshape(-1)
    erTf = jnp.pad(jnp.swapaxes(er, 1, 2),
                   ((0, 0), (0, 0), (0, NPAD - N))).reshape(-1)
    xsb = xs + jnp.stack([b0, b1])[:, None, :]
    xsF = jnp.pad(xsb, ((0, 0), (0, NPAD - N), (0, 0))).reshape(2 * NPAD, D)

    alphaTf = _l1(elTf, erTf, edpf)
    attn, embP = _l2(feats.reshape(2 * N, D), edpf, alphaTf,
                     xsF, zs)

    attn2 = attn.reshape(2, E, H)
    return (embP[0, :N], embP[1, :N],
            attn2[0][:, :, None], attn2[1][:, :, None])

# --- scband reference (transcript-rebuilt; emitter-appended) ---
"""Pipeline reference for scband-het-gat-49065706389922 (READ-ONLY COPY).

The authoritative reference and input builder live on the scoring server;
editing this copy changes nothing except your own understanding.
"""

import jax, jax.numpy as jnp
import numpy as np

N = 10000
E = 320000
D = 128
H = 8
DH = 16  # D // H


def _gat_conv(x, src, dst, W, attn_l, attn_r, bias):
    # linear projection -> [N, H, DH]
    feat = (x @ W).reshape(-1, H, DH)
    # attention logits
    el = jnp.sum(feat * attn_l[None, :, :], axis=-1)  # [N, H]
    er = jnp.sum(feat * attn_r[None, :, :], axis=-1)  # [N, H]
    e = el[src] + er[dst]                              # [E, H]
    e = jax.nn.leaky_relu(e, negative_slope=0.2)
    # edge softmax over incoming edges per destination node
    emax = jax.ops.segment_max(e, dst, num_segments=N)
    emax = jnp.where(jnp.isfinite(emax), emax, 0.0)
    ee = jnp.exp(e - emax[dst])
    denom = jax.ops.segment_sum(ee, dst, num_segments=N)
    alpha = ee / (denom[dst] + 1e-9)                   # [E, H]
    # message passing: scatter-add weighted source features to dst
    msg = feat[src] * alpha[:, :, None]                # [E, H, DH]
    out = jax.ops.segment_sum(msg, dst, num_segments=N)  # [N, H, DH]
    # residual (in_dim == H*DH -> identity residual, as in DGL GATConv)
    out = out + x.reshape(-1, H, DH)
    out = out + bias.reshape(1, H, DH)
    out = jax.nn.elu(out)
    return out, alpha[:, :, None]                      # ([N,H,DH], [E,H,1])


def setup_inputs(seed: int = 0):
    key = jax.random.key(seed)
    ks = jax.random.split(key, 12)
    inp = {}
    inp['x0'] = jax.random.normal(ks[0], (N, D), dtype=jnp.float32)
    inp['edge_index0'] = jax.random.randint(ks[1], (2, E), 0, N, dtype=jnp.int32)
    inp['x1'] = jax.random.normal(ks[2], (N, D), dtype=jnp.float32)
    inp['edge_index1'] = jax.random.randint(ks[3], (2, E), 0, N, dtype=jnp.int32)
    # learned parameters per metapath GAT layer
    inp['W0'] = jax.random.normal(ks[4], (D, D), dtype=jnp.float32) * 0.08
    inp['al0'] = jax.random.normal(ks[5], (H, DH), dtype=jnp.float32) * 0.08
    inp['ar0'] = jax.random.normal(ks[6], (H, DH), dtype=jnp.float32) * 0.08
    inp['b0'] = jnp.zeros((D,), dtype=jnp.float32)
    inp['W1'] = jax.random.normal(ks[7], (D, D), dtype=jnp.float32) * 0.08
    inp['al1'] = jax.random.normal(ks[8], (H, DH), dtype=jnp.float32) * 0.08
    inp['ar1'] = jax.random.normal(ks[9], (H, DH), dtype=jnp.float32) * 0.08
    inp['b1'] = jnp.zeros((D,), dtype=jnp.float32)
    return inp


def reference(x0, edge_index0, x1, edge_index1, W0, al0, ar0, b0, W1, al1, ar1, b1):
    # metapath 0
    h0, attn0 = _gat_conv(x0, edge_index0[0], edge_index0[1], W0, al0, ar0, b0)
    emb0 = h0.reshape(N, D)  # flatten(1)
    # metapath 1
    h1, attn1 = _gat_conv(x1, edge_index1[0], edge_index1[1], W1, al1, ar1, b1)
    emb1 = h1.reshape(N, D)
    # HetGAT returns (semantic_embeddings, element_weights)
    return (emb0, emb1, attn0, attn1)

if __name__ == "__main__":
    import jax
    _d = setup_inputs()
    print(jax.jit(kernel)(*tuple(_d.values())))

</pallas_src>

<mosaic_0001>
#map = affine_map<(d0, d1) -> (0)>
module attributes {stable_mosaic.version = 14 : i64} {
  func.func @_l1_body(%arg0: i32, %arg1: i32, %arg2: memref<163840xf32, #tpu.memory_space<hbm>>, %arg3: memref<163840xf32, #tpu.memory_space<hbm>>, %arg4: memref<1280000xi32, #tpu.memory_space<hbm>>, %arg5: memref<5120000xf32, #tpu.memory_space<hbm>>, %arg6: memref<1310720xf32, #tpu.memory_space<hbm>>, %arg7: memref<81920xf32, #tpu.memory_space<hbm>>, %arg8: memref<40960xf32, #tpu.memory_space<vmem>>, %arg9: memref<40960xf32, #tpu.memory_space<vmem>>, %arg10: memref<40960xf32, #tpu.memory_space<vmem>>, %arg11: memref<800xi32, #tpu.memory_space<vmem>>, %arg12: memref<1600xf32, #tpu.memory_space<vmem>>, %arg13: memref<2560xf32, #tpu.memory_space<vmem>>, %arg14: memref<2560xf32, #tpu.memory_space<vmem>>) attributes {dimension_semantics = [#tpu.dimension_semantics<core_parallel>, #tpu.dimension_semantics<subcore_parallel>], iteration_bounds = array<i64: 2, 16>, scalar_prefetch = 0 : i64, scratch_operands = 7 : i64, tpu.core_type = #tpu.core_type<sc_vector_subcore>, window_params = [{transform_indices = #map}, {transform_indices = #map}, {transform_indices = #map}, {transform_indices = #map}, {transform_indices = #map}, {transform_indices = #map}]} {
    %mul3A = arith.constant 4 : i32
    %mul3A_0 = arith.muli %arg0, %mul3A : i32
    %mul3A_1 = arith.constant 10240 : i32
    %mul3A_2 = arith.muli %mul3A_0, %mul3A_1 : i32
    %add3A = arith.constant 0 : i32
    %add3A_3 = arith.addi %add3A, %mul3A_2 : i32
    "tpu.region"() ({
      %run_scoped3A = tpu.sem_alloc : memref<!tpu.dma_semaphore, #tpu.memory_space<semaphore_mem>>
      %dma_start3A = tpu.memref_slice %arg2[%add3A_3] : memref<163840xf32, #tpu.memory_space<hbm>> -> memref<40960xf32, #tpu.memory_space<hbm>>
      %dma_start3A_106 = tpu.memref_slice %arg2[%add3A_3] : memref<163840xf32, #tpu.memory_space<hbm>> -> memref<40960xf32, #tpu.memory_space<hbm>>
      tpu.enqueue_dma source(%dma_start3A_106 : memref<40960xf32, #tpu.memory_space<hbm>>) target(%arg8 : memref<40960xf32, #tpu.memory_space<vmem>>) target_semaphore(%run_scoped3A : memref<!tpu.dma_semaphore, #tpu.memory_space<semaphore_mem>>)
      %dma_wait3A = tpu.memref_slice %arg2[%add3A_3] : memref<163840xf32, #tpu.memory_space<hbm>> -> memref<40960xf32, #tpu.memory_space<hbm>>
      %dma_wait3A_107 = tpu.memref_slice %arg2[%add3A_3] : memref<163840xf32, #tpu.memory_space<hbm>> -> memref<40960xf32, #tpu.memory_space<hbm>>
      tpu.wait_dma2 semaphore(%run_scoped3A : memref<!tpu.dma_semaphore, #tpu.memory_space<semaphore_mem>>) src(%dma_wait3A_107 : memref<40960xf32, #tpu.memory_space<hbm>>) dst(%arg8 : memref<40960xf32, #tpu.memory_space<vmem>>)
      tpu.yield
    }) : () -> ()
    "tpu.region"() ({
      %run_scoped3A = tpu.sem_alloc : memref<!tpu.dma_semaphore, #tpu.memory_space<semaphore_mem>>
      %dma_start3A = tpu.memref_slice %arg3[%add3A_3] : memref<163840xf32, #tpu.memory_space<hbm>> -> memref<40960xf32, #tpu.memory_space<hbm>>
      %dma_start3A_106 = tpu.memref_slice %arg3[%add3A_3] : memref<163840xf32, #tpu.memory_space<hbm>> -> memref<40960xf32, #tpu.memory_space<hbm>>
      tpu.enqueue_dma source(%dma_start3A_106 : memref<40960xf32, #tpu.memory_space<hbm>>) target(%arg9 : memref<40960xf32, #tpu.memory_space<vmem>>) target_semaphore(%run_scoped3A : memref<!tpu.dma_semaphore, #tpu.memory_space<semaphore_mem>>)
      %dma_wait3A = tpu.memref_slice %arg3[%add3A_3] : memref<163840xf32, #tpu.memory_space<hbm>> -> memref<40960xf32, #tpu.memory_space<hbm>>
      %dma_wait3A_107 = tpu.memref_slice %arg3[%add3A_3] : memref<163840xf32, #tpu.memory_space<hbm>> -> memref<40960xf32, #tpu.memory_space<hbm>>
      tpu.wait_dma2 semaphore(%run_scoped3A : memref<!tpu.dma_semaphore, #tpu.memory_space<semaphore_mem>>) src(%dma_wait3A_107 : memref<40960xf32, #tpu.memory_space<hbm>>) dst(%arg9 : memref<40960xf32, #tpu.memory_space<vmem>>)
      tpu.yield
    }) : () -> ()
    %scan3A = arith.constant 0 : i32
    %scan3A_4 = arith.constant 0 : i32
    %scan3A_5 = arith.constant 2560 : i32
    %scan3A_6 = arith.addi %scan3A_4, %scan3A_5 : i32
    %scan3A_7 = arith.constant 1 : i32
    %scan3A_8 = scf.for %scan3A_106 = %scan3A_4 to %scan3A_6 step %scan3A_7 iter_args(%scan3A_107 = %scan3A) -> (i32)  : i32 {
      %broadcast_in_dim3A = arith.constant 0.000000e+00 : f32
      %broadcast_in_dim3A_108 = vector.broadcast %broadcast_in_dim3A : f32 to vector<16xf32>
      %mul3A_109 = arith.constant 16 : i32
      %mul3A_110 = arith.muli %scan3A_106, %mul3A_109 : i32
      %swap3A = arith.index_cast %mul3A_110 : i32 to index
      %swap3A_111 = tpu.vector_load %arg10[%swap3A] {strides = array<i32>} : memref<40960xf32, #tpu.memory_space<vmem>>, vector<16xf32>,
      tpu.vector_store %arg10[%swap3A], %broadcast_in_dim3A_108 {strides = array<i32>} : memref<40960xf32, #tpu.memory_space<vmem>>, vector<16xf32>,
      %scan3A_112 = arith.constant 0 : i32
      scf.yield %scan3A_112 : i32
    }
    %scan3A_9 = arith.constant 2560 : i32
    %scan3A_10 = arith.constant 0 : i32
    %scan3A_11 = arith.constant 0 : i32
    %scan3A_12 = arith.constant 50 : i32
    %scan3A_13 = arith.addi %scan3A_11, %scan3A_12 : i32
    %scan3A_14 = arith.constant 1 : i32
    %scan3A_15 = scf.for %scan3A_106 = %scan3A_11 to %scan3A_13 step %scan3A_14 iter_args(%scan3A_107 = %scan3A_10) -> (i32)  : i32 {
      %mul3A_108 = arith.constant 20000 : i32
      %mul3A_109 = arith.muli %arg1, %mul3A_108 : i32
      %add3A_110 = arith.constant 0 : i32
      %add3A_111 = arith.addi %add3A_110, %mul3A_109 : i32
      %mul3A_112 = arith.constant 2 : i32
      %mul3A_113 = arith.muli %add3A_111, %mul3A_112 : i32
      %mul3A_114 = arith.constant 800 : i32
      %mul3A_115 = arith.muli %scan3A_106, %mul3A_114 : i32
      %add3A_116 = arith.addi %mul3A_113, %mul3A_115 : i32
      "tpu.region"() ({
        %run_scoped3A = tpu.sem_alloc : memref<!tpu.dma_semaphore, #tpu.memory_space<semaphore_mem>>
        %dma_start3A = tpu.memref_slice %arg4[%add3A_116] : memref<1280000xi32, #tpu.memory_space<hbm>> -> memref<800xi32, #tpu.memory_space<hbm>>
        %dma_start3A_125 = tpu.memref_slice %arg4[%add3A_116] : memref<1280000xi32, #tpu.memory_space<hbm>> -> memref<800xi32, #tpu.memory_space<hbm>>
        tpu.enqueue_dma source(%dma_start3A_125 : memref<800xi32, #tpu.memory_space<hbm>>) target(%arg11 : memref<800xi32, #tpu.memory_space<vmem>>) target_semaphore(%run_scoped3A : memref<!tpu.dma_semaphore, #tpu.memory_space<semaphore_mem>>)
        %dma_wait3A = tpu.memref_slice %arg4[%add3A_116] : memref<1280000xi32, #tpu.memory_space<hbm>> -> memref<800xi32, #tpu.memory_space<hbm>>
        %dma_wait3A_126 = tpu.memref_slice %arg4[%add3A_116] : memref<1280000xi32, #tpu.memory_space<hbm>> -> memref<800xi32, #tpu.memory_space<hbm>>
        tpu.wait_dma2 semaphore(%run_scoped3A : memref<!tpu.dma_semaphore, #tpu.memory_space<semaphore_mem>>) src(%dma_wait3A_126 : memref<800xi32, #tpu.memory_space<hbm>>) dst(%arg11 : memref<800xi32, #tpu.memory_space<vmem>>)
        tpu.yield
      }) : () -> ()
      %scan3A_117 = arith.constant 0 : i32
      %scan3A_118 = arith.constant 0 : i32
      %scan3A_119 = arith.constant 25 : i32
      %scan3A_120 = arith.addi %scan3A_118, %scan3A_119 : i32
      %scan3A_121 = arith.constant 1 : i32
      %scan3A_122 = scf.for %scan3A_125 = %scan3A_118 to %scan3A_120 step %scan3A_121 iter_args(%scan3A_126 = %scan3A_117) -> (i32)  : i32 {
        %mul3A_127 = arith.constant 16 : i32
        %mul3A_128 = arith.muli %scan3A_125, %mul3A_127 : i32
        %get3A = arith.index_cast %mul3A_128 : i32 to index
        %get3A_129 = tpu.vector_load %arg11[%get3A] {strides = array<i32>} : memref<800xi32, #tpu.memory_space<vmem>>, vector<16xi32>,
        %mul3A_130 = arith.constant 16 : i32
        %mul3A_131 = arith.muli %scan3A_125, %mul3A_130 : i32
        %add3A_132 = arith.constant 400 : i32
        %add3A_133 = arith.addi %add3A_132, %mul3A_131 : i32
        %get3A_134 = arith.index_cast %add3A_133 : i32 to index
        %get3A_135 = tpu.vector_load %arg11[%get3A_134] {strides = array<i32>} : memref<800xi32, #tpu.memory_space<vmem>>, vector<16xi32>,
        %add3A_136 = arith.constant 0 : i32
        %add3A_137 = vector.broadcast %add3A_136 : i32 to vector<16xi32>
        %add3A_138 = arith.addi %get3A_129, %add3A_137 : vector<16xi32>
        %gather3A = tpu.vector_load_idx %arg8[%add3A_138] : memref<40960xf32, #tpu.memory_space<vmem>>[vector<16xi32>], vector<16xf32>,
        %add3A_139 = arith.constant 0 : i32
        %add3A_140 = vector.broadcast %add3A_139 : i32 to vector<16xi32>
        %add3A_141 = arith.addi %get3A_135, %add3A_140 : vector<16xi32>
        %gather3A_142 = tpu.vector_load_idx %arg9[%add3A_141] : memref<40960xf32, #tpu.memory_space<vmem>>[vector<16xi32>], vector<16xf32>,
        %add3A_143 = arith.addf %gather3A, %gather3A_142 : vector<16xf32>
        %mul3A_144 = arith.constant 2.000000e-01 : f32
        %mul3A_145 = vector.broadcast %mul3A_144 : f32 to vector<16xf32>
        %mul3A_146 = arith.mulf %mul3A_145, %add3A_143 : vector<16xf32>
        %max3A = arith.maximumf %add3A_143, %mul3A_146 : vector<16xf32>
        %exp3A = math.exp %max3A : vector<16xf32>
        %add3A_147 = arith.constant 0 : i32
        %add3A_148 = vector.broadcast %add3A_147 : i32 to vector<16xi32>
        %add3A_149 = arith.addi %get3A_135, %add3A_148 : vector<16xi32>
        tpu.vector_store_idx %arg10[%add3A_149], %exp3A {add = true} : memref<40960xf32, #tpu.memory_space<vmem>>[vector<16xi32>], vector<16xf32>,
        %add3A_150 = arith.constant 10240 : i32
        %add3A_151 = vector.broadcast %add3A_150 : i32 to vector<16xi32>
        %add3A_152 = arith.addi %get3A_129, %add3A_151 : vector<16xi32>
        %gather3A_153 = tpu.vector_load_idx %arg8[%add3A_152] : memref<40960xf32, #tpu.memory_space<vmem>>[vector<16xi32>], vector<16xf32>,
        %add3A_154 = arith.constant 10240 : i32
        %add3A_155 = vector.broadcast %add3A_154 : i32 to vector<16xi32>
        %add3A_156 = arith.addi %get3A_135, %add3A_155 : vector<16xi32>
        %gather3A_157 = tpu.vector_load_idx %arg9[%add3A_156] : memref<40960xf32, #tpu.memory_space<vmem>>[vector<16xi32>], vector<16xf32>,
        %add3A_158 = arith.addf %gather3A_153, %gather3A_157 : vector<16xf32>
        %mul3A_159 = arith.constant 2.000000e-01 : f32
        %mul3A_160 = vector.broadcast %mul3A_159 : f32 to vector<16xf32>
        %mul3A_161 = arith.mulf %mul3A_160, %add3A_158 : vector<16xf32>
        %max3A_162 = arith.maximumf %add3A_158, %mul3A_161 : vector<16xf32>
        %exp3A_163 = math.exp %max3A_162 : vector<16xf32>
        %add3A_164 = arith.constant 10240 : i32
        %add3A_165 = vector.broadcast %add3A_164 : i32 to vector<16xi32>
        %add3A_166 = arith.addi %get3A_135, %add3A_165 : vector<16xi32>
        tpu.vector_store_idx %arg10[%add3A_166], %exp3A_163 {add = true} : memref<40960xf32, #tpu.memory_space<vmem>>[vector<16xi32>], vector<16xf32>,
        %add3A_167 = arith.constant 20480 : i32
        %add3A_168 = vector.broadcast %add3A_167 : i32 to vector<16xi32>
        %add3A_169 = arith.addi %get3A_129, %add3A_168 : vector<16xi32>
        %gather3A_170 = tpu.vector_load_idx %arg8[%add3A_169] : memref<40960xf32, #tpu.memory_space<vmem>>[vector<16xi32>], vector<16xf32>,
        %add3A_171 = arith.constant 20480 : i32
        %add3A_172 = vector.broadcast %add3A_171 : i32 to vector<16xi32>
        %add3A_173 = arith.addi %get3A_135, %add3A_172 : vector<16xi32>
        %gather3A_174 = tpu.vector_load_idx %arg9[%add3A_173] : memref<40960xf32, #tpu.memory_space<vmem>>[vector<16xi32>], vector<16xf32>,
        %add3A_175 = arith.addf %gather3A_170, %gather3A_174 : vector<16xf32>
        %mul3A_176 = arith.constant 2.000000e-01 : f32
        %mul3A_177 = vector.broadcast %mul3A_176 : f32 to vector<16xf32>
        %mul3A_178 = arith.mulf %mul3A_177, %add3A_175 : vector<16xf32>
        %max3A_179 = arith.maximumf %add3A_175, %mul3A_178 : vector<16xf32>
        %exp3A_180 = math.exp %max3A_179 : vector<16xf32>
        %add3A_181 = arith.constant 20480 : i32
        %add3A_182 = vector.broadcast %add3A_181 : i32 to vector<16xi32>
        %add3A_183 = arith.addi %get3A_135, %add3A_182 : vector<16xi32>
        tpu.vector_store_idx %arg10[%add3A_183], %exp3A_180 {add = true} : memref<40960xf32, #tpu.memory_space<vmem>>[vector<16xi32>], vector<16xf32>,
        %add3A_184 = arith.constant 30720 : i32
        %add3A_185 = vector.broadcast %add3A_184 : i32 to vector<16xi32>
        %add3A_186 = arith.addi %get3A_129, %add3A_185 : vector<16xi32>
        %gather3A_187 = tpu.vector_load_idx %arg8[%add3A_186] : memref<40960xf32, #tpu.memory_space<vmem>>[vector<16xi32>], vector<16xf32>,
        %add3A_188 = arith.constant 30720 : i32
        %add3A_189 = vector.broadcast %add3A_188 : i32 to vector<16xi32>
        %add3A_190 = arith.addi %get3A_135, %add3A_189 : vector<16xi32>
        %gather3A_191 = tpu.vector_load_idx %arg9[%add3A_190] : memref<40960xf32, #tpu.memory_space<vmem>>[vector<16xi32>], vector<16xf32>,
        %add3A_192 = arith.addf %gather3A_187, %gather3A_191 : vector<16xf32>
        %mul3A_193 = arith.constant 2.000000e-01 : f32
        %mul3A_194 = vector.broadcast %mul3A_193 : f32 to vector<16xf32>
        %mul3A_195 = arith.mulf %mul3A_194, %add3A_192 : vector<16xf32>
        %max3A_196 = arith.maximumf %add3A_192, %mul3A_195 : vector<16xf32>
        %exp3A_197 = math.exp %max3A_196 : vector<16xf32>
        %add3A_198 = arith.constant 30720 : i32
        %add3A_199 = vector.broadcast %add3A_198 : i32 to vector<16xi32>
        %add3A_200 = arith.addi %get3A_135, %add3A_199 : vector<16xi32>
        tpu.vector_store_idx %arg10[%add3A_200], %exp3A_197 {add = true} : memref<40960xf32, #tpu.memory_space<vmem>>[vector<16xi32>], vector<16xf32>,
        %scan3A_201 = arith.constant 0 : i32
        scf.yield %scan3A_201 : i32
      }
      %scan3A_123 = arith.constant 25 : i32
      %scan3A_124 = arith.constant 0 : i32
      scf.yield %scan3A_124 : i32
    }
    %scan3A_16 = arith.constant 50 : i32
    %mul3A_17 = arith.constant 655360 : i32
    %mul3A_18 = arith.muli %arg0, %mul3A_17 : i32
    %mul3A_19 = arith.constant 40960 : i32
    %mul3A_20 = arith.muli %arg1, %mul3A_19 : i32
    %add3A_21 = arith.addi %mul3A_18, %mul3A_20 : i32
    "tpu.region"() ({
      %run_scoped3A = tpu.sem_alloc : memref<!tpu.dma_semaphore, #tpu.memory_space<semaphore_mem>>
      %dma_start3A = tpu.memref_slice %arg6[%add3A_21] : memref<1310720xf32, #tpu.memory_space<hbm>> -> memref<40960xf32, #tpu.memory_space<hbm>>
      %dma_start3A_106 = tpu.memref_slice %arg6[%add3A_21] : memref<1310720xf32, #tpu.memory_space<hbm>> -> memref<40960xf32, #tpu.memory_space<hbm>>
      tpu.enqueue_dma source(%arg10 : memref<40960xf32, #tpu.memory_space<vmem>>) target(%dma_start3A_106 : memref<40960xf32, #tpu.memory_space<hbm>>) target_semaphore(%run_scoped3A : memref<!tpu.dma_semaphore, #tpu.memory_space<semaphore_mem>>)
      %dma_wait3A = tpu.memref_slice %arg6[%add3A_21] : memref<1310720xf32, #tpu.memory_space<hbm>> -> memref<40960xf32, #tpu.memory_space<hbm>>
      %dma_wait3A_107 = tpu.memref_slice %arg6[%add3A_21] : memref<1310720xf32, #tpu.memory_space<hbm>> -> memref<40960xf32, #tpu.memory_space<hbm>>
      tpu.wait_dma2 semaphore(%run_scoped3A : memref<!tpu.dma_semaphore, #tpu.memory_space<semaphore_mem>>) src(%arg10 : memref<40960xf32, #tpu.memory_space<vmem>>) dst(%dma_wait3A_107 : memref<40960xf32, #tpu.memory_space<hbm>>)
      tpu.yield
    }) : () -> ()
    %barrier3A = arith.constant 0 : index
    tpu.barrier barrier_id(%barrier3A)
    %mul3A_22 = arith.constant 2560 : i32
    %mul3A_23 = arith.muli %arg1, %mul3A_22 : i32
    %add3A_24 = arith.addi %mul3A_18, %mul3A_23 : i32
    "tpu.region"() ({
      %run_scoped3A = tpu.sem_alloc : memref<!tpu.dma_semaphore, #tpu.memory_space<semaphore_mem>>
      %dma_start3A = tpu.memref_slice %arg6[%add3A_24] : memref<1310720xf32, #tpu.memory_space<hbm>> -> memref<2560xf32, #tpu.memory_space<hbm>>
      %dma_start3A_106 = tpu.memref_slice %arg6[%add3A_24] : memref<1310720xf32, #tpu.memory_space<hbm>> -> memref<2560xf32, #tpu.memory_space<hbm>>
      tpu.enqueue_dma source(%dma_start3A_106 : memref<2560xf32, #tpu.memory_space<hbm>>) target(%arg13 : memref<2560xf32, #tpu.memory_space<vmem>>) target_semaphore(%run_scoped3A : memref<!tpu.dma_semaphore, #tpu.memory_space<semaphore_mem>>)
      %dma_wait3A = tpu.memref_slice %arg6[%add3A_24] : memref<1310720xf32, #tpu.memory_space<hbm>> -> memref<2560xf32, #tpu.memory_space<hbm>>
      %dma_wait3A_107 = tpu.memref_slice %arg6[%add3A_24] : memref<1310720xf32, #tpu.memory_space<hbm>> -> memref<2560xf32, #tpu.memory_space<hbm>>
      tpu.wait_dma2 semaphore(%run_scoped3A : memref<!tpu.dma_semaphore, #tpu.memory_space<semaphore_mem>>) src(%dma_wait3A_107 : memref<2560xf32, #tpu.memory_space<hbm>>) dst(%arg13 : memref<2560xf32, #tpu.memory_space<vmem>>)
      tpu.yield
    }) : () -> ()
    %scan3A_25 = arith.constant 0 : i32
    %scan3A_26 = arith.constant 1 : i32
    %scan3A_27 = arith.constant 15 : i32
    %scan3A_28 = arith.addi %scan3A_26, %scan3A_27 : i32
    %scan3A_29 = arith.constant 1 : i32
    %scan3A_30 = scf.for %scan3A_106 = %scan3A_26 to %scan3A_28 step %scan3A_29 iter_args(%scan3A_107 = %scan3A_25) -> (i32)  : i32 {
      %mul3A_108 = arith.constant 40960 : i32
      %mul3A_109 = arith.muli %scan3A_106, %mul3A_108 : i32
      %add3A_110 = arith.addi %mul3A_18, %mul3A_109 : i32
      %add3A_111 = arith.addi %add3A_110, %mul3A_23 : i32
      "tpu.region"() ({
        %run_scoped3A = tpu.sem_alloc : memref<!tpu.dma_semaphore, #tpu.memory_space<semaphore_mem>>
        %dma_start3A = tpu.memref_slice %arg6[%add3A_111] : memref<1310720xf32, #tpu.memory_space<hbm>> -> memref<2560xf32, #tpu.memory_space<hbm>>
        %dma_start3A_120 = tpu.memref_slice %arg6[%add3A_111] : memref<1310720xf32, #tpu.memory_space<hbm>> -> memref<2560xf32, #tpu.memory_space<hbm>>
        tpu.enqueue_dma source(%dma_start3A_120 : memref<2560xf32, #tpu.memory_space<hbm>>) target(%arg14 : memref<2560xf32, #tpu.memory_space<vmem>>) target_semaphore(%run_scoped3A : memref<!tpu.dma_semaphore, #tpu.memory_space<semaphore_mem>>)
        %dma_wait3A = tpu.memref_slice %arg6[%add3A_111] : memref<1310720xf32, #tpu.memory_space<hbm>> -> memref<2560xf32, #tpu.memory_space<hbm>>
        %dma_wait3A_121 = tpu.memref_slice %arg6[%add3A_111] : memref<1310720xf32, #tpu.memory_space<hbm>> -> memref<2560xf32, #tpu.memory_space<hbm>>
        tpu.wait_dma2 semaphore(%run_scoped3A : memref<!tpu.dma_semaphore, #tpu.memory_space<semaphore_mem>>) src(%dma_wait3A_121 : memref<2560xf32, #tpu.memory_space<hbm>>) dst(%arg14 : memref<2560xf32, #tpu.memory_space<vmem>>)
        tpu.yield
      }) : () -> ()
      %scan3A_112 = arith.constant 0 : i32
      %scan3A_113 = arith.constant 0 : i32
      %scan3A_114 = arith.constant 160 : i32
      %scan3A_115 = arith.addi %scan3A_113, %scan3A_114 : i32
      %scan3A_116 = arith.constant 1 : i32
      %scan3A_117 = scf.for %scan3A_120 = %scan3A_113 to %scan3A_115 step %scan3A_116 iter_args(%scan3A_121 = %scan3A_112) -> (i32)  : i32 {
        %mul3A_122 = arith.constant 16 : i32
        %mul3A_123 = arith.muli %scan3A_120, %mul3A_122 : i32
        %get3A = arith.index_cast %mul3A_123 : i32 to index
        %get3A_124 = tpu.vector_load %arg13[%get3A] {strides = array<i32>} : memref<2560xf32, #tpu.memory_space<vmem>>, vector<16xf32>,
        %get3A_125 = arith.index_cast %mul3A_123 : i32 to index
        %get3A_126 = tpu.vector_load %arg14[%get3A_125] {strides = array<i32>} : memref<2560xf32, #tpu.memory_space<vmem>>, vector<16xf32>,
        %add3A_127 = arith.addf %get3A_124, %get3A_126 : vector<16xf32>
        %swap3A = arith.index_cast %mul3A_123 : i32 to index
        %swap3A_128 = tpu.vector_load %arg13[%swap3A] {strides = array<i32>} : memref<2560xf32, #tpu.memory_space<vmem>>, vector<16xf32>,
        tpu.vector_store %arg13[%swap3A], %add3A_127 {strides = array<i32>} : memref<2560xf32, #tpu.memory_space<vmem>>, vector<16xf32>,
        %scan3A_129 = arith.constant 0 : i32
        scf.yield %scan3A_129 : i32
      }
      %scan3A_118 = arith.constant 160 : i32
      %scan3A_119 = arith.constant 0 : i32
      scf.yield %scan3A_119 : i32
    }
    %scan3A_31 = arith.constant 15 : i32
    %scan3A_32 = arith.constant 0 : i32
    %scan3A_33 = arith.constant 0 : i32
    %scan3A_34 = arith.constant 160 : i32
    %scan3A_35 = arith.addi %scan3A_33, %scan3A_34 : i32
    %scan3A_36 = arith.constant 1 : i32
    %scan3A_37 = scf.for %scan3A_106 = %scan3A_33 to %scan3A_35 step %scan3A_36 iter_args(%scan3A_107 = %scan3A_32) -> (i32)  : i32 {
      %mul3A_108 = arith.constant 16 : i32
      %mul3A_109 = arith.muli %scan3A_106, %mul3A_108 : i32
      %get3A = arith.index_cast %mul3A_109 : i32 to index
      %get3A_110 = tpu.vector_load %arg13[%get3A] {strides = array<i32>} : memref<2560xf32, #tpu.memory_space<vmem>>, vector<16xf32>,
      %div3A = arith.constant 1.000000e+00 : f32
      %div3A_111 = vector.broadcast %div3A : f32 to vector<16xf32>
      %div3A_112 = arith.divf %div3A_111, %get3A_110 : vector<16xf32>
      %swap3A = arith.index_cast %mul3A_109 : i32 to index
      %swap3A_113 = tpu.vector_load %arg13[%swap3A] {strides = array<i32>} : memref<2560xf32, #tpu.memory_space<vmem>>, vector<16xf32>,
      tpu.vector_store %arg13[%swap3A], %div3A_112 {strides = array<i32>} : memref<2560xf32, #tpu.memory_space<vmem>>, vector<16xf32>,
      %scan3A_114 = arith.constant 0 : i32
      scf.yield %scan3A_114 : i32
    }
    %scan3A_38 = arith.constant 160 : i32
    %mul3A_39 = arith.constant 40960 : i32
    %mul3A_40 = arith.muli %arg0, %mul3A_39 : i32
    %add3A_41 = arith.addi %mul3A_40, %mul3A_23 : i32
    "tpu.region"() ({
      %run_scoped3A = tpu.sem_alloc : memref<!tpu.dma_semaphore, #tpu.memory_space<semaphore_mem>>
      %dma_start3A = tpu.memref_slice %arg7[%add3A_41] : memref<81920xf32, #tpu.memory_space<hbm>> -> memref<2560xf32, #tpu.memory_space<hbm>>
      %dma_start3A_106 = tpu.memref_slice %arg7[%add3A_41] : memref<81920xf32, #tpu.memory_space<hbm>> -> memref<2560xf32, #tpu.memory_space<hbm>>
      tpu.enqueue_dma source(%arg13 : memref<2560xf32, #tpu.memory_space<vmem>>) target(%dma_start3A_106 : memref<2560xf32, #tpu.memory_space<hbm>>) target_semaphore(%run_scoped3A : memref<!tpu.dma_semaphore, #tpu.memory_space<semaphore_mem>>)
      %dma_wait3A = tpu.memref_slice %arg7[%add3A_41] : memref<81920xf32, #tpu.memory_space<hbm>> -> memref<2560xf32, #tpu.memory_space<hbm>>
      %dma_wait3A_107 = tpu.memref_slice %arg7[%add3A_41] : memref<81920xf32, #tpu.memory_space<hbm>> -> memref<2560xf32, #tpu.memory_space<hbm>>
      tpu.wait_dma2 semaphore(%run_scoped3A : memref<!tpu.dma_semaphore, #tpu.memory_space<semaphore_mem>>) src(%arg13 : memref<2560xf32, #tpu.memory_space<vmem>>) dst(%dma_wait3A_107 : memref<2560xf32, #tpu.memory_space<hbm>>)
      tpu.yield
    }) : () -> ()
    %barrier3A_42 = arith.constant 0 : index
    tpu.barrier barrier_id(%barrier3A_42)
    %mul3A_43 = arith.constant 40960 : i32
    %mul3A_44 = arith.muli %arg0, %mul3A_43 : i32
    "tpu.region"() ({
      %run_scoped3A = tpu.sem_alloc : memref<!tpu.dma_semaphore, #tpu.memory_space<semaphore_mem>>
      %dma_start3A = tpu.memref_slice %arg7[%mul3A_44] : memref<81920xf32, #tpu.memory_space<hbm>> -> memref<40960xf32, #tpu.memory_space<hbm>>
      %dma_start3A_106 = tpu.memref_slice %arg7[%mul3A_44] : memref<81920xf32, #tpu.memory_space<hbm>> -> memref<40960xf32, #tpu.memory_space<hbm>>
      tpu.enqueue_dma source(%dma_start3A_106 : memref<40960xf32, #tpu.memory_space<hbm>>) target(%arg10 : memref<40960xf32, #tpu.memory_space<vmem>>) target_semaphore(%run_scoped3A : memref<!tpu.dma_semaphore, #tpu.memory_space<semaphore_mem>>)
      %dma_wait3A = tpu.memref_slice %arg7[%mul3A_44] : memref<81920xf32, #tpu.memory_space<hbm>> -> memref<40960xf32, #tpu.memory_space<hbm>>
      %dma_wait3A_107 = tpu.memref_slice %arg7[%mul3A_44] : memref<81920xf32, #tpu.memory_space<hbm>> -> memref<40960xf32, #tpu.memory_space<hbm>>
      tpu.wait_dma2 semaphore(%run_scoped3A : memref<!tpu.dma_semaphore, #tpu.memory_space<semaphore_mem>>) src(%dma_wait3A_107 : memref<40960xf32, #tpu.memory_space<hbm>>) dst(%arg10 : memref<40960xf32, #tpu.memory_space<vmem>>)
      tpu.yield
    }) : () -> ()
    %scan3A_45 = arith.constant 0 : i32
    %scan3A_46 = arith.constant 0 : i32
    %scan3A_47 = arith.constant 50 : i32
    %scan3A_48 = arith.addi %scan3A_46, %scan3A_47 : i32
    %scan3A_49 = arith.constant 1 : i32
    %scan3A_50 = scf.for %scan3A_106 = %scan3A_46 to %scan3A_48 step %scan3A_49 iter_args(%scan3A_107 = %scan3A_45) -> (i32)  : i32 {
      %mul3A_108 = arith.constant 20000 : i32
      %mul3A_109 = arith.muli %arg1, %mul3A_108 : i32
      %add3A_110 = arith.constant 0 : i32
      %add3A_111 = arith.addi %add3A_110, %mul3A_109 : i32
      %mul3A_112 = arith.constant 2 : i32
      %mul3A_113 = arith.muli %add3A_111, %mul3A_112 : i32
      %mul3A_114 = arith.constant 800 : i32
      %mul3A_115 = arith.muli %scan3A_106, %mul3A_114 : i32
      %add3A_116 = arith.addi %mul3A_113, %mul3A_115 : i32
      "tpu.region"() ({
        %run_scoped3A = tpu.sem_alloc : memref<!tpu.dma_semaphore, #tpu.memory_space<semaphore_mem>>
        %dma_start3A = tpu.memref_slice %arg4[%add3A_116] : memref<1280000xi32, #tpu.memory_space<hbm>> -> memref<800xi32, #tpu.memory_space<hbm>>
        %dma_start3A_135 = tpu.memref_slice %arg4[%add3A_116] : memref<1280000xi32, #tpu.memory_space<hbm>> -> memref<800xi32, #tpu.memory_space<hbm>>
        tpu.enqueue_dma source(%dma_start3A_135 : memref<800xi32, #tpu.memory_space<hbm>>) target(%arg11 : memref<800xi32, #tpu.memory_space<vmem>>) target_semaphore(%run_scoped3A : memref<!tpu.dma_semaphore, #tpu.memory_space<semaphore_mem>>)
        %dma_wait3A = tpu.memref_slice %arg4[%add3A_116] : memref<1280000xi32, #tpu.memory_space<hbm>> -> memref<800xi32, #tpu.memory_space<hbm>>
        %dma_wait3A_136 = tpu.memref_slice %arg4[%add3A_116] : memref<1280000xi32, #tpu.memory_space<hbm>> -> memref<800xi32, #tpu.memory_space<hbm>>
        tpu.wait_dma2 semaphore(%run_scoped3A : memref<!tpu.dma_semaphore, #tpu.memory_space<semaphore_mem>>) src(%dma_wait3A_136 : memref<800xi32, #tpu.memory_space<hbm>>) dst(%arg11 : memref<800xi32, #tpu.memory_space<vmem>>)
        tpu.yield
      }) : () -> ()
      %scan3A_117 = arith.constant 0 : i32
      %scan3A_118 = arith.constant 0 : i32
      %scan3A_119 = arith.constant 25 : i32
      %scan3A_120 = arith.addi %scan3A_118, %scan3A_119 : i32
      %scan3A_121 = arith.constant 1 : i32
      %scan3A_122 = scf.for %scan3A_135 = %scan3A_118 to %scan3A_120 step %scan3A_121 iter_args(%scan3A_136 = %scan3A_117) -> (i32)  : i32 {
        %mul3A_137 = arith.constant 16 : i32
        %mul3A_138 = arith.muli %scan3A_135, %mul3A_137 : i32
        %get3A = arith.index_cast %mul3A_138 : i32 to index
        %get3A_139 = tpu.vector_load %arg11[%get3A] {strides = array<i32>} : memref<800xi32, #tpu.memory_space<vmem>>, vector<16xi32>,
        %mul3A_140 = arith.constant 16 : i32
        %mul3A_141 = arith.muli %scan3A_135, %mul3A_140 : i32
        %add3A_142 = arith.constant 400 : i32
        %add3A_143 = arith.addi %add3A_142, %mul3A_141 : i32
        %get3A_144 = arith.index_cast %add3A_143 : i32 to index
        %get3A_145 = tpu.vector_load %arg11[%get3A_144] {strides = array<i32>} : memref<800xi32, #tpu.memory_space<vmem>>, vector<16xi32>,
        %add3A_146 = arith.constant 0 : i32
        %add3A_147 = vector.broadcast %add3A_146 : i32 to vector<16xi32>
        %add3A_148 = arith.addi %get3A_139, %add3A_147 : vector<16xi32>
        %gather3A = tpu.vector_load_idx %arg8[%add3A_148] : memref<40960xf32, #tpu.memory_space<vmem>>[vector<16xi32>], vector<16xf32>,
        %add3A_149 = arith.constant 0 : i32
        %add3A_150 = vector.broadcast %add3A_149 : i32 to vector<16xi32>
        %add3A_151 = arith.addi %get3A_145, %add3A_150 : vector<16xi32>
        %gather3A_152 = tpu.vector_load_idx %arg9[%add3A_151] : memref<40960xf32, #tpu.memory_space<vmem>>[vector<16xi32>], vector<16xf32>,
        %add3A_153 = arith.addf %gather3A, %gather3A_152 : vector<16xf32>
        %mul3A_154 = arith.constant 2.000000e-01 : f32
        %mul3A_155 = vector.broadcast %mul3A_154 : f32 to vector<16xf32>
        %mul3A_156 = arith.mulf %mul3A_155, %add3A_153 : vector<16xf32>
        %max3A = arith.maximumf %add3A_153, %mul3A_156 : vector<16xf32>
        %exp3A = math.exp %max3A : vector<16xf32>
        %add3A_157 = arith.constant 0 : i32
        %add3A_158 = vector.broadcast %add3A_157 : i32 to vector<16xi32>
        %add3A_159 = arith.addi %get3A_145, %add3A_158 : vector<16xi32>
        %gather3A_160 = tpu.vector_load_idx %arg10[%add3A_159] : memref<40960xf32, #tpu.memory_space<vmem>>[vector<16xi32>], vector<16xf32>,
        %mul3A_161 = arith.mulf %exp3A, %gather3A_160 : vector<16xf32>
        %mul3A_162 = arith.constant 16 : i32
        %mul3A_163 = arith.muli %scan3A_135, %mul3A_162 : i32
        %add3A_164 = arith.constant 0 : i32
        %add3A_165 = arith.addi %add3A_164, %mul3A_163 : i32
        %swap3A = arith.index_cast %add3A_165 : i32 to index
        %swap3A_166 = tpu.vector_load %arg12[%swap3A] {strides = array<i32>} : memref<1600xf32, #tpu.memory_space<vmem>>, vector<16xf32>,
        tpu.vector_store %arg12[%swap3A], %mul3A_161 {strides = array<i32>} : memref<1600xf32, #tpu.memory_space<vmem>>, vector<16xf32>,
        %add3A_167 = arith.constant 10240 : i32
        %add3A_168 = vector.broadcast %add3A_167 : i32 to vector<16xi32>
        %add3A_169 = arith.addi %get3A_139, %add3A_168 : vector<16xi32>
        %gather3A_170 = tpu.vector_load_idx %arg8[%add3A_169] : memref<40960xf32, #tpu.memory_space<vmem>>[vector<16xi32>], vector<16xf32>,
        %add3A_171 = arith.constant 10240 : i32
        %add3A_172 = vector.broadcast %add3A_171 : i32 to vector<16xi32>
        %add3A_173 = arith.addi %get3A_145, %add3A_172 : vector<16xi32>
        %gather3A_174 = tpu.vector_load_idx %arg9[%add3A_173] : memref<40960xf32, #tpu.memory_space<vmem>>[vector<16xi32>], vector<16xf32>,
        %add3A_175 = arith.addf %gather3A_170, %gather3A_174 : vector<16xf32>
        %mul3A_176 = arith.constant 2.000000e-01 : f32
        %mul3A_177 = vector.broadcast %mul3A_176 : f32 to vector<16xf32>
        %mul3A_178 = arith.mulf %mul3A_177, %add3A_175 : vector<16xf32>
        %max3A_179 = arith.maximumf %add3A_175, %mul3A_178 : vector<16xf32>
        %exp3A_180 = math.exp %max3A_179 : vector<16xf32>
        %add3A_181 = arith.constant 10240 : i32
        %add3A_182 = vector.broadcast %add3A_181 : i32 to vector<16xi32>
        %add3A_183 = arith.addi %get3A_145, %add3A_182 : vector<16xi32>
        %gather3A_184 = tpu.vector_load_idx %arg10[%add3A_183] : memref<40960xf32, #tpu.memory_space<vmem>>[vector<16xi32>], vector<16xf32>,
        %mul3A_185 = arith.mulf %exp3A_180, %gather3A_184 : vector<16xf32>
        %mul3A_186 = arith.constant 16 : i32
        %mul3A_187 = arith.muli %scan3A_135, %mul3A_186 : i32
        %add3A_188 = arith.constant 400 : i32
        %add3A_189 = arith.addi %add3A_188, %mul3A_187 : i32
        %swap3A_190 = arith.index_cast %add3A_189 : i32 to index
        %swap3A_191 = tpu.vector_load %arg12[%swap3A_190] {strides = array<i32>} : memref<1600xf32, #tpu.memory_space<vmem>>, vector<16xf32>,
        tpu.vector_store %arg12[%swap3A_190], %mul3A_185 {strides = array<i32>} : memref<1600xf32, #tpu.memory_space<vmem>>, vector<16xf32>,
        %add3A_192 = arith.constant 20480 : i32
        %add3A_193 = vector.broadcast %add3A_192 : i32 to vector<16xi32>
        %add3A_194 = arith.addi %get3A_139, %add3A_193 : vector<16xi32>
        %gather3A_195 = tpu.vector_load_idx %arg8[%add3A_194] : memref<40960xf32, #tpu.memory_space<vmem>>[vector<16xi32>], vector<16xf32>,
        %add3A_196 = arith.constant 20480 : i32
        %add3A_197 = vector.broadcast %add3A_196 : i32 to vector<16xi32>
        %add3A_198 = arith.addi %get3A_145, %add3A_197 : vector<16xi32>
        %gather3A_199 = tpu.vector_load_idx %arg9[%add3A_198] : memref<40960xf32, #tpu.memory_space<vmem>>[vector<16xi32>], vector<16xf32>,
        %add3A_200 = arith.addf %gather3A_195, %gather3A_199 : vector<16xf32>
        %mul3A_201 = arith.constant 2.000000e-01 : f32
        %mul3A_202 = vector.broadcast %mul3A_201 : f32 to vector<16xf32>
        %mul3A_203 = arith.mulf %mul3A_202, %add3A_200 : vector<16xf32>
        %max3A_204 = arith.maximumf %add3A_200, %mul3A_203 : vector<16xf32>
        %exp3A_205 = math.exp %max3A_204 : vector<16xf32>
        %add3A_206 = arith.constant 20480 : i32
        %add3A_207 = vector.broadcast %add3A_206 : i32 to vector<16xi32>
        %add3A_208 = arith.addi %get3A_145, %add3A_207 : vector<16xi32>
        %gather3A_209 = tpu.vector_load_idx %arg10[%add3A_208] : memref<40960xf32, #tpu.memory_space<vmem>>[vector<16xi32>], vector<16xf32>,
        %mul3A_210 = arith.mulf %exp3A_205, %gather3A_209 : vector<16xf32>
        %mul3A_211 = arith.constant 16 : i32
        %mul3A_212 = arith.muli %scan3A_135, %mul3A_211 : i32
        %add3A_213 = arith.constant 800 : i32
        %add3A_214 = arith.addi %add3A_213, %mul3A_212 : i32
        %swap3A_215 = arith.index_cast %add3A_214 : i32 to index
        %swap3A_216 = tpu.vector_load %arg12[%swap3A_215] {strides = array<i32>} : memref<1600xf32, #tpu.memory_space<vmem>>, vector<16xf32>,
        tpu.vector_store %arg12[%swap3A_215], %mul3A_210 {strides = array<i32>} : memref<1600xf32, #tpu.memory_space<vmem>>, vector<16xf32>,
        %add3A_217 = arith.constant 30720 : i32
        %add3A_218 = vector.broadcast %add3A_217 : i32 to vector<16xi32>
        %add3A_219 = arith.addi %get3A_139, %add3A_218 : vector<16xi32>
        %gather3A_220 = tpu.vector_load_idx %arg8[%add3A_219] : memref<40960xf32, #tpu.memory_space<vmem>>[vector<16xi32>], vector<16xf32>,
        %add3A_221 = arith.constant 30720 : i32
        %add3A_222 = vector.broadcast %add3A_221 : i32 to vector<16xi32>
        %add3A_223 = arith.addi %get3A_145, %add3A_222 : vector<16xi32>
        %gather3A_224 = tpu.vector_load_idx %arg9[%add3A_223] : memref<40960xf32, #tpu.memory_space<vmem>>[vector<16xi32>], vector<16xf32>,
        %add3A_225 = arith.addf %gather3A_220, %gather3A_224 : vector<16xf32>
        %mul3A_226 = arith.constant 2.000000e-01 : f32
        %mul3A_227 = vector.broadcast %mul3A_226 : f32 to vector<16xf32>
        %mul3A_228 = arith.mulf %mul3A_227, %add3A_225 : vector<16xf32>
        %max3A_229 = arith.maximumf %add3A_225, %mul3A_228 : vector<16xf32>
        %exp3A_230 = math.exp %max3A_229 : vector<16xf32>
        %add3A_231 = arith.constant 30720 : i32
        %add3A_232 = vector.broadcast %add3A_231 : i32 to vector<16xi32>
        %add3A_233 = arith.addi %get3A_145, %add3A_232 : vector<16xi32>
        %gather3A_234 = tpu.vector_load_idx %arg10[%add3A_233] : memref<40960xf32, #tpu.memory_space<vmem>>[vector<16xi32>], vector<16xf32>,
        %mul3A_235 = arith.mulf %exp3A_230, %gather3A_234 : vector<16xf32>
        %mul3A_236 = arith.constant 16 : i32
        %mul3A_237 = arith.muli %scan3A_135, %mul3A_236 : i32
        %add3A_238 = arith.constant 1200 : i32
        %add3A_239 = arith.addi %add3A_238, %mul3A_237 : i32
        %swap3A_240 = arith.index_cast %add3A_239 : i32 to index
        %swap3A_241 = tpu.vector_load %arg12[%swap3A_240] {strides = array<i32>} : memref<1600xf32, #tpu.memory_space<vmem>>, vector<16xf32>,
        tpu.vector_store %arg12[%swap3A_240], %mul3A_235 {strides = array<i32>} : memref<1600xf32, #tpu.memory_space<vmem>>, vector<16xf32>,
        %scan3A_242 = arith.constant 0 : i32
        scf.yield %scan3A_242 : i32
      }
      %scan3A_123 = arith.constant 25 : i32
      %mul3A_124 = arith.constant 50 : i32
      %mul3A_125 = arith.muli %arg1, %mul3A_124 : i32
      %add3A_126 = arith.addi %mul3A_125, %scan3A_106 : i32
      %mul3A_127 = arith.constant 3200 : i32
      %mul3A_128 = arith.muli %add3A_126, %mul3A_127 : i32
      %add3A_129 = arith.constant 0 : i32
      %add3A_130 = arith.addi %add3A_129, %mul3A_128 : i32
      %mul3A_131 = arith.constant 1600 : i32
      %mul3A_132 = arith.muli %arg0, %mul3A_131 : i32
      %add3A_133 = arith.addi %add3A_130, %mul3A_132 : i32
      "tpu.region"() ({
        %run_scoped3A = tpu.sem_alloc : memref<!tpu.dma_semaphore, #tpu.memory_space<semaphore_mem>>
        %dma_start3A = tpu.memref_slice %arg5[%add3A_133] : memref<5120000xf32, #tpu.memory_space<hbm>> -> memref<1600xf32, #tpu.memory_space<hbm>>
        %dma_start3A_135 = tpu.memref_slice %arg5[%add3A_133] : memref<5120000xf32, #tpu.memory_space<hbm>> -> memref<1600xf32, #tpu.memory_space<hbm>>
        tpu.enqueue_dma source(%arg12 : memref<1600xf32, #tpu.memory_space<vmem>>) target(%dma_start3A_135 : memref<1600xf32, #tpu.memory_space<hbm>>) target_semaphore(%run_scoped3A : memref<!tpu.dma_semaphore, #tpu.memory_space<semaphore_mem>>)
        %dma_wait3A = tpu.memref_slice %arg5[%add3A_133] : memref<5120000xf32, #tpu.memory_space<hbm>> -> memref<1600xf32, #tpu.memory_space<hbm>>
        %dma_wait3A_136 = tpu.memref_slice %arg5[%add3A_133] : memref<5120000xf32, #tpu.memory_space<hbm>> -> memref<1600xf32, #tpu.memory_space<hbm>>
        tpu.wait_dma2 semaphore(%run_scoped3A : memref<!tpu.dma_semaphore, #tpu.memory_space<semaphore_mem>>) src(%arg12 : memref<1600xf32, #tpu.memory_space<vmem>>) dst(%dma_wait3A_136 : memref<1600xf32, #tpu.memory_space<hbm>>)
        tpu.yield
      }) : () -> ()
      %scan3A_134 = arith.constant 0 : i32
      scf.yield %scan3A_134 : i32
    }
    %scan3A_51 = arith.constant 50 : i32
    %mul3A_52 = arith.constant 10240 : i32
    %mul3A_53 = arith.muli %mul3A_0, %mul3A_52 : i32
    %add3A_54 = arith.constant 81920 : i32
    %add3A_55 = arith.addi %add3A_54, %mul3A_53 : i32
    "tpu.region"() ({
      %run_scoped3A = tpu.sem_alloc : memref<!tpu.dma_semaphore, #tpu.memory_space<semaphore_mem>>
      %dma_start3A = tpu.memref_slice %arg2[%add3A_55] : memref<163840xf32, #tpu.memory_space<hbm>> -> memref<40960xf32, #tpu.memory_space<hbm>>
      %dma_start3A_106 = tpu.memref_slice %arg2[%add3A_55] : memref<163840xf32, #tpu.memory_space<hbm>> -> memref<40960xf32, #tpu.memory_space<hbm>>
      tpu.enqueue_dma source(%dma_start3A_106 : memref<40960xf32, #tpu.memory_space<hbm>>) target(%arg8 : memref<40960xf32, #tpu.memory_space<vmem>>) target_semaphore(%run_scoped3A : memref<!tpu.dma_semaphore, #tpu.memory_space<semaphore_mem>>)
      %dma_wait3A = tpu.memref_slice %arg2[%add3A_55] : memref<163840xf32, #tpu.memory_space<hbm>> -> memref<40960xf32, #tpu.memory_space<hbm>>
      %dma_wait3A_107 = tpu.memref_slice %arg2[%add3A_55] : memref<163840xf32, #tpu.memory_space<hbm>> -> memref<40960xf32, #tpu.memory_space<hbm>>
      tpu.wait_dma2 semaphore(%run_scoped3A : memref<!tpu.dma_semaphore, #tpu.memory_space<semaphore_mem>>) src(%dma_wait3A_107 : memref<40960xf32, #tpu.memory_space<hbm>>) dst(%arg8 : memref<40960xf32, #tpu.memory_space<vmem>>)
      tpu.yield
    }) : () -> ()
    "tpu.region"() ({
      %run_scoped3A = tpu.sem_alloc : memref<!tpu.dma_semaphore, #tpu.memory_space<semaphore_mem>>
      %dma_start3A = tpu.memref_slice %arg3[%add3A_55] : memref<163840xf32, #tpu.memory_space<hbm>> -> memref<40960xf32, #tpu.memory_space<hbm>>
      %dma_start3A_106 = tpu.memref_slice %arg3[%add3A_55] : memref<163840xf32, #tpu.memory_space<hbm>> -> memref<40960xf32, #tpu.memory_space<hbm>>
      tpu.enqueue_dma source(%dma_start3A_106 : memref<40960xf32, #tpu.memory_space<hbm>>) target(%arg9 : memref<40960xf32, #tpu.memory_space<vmem>>) target_semaphore(%run_scoped3A : memref<!tpu.dma_semaphore, #tpu.memory_space<semaphore_mem>>)
      %dma_wait3A = tpu.memref_slice %arg3[%add3A_55] : memref<163840xf32, #tpu.memory_space<hbm>> -> memref<40960xf32, #tpu.memory_space<hbm>>
      %dma_wait3A_107 = tpu.memref_slice %arg3[%add3A_55] : memref<163840xf32, #tpu.memory_space<hbm>> -> memref<40960xf32, #tpu.memory_space<hbm>>
      tpu.wait_dma2 semaphore(%run_scoped3A : memref<!tpu.dma_semaphore, #tpu.memory_space<semaphore_mem>>) src(%dma_wait3A_107 : memref<40960xf32, #tpu.memory_space<hbm>>) dst(%arg9 : memref<40960xf32, #tpu.memory_space<vmem>>)
      tpu.yield
    }) : () -> ()
    %scan3A_56 = arith.constant 0 : i32
    %scan3A_57 = arith.constant 0 : i32
    %scan3A_58 = arith.constant 2560 : i32
    %scan3A_59 = arith.addi %scan3A_57, %scan3A_58 : i32
    %scan3A_60 = arith.constant 1 : i32
    %scan3A_61 = scf.for %scan3A_106 = %scan3A_57 to %scan3A_59 step %scan3A_60 iter_args(%scan3A_107 = %scan3A_56) -> (i32)  : i32 {
      %broadcast_in_dim3A = arith.constant 0.000000e+00 : f32
      %broadcast_in_dim3A_108 = vector.broadcast %broadcast_in_dim3A : f32 to vector<16xf32>
      %mul3A_109 = arith.constant 16 : i32
      %mul3A_110 = arith.muli %scan3A_106, %mul3A_109 : i32
      %swap3A = arith.index_cast %mul3A_110 : i32 to index
      %swap3A_111 = tpu.vector_load %arg10[%swap3A] {strides = array<i32>} : memref<40960xf32, #tpu.memory_space<vmem>>, vector<16xf32>,
      tpu.vector_store %arg10[%swap3A], %broadcast_in_dim3A_108 {strides = array<i32>} : memref<40960xf32, #tpu.memory_space<vmem>>, vector<16xf32>,
      %scan3A_112 = arith.constant 0 : i32
      scf.yield %scan3A_112 : i32
    }
    %scan3A_62 = arith.constant 2560 : i32
    %scan3A_63 = arith.constant 0 : i32
    %scan3A_64 = arith.constant 0 : i32
    %scan3A_65 = arith.constant 50 : i32
    %scan3A_66 = arith.addi %scan3A_64, %scan3A_65 : i32
    %scan3A_67 = arith.constant 1 : i32
    %scan3A_68 = scf.for %scan3A_106 = %scan3A_64 to %scan3A_66 step %scan3A_67 iter_args(%scan3A_107 = %scan3A_63) -> (i32)  : i32 {
      %mul3A_108 = arith.constant 20000 : i32
      %mul3A_109 = arith.muli %arg1, %mul3A_108 : i32
      %add3A_110 = arith.constant 320000 : i32
      %add3A_111 = arith.addi %add3A_110, %mul3A_109 : i32
      %mul3A_112 = arith.constant 2 : i32
      %mul3A_113 = arith.muli %add3A_111, %mul3A_112 : i32
      %mul3A_114 = arith.constant 800 : i32
      %mul3A_115 = arith.muli %scan3A_106, %mul3A_114 : i32
      %add3A_116 = arith.addi %mul3A_113, %mul3A_115 : i32
      "tpu.region"() ({
        %run_scoped3A = tpu.sem_alloc : memref<!tpu.dma_semaphore, #tpu.memory_space<semaphore_mem>>
        %dma_start3A = tpu.memref_slice %arg4[%add3A_116] : memref<1280000xi32, #tpu.memory_space<hbm>> -> memref<800xi32, #tpu.memory_space<hbm>>
        %dma_start3A_125 = tpu.memref_slice %arg4[%add3A_116] : memref<1280000xi32, #tpu.memory_space<hbm>> -> memref<800xi32, #tpu.memory_space<hbm>>
        tpu.enqueue_dma source(%dma_start3A_125 : memref<800xi32, #tpu.memory_space<hbm>>) target(%arg11 : memref<800xi32, #tpu.memory_space<vmem>>) target_semaphore(%run_scoped3A : memref<!tpu.dma_semaphore, #tpu.memory_space<semaphore_mem>>)
        %dma_wait3A = tpu.memref_slice %arg4[%add3A_116] : memref<1280000xi32, #tpu.memory_space<hbm>> -> memref<800xi32, #tpu.memory_space<hbm>>
        %dma_wait3A_126 = tpu.memref_slice %arg4[%add3A_116] : memref<1280000xi32, #tpu.memory_space<hbm>> -> memref<800xi32, #tpu.memory_space<hbm>>
        tpu.wait_dma2 semaphore(%run_scoped3A : memref<!tpu.dma_semaphore, #tpu.memory_space<semaphore_mem>>) src(%dma_wait3A_126 : memref<800xi32, #tpu.memory_space<hbm>>) dst(%arg11 : memref<800xi32, #tpu.memory_space<vmem>>)
        tpu.yield
      }) : () -> ()
      %scan3A_117 = arith.constant 0 : i32
      %scan3A_118 = arith.constant 0 : i32
      %scan3A_119 = arith.constant 25 : i32
      %scan3A_120 = arith.addi %scan3A_118, %scan3A_119 : i32
      %scan3A_121 = arith.constant 1 : i32
      %scan3A_122 = scf.for %scan3A_125 = %scan3A_118 to %scan3A_120 step %scan3A_121 iter_args(%scan3A_126 = %scan3A_117) -> (i32)  : i32 {
        %mul3A_127 = arith.constant 16 : i32
        %mul3A_128 = arith.muli %scan3A_125, %mul3A_127 : i32
        %get3A = arith.index_cast %mul3A_128 : i32 to index
        %get3A_129 = tpu.vector_load %arg11[%get3A] {strides = array<i32>} : memref<800xi32, #tpu.memory_space<vmem>>, vector<16xi32>,
        %mul3A_130 = arith.constant 16 : i32
        %mul3A_131 = arith.muli %scan3A_125, %mul3A_130 : i32
        %add3A_132 = arith.constant 400 : i32
        %add3A_133 = arith.addi %add3A_132, %mul3A_131 : i32
        %get3A_134 = arith.index_cast %add3A_133 : i32 to index
        %get3A_135 = tpu.vector_load %arg11[%get3A_134] {strides = array<i32>} : memref<800xi32, #tpu.memory_space<vmem>>, vector<16xi32>,
        %add3A_136 = arith.constant 0 : i32
        %add3A_137 = vector.broadcast %add3A_136 : i32 to vector<16xi32>
        %add3A_138 = arith.addi %get3A_129, %add3A_137 : vector<16xi32>
        %gather3A = tpu.vector_load_idx %arg8[%add3A_138] : memref<40960xf32, #tpu.memory_space<vmem>>[vector<16xi32>], vector<16xf32>,
        %add3A_139 = arith.constant 0 : i32
        %add3A_140 = vector.broadcast %add3A_139 : i32 to vector<16xi32>
        %add3A_141 = arith.addi %get3A_135, %add3A_140 : vector<16xi32>
        %gather3A_142 = tpu.vector_load_idx %arg9[%add3A_141] : memref<40960xf32, #tpu.memory_space<vmem>>[vector<16xi32>], vector<16xf32>,
        %add3A_143 = arith.addf %gather3A, %gather3A_142 : vector<16xf32>
        %mul3A_144 = arith.constant 2.000000e-01 : f32
        %mul3A_145 = vector.broadcast %mul3A_144 : f32 to vector<16xf32>
        %mul3A_146 = arith.mulf %mul3A_145, %add3A_143 : vector<16xf32>
        %max3A = arith.maximumf %add3A_143, %mul3A_146 : vector<16xf32>
        %exp3A = math.exp %max3A : vector<16xf32>
        %add3A_147 = arith.constant 0 : i32
        %add3A_148 = vector.broadcast %add3A_147 : i32 to vector<16xi32>
        %add3A_149 = arith.addi %get3A_135, %add3A_148 : vector<16xi32>
        tpu.vector_store_idx %arg10[%add3A_149], %exp3A {add = true} : memref<40960xf32, #tpu.memory_space<vmem>>[vector<16xi32>], vector<16xf32>,
        %add3A_150 = arith.constant 10240 : i32
        %add3A_151 = vector.broadcast %add3A_150 : i32 to vector<16xi32>
        %add3A_152 = arith.addi %get3A_129, %add3A_151 : vector<16xi32>
        %gather3A_153 = tpu.vector_load_idx %arg8[%add3A_152] : memref<40960xf32, #tpu.memory_space<vmem>>[vector<16xi32>], vector<16xf32>,
        %add3A_154 = arith.constant 10240 : i32
        %add3A_155 = vector.broadcast %add3A_154 : i32 to vector<16xi32>
        %add3A_156 = arith.addi %get3A_135, %add3A_155 : vector<16xi32>
        %gather3A_157 = tpu.vector_load_idx %arg9[%add3A_156] : memref<40960xf32, #tpu.memory_space<vmem>>[vector<16xi32>], vector<16xf32>,
        %add3A_158 = arith.addf %gather3A_153, %gather3A_157 : vector<16xf32>
        %mul3A_159 = arith.constant 2.000000e-01 : f32
        %mul3A_160 = vector.broadcast %mul3A_159 : f32 to vector<16xf32>
        %mul3A_161 = arith.mulf %mul3A_160, %add3A_158 : vector<16xf32>
        %max3A_162 = arith.maximumf %add3A_158, %mul3A_161 : vector<16xf32>
        %exp3A_163 = math.exp %max3A_162 : vector<16xf32>
        %add3A_164 = arith.constant 10240 : i32
        %add3A_165 = vector.broadcast %add3A_164 : i32 to vector<16xi32>
        %add3A_166 = arith.addi %get3A_135, %add3A_165 : vector<16xi32>
        tpu.vector_store_idx %arg10[%add3A_166], %exp3A_163 {add = true} : memref<40960xf32, #tpu.memory_space<vmem>>[vector<16xi32>], vector<16xf32>,
        %add3A_167 = arith.constant 20480 : i32
        %add3A_168 = vector.broadcast %add3A_167 : i32 to vector<16xi32>
        %add3A_169 = arith.addi %get3A_129, %add3A_168 : vector<16xi32>
        %gather3A_170 = tpu.vector_load_idx %arg8[%add3A_169] : memref<40960xf32, #tpu.memory_space<vmem>>[vector<16xi32>], vector<16xf32>,
        %add3A_171 = arith.constant 20480 : i32
        %add3A_172 = vector.broadcast %add3A_171 : i32 to vector<16xi32>
        %add3A_173 = arith.addi %get3A_135, %add3A_172 : vector<16xi32>
        %gather3A_174 = tpu.vector_load_idx %arg9[%add3A_173] : memref<40960xf32, #tpu.memory_space<vmem>>[vector<16xi32>], vector<16xf32>,
        %add3A_175 = arith.addf %gather3A_170, %gather3A_174 : vector<16xf32>
        %mul3A_176 = arith.constant 2.000000e-01 : f32
        %mul3A_177 = vector.broadcast %mul3A_176 : f32 to vector<16xf32>
        %mul3A_178 = arith.mulf %mul3A_177, %add3A_175 : vector<16xf32>
        %max3A_179 = arith.maximumf %add3A_175, %mul3A_178 : vector<16xf32>
        %exp3A_180 = math.exp %max3A_179 : vector<16xf32>
        %add3A_181 = arith.constant 20480 : i32
        %add3A_182 = vector.broadcast %add3A_181 : i32 to vector<16xi32>
        %add3A_183 = arith.addi %get3A_135, %add3A_182 : vector<16xi32>
        tpu.vector_store_idx %arg10[%add3A_183], %exp3A_180 {add = true} : memref<40960xf32, #tpu.memory_space<vmem>>[vector<16xi32>], vector<16xf32>,
        %add3A_184 = arith.constant 30720 : i32
        %add3A_185 = vector.broadcast %add3A_184 : i32 to vector<16xi32>
        %add3A_186 = arith.addi %get3A_129, %add3A_185 : vector<16xi32>
        %gather3A_187 = tpu.vector_load_idx %arg8[%add3A_186] : memref<40960xf32, #tpu.memory_space<vmem>>[vector<16xi32>], vector<16xf32>,
        %add3A_188 = arith.constant 30720 : i32
        %add3A_189 = vector.broadcast %add3A_188 : i32 to vector<16xi32>
        %add3A_190 = arith.addi %get3A_135, %add3A_189 : vector<16xi32>
        %gather3A_191 = tpu.vector_load_idx %arg9[%add3A_190] : memref<40960xf32, #tpu.memory_space<vmem>>[vector<16xi32>], vector<16xf32>,
        %add3A_192 = arith.addf %gather3A_187, %gather3A_191 : vector<16xf32>
        %mul3A_193 = arith.constant 2.000000e-01 : f32
        %mul3A_194 = vector.broadcast %mul3A_193 : f32 to vector<16xf32>
        %mul3A_195 = arith.mulf %mul3A_194, %add3A_192 : vector<16xf32>
        %max3A_196 = arith.maximumf %add3A_192, %mul3A_195 : vector<16xf32>
        %exp3A_197 = math.exp %max3A_196 : vector<16xf32>
        %add3A_198 = arith.constant 30720 : i32
        %add3A_199 = vector.broadcast %add3A_198 : i32 to vector<16xi32>
        %add3A_200 = arith.addi %get3A_135, %add3A_199 : vector<16xi32>
        tpu.vector_store_idx %arg10[%add3A_200], %exp3A_197 {add = true} : memref<40960xf32, #tpu.memory_space<vmem>>[vector<16xi32>], vector<16xf32>,
        %scan3A_201 = arith.constant 0 : i32
        scf.yield %scan3A_201 : i32
      }
      %scan3A_123 = arith.constant 25 : i32
      %scan3A_124 = arith.constant 0 : i32
      scf.yield %scan3A_124 : i32
    }
    %scan3A_69 = arith.constant 50 : i32
    %mul3A_70 = arith.constant 655360 : i32
    %mul3A_71 = arith.muli %arg0, %mul3A_70 : i32
    %mul3A_72 = arith.constant 40960 : i32
    %mul3A_73 = arith.muli %arg1, %mul3A_72 : i32
    %add3A_74 = arith.addi %mul3A_71, %mul3A_73 : i32
    "tpu.region"() ({
      %run_scoped3A = tpu.sem_alloc : memref<!tpu.dma_semaphore, #tpu.memory_space<semaphore_mem>>
      %dma_start3A = tpu.memref_slice %arg6[%add3A_74] : memref<1310720xf32, #tpu.memory_space<hbm>> -> memref<40960xf32, #tpu.memory_space<hbm>>
      %dma_start3A_106 = tpu.memref_slice %arg6[%add3A_74] : memref<1310720xf32, #tpu.memory_space<hbm>> -> memref<40960xf32, #tpu.memory_space<hbm>>
      tpu.enqueue_dma source(%arg10 : memref<40960xf32, #tpu.memory_space<vmem>>) target(%dma_start3A_106 : memref<40960xf32, #tpu.memory_space<hbm>>) target_semaphore(%run_scoped3A : memref<!tpu.dma_semaphore, #tpu.memory_space<semaphore_mem>>)
      %dma_wait3A = tpu.memref_slice %arg6[%add3A_74] : memref<1310720xf32, #tpu.memory_space<hbm>> -> memref<40960xf32, #tpu.memory_space<hbm>>
      %dma_wait3A_107 = tpu.memref_slice %arg6[%add3A_74] : memref<1310720xf32, #tpu.memory_space<hbm>> -> memref<40960xf32, #tpu.memory_space<hbm>>
      tpu.wait_dma2 semaphore(%run_scoped3A : memref<!tpu.dma_semaphore, #tpu.memory_space<semaphore_mem>>) src(%arg10 : memref<40960xf32, #tpu.memory_space<vmem>>) dst(%dma_wait3A_107 : memref<40960xf32, #tpu.memory_space<hbm>>)
      tpu.yield
    }) : () -> ()
    %barrier3A_75 = arith.constant 0 : index
    tpu.barrier barrier_id(%barrier3A_75)
    %mul3A_76 = arith.constant 2560 : i32
    %mul3A_77 = arith.muli %arg1, %mul3A_76 : i32
    %add3A_78 = arith.addi %mul3A_71, %mul3A_77 : i32
    "tpu.region"() ({
      %run_scoped3A = tpu.sem_alloc : memref<!tpu.dma_semaphore, #tpu.memory_space<semaphore_mem>>
      %dma_start3A = tpu.memref_slice %arg6[%add3A_78] : memref<1310720xf32, #tpu.memory_space<hbm>> -> memref<2560xf32, #tpu.memory_space<hbm>>
      %dma_start3A_106 = tpu.memref_slice %arg6[%add3A_78] : memref<1310720xf32, #tpu.memory_space<hbm>> -> memref<2560xf32, #tpu.memory_space<hbm>>
      tpu.enqueue_dma source(%dma_start3A_106 : memref<2560xf32, #tpu.memory_space<hbm>>) target(%arg13 : memref<2560xf32, #tpu.memory_space<vmem>>) target_semaphore(%run_scoped3A : memref<!tpu.dma_semaphore, #tpu.memory_space<semaphore_mem>>)
      %dma_wait3A = tpu.memref_slice %arg6[%add3A_78] : memref<1310720xf32, #tpu.memory_space<hbm>> -> memref<2560xf32, #tpu.memory_space<hbm>>
      %dma_wait3A_107 = tpu.memref_slice %arg6[%add3A_78] : memref<1310720xf32, #tpu.memory_space<hbm>> -> memref<2560xf32, #tpu.memory_space<hbm>>
      tpu.wait_dma2 semaphore(%run_scoped3A : memref<!tpu.dma_semaphore, #tpu.memory_space<semaphore_mem>>) src(%dma_wait3A_107 : memref<2560xf32, #tpu.memory_space<hbm>>) dst(%arg13 : memref<2560xf32, #tpu.memory_space<vmem>>)
      tpu.yield
    }) : () -> ()
    %scan3A_79 = arith.constant 0 : i32
    %scan3A_80 = arith.constant 1 : i32
    %scan3A_81 = arith.constant 15 : i32
    %scan3A_82 = arith.addi %scan3A_80, %scan3A_81 : i32
    %scan3A_83 = arith.constant 1 : i32
    %scan3A_84 = scf.for %scan3A_106 = %scan3A_80 to %scan3A_82 step %scan3A_83 iter_args(%scan3A_107 = %scan3A_79) -> (i32)  : i32 {
      %mul3A_108 = arith.constant 40960 : i32
      %mul3A_109 = arith.muli %scan3A_106, %mul3A_108 : i32
      %add3A_110 = arith.addi %mul3A_71, %mul3A_109 : i32
      %add3A_111 = arith.addi %add3A_110, %mul3A_77 : i32
      "tpu.region"() ({
        %run_scoped3A = tpu.sem_alloc : memref<!tpu.dma_semaphore, #tpu.memory_space<semaphore_mem>>
        %dma_start3A = tpu.memref_slice %arg6[%add3A_111] : memref<1310720xf32, #tpu.memory_space<hbm>> -> memref<2560xf32, #tpu.memory_space<hbm>>
        %dma_start3A_120 = tpu.memref_slice %arg6[%add3A_111] : memref<1310720xf32, #tpu.memory_space<hbm>> -> memref<2560xf32, #tpu.memory_space<hbm>>
        tpu.enqueue_dma source(%dma_start3A_120 : memref<2560xf32, #tpu.memory_space<hbm>>) target(%arg14 : memref<2560xf32, #tpu.memory_space<vmem>>) target_semaphore(%run_scoped3A : memref<!tpu.dma_semaphore, #tpu.memory_space<semaphore_mem>>)
        %dma_wait3A = tpu.memref_slice %arg6[%add3A_111] : memref<1310720xf32, #tpu.memory_space<hbm>> -> memref<2560xf32, #tpu.memory_space<hbm>>
        %dma_wait3A_121 = tpu.memref_slice %arg6[%add3A_111] : memref<1310720xf32, #tpu.memory_space<hbm>> -> memref<2560xf32, #tpu.memory_space<hbm>>
        tpu.wait_dma2 semaphore(%run_scoped3A : memref<!tpu.dma_semaphore, #tpu.memory_space<semaphore_mem>>) src(%dma_wait3A_121 : memref<2560xf32, #tpu.memory_space<hbm>>) dst(%arg14 : memref<2560xf32, #tpu.memory_space<vmem>>)
        tpu.yield
      }) : () -> ()
      %scan3A_112 = arith.constant 0 : i32
      %scan3A_113 = arith.constant 0 : i32
      %scan3A_114 = arith.constant 160 : i32
      %scan3A_115 = arith.addi %scan3A_113, %scan3A_114 : i32
      %scan3A_116 = arith.constant 1 : i32
      %scan3A_117 = scf.for %scan3A_120 = %scan3A_113 to %scan3A_115 step %scan3A_116 iter_args(%scan3A_121 = %scan3A_112) -> (i32)  : i32 {
        %mul3A_122 = arith.constant 16 : i32
        %mul3A_123 = arith.muli %scan3A_120, %mul3A_122 : i32
        %get3A = arith.index_cast %mul3A_123 : i32 to index
        %get3A_124 = tpu.vector_load %arg13[%get3A] {strides = array<i32>} : memref<2560xf32, #tpu.memory_space<vmem>>, vector<16xf32>,
        %get3A_125 = arith.index_cast %mul3A_123 : i32 to index
        %get3A_126 = tpu.vector_load %arg14[%get3A_125] {strides = array<i32>} : memref<2560xf32, #tpu.memory_space<vmem>>, vector<16xf32>,
        %add3A_127 = arith.addf %get3A_124, %get3A_126 : vector<16xf32>
        %swap3A = arith.index_cast %mul3A_123 : i32 to index
        %swap3A_128 = tpu.vector_load %arg13[%swap3A] {strides = array<i32>} : memref<2560xf32, #tpu.memory_space<vmem>>, vector<16xf32>,
        tpu.vector_store %arg13[%swap3A], %add3A_127 {strides = array<i32>} : memref<2560xf32, #tpu.memory_space<vmem>>, vector<16xf32>,
        %scan3A_129 = arith.constant 0 : i32
        scf.yield %scan3A_129 : i32
      }
      %scan3A_118 = arith.constant 160 : i32
      %scan3A_119 = arith.constant 0 : i32
      scf.yield %scan3A_119 : i32
    }
    %scan3A_85 = arith.constant 15 : i32
    %scan3A_86 = arith.constant 0 : i32
    %scan3A_87 = arith.constant 0 : i32
    %scan3A_88 = arith.constant 160 : i32
    %scan3A_89 = arith.addi %scan3A_87, %scan3A_88 : i32
    %scan3A_90 = arith.constant 1 : i32
    %scan3A_91 = scf.for %scan3A_106 = %scan3A_87 to %scan3A_89 step %scan3A_90 iter_args(%scan3A_107 = %scan3A_86) -> (i32)  : i32 {
      %mul3A_108 = arith.constant 16 : i32
      %mul3A_109 = arith.muli %scan3A_106, %mul3A_108 : i32
      %get3A = arith.index_cast %mul3A_109 : i32 to index
      %get3A_110 = tpu.vector_load %arg13[%get3A] {strides = array<i32>} : memref<2560xf32, #tpu.memory_space<vmem>>, vector<16xf32>,
      %div3A = arith.constant 1.000000e+00 : f32
      %div3A_111 = vector.broadcast %div3A : f32 to vector<16xf32>
      %div3A_112 = arith.divf %div3A_111, %get3A_110 : vector<16xf32>
      %swap3A = arith.index_cast %mul3A_109 : i32 to index
      %swap3A_113 = tpu.vector_load %arg13[%swap3A] {strides = array<i32>} : memref<2560xf32, #tpu.memory_space<vmem>>, vector<16xf32>,
      tpu.vector_store %arg13[%swap3A], %div3A_112 {strides = array<i32>} : memref<2560xf32, #tpu.memory_space<vmem>>, vector<16xf32>,
      %scan3A_114 = arith.constant 0 : i32
      scf.yield %scan3A_114 : i32
    }
    %scan3A_92 = arith.constant 160 : i32
    %mul3A_93 = arith.constant 40960 : i32
    %mul3A_94 = arith.muli %arg0, %mul3A_93 : i32
    %add3A_95 = arith.addi %mul3A_94, %mul3A_77 : i32
    "tpu.region"() ({
      %run_scoped3A = tpu.sem_alloc : memref<!tpu.dma_semaphore, #tpu.memory_space<semaphore_mem>>
      %dma_start3A = tpu.memref_slice %arg7[%add3A_95] : memref<81920xf32, #tpu.memory_space<hbm>> -> memref<2560xf32, #tpu.memory_space<hbm>>
      %dma_start3A_106 = tpu.memref_slice %arg7[%add3A_95] : memref<81920xf32, #tpu.memory_space<hbm>> -> memref<2560xf32, #tpu.memory_space<hbm>>
      tpu.enqueue_dma source(%arg13 : memref<2560xf32, #tpu.memory_space<vmem>>) target(%dma_start3A_106 : memref<2560xf32, #tpu.memory_space<hbm>>) target_semaphore(%run_scoped3A : memref<!tpu.dma_semaphore, #tpu.memory_space<semaphore_mem>>)
      %dma_wait3A = tpu.memref_slice %arg7[%add3A_95] : memref<81920xf32, #tpu.memory_space<hbm>> -> memref<2560xf32, #tpu.memory_space<hbm>>
      %dma_wait3A_107 = tpu.memref_slice %arg7[%add3A_95] : memref<81920xf32, #tpu.memory_space<hbm>> -> memref<2560xf32, #tpu.memory_space<hbm>>
      tpu.wait_dma2 semaphore(%run_scoped3A : memref<!tpu.dma_semaphore, #tpu.memory_space<semaphore_mem>>) src(%arg13 : memref<2560xf32, #tpu.memory_space<vmem>>) dst(%dma_wait3A_107 : memref<2560xf32, #tpu.memory_space<hbm>>)
      tpu.yield
    }) : () -> ()
    %barrier3A_96 = arith.constant 0 : index
    tpu.barrier barrier_id(%barrier3A_96)
    %mul3A_97 = arith.constant 40960 : i32
    %mul3A_98 = arith.muli %arg0, %mul3A_97 : i32
    "tpu.region"() ({
      %run_scoped3A = tpu.sem_alloc : memref<!tpu.dma_semaphore, #tpu.memory_space<semaphore_mem>>
      %dma_start3A = tpu.memref_slice %arg7[%mul3A_98] : memref<81920xf32, #tpu.memory_space<hbm>> -> memref<40960xf32, #tpu.memory_space<hbm>>
      %dma_start3A_106 = tpu.memref_slice %arg7[%mul3A_98] : memref<81920xf32, #tpu.memory_space<hbm>> -> memref<40960xf32, #tpu.memory_space<hbm>>
      tpu.enqueue_dma source(%dma_start3A_106 : memref<40960xf32, #tpu.memory_space<hbm>>) target(%arg10 : memref<40960xf32, #tpu.memory_space<vmem>>) target_semaphore(%run_scoped3A : memref<!tpu.dma_semaphore, #tpu.memory_space<semaphore_mem>>)
      %dma_wait3A = tpu.memref_slice %arg7[%mul3A_98] : memref<81920xf32, #tpu.memory_space<hbm>> -> memref<40960xf32, #tpu.memory_space<hbm>>
      %dma_wait3A_107 = tpu.memref_slice %arg7[%mul3A_98] : memref<81920xf32, #tpu.memory_space<hbm>> -> memref<40960xf32, #tpu.memory_space<hbm>>
      tpu.wait_dma2 semaphore(%run_scoped3A : memref<!tpu.dma_semaphore, #tpu.memory_space<semaphore_mem>>) src(%dma_wait3A_107 : memref<40960xf32, #tpu.memory_space<hbm>>) dst(%arg10 : memref<40960xf32, #tpu.memory_space<vmem>>)
      tpu.yield
    }) : () -> ()
    %scan3A_99 = arith.constant 0 : i32
    %scan3A_100 = arith.constant 0 : i32
    %scan3A_101 = arith.constant 50 : i32
    %scan3A_102 = arith.addi %scan3A_100, %scan3A_101 : i32
    %scan3A_103 = arith.constant 1 : i32
    %scan3A_104 = scf.for %scan3A_106 = %scan3A_100 to %scan3A_102 step %scan3A_103 iter_args(%scan3A_107 = %scan3A_99) -> (i32)  : i32 {
      %mul3A_108 = arith.constant 20000 : i32
      %mul3A_109 = arith.muli %arg1, %mul3A_108 : i32
      %add3A_110 = arith.constant 320000 : i32
      %add3A_111 = arith.addi %add3A_110, %mul3A_109 : i32
      %mul3A_112 = arith.constant 2 : i32
      %mul3A_113 = arith.muli %add3A_111, %mul3A_112 : i32
      %mul3A_114 = arith.constant 800 : i32
      %mul3A_115 = arith.muli %scan3A_106, %mul3A_114 : i32
      %add3A_116 = arith.addi %mul3A_113, %mul3A_115 : i32
      "tpu.region"() ({
        %run_scoped3A = tpu.sem_alloc : memref<!tpu.dma_semaphore, #tpu.memory_space<semaphore_mem>>
        %dma_start3A = tpu.memref_slice %arg4[%add3A_116] : memref<1280000xi32, #tpu.memory_space<hbm>> -> memref<800xi32, #tpu.memory_space<hbm>>
        %dma_start3A_135 = tpu.memref_slice %arg4[%add3A_116] : memref<1280000xi32, #tpu.memory_space<hbm>> -> memref<800xi32, #tpu.memory_space<hbm>>
        tpu.enqueue_dma source(%dma_start3A_135 : memref<800xi32, #tpu.memory_space<hbm>>) target(%arg11 : memref<800xi32, #tpu.memory_space<vmem>>) target_semaphore(%run_scoped3A : memref<!tpu.dma_semaphore, #tpu.memory_space<semaphore_mem>>)
        %dma_wait3A = tpu.memref_slice %arg4[%add3A_116] : memref<1280000xi32, #tpu.memory_space<hbm>> -> memref<800xi32, #tpu.memory_space<hbm>>
        %dma_wait3A_136 = tpu.memref_slice %arg4[%add3A_116] : memref<1280000xi32, #tpu.memory_space<hbm>> -> memref<800xi32, #tpu.memory_space<hbm>>
        tpu.wait_dma2 semaphore(%run_scoped3A : memref<!tpu.dma_semaphore, #tpu.memory_space<semaphore_mem>>) src(%dma_wait3A_136 : memref<800xi32, #tpu.memory_space<hbm>>) dst(%arg11 : memref<800xi32, #tpu.memory_space<vmem>>)
        tpu.yield
      }) : () -> ()
      %scan3A_117 = arith.constant 0 : i32
      %scan3A_118 = arith.constant 0 : i32
      %scan3A_119 = arith.constant 25 : i32
      %scan3A_120 = arith.addi %scan3A_118, %scan3A_119 : i32
      %scan3A_121 = arith.constant 1 : i32
      %scan3A_122 = scf.for %scan3A_135 = %scan3A_118 to %scan3A_120 step %scan3A_121 iter_args(%scan3A_136 = %scan3A_117) -> (i32)  : i32 {
        %mul3A_137 = arith.constant 16 : i32
        %mul3A_138 = arith.muli %scan3A_135, %mul3A_137 : i32
        %get3A = arith.index_cast %mul3A_138 : i32 to index
        %get3A_139 = tpu.vector_load %arg11[%get3A] {strides = array<i32>} : memref<800xi32, #tpu.memory_space<vmem>>, vector<16xi32>,
        %mul3A_140 = arith.constant 16 : i32
        %mul3A_141 = arith.muli %scan3A_135, %mul3A_140 : i32
        %add3A_142 = arith.constant 400 : i32
        %add3A_143 = arith.addi %add3A_142, %mul3A_141 : i32
        %get3A_144 = arith.index_cast %add3A_143 : i32 to index
        %get3A_145 = tpu.vector_load %arg11[%get3A_144] {strides = array<i32>} : memref<800xi32, #tpu.memory_space<vmem>>, vector<16xi32>,
        %add3A_146 = arith.constant 0 : i32
        %add3A_147 = vector.broadcast %add3A_146 : i32 to vector<16xi32>
        %add3A_148 = arith.addi %get3A_139, %add3A_147 : vector<16xi32>
        %gather3A = tpu.vector_load_idx %arg8[%add3A_148] : memref<40960xf32, #tpu.memory_space<vmem>>[vector<16xi32>], vector<16xf32>,
        %add3A_149 = arith.constant 0 : i32
        %add3A_150 = vector.broadcast %add3A_149 : i32 to vector<16xi32>
        %add3A_151 = arith.addi %get3A_145, %add3A_150 : vector<16xi32>
        %gather3A_152 = tpu.vector_load_idx %arg9[%add3A_151] : memref<40960xf32, #tpu.memory_space<vmem>>[vector<16xi32>], vector<16xf32>,
        %add3A_153 = arith.addf %gather3A, %gather3A_152 : vector<16xf32>
        %mul3A_154 = arith.constant 2.000000e-01 : f32
        %mul3A_155 = vector.broadcast %mul3A_154 : f32 to vector<16xf32>
        %mul3A_156 = arith.mulf %mul3A_155, %add3A_153 : vector<16xf32>
        %max3A = arith.maximumf %add3A_153, %mul3A_156 : vector<16xf32>
        %exp3A = math.exp %max3A : vector<16xf32>
        %add3A_157 = arith.constant 0 : i32
        %add3A_158 = vector.broadcast %add3A_157 : i32 to vector<16xi32>
        %add3A_159 = arith.addi %get3A_145, %add3A_158 : vector<16xi32>
        %gather3A_160 = tpu.vector_load_idx %arg10[%add3A_159] : memref<40960xf32, #tpu.memory_space<vmem>>[vector<16xi32>], vector<16xf32>,
        %mul3A_161 = arith.mulf %exp3A, %gather3A_160 : vector<16xf32>
        %mul3A_162 = arith.constant 16 : i32
        %mul3A_163 = arith.muli %scan3A_135, %mul3A_162 : i32
        %add3A_164 = arith.constant 0 : i32
        %add3A_165 = arith.addi %add3A_164, %mul3A_163 : i32
        %swap3A = arith.index_cast %add3A_165 : i32 to index
        %swap3A_166 = tpu.vector_load %arg12[%swap3A] {strides = array<i32>} : memref<1600xf32, #tpu.memory_space<vmem>>, vector<16xf32>,
        tpu.vector_store %arg12[%swap3A], %mul3A_161 {strides = array<i32>} : memref<1600xf32, #tpu.memory_space<vmem>>, vector<16xf32>,
        %add3A_167 = arith.constant 10240 : i32
        %add3A_168 = vector.broadcast %add3A_167 : i32 to vector<16xi32>
        %add3A_169 = arith.addi %get3A_139, %add3A_168 : vector<16xi32>
        %gather3A_170 = tpu.vector_load_idx %arg8[%add3A_169] : memref<40960xf32, #tpu.memory_space<vmem>>[vector<16xi32>], vector<16xf32>,
        %add3A_171 = arith.constant 10240 : i32
        %add3A_172 = vector.broadcast %add3A_171 : i32 to vector<16xi32>
        %add3A_173 = arith.addi %get3A_145, %add3A_172 : vector<16xi32>
        %gather3A_174 = tpu.vector_load_idx %arg9[%add3A_173] : memref<40960xf32, #tpu.memory_space<vmem>>[vector<16xi32>], vector<16xf32>,
        %add3A_175 = arith.addf %gather3A_170, %gather3A_174 : vector<16xf32>
        %mul3A_176 = arith.constant 2.000000e-01 : f32
        %mul3A_177 = vector.broadcast %mul3A_176 : f32 to vector<16xf32>
        %mul3A_178 = arith.mulf %mul3A_177, %add3A_175 : vector<16xf32>
        %max3A_179 = arith.maximumf %add3A_175, %mul3A_178 : vector<16xf32>
        %exp3A_180 = math.exp %max3A_179 : vector<16xf32>
        %add3A_181 = arith.constant 10240 : i32
        %add3A_182 = vector.broadcast %add3A_181 : i32 to vector<16xi32>
        %add3A_183 = arith.addi %get3A_145, %add3A_182 : vector<16xi32>
        %gather3A_184 = tpu.vector_load_idx %arg10[%add3A_183] : memref<40960xf32, #tpu.memory_space<vmem>>[vector<16xi32>], vector<16xf32>,
        %mul3A_185 = arith.mulf %exp3A_180, %gather3A_184 : vector<16xf32>
        %mul3A_186 = arith.constant 16 : i32
        %mul3A_187 = arith.muli %scan3A_135, %mul3A_186 : i32
        %add3A_188 = arith.constant 400 : i32
        %add3A_189 = arith.addi %add3A_188, %mul3A_187 : i32
        %swap3A_190 = arith.index_cast %add3A_189 : i32 to index
        %swap3A_191 = tpu.vector_load %arg12[%swap3A_190] {strides = array<i32>} : memref<1600xf32, #tpu.memory_space<vmem>>, vector<16xf32>,
        tpu.vector_store %arg12[%swap3A_190], %mul3A_185 {strides = array<i32>} : memref<1600xf32, #tpu.memory_space<vmem>>, vector<16xf32>,
        %add3A_192 = arith.constant 20480 : i32
        %add3A_193 = vector.broadcast %add3A_192 : i32 to vector<16xi32>
        %add3A_194 = arith.addi %get3A_139, %add3A_193 : vector<16xi32>
        %gather3A_195 = tpu.vector_load_idx %arg8[%add3A_194] : memref<40960xf32, #tpu.memory_space<vmem>>[vector<16xi32>], vector<16xf32>,
        %add3A_196 = arith.constant 20480 : i32
        %add3A_197 = vector.broadcast %add3A_196 : i32 to vector<16xi32>
        %add3A_198 = arith.addi %get3A_145, %add3A_197 : vector<16xi32>
        %gather3A_199 = tpu.vector_load_idx %arg9[%add3A_198] : memref<40960xf32, #tpu.memory_space<vmem>>[vector<16xi32>], vector<16xf32>,
        %add3A_200 = arith.addf %gather3A_195, %gather3A_199 : vector<16xf32>
        %mul3A_201 = arith.constant 2.000000e-01 : f32
        %mul3A_202 = vector.broadcast %mul3A_201 : f32 to vector<16xf32>
        %mul3A_203 = arith.mulf %mul3A_202, %add3A_200 : vector<16xf32>
        %max3A_204 = arith.maximumf %add3A_200, %mul3A_203 : vector<16xf32>
        %exp3A_205 = math.exp %max3A_204 : vector<16xf32>
        %add3A_206 = arith.constant 20480 : i32
        %add3A_207 = vector.broadcast %add3A_206 : i32 to vector<16xi32>
        %add3A_208 = arith.addi %get3A_145, %add3A_207 : vector<16xi32>
        %gather3A_209 = tpu.vector_load_idx %arg10[%add3A_208] : memref<40960xf32, #tpu.memory_space<vmem>>[vector<16xi32>], vector<16xf32>,
        %mul3A_210 = arith.mulf %exp3A_205, %gather3A_209 : vector<16xf32>
        %mul3A_211 = arith.constant 16 : i32
        %mul3A_212 = arith.muli %scan3A_135, %mul3A_211 : i32
        %add3A_213 = arith.constant 800 : i32
        %add3A_214 = arith.addi %add3A_213, %mul3A_212 : i32
        %swap3A_215 = arith.index_cast %add3A_214 : i32 to index
        %swap3A_216 = tpu.vector_load %arg12[%swap3A_215] {strides = array<i32>} : memref<1600xf32, #tpu.memory_space<vmem>>, vector<16xf32>,
        tpu.vector_store %arg12[%swap3A_215], %mul3A_210 {strides = array<i32>} : memref<1600xf32, #tpu.memory_space<vmem>>, vector<16xf32>,
        %add3A_217 = arith.constant 30720 : i32
        %add3A_218 = vector.broadcast %add3A_217 : i32 to vector<16xi32>
        %add3A_219 = arith.addi %get3A_139, %add3A_218 : vector<16xi32>
        %gather3A_220 = tpu.vector_load_idx %arg8[%add3A_219] : memref<40960xf32, #tpu.memory_space<vmem>>[vector<16xi32>], vector<16xf32>,
        %add3A_221 = arith.constant 30720 : i32
        %add3A_222 = vector.broadcast %add3A_221 : i32 to vector<16xi32>
        %add3A_223 = arith.addi %get3A_145, %add3A_222 : vector<16xi32>
        %gather3A_224 = tpu.vector_load_idx %arg9[%add3A_223] : memref<40960xf32, #tpu.memory_space<vmem>>[vector<16xi32>], vector<16xf32>,
        %add3A_225 = arith.addf %gather3A_220, %gather3A_224 : vector<16xf32>
        %mul3A_226 = arith.constant 2.000000e-01 : f32
        %mul3A_227 = vector.broadcast %mul3A_226 : f32 to vector<16xf32>
        %mul3A_228 = arith.mulf %mul3A_227, %add3A_225 : vector<16xf32>
        %max3A_229 = arith.maximumf %add3A_225, %mul3A_228 : vector<16xf32>
        %exp3A_230 = math.exp %max3A_229 : vector<16xf32>
        %add3A_231 = arith.constant 30720 : i32
        %add3A_232 = vector.broadcast %add3A_231 : i32 to vector<16xi32>
        %add3A_233 = arith.addi %get3A_145, %add3A_232 : vector<16xi32>
        %gather3A_234 = tpu.vector_load_idx %arg10[%add3A_233] : memref<40960xf32, #tpu.memory_space<vmem>>[vector<16xi32>], vector<16xf32>,
        %mul3A_235 = arith.mulf %exp3A_230, %gather3A_234 : vector<16xf32>
        %mul3A_236 = arith.constant 16 : i32
        %mul3A_237 = arith.muli %scan3A_135, %mul3A_236 : i32
        %add3A_238 = arith.constant 1200 : i32
        %add3A_239 = arith.addi %add3A_238, %mul3A_237 : i32
        %swap3A_240 = arith.index_cast %add3A_239 : i32 to index
        %swap3A_241 = tpu.vector_load %arg12[%swap3A_240] {strides = array<i32>} : memref<1600xf32, #tpu.memory_space<vmem>>, vector<16xf32>,
        tpu.vector_store %arg12[%swap3A_240], %mul3A_235 {strides = array<i32>} : memref<1600xf32, #tpu.memory_space<vmem>>, vector<16xf32>,
        %scan3A_242 = arith.constant 0 : i32
        scf.yield %scan3A_242 : i32
      }
      %scan3A_123 = arith.constant 25 : i32
      %mul3A_124 = arith.constant 50 : i32
      %mul3A_125 = arith.muli %arg1, %mul3A_124 : i32
      %add3A_126 = arith.addi %mul3A_125, %scan3A_106 : i32
      %mul3A_127 = arith.constant 3200 : i32
      %mul3A_128 = arith.muli %add3A_126, %mul3A_127 : i32
      %add3A_129 = arith.constant 2560000 : i32
      %add3A_130 = arith.addi %add3A_129, %mul3A_128 : i32
      %mul3A_131 = arith.constant 1600 : i32
      %mul3A_132 = arith.muli %arg0, %mul3A_131 : i32
      %add3A_133 = arith.addi %add3A_130, %mul3A_132 : i32
      "tpu.region"() ({
        %run_scoped3A = tpu.sem_alloc : memref<!tpu.dma_semaphore, #tpu.memory_space<semaphore_mem>>
        %dma_start3A = tpu.memref_slice %arg5[%add3A_133] : memref<5120000xf32, #tpu.memory_space<hbm>> -> memref<1600xf32, #tpu.memory_space<hbm>>
        %dma_start3A_135 = tpu.memref_slice %arg5[%add3A_133] : memref<5120000xf32, #tpu.memory_space<hbm>> -> memref<1600xf32, #tpu.memory_space<hbm>>
        tpu.enqueue_dma source(%arg12 : memref<1600xf32, #tpu.memory_space<vmem>>) target(%dma_start3A_135 : memref<1600xf32, #tpu.memory_space<hbm>>) target_semaphore(%run_scoped3A : memref<!tpu.dma_semaphore, #tpu.memory_space<semaphore_mem>>)
        %dma_wait3A = tpu.memref_slice %arg5[%add3A_133] : memref<5120000xf32, #tpu.memory_space<hbm>> -> memref<1600xf32, #tpu.memory_space<hbm>>
        %dma_wait3A_136 = tpu.memref_slice %arg5[%add3A_133] : memref<5120000xf32, #tpu.memory_space<hbm>> -> memref<1600xf32, #tpu.memory_space<hbm>>
        tpu.wait_dma2 semaphore(%run_scoped3A : memref<!tpu.dma_semaphore, #tpu.memory_space<semaphore_mem>>) src(%arg12 : memref<1600xf32, #tpu.memory_space<vmem>>) dst(%dma_wait3A_136 : memref<1600xf32, #tpu.memory_space<hbm>>)
        tpu.yield
      }) : () -> ()
      %scan3A_134 = arith.constant 0 : i32
      scf.yield %scan3A_134 : i32
    }
    %scan3A_105 = arith.constant 50 : i32
    return
  }
}

#map = affine_map<(d0, d1) -> (0, 0)>
#map1 = affine_map<(d0, d1) -> (0)>
#map2 = affine_map<(d0, d1) -> (0, 0, 0)>
module attributes {stable_mosaic.version = 14 : i64} {
  func.func @_l2_body(%arg0: i32, %arg1: i32, %arg2: memref<20000x128xf32, #tpu.memory_space<hbm>>, %arg3: memref<1280000xi32, #tpu.memory_space<hbm>>, %arg4: memref<5120000xf32, #tpu.memory_space<hbm>>, %arg5: memref<20480x128xf32, #tpu.memory_space<hbm>>, %arg6: memref<16x128xf32, #tpu.memory_space<hbm>>, %arg7: memref<5120000xf32, #tpu.memory_space<hbm>>, %arg8: memref<2x10240x128xf32, #tpu.memory_space<hbm>>, %arg9: memref<80x128xf32, #tpu.memory_space<vmem>>, %arg10: memref<80x128xf32, #tpu.memory_space<vmem>>, %arg11: memref<80x128xf32, #tpu.memory_space<vmem>>, %arg12: memref<80x128xf32, #tpu.memory_space<vmem>>, %arg13: memref<1600xi32, #tpu.memory_space<vmem>>, %arg14: memref<6400xf32, #tpu.memory_space<vmem>>, %arg15: memref<6400xf32, #tpu.memory_space<vmem>>, %arg16: memref<4x80xi32, #tpu.memory_space<vmem>>, %arg17: memref<5128x128xf32, #tpu.memory_space<vmem_shared>>, %arg18: memref<!tpu.dma_semaphore, #tpu.memory_space<semaphore_mem>>, %arg19: memref<!tpu.dma_semaphore, #tpu.memory_space<semaphore_mem>>, %arg20: memref<!tpu.dma_semaphore, #tpu.memory_space<semaphore_mem>>, %arg21: memref<!tpu.dma_semaphore, #tpu.memory_space<semaphore_mem>>) attributes {dimension_semantics = [#tpu.dimension_semantics<core_parallel>, #tpu.dimension_semantics<subcore_parallel>], iteration_bounds = array<i64: 2, 16>, scalar_prefetch = 0 : i64, scratch_operands = 13 : i64, tpu.core_type = #tpu.core_type<sc_vector_subcore>, window_params = [{transform_indices = #map}, {transform_indices = #map1}, {transform_indices = #map1}, {transform_indices = #map}, {transform_indices = #map}, {transform_indices = #map1}, {transform_indices = #map2}]} {
    %iota3A = tpu.iota {dimensions = array<i32: 0>} : vector<16xi32>
    %broadcast_in_dim3A = arith.constant 1 : i32
    %broadcast_in_dim3A_0 = vector.broadcast %broadcast_in_dim3A : i32 to vector<16xi32>
    %mul3A = arith.constant 10000 : i32
    %mul3A_1 = arith.muli %arg0, %mul3A : i32
    %mul3A_2 = vector.broadcast %mul3A_1 : i32 to vector<16xi32>
    %mul3A_3 = arith.muli %broadcast_in_dim3A_0, %mul3A_2 : vector<16xi32>
    %broadcast_in_dim3A_4 = arith.constant 0 : i32
    %broadcast_in_dim3A_5 = vector.broadcast %broadcast_in_dim3A_4 : i32 to vector<16xi32>
    %scan3A = arith.constant 0 : i32
    %scan3A_6 = arith.constant 0 : i32
    %scan3A_7 = arith.constant 20 : i32
    %scan3A_8 = arith.addi %scan3A_6, %scan3A_7 : i32
    %scan3A_9 = arith.constant 1 : i32
    %scan3A_10 = scf.for %scan3A_54 = %scan3A_6 to %scan3A_8 step %scan3A_9 iter_args(%scan3A_55 = %scan3A) -> (i32)  : i32 {
      %mul3A_56 = arith.constant 320 : i32
      %mul3A_57 = arith.muli %arg1, %mul3A_56 : i32
      %mul3A_58 = arith.constant 16 : i32
      %mul3A_59 = arith.muli %scan3A_54, %mul3A_58 : i32
      %add3A = arith.addi %mul3A_57, %mul3A_59 : i32
      "tpu.region"() ({
        %run_scoped3A = tpu.sem_alloc : memref<!tpu.dma_semaphore, #tpu.memory_space<semaphore_mem>>
        %dma_start3A = arith.constant 0 : i32
        %dma_start3A_61 = tpu.memref_slice %arg17[%add3A, %dma_start3A] : memref<5128x128xf32, #tpu.memory_space<vmem_shared>> -> memref<16x128xf32, #tpu.memory_space<vmem_shared>>
        tpu.enqueue_dma source(%arg6 : memref<16x128xf32, #tpu.memory_space<hbm>>) target(%dma_start3A_61 : memref<16x128xf32, #tpu.memory_space<vmem_shared>>) target_semaphore(%run_scoped3A : memref<!tpu.dma_semaphore, #tpu.memory_space<semaphore_mem>>)
        %dma_wait3A = arith.constant 0 : i32
        %dma_wait3A_62 = tpu.memref_slice %arg17[%add3A, %dma_wait3A] : memref<5128x128xf32, #tpu.memory_space<vmem_shared>> -> memref<16x128xf32, #tpu.memory_space<vmem_shared>>
        tpu.wait_dma2 semaphore(%run_scoped3A : memref<!tpu.dma_semaphore, #tpu.memory_space<semaphore_mem>>) src(%arg6 : memref<16x128xf32, #tpu.memory_space<hbm>>) dst(%dma_wait3A_62 : memref<16x128xf32, #tpu.memory_space<vmem_shared>>)
        tpu.yield
      }) : () -> ()
      %scan3A_60 = arith.constant 0 : i32
      scf.yield %scan3A_60 : i32
    }
    %scan3A_11 = arith.constant 20 : i32
    %barrier3A = arith.constant 0 : index
    tpu.barrier barrier_id(%barrier3A)
    %scan3A_12 = arith.constant 0 : i32
    %scan3A_13 = arith.constant 0 : i32
    %scan3A_14 = arith.constant 25 : i32
    %scan3A_15 = arith.addi %scan3A_13, %scan3A_14 : i32
    %scan3A_16 = arith.constant 1 : i32
    %scan3A_17 = scf.for %scan3A_54 = %scan3A_13 to %scan3A_15 step %scan3A_16 iter_args(%scan3A_55 = %scan3A_12) -> (i32)  : i32 {
      %mul3A_56 = arith.constant 320000 : i32
      %mul3A_57 = arith.muli %arg0, %mul3A_56 : i32
      %mul3A_58 = arith.constant 20000 : i32
      %mul3A_59 = arith.muli %arg1, %mul3A_58 : i32
      %add3A = arith.addi %mul3A_57, %mul3A_59 : i32
      %mul3A_60 = arith.constant 2 : i32
      %mul3A_61 = arith.muli %add3A, %mul3A_60 : i32
      %mul3A_62 = arith.constant 1600 : i32
      %mul3A_63 = arith.muli %scan3A_54, %mul3A_62 : i32
      %add3A_64 = arith.addi %mul3A_61, %mul3A_63 : i32
      "tpu.region"() ({
        %run_scoped3A = tpu.sem_alloc : memref<!tpu.dma_semaphore, #tpu.memory_space<semaphore_mem>>
        %dma_start3A = tpu.memref_slice %arg3[%add3A_64] : memref<1280000xi32, #tpu.memory_space<hbm>> -> memref<1600xi32, #tpu.memory_space<hbm>>
        %dma_start3A_95 = tpu.memref_slice %arg3[%add3A_64] : memref<1280000xi32, #tpu.memory_space<hbm>> -> memref<1600xi32, #tpu.memory_space<hbm>>
        tpu.enqueue_dma source(%dma_start3A_95 : memref<1600xi32, #tpu.memory_space<hbm>>) target(%arg13 : memref<1600xi32, #tpu.memory_space<vmem>>) target_semaphore(%run_scoped3A : memref<!tpu.dma_semaphore, #tpu.memory_space<semaphore_mem>>)
        %dma_wait3A = tpu.memref_slice %arg3[%add3A_64] : memref<1280000xi32, #tpu.memory_space<hbm>> -> memref<1600xi32, #tpu.memory_space<hbm>>
        %dma_wait3A_96 = tpu.memref_slice %arg3[%add3A_64] : memref<1280000xi32, #tpu.memory_space<hbm>> -> memref<1600xi32, #tpu.memory_space<hbm>>
        tpu.wait_dma2 semaphore(%run_scoped3A : memref<!tpu.dma_semaphore, #tpu.memory_space<semaphore_mem>>) src(%dma_wait3A_96 : memref<1600xi32, #tpu.memory_space<hbm>>) dst(%arg13 : memref<1600xi32, #tpu.memory_space<vmem>>)
        tpu.yield
      }) : () -> ()
      %mul3A_65 = arith.constant 50 : i32
      %mul3A_66 = arith.muli %arg1, %mul3A_65 : i32
      %mul3A_67 = arith.constant 2 : i32
      %mul3A_68 = arith.muli %scan3A_54, %mul3A_67 : i32
      %add3A_69 = arith.addi %mul3A_66, %mul3A_68 : i32
      %mul3A_70 = arith.constant 8 : i32
      %mul3A_71 = arith.muli %arg0, %mul3A_70 : i32
      %mul3A_72 = arith.constant 320000 : i32
      %mul3A_73 = arith.muli %mul3A_71, %mul3A_72 : i32
      %mul3A_74 = arith.constant 3200 : i32
      %mul3A_75 = arith.muli %add3A_69, %mul3A_74 : i32
      %add3A_76 = arith.addi %mul3A_73, %mul3A_75 : i32
      "tpu.region"() ({
        %run_scoped3A = tpu.sem_alloc : memref<!tpu.dma_semaphore, #tpu.memory_space<semaphore_mem>>
        %dma_start3A = tpu.memref_slice %arg4[%add3A_76] : memref<5120000xf32, #tpu.memory_space<hbm>> -> memref<6400xf32, #tpu.memory_space<hbm>>
        %dma_start3A_95 = tpu.memref_slice %arg4[%add3A_76] : memref<5120000xf32, #tpu.memory_space<hbm>> -> memref<6400xf32, #tpu.memory_space<hbm>>
        tpu.enqueue_dma source(%dma_start3A_95 : memref<6400xf32, #tpu.memory_space<hbm>>) target(%arg14 : memref<6400xf32, #tpu.memory_space<vmem>>) target_semaphore(%run_scoped3A : memref<!tpu.dma_semaphore, #tpu.memory_space<semaphore_mem>>)
        %dma_wait3A = tpu.memref_slice %arg4[%add3A_76] : memref<5120000xf32, #tpu.memory_space<hbm>> -> memref<6400xf32, #tpu.memory_space<hbm>>
        %dma_wait3A_96 = tpu.memref_slice %arg4[%add3A_76] : memref<5120000xf32, #tpu.memory_space<hbm>> -> memref<6400xf32, #tpu.memory_space<hbm>>
        tpu.wait_dma2 semaphore(%run_scoped3A : memref<!tpu.dma_semaphore, #tpu.memory_space<semaphore_mem>>) src(%dma_wait3A_96 : memref<6400xf32, #tpu.memory_space<hbm>>) dst(%arg14 : memref<6400xf32, #tpu.memory_space<vmem>>)
        tpu.yield
      }) : () -> ()
      %scan3A_77 = arith.constant 0 : i32
      %scan3A_78 = arith.constant 0 : i32
      %scan3A_79 = arith.constant 5 : i32
      %scan3A_80 = arith.addi %scan3A_78, %scan3A_79 : i32
      %scan3A_81 = arith.constant 1 : i32
      %scan3A_82 = scf.for %scan3A_95 = %scan3A_78 to %scan3A_80 step %scan3A_81 iter_args(%scan3A_96 = %scan3A_77) -> (i32)  : i32 {
        %mul3A_97 = arith.constant 2 : i32
        %mul3A_98 = arith.muli %mul3A_97, %scan3A_95 : i32
        %mul3A_99 = arith.constant 2 : i32
        %mul3A_100 = arith.muli %mul3A_99, %scan3A_95 : i32
        %add3A_101 = arith.constant 1 : i32
        %add3A_102 = arith.addi %mul3A_100, %add3A_101 : i32
        %jit3A = arith.constant 5 : i32
        %div3A = arith.divsi %mul3A_98, %jit3A : i32
        %sign3A = arith.constant 0 : i32
        %sign3A_103 = arith.cmpi sgt, %mul3A_98, %sign3A : i32
        %sign3A_104 = arith.extui %sign3A_103 : i1 to i32
        %sign3A_105 = arith.constant 0 : i32
        %sign3A_106 = arith.cmpi slt, %mul3A_98, %sign3A_105 : i32
        %sign3A_107 = arith.extui %sign3A_106 : i1 to i32
        %sign3A_108 = arith.subi %sign3A_104, %sign3A_107 : i32
        %sign3A_109 = arith.constant 0 : i32
        %sign3A_110 = arith.cmpi sgt, %jit3A, %sign3A_109 : i32
        %sign3A_111 = arith.extui %sign3A_110 : i1 to i32
        %sign3A_112 = arith.constant 0 : i32
        %sign3A_113 = arith.cmpi slt, %jit3A, %sign3A_112 : i32
        %sign3A_114 = arith.extui %sign3A_113 : i1 to i32
        %sign3A_115 = arith.subi %sign3A_111, %sign3A_114 : i32
        %ne3A = arith.cmpi ne, %sign3A_108, %sign3A_115 : i32
        %rem3A = arith.remsi %mul3A_98, %jit3A : i32
        %ne3A_116 = arith.constant 0 : i32
        %ne3A_117 = arith.cmpi ne, %rem3A, %ne3A_116 : i32
        %and3A = arith.andi %ne3A, %ne3A_117 : i1
        %sub3A = arith.constant 1 : i32
        %sub3A_118 = arith.subi %div3A, %sub3A : i32
        %select_n3A = arith.select %and3A, %sub3A_118, %div3A : i32
        %mul3A_119 = arith.constant 80 : i32
        %mul3A_120 = arith.muli %mul3A_98, %mul3A_119 : i32
        %mul3A_121 = arith.constant 400 : i32
        %mul3A_122 = arith.muli %select_n3A, %mul3A_121 : i32
        %sub3A_123 = arith.subi %mul3A_120, %mul3A_122 : i32
        %scan3A_124 = arith.constant 0 : i32
        %scan3A_125 = arith.constant 0 : i32
        %scan3A_126 = arith.constant 5 : i32
        %scan3A_127 = arith.addi %scan3A_125, %scan3A_126 : i32
        %scan3A_128 = arith.constant 1 : i32
        %scan3A_129 = scf.for %scan3A_316 = %scan3A_125 to %scan3A_127 step %scan3A_128 iter_args(%scan3A_317 = %scan3A_124) -> (i32)  : i32 {
          %mul3A_318 = arith.constant 16 : i32
          %mul3A_319 = arith.muli %scan3A_316, %mul3A_318 : i32
          %mul3A_320 = arith.constant 800 : i32
          %mul3A_321 = arith.muli %select_n3A, %mul3A_320 : i32
          %add3A_322 = arith.addi %mul3A_321, %sub3A_123 : i32
          %mul3A_323 = arith.constant 16 : i32
          %mul3A_324 = arith.muli %scan3A_316, %mul3A_323 : i32
          %add3A_325 = arith.addi %add3A_322, %mul3A_324 : i32
          %add3A_326 = arith.constant 400 : i32
          %add3A_327 = arith.addi %add3A_325, %add3A_326 : i32
          %get3A = arith.index_cast %add3A_327 : i32 to index
          %get3A_328 = tpu.vector_load %arg13[%get3A] {strides = array<i32>} : memref<1600xi32, #tpu.memory_space<vmem>>, vector<16xi32>,
          %sub3A_329 = arith.subi %get3A_328, %broadcast_in_dim3A_5 : vector<16xi32>
          %ge3A = arith.constant 0 : i32
          %ge3A_330 = vector.broadcast %ge3A : i32 to vector<16xi32>
          %ge3A_331 = arith.cmpi sge, %sub3A_329, %ge3A_330 : vector<16xi32>
          %lt3A = arith.constant 5120 : i32
          %lt3A_332 = vector.broadcast %lt3A : i32 to vector<16xi32>
          %lt3A_333 = arith.cmpi slt, %sub3A_329, %lt3A_332 : vector<16xi32>
          %and3A_334 = arith.andi %ge3A_331, %lt3A_333 : vector<16xi1>
          %get3A_335 = arith.index_cast %add3A_325 : i32 to index
          %get3A_336 = tpu.vector_load %arg13[%get3A_335] {strides = array<i32>} : memref<1600xi32, #tpu.memory_space<vmem>>, vector<16xi32>,
          %add3A_337 = arith.addi %get3A_336, %mul3A_3 : vector<16xi32>
          %jit3A_338 = arith.constant -1 : i32
          %broadcast_in_dim3A_339 = vector.broadcast %jit3A_338 : i32 to vector<16xi32>
          %select_n3A_340 = arith.select %and3A_334, %add3A_337, %broadcast_in_dim3A_339 : vector<16xi1>, vector<16xi32>
          %swap3A = arith.constant 0 : i32
          %swap3A_341 = arith.index_cast %swap3A : i32 to index
          %swap3A_342 = arith.index_cast %mul3A_319 : i32 to index
          %swap3A_343 = tpu.vector_load %arg16[%swap3A_341, %swap3A_342] {strides = array<i32>} : memref<4x80xi32, #tpu.memory_space<vmem>>, vector<16xi32>,
          tpu.vector_store %arg16[%swap3A_341, %swap3A_342], %select_n3A_340 {strides = array<i32>} : memref<4x80xi32, #tpu.memory_space<vmem>>, vector<16xi32>,
          %jit3A_344 = arith.constant 5120 : i32
          %broadcast_in_dim3A_345 = vector.broadcast %jit3A_344 : i32 to vector<16xi32>
          %select_n3A_346 = arith.select %and3A_334, %sub3A_329, %broadcast_in_dim3A_345 : vector<16xi1>, vector<16xi32>
          %swap3A_347 = arith.constant 1 : i32
          %swap3A_348 = arith.index_cast %swap3A_347 : i32 to index
          %swap3A_349 = arith.index_cast %mul3A_319 : i32 to index
          %swap3A_350 = tpu.vector_load %arg16[%swap3A_348, %swap3A_349] {strides = array<i32>} : memref<4x80xi32, #tpu.memory_space<vmem>>, vector<16xi32>,
          tpu.vector_store %arg16[%swap3A_348, %swap3A_349], %select_n3A_346 {strides = array<i32>} : memref<4x80xi32, #tpu.memory_space<vmem>>, vector<16xi32>,
          %scan3A_351 = arith.constant 0 : i32
          scf.yield %scan3A_351 : i32
        }
        %scan3A_130 = arith.constant 5 : i32
        %dma_start3A = arith.constant 0 : i32
        %dma_start3A_131 = arith.constant 0 : i32
        %dma_start3A_132 = tpu.memref_slice %arg16[%dma_start3A, %dma_start3A_131] : memref<4x80xi32, #tpu.memory_space<vmem>> -> memref<1x80xi32, #tpu.memory_space<vmem>>
        %dma_start3A_133 = tpu.memref_squeeze %dma_start3A_132 : memref<1x80xi32, #tpu.memory_space<vmem>> -> memref<80xi32, #tpu.memory_space<vmem>>
        %dma_start3A_134 = arith.constant 0 : i32
        %dma_start3A_135 = arith.constant 0 : i32
        %dma_start3A_136 = tpu.memref_slice %arg2[%dma_start3A_134, %dma_start3A_135] : memref<20000x128xf32, #tpu.memory_space<hbm>> -> memref<20000x128xf32, #tpu.memory_space<hbm>>
        %dma_start3A_137 = arith.constant -1 : i32
        tpu.enqueue_indirect_dma source(%dma_start3A_136 : memref<20000x128xf32, #tpu.memory_space<hbm>>) target(%arg9 : memref<80x128xf32, #tpu.memory_space<vmem>>) offsets(%dma_start3A_133 : memref<80xi32, #tpu.memory_space<vmem>>) offset_filter(%dma_start3A_137) semaphore(%arg18 : memref<!tpu.dma_semaphore, #tpu.memory_space<semaphore_mem>>)
        %jit3A_138 = arith.constant 5 : i32
        %div3A_139 = arith.divsi %add3A_102, %jit3A_138 : i32
        %sign3A_140 = arith.constant 0 : i32
        %sign3A_141 = arith.cmpi sgt, %add3A_102, %sign3A_140 : i32
        %sign3A_142 = arith.extui %sign3A_141 : i1 to i32
        %sign3A_143 = arith.constant 0 : i32
        %sign3A_144 = arith.cmpi slt, %add3A_102, %sign3A_143 : i32
        %sign3A_145 = arith.extui %sign3A_144 : i1 to i32
        %sign3A_146 = arith.subi %sign3A_142, %sign3A_145 : i32
        %sign3A_147 = arith.constant 0 : i32
        %sign3A_148 = arith.cmpi sgt, %jit3A_138, %sign3A_147 : i32
        %sign3A_149 = arith.extui %sign3A_148 : i1 to i32
        %sign3A_150 = arith.constant 0 : i32
        %sign3A_151 = arith.cmpi slt, %jit3A_138, %sign3A_150 : i32
        %sign3A_152 = arith.extui %sign3A_151 : i1 to i32
        %sign3A_153 = arith.subi %sign3A_149, %sign3A_152 : i32
        %ne3A_154 = arith.cmpi ne, %sign3A_146, %sign3A_153 : i32
        %rem3A_155 = arith.remsi %add3A_102, %jit3A_138 : i32
        %ne3A_156 = arith.constant 0 : i32
        %ne3A_157 = arith.cmpi ne, %rem3A_155, %ne3A_156 : i32
        %and3A_158 = arith.andi %ne3A_154, %ne3A_157 : i1
        %sub3A_159 = arith.constant 1 : i32
        %sub3A_160 = arith.subi %div3A_139, %sub3A_159 : i32
        %select_n3A_161 = arith.select %and3A_158, %sub3A_160, %div3A_139 : i32
        %mul3A_162 = arith.constant 80 : i32
        %mul3A_163 = arith.muli %add3A_102, %mul3A_162 : i32
        %mul3A_164 = arith.constant 400 : i32
        %mul3A_165 = arith.muli %select_n3A_161, %mul3A_164 : i32
        %sub3A_166 = arith.subi %mul3A_163, %mul3A_165 : i32
        %scan3A_167 = arith.constant 0 : i32
        %scan3A_168 = arith.constant 0 : i32
        %scan3A_169 = arith.constant 5 : i32
        %scan3A_170 = arith.addi %scan3A_168, %scan3A_169 : i32
        %scan3A_171 = arith.constant 1 : i32
        %scan3A_172 = scf.for %scan3A_316 = %scan3A_168 to %scan3A_170 step %scan3A_171 iter_args(%scan3A_317 = %scan3A_167) -> (i32)  : i32 {
          %mul3A_318 = arith.constant 16 : i32
          %mul3A_319 = arith.muli %scan3A_316, %mul3A_318 : i32
          %mul3A_320 = arith.constant 800 : i32
          %mul3A_321 = arith.muli %select_n3A_161, %mul3A_320 : i32
          %add3A_322 = arith.addi %mul3A_321, %sub3A_166 : i32
          %mul3A_323 = arith.constant 16 : i32
          %mul3A_324 = arith.muli %scan3A_316, %mul3A_323 : i32
          %add3A_325 = arith.addi %add3A_322, %mul3A_324 : i32
          %add3A_326 = arith.constant 400 : i32
          %add3A_327 = arith.addi %add3A_325, %add3A_326 : i32
          %get3A = arith.index_cast %add3A_327 : i32 to index
          %get3A_328 = tpu.vector_load %arg13[%get3A] {strides = array<i32>} : memref<1600xi32, #tpu.memory_space<vmem>>, vector<16xi32>,
          %sub3A_329 = arith.subi %get3A_328, %broadcast_in_dim3A_5 : vector<16xi32>
          %ge3A = arith.constant 0 : i32
          %ge3A_330 = vector.broadcast %ge3A : i32 to vector<16xi32>
          %ge3A_331 = arith.cmpi sge, %sub3A_329, %ge3A_330 : vector<16xi32>
          %lt3A = arith.constant 5120 : i32
          %lt3A_332 = vector.broadcast %lt3A : i32 to vector<16xi32>
          %lt3A_333 = arith.cmpi slt, %sub3A_329, %lt3A_332 : vector<16xi32>
          %and3A_334 = arith.andi %ge3A_331, %lt3A_333 : vector<16xi1>
          %get3A_335 = arith.index_cast %add3A_325 : i32 to index
          %get3A_336 = tpu.vector_load %arg13[%get3A_335] {strides = array<i32>} : memref<1600xi32, #tpu.memory_space<vmem>>, vector<16xi32>,
          %add3A_337 = arith.addi %get3A_336, %mul3A_3 : vector<16xi32>
          %jit3A_338 = arith.constant -1 : i32
          %broadcast_in_dim3A_339 = vector.broadcast %jit3A_338 : i32 to vector<16xi32>
          %select_n3A_340 = arith.select %and3A_334, %add3A_337, %broadcast_in_dim3A_339 : vector<16xi1>, vector<16xi32>
          %swap3A = arith.constant 2 : i32
          %swap3A_341 = arith.index_cast %swap3A : i32 to index
          %swap3A_342 = arith.index_cast %mul3A_319 : i32 to index
          %swap3A_343 = tpu.vector_load %arg16[%swap3A_341, %swap3A_342] {strides = array<i32>} : memref<4x80xi32, #tpu.memory_space<vmem>>, vector<16xi32>,
          tpu.vector_store %arg16[%swap3A_341, %swap3A_342], %select_n3A_340 {strides = array<i32>} : memref<4x80xi32, #tpu.memory_space<vmem>>, vector<16xi32>,
          %jit3A_344 = arith.constant 5120 : i32
          %broadcast_in_dim3A_345 = vector.broadcast %jit3A_344 : i32 to vector<16xi32>
          %select_n3A_346 = arith.select %and3A_334, %sub3A_329, %broadcast_in_dim3A_345 : vector<16xi1>, vector<16xi32>
          %swap3A_347 = arith.constant 3 : i32
          %swap3A_348 = arith.index_cast %swap3A_347 : i32 to index
          %swap3A_349 = arith.index_cast %mul3A_319 : i32 to index
          %swap3A_350 = tpu.vector_load %arg16[%swap3A_348, %swap3A_349] {strides = array<i32>} : memref<4x80xi32, #tpu.memory_space<vmem>>, vector<16xi32>,
          tpu.vector_store %arg16[%swap3A_348, %swap3A_349], %select_n3A_346 {strides = array<i32>} : memref<4x80xi32, #tpu.memory_space<vmem>>, vector<16xi32>,
          %scan3A_351 = arith.constant 0 : i32
          scf.yield %scan3A_351 : i32
        }
        %scan3A_173 = arith.constant 5 : i32
        %dma_start3A_174 = arith.constant 2 : i32
        %dma_start3A_175 = arith.constant 0 : i32
        %dma_start3A_176 = tpu.memref_slice %arg16[%dma_start3A_174, %dma_start3A_175] : memref<4x80xi32, #tpu.memory_space<vmem>> -> memref<1x80xi32, #tpu.memory_space<vmem>>
        %dma_start3A_177 = tpu.memref_squeeze %dma_start3A_176 : memref<1x80xi32, #tpu.memory_space<vmem>> -> memref<80xi32, #tpu.memory_space<vmem>>
        %dma_start3A_178 = arith.constant 0 : i32
        %dma_start3A_179 = arith.constant 0 : i32
        %dma_start3A_180 = tpu.memref_slice %arg2[%dma_start3A_178, %dma_start3A_179] : memref<20000x128xf32, #tpu.memory_space<hbm>> -> memref<20000x128xf32, #tpu.memory_space<hbm>>
        %dma_start3A_181 = arith.constant -1 : i32
        tpu.enqueue_indirect_dma source(%dma_start3A_180 : memref<20000x128xf32, #tpu.memory_space<hbm>>) target(%arg10 : memref<80x128xf32, #tpu.memory_space<vmem>>) offsets(%dma_start3A_177 : memref<80xi32, #tpu.memory_space<vmem>>) offset_filter(%dma_start3A_181) semaphore(%arg19 : memref<!tpu.dma_semaphore, #tpu.memory_space<semaphore_mem>>)
        %dma_wait3A = arith.constant 0 : i32
        %dma_wait3A_182 = arith.constant 0 : i32
        %dma_wait3A_183 = tpu.memref_slice %arg16[%dma_wait3A, %dma_wait3A_182] : memref<4x80xi32, #tpu.memory_space<vmem>> -> memref<1x80xi32, #tpu.memory_space<vmem>>
        %dma_wait3A_184 = tpu.memref_squeeze %dma_wait3A_183 : memref<1x80xi32, #tpu.memory_space<vmem>> -> memref<80xi32, #tpu.memory_space<vmem>>
        %dma_wait3A_185 = arith.constant 0 : i32
        %dma_wait3A_186 = arith.constant 0 : i32
        %dma_wait3A_187 = tpu.memref_slice %arg2[%dma_wait3A_185, %dma_wait3A_186] : memref<20000x128xf32, #tpu.memory_space<hbm>> -> memref<20000x128xf32, #tpu.memory_space<hbm>>
        tpu.wait_indirect_dma semaphore(%arg18 : memref<!tpu.dma_semaphore, #tpu.memory_space<semaphore_mem>>) src(%dma_wait3A_187 : memref<20000x128xf32, #tpu.memory_space<hbm>>) dst(%arg9 : memref<80x128xf32, #tpu.memory_space<vmem>>)
        %jit3A_188 = arith.constant 5 : i32
        %div3A_189 = arith.divsi %mul3A_98, %jit3A_188 : i32
        %sign3A_190 = arith.constant 0 : i32
        %sign3A_191 = arith.cmpi sgt, %mul3A_98, %sign3A_190 : i32
        %sign3A_192 = arith.extui %sign3A_191 : i1 to i32
        %sign3A_193 = arith.constant 0 : i32
        %sign3A_194 = arith.cmpi slt, %mul3A_98, %sign3A_193 : i32
        %sign3A_195 = arith.extui %sign3A_194 : i1 to i32
        %sign3A_196 = arith.subi %sign3A_192, %sign3A_195 : i32
        %sign3A_197 = arith.constant 0 : i32
        %sign3A_198 = arith.cmpi sgt, %jit3A_188, %sign3A_197 : i32
        %sign3A_199 = arith.extui %sign3A_198 : i1 to i32
        %sign3A_200 = arith.constant 0 : i32
        %sign3A_201 = arith.cmpi slt, %jit3A_188, %sign3A_200 : i32
        %sign3A_202 = arith.extui %sign3A_201 : i1 to i32
        %sign3A_203 = arith.subi %sign3A_199, %sign3A_202 : i32
        %ne3A_204 = arith.cmpi ne, %sign3A_196, %sign3A_203 : i32
        %rem3A_205 = arith.remsi %mul3A_98, %jit3A_188 : i32
        %ne3A_206 = arith.constant 0 : i32
        %ne3A_207 = arith.cmpi ne, %rem3A_205, %ne3A_206 : i32
        %and3A_208 = arith.andi %ne3A_204, %ne3A_207 : i1
        %sub3A_209 = arith.constant 1 : i32
        %sub3A_210 = arith.subi %div3A_189, %sub3A_209 : i32
        %select_n3A_211 = arith.select %and3A_208, %sub3A_210, %div3A_189 : i32
        %mul3A_212 = arith.constant 80 : i32
        %mul3A_213 = arith.muli %mul3A_98, %mul3A_212 : i32
        %mul3A_214 = arith.constant 400 : i32
        %mul3A_215 = arith.muli %select_n3A_211, %mul3A_214 : i32
        %sub3A_216 = arith.subi %mul3A_213, %mul3A_215 : i32
        %scan3A_217 = arith.constant 0 : i32
        %scan3A_218 = arith.constant 0 : i32
        %scan3A_219 = arith.constant 5 : i32
        %scan3A_220 = arith.addi %scan3A_218, %scan3A_219 : i32
        %scan3A_221 = arith.constant 1 : i32
        %scan3A_222 = scf.for %scan3A_316 = %scan3A_218 to %scan3A_220 step %scan3A_221 iter_args(%scan3A_317 = %scan3A_217) -> (i32)  : i32 {
          %mul3A_318 = arith.constant 16 : i32
          %mul3A_319 = arith.muli %scan3A_316, %mul3A_318 : i32
          %add3A_320 = vector.broadcast %mul3A_319 : i32 to vector<16xi32>
          %add3A_321 = arith.addi %iota3A, %add3A_320 : vector<16xi32>
          %mul3A_322 = arith.constant 80 : i32
          %mul3A_323 = arith.muli %mul3A_98, %mul3A_322 : i32
          %add3A_324 = vector.broadcast %mul3A_323 : i32 to vector<16xi32>
          %add3A_325 = arith.addi %add3A_321, %add3A_324 : vector<16xi32>
          %mul3A_326 = arith.constant 8 : i32
          %mul3A_327 = vector.broadcast %mul3A_326 : i32 to vector<16xi32>
          %mul3A_328 = arith.muli %add3A_325, %mul3A_327 : vector<16xi32>
          %mul3A_329 = arith.constant 3200 : i32
          %mul3A_330 = arith.muli %select_n3A_211, %mul3A_329 : i32
          %add3A_331 = arith.constant 0 : i32
          %add3A_332 = arith.addi %mul3A_330, %add3A_331 : i32
          %add3A_333 = arith.addi %add3A_332, %sub3A_216 : i32
          %mul3A_334 = arith.constant 16 : i32
          %mul3A_335 = arith.muli %scan3A_316, %mul3A_334 : i32
          %add3A_336 = arith.addi %add3A_333, %mul3A_335 : i32
          %get3A = arith.index_cast %add3A_336 : i32 to index
          %get3A_337 = tpu.vector_load %arg14[%get3A] {strides = array<i32>} : memref<6400xf32, #tpu.memory_space<vmem>>, vector<16xf32>,
          %add3A_338 = arith.constant 0 : i32
          %add3A_339 = vector.broadcast %add3A_338 : i32 to vector<16xi32>
          %add3A_340 = arith.addi %mul3A_328, %add3A_339 : vector<16xi32>
          tpu.vector_store_idx %arg15[%add3A_340], %get3A_337 : memref<6400xf32, #tpu.memory_space<vmem>>[vector<16xi32>], vector<16xf32>,
          %mul3A_341 = arith.constant 3200 : i32
          %mul3A_342 = arith.muli %select_n3A_211, %mul3A_341 : i32
          %add3A_343 = arith.constant 400 : i32
          %add3A_344 = arith.addi %mul3A_342, %add3A_343 : i32
          %add3A_345 = arith.addi %add3A_344, %sub3A_216 : i32
          %mul3A_346 = arith.constant 16 : i32
          %mul3A_347 = arith.muli %scan3A_316, %mul3A_346 : i32
          %add3A_348 = arith.addi %add3A_345, %mul3A_347 : i32
          %get3A_349 = arith.index_cast %add3A_348 : i32 to index
          %get3A_350 = tpu.vector_load %arg14[%get3A_349] {strides = array<i32>} : memref<6400xf32, #tpu.memory_space<vmem>>, vector<16xf32>,
          %add3A_351 = arith.constant 1 : i32
          %add3A_352 = vector.broadcast %add3A_351 : i32 to vector<16xi32>
          %add3A_353 = arith.addi %mul3A_328, %add3A_352 : vector<16xi32>
          tpu.vector_store_idx %arg15[%add3A_353], %get3A_350 : memref<6400xf32, #tpu.memory_space<vmem>>[vector<16xi32>], vector<16xf32>,
          %mul3A_354 = arith.constant 3200 : i32
          %mul3A_355 = arith.muli %select_n3A_211, %mul3A_354 : i32
          %add3A_356 = arith.constant 800 : i32
          %add3A_357 = arith.addi %mul3A_355, %add3A_356 : i32
          %add3A_358 = arith.addi %add3A_357, %sub3A_216 : i32
          %mul3A_359 = arith.constant 16 : i32
          %mul3A_360 = arith.muli %scan3A_316, %mul3A_359 : i32
          %add3A_361 = arith.addi %add3A_358, %mul3A_360 : i32
          %get3A_362 = arith.index_cast %add3A_361 : i32 to index
          %get3A_363 = tpu.vector_load %arg14[%get3A_362] {strides = array<i32>} : memref<6400xf32, #tpu.memory_space<vmem>>, vector<16xf32>,
          %add3A_364 = arith.constant 2 : i32
          %add3A_365 = vector.broadcast %add3A_364 : i32 to vector<16xi32>
          %add3A_366 = arith.addi %mul3A_328, %add3A_365 : vector<16xi32>
          tpu.vector_store_idx %arg15[%add3A_366], %get3A_363 : memref<6400xf32, #tpu.memory_space<vmem>>[vector<16xi32>], vector<16xf32>,
          %mul3A_367 = arith.constant 3200 : i32
          %mul3A_368 = arith.muli %select_n3A_211, %mul3A_367 : i32
          %add3A_369 = arith.constant 1200 : i32
          %add3A_370 = arith.addi %mul3A_368, %add3A_369 : i32
          %add3A_371 = arith.addi %add3A_370, %sub3A_216 : i32
          %mul3A_372 = arith.constant 16 : i32
          %mul3A_373 = arith.muli %scan3A_316, %mul3A_372 : i32
          %add3A_374 = arith.addi %add3A_371, %mul3A_373 : i32
          %get3A_375 = arith.index_cast %add3A_374 : i32 to index
          %get3A_376 = tpu.vector_load %arg14[%get3A_375] {strides = array<i32>} : memref<6400xf32, #tpu.memory_space<vmem>>, vector<16xf32>,
          %add3A_377 = arith.constant 3 : i32
          %add3A_378 = vector.broadcast %add3A_377 : i32 to vector<16xi32>
          %add3A_379 = arith.addi %mul3A_328, %add3A_378 : vector<16xi32>
          tpu.vector_store_idx %arg15[%add3A_379], %get3A_376 : memref<6400xf32, #tpu.memory_space<vmem>>[vector<16xi32>], vector<16xf32>,
          %mul3A_380 = arith.constant 3200 : i32
          %mul3A_381 = arith.muli %select_n3A_211, %mul3A_380 : i32
          %add3A_382 = arith.constant 1600 : i32
          %add3A_383 = arith.addi %mul3A_381, %add3A_382 : i32
          %add3A_384 = arith.addi %add3A_383, %sub3A_216 : i32
          %mul3A_385 = arith.constant 16 : i32
          %mul3A_386 = arith.muli %scan3A_316, %mul3A_385 : i32
          %add3A_387 = arith.addi %add3A_384, %mul3A_386 : i32
          %get3A_388 = arith.index_cast %add3A_387 : i32 to index
          %get3A_389 = tpu.vector_load %arg14[%get3A_388] {strides = array<i32>} : memref<6400xf32, #tpu.memory_space<vmem>>, vector<16xf32>,
          %add3A_390 = arith.constant 4 : i32
          %add3A_391 = vector.broadcast %add3A_390 : i32 to vector<16xi32>
          %add3A_392 = arith.addi %mul3A_328, %add3A_391 : vector<16xi32>
          tpu.vector_store_idx %arg15[%add3A_392], %get3A_389 : memref<6400xf32, #tpu.memory_space<vmem>>[vector<16xi32>], vector<16xf32>,
          %mul3A_393 = arith.constant 3200 : i32
          %mul3A_394 = arith.muli %select_n3A_211, %mul3A_393 : i32
          %add3A_395 = arith.constant 2000 : i32
          %add3A_396 = arith.addi %mul3A_394, %add3A_395 : i32
          %add3A_397 = arith.addi %add3A_396, %sub3A_216 : i32
          %mul3A_398 = arith.constant 16 : i32
          %mul3A_399 = arith.muli %scan3A_316, %mul3A_398 : i32
          %add3A_400 = arith.addi %add3A_397, %mul3A_399 : i32
          %get3A_401 = arith.index_cast %add3A_400 : i32 to index
          %get3A_402 = tpu.vector_load %arg14[%get3A_401] {strides = array<i32>} : memref<6400xf32, #tpu.memory_space<vmem>>, vector<16xf32>,
          %add3A_403 = arith.constant 5 : i32
          %add3A_404 = vector.broadcast %add3A_403 : i32 to vector<16xi32>
          %add3A_405 = arith.addi %mul3A_328, %add3A_404 : vector<16xi32>
          tpu.vector_store_idx %arg15[%add3A_405], %get3A_402 : memref<6400xf32, #tpu.memory_space<vmem>>[vector<16xi32>], vector<16xf32>,
          %mul3A_406 = arith.constant 3200 : i32
          %mul3A_407 = arith.muli %select_n3A_211, %mul3A_406 : i32
          %add3A_408 = arith.constant 2400 : i32
          %add3A_409 = arith.addi %mul3A_407, %add3A_408 : i32
          %add3A_410 = arith.addi %add3A_409, %sub3A_216 : i32
          %mul3A_411 = arith.constant 16 : i32
          %mul3A_412 = arith.muli %scan3A_316, %mul3A_411 : i32
          %add3A_413 = arith.addi %add3A_410, %mul3A_412 : i32
          %get3A_414 = arith.index_cast %add3A_413 : i32 to index
          %get3A_415 = tpu.vector_load %arg14[%get3A_414] {strides = array<i32>} : memref<6400xf32, #tpu.memory_space<vmem>>, vector<16xf32>,
          %add3A_416 = arith.constant 6 : i32
          %add3A_417 = vector.broadcast %add3A_416 : i32 to vector<16xi32>
          %add3A_418 = arith.addi %mul3A_328, %add3A_417 : vector<16xi32>
          tpu.vector_store_idx %arg15[%add3A_418], %get3A_415 : memref<6400xf32, #tpu.memory_space<vmem>>[vector<16xi32>], vector<16xf32>,
          %mul3A_419 = arith.constant 3200 : i32
          %mul3A_420 = arith.muli %select_n3A_211, %mul3A_419 : i32
          %add3A_421 = arith.constant 2800 : i32
          %add3A_422 = arith.addi %mul3A_420, %add3A_421 : i32
          %add3A_423 = arith.addi %add3A_422, %sub3A_216 : i32
          %mul3A_424 = arith.constant 16 : i32
          %mul3A_425 = arith.muli %scan3A_316, %mul3A_424 : i32
          %add3A_426 = arith.addi %add3A_423, %mul3A_425 : i32
          %get3A_427 = arith.index_cast %add3A_426 : i32 to index
          %get3A_428 = tpu.vector_load %arg14[%get3A_427] {strides = array<i32>} : memref<6400xf32, #tpu.memory_space<vmem>>, vector<16xf32>,
          %add3A_429 = arith.constant 7 : i32
          %add3A_430 = vector.broadcast %add3A_429 : i32 to vector<16xi32>
          %add3A_431 = arith.addi %mul3A_328, %add3A_430 : vector<16xi32>
          tpu.vector_store_idx %arg15[%add3A_431], %get3A_428 : memref<6400xf32, #tpu.memory_space<vmem>>[vector<16xi32>], vector<16xf32>,
          %scan3A_432 = arith.constant 0 : i32
          scf.yield %scan3A_432 : i32
        }
        %scan3A_223 = arith.constant 5 : i32
        %broadcast_in_dim3A_224 = arith.constant 1 : i32
        %broadcast_in_dim3A_225 = vector.broadcast %broadcast_in_dim3A_224 : i32 to vector<16xi32>
        %scan3A_226 = arith.constant 0 : i32
        %scan3A_227 = arith.constant 0 : i32
        %scan3A_228 = arith.constant 80 : i32
        %scan3A_229 = arith.addi %scan3A_227, %scan3A_228 : i32
        %scan3A_230 = arith.constant 1 : i32
        %scan3A_231 = scf.for %scan3A_316 = %scan3A_227 to %scan3A_229 step %scan3A_230 iter_args(%scan3A_317 = %scan3A_226) -> (i32)  : i32 {
          %mul3A_318 = vector.broadcast %scan3A_316 : i32 to vector<16xi32>
          %mul3A_319 = arith.muli %broadcast_in_dim3A_225, %mul3A_318 : vector<16xi32>
          %mul3A_320 = arith.constant 3200 : i32
          %mul3A_321 = arith.muli %select_n3A_211, %mul3A_320 : i32
          %add3A_322 = arith.addi %mul3A_321, %sub3A_216 : i32
          %add3A_323 = arith.addi %add3A_322, %scan3A_316 : i32
          %add3A_324 = arith.constant 0 : i32
          %add3A_325 = vector.broadcast %add3A_324 : i32 to vector<16xi32>
          %add3A_326 = arith.addi %iota3A, %add3A_325 : vector<16xi32>
          %add3A_327 = arith.constant 0 : i32
          %add3A_328 = arith.addi %add3A_323, %add3A_327 : i32
          %mul3A_329 = vector.broadcast %add3A_328 : i32 to vector<16xi32>
          %mul3A_330 = arith.muli %broadcast_in_dim3A_225, %mul3A_329 : vector<16xi32>
          %gather3A = tpu.vector_load_idx %arg14[%mul3A_330] : memref<6400xf32, #tpu.memory_space<vmem>>[vector<16xi32>], vector<16xf32>,
          %gather3A_331 = tpu.vector_load_idx %arg9[%mul3A_319, %add3A_326] : memref<80x128xf32, #tpu.memory_space<vmem>>[vector<16xi32>, vector<16xi32>], vector<16xf32>,
          %mul3A_332 = arith.mulf %gather3A_331, %gather3A : vector<16xf32>
          tpu.vector_store_idx %arg11[%mul3A_319, %add3A_326], %mul3A_332 : memref<80x128xf32, #tpu.memory_space<vmem>>[vector<16xi32>, vector<16xi32>], vector<16xf32>,
          %add3A_333 = arith.constant 16 : i32
          %add3A_334 = vector.broadcast %add3A_333 : i32 to vector<16xi32>
          %add3A_335 = arith.addi %iota3A, %add3A_334 : vector<16xi32>
          %add3A_336 = arith.constant 400 : i32
          %add3A_337 = arith.addi %add3A_323, %add3A_336 : i32
          %mul3A_338 = vector.broadcast %add3A_337 : i32 to vector<16xi32>
          %mul3A_339 = arith.muli %broadcast_in_dim3A_225, %mul3A_338 : vector<16xi32>
          %gather3A_340 = tpu.vector_load_idx %arg14[%mul3A_339] : memref<6400xf32, #tpu.memory_space<vmem>>[vector<16xi32>], vector<16xf32>,
          %gather3A_341 = tpu.vector_load_idx %arg9[%mul3A_319, %add3A_335] : memref<80x128xf32, #tpu.memory_space<vmem>>[vector<16xi32>, vector<16xi32>], vector<16xf32>,
          %mul3A_342 = arith.mulf %gather3A_341, %gather3A_340 : vector<16xf32>
          tpu.vector_store_idx %arg11[%mul3A_319, %add3A_335], %mul3A_342 : memref<80x128xf32, #tpu.memory_space<vmem>>[vector<16xi32>, vector<16xi32>], vector<16xf32>,
          %add3A_343 = arith.constant 32 : i32
          %add3A_344 = vector.broadcast %add3A_343 : i32 to vector<16xi32>
          %add3A_345 = arith.addi %iota3A, %add3A_344 : vector<16xi32>
          %add3A_346 = arith.constant 800 : i32
          %add3A_347 = arith.addi %add3A_323, %add3A_346 : i32
          %mul3A_348 = vector.broadcast %add3A_347 : i32 to vector<16xi32>
          %mul3A_349 = arith.muli %broadcast_in_dim3A_225, %mul3A_348 : vector<16xi32>
          %gather3A_350 = tpu.vector_load_idx %arg14[%mul3A_349] : memref<6400xf32, #tpu.memory_space<vmem>>[vector<16xi32>], vector<16xf32>,
          %gather3A_351 = tpu.vector_load_idx %arg9[%mul3A_319, %add3A_345] : memref<80x128xf32, #tpu.memory_space<vmem>>[vector<16xi32>, vector<16xi32>], vector<16xf32>,
          %mul3A_352 = arith.mulf %gather3A_351, %gather3A_350 : vector<16xf32>
          tpu.vector_store_idx %arg11[%mul3A_319, %add3A_345], %mul3A_352 : memref<80x128xf32, #tpu.memory_space<vmem>>[vector<16xi32>, vector<16xi32>], vector<16xf32>,
          %add3A_353 = arith.constant 48 : i32
          %add3A_354 = vector.broadcast %add3A_353 : i32 to vector<16xi32>
          %add3A_355 = arith.addi %iota3A, %add3A_354 : vector<16xi32>
          %add3A_356 = arith.constant 1200 : i32
          %add3A_357 = arith.addi %add3A_323, %add3A_356 : i32
          %mul3A_358 = vector.broadcast %add3A_357 : i32 to vector<16xi32>
          %mul3A_359 = arith.muli %broadcast_in_dim3A_225, %mul3A_358 : vector<16xi32>
          %gather3A_360 = tpu.vector_load_idx %arg14[%mul3A_359] : memref<6400xf32, #tpu.memory_space<vmem>>[vector<16xi32>], vector<16xf32>,
          %gather3A_361 = tpu.vector_load_idx %arg9[%mul3A_319, %add3A_355] : memref<80x128xf32, #tpu.memory_space<vmem>>[vector<16xi32>, vector<16xi32>], vector<16xf32>,
          %mul3A_362 = arith.mulf %gather3A_361, %gather3A_360 : vector<16xf32>
          tpu.vector_store_idx %arg11[%mul3A_319, %add3A_355], %mul3A_362 : memref<80x128xf32, #tpu.memory_space<vmem>>[vector<16xi32>, vector<16xi32>], vector<16xf32>,
          %add3A_363 = arith.constant 64 : i32
          %add3A_364 = vector.broadcast %add3A_363 : i32 to vector<16xi32>
          %add3A_365 = arith.addi %iota3A, %add3A_364 : vector<16xi32>
          %add3A_366 = arith.constant 1600 : i32
          %add3A_367 = arith.addi %add3A_323, %add3A_366 : i32
          %mul3A_368 = vector.broadcast %add3A_367 : i32 to vector<16xi32>
          %mul3A_369 = arith.muli %broadcast_in_dim3A_225, %mul3A_368 : vector<16xi32>
          %gather3A_370 = tpu.vector_load_idx %arg14[%mul3A_369] : memref<6400xf32, #tpu.memory_space<vmem>>[vector<16xi32>], vector<16xf32>,
          %gather3A_371 = tpu.vector_load_idx %arg9[%mul3A_319, %add3A_365] : memref<80x128xf32, #tpu.memory_space<vmem>>[vector<16xi32>, vector<16xi32>], vector<16xf32>,
          %mul3A_372 = arith.mulf %gather3A_371, %gather3A_370 : vector<16xf32>
          tpu.vector_store_idx %arg11[%mul3A_319, %add3A_365], %mul3A_372 : memref<80x128xf32, #tpu.memory_space<vmem>>[vector<16xi32>, vector<16xi32>], vector<16xf32>,
          %add3A_373 = arith.constant 80 : i32
          %add3A_374 = vector.broadcast %add3A_373 : i32 to vector<16xi32>
          %add3A_375 = arith.addi %iota3A, %add3A_374 : vector<16xi32>
          %add3A_376 = arith.constant 2000 : i32
          %add3A_377 = arith.addi %add3A_323, %add3A_376 : i32
          %mul3A_378 = vector.broadcast %add3A_377 : i32 to vector<16xi32>
          %mul3A_379 = arith.muli %broadcast_in_dim3A_225, %mul3A_378 : vector<16xi32>
          %gather3A_380 = tpu.vector_load_idx %arg14[%mul3A_379] : memref<6400xf32, #tpu.memory_space<vmem>>[vector<16xi32>], vector<16xf32>,
          %gather3A_381 = tpu.vector_load_idx %arg9[%mul3A_319, %add3A_375] : memref<80x128xf32, #tpu.memory_space<vmem>>[vector<16xi32>, vector<16xi32>], vector<16xf32>,
          %mul3A_382 = arith.mulf %gather3A_381, %gather3A_380 : vector<16xf32>
          tpu.vector_store_idx %arg11[%mul3A_319, %add3A_375], %mul3A_382 : memref<80x128xf32, #tpu.memory_space<vmem>>[vector<16xi32>, vector<16xi32>], vector<16xf32>,
          %add3A_383 = arith.constant 96 : i32
          %add3A_384 = vector.broadcast %add3A_383 : i32 to vector<16xi32>
          %add3A_385 = arith.addi %iota3A, %add3A_384 : vector<16xi32>
          %add3A_386 = arith.constant 2400 : i32
          %add3A_387 = arith.addi %add3A_323, %add3A_386 : i32
          %mul3A_388 = vector.broadcast %add3A_387 : i32 to vector<16xi32>
          %mul3A_389 = arith.muli %broadcast_in_dim3A_225, %mul3A_388 : vector<16xi32>
          %gather3A_390 = tpu.vector_load_idx %arg14[%mul3A_389] : memref<6400xf32, #tpu.memory_space<vmem>>[vector<16xi32>], vector<16xf32>,
          %gather3A_391 = tpu.vector_load_idx %arg9[%mul3A_319, %add3A_385] : memref<80x128xf32, #tpu.memory_space<vmem>>[vector<16xi32>, vector<16xi32>], vector<16xf32>,
          %mul3A_392 = arith.mulf %gather3A_391, %gather3A_390 : vector<16xf32>
          tpu.vector_store_idx %arg11[%mul3A_319, %add3A_385], %mul3A_392 : memref<80x128xf32, #tpu.memory_space<vmem>>[vector<16xi32>, vector<16xi32>], vector<16xf32>,
          %add3A_393 = arith.constant 112 : i32
          %add3A_394 = vector.broadcast %add3A_393 : i32 to vector<16xi32>
          %add3A_395 = arith.addi %iota3A, %add3A_394 : vector<16xi32>
          %add3A_396 = arith.constant 2800 : i32
          %add3A_397 = arith.addi %add3A_323, %add3A_396 : i32
          %mul3A_398 = vector.broadcast %add3A_397 : i32 to vector<16xi32>
          %mul3A_399 = arith.muli %broadcast_in_dim3A_225, %mul3A_398 : vector<16xi32>
          %gather3A_400 = tpu.vector_load_idx %arg14[%mul3A_399] : memref<6400xf32, #tpu.memory_space<vmem>>[vector<16xi32>], vector<16xf32>,
          %gather3A_401 = tpu.vector_load_idx %arg9[%mul3A_319, %add3A_395] : memref<80x128xf32, #tpu.memory_space<vmem>>[vector<16xi32>, vector<16xi32>], vector<16xf32>,
          %mul3A_402 = arith.mulf %gather3A_401, %gather3A_400 : vector<16xf32>
          tpu.vector_store_idx %arg11[%mul3A_319, %add3A_395], %mul3A_402 : memref<80x128xf32, #tpu.memory_space<vmem>>[vector<16xi32>, vector<16xi32>], vector<16xf32>,
          %scan3A_403 = arith.constant 0 : i32
          scf.yield %scan3A_403 : i32
        }
        %scan3A_232 = arith.constant 80 : i32
        %dma_start3A_233 = arith.constant 1 : i32
        %dma_start3A_234 = arith.constant 0 : i32
        %dma_start3A_235 = tpu.memref_slice %arg16[%dma_start3A_233, %dma_start3A_234] : memref<4x80xi32, #tpu.memory_space<vmem>> -> memref<1x80xi32, #tpu.memory_space<vmem>>
        %dma_start3A_236 = tpu.memref_squeeze %dma_start3A_235 : memref<1x80xi32, #tpu.memory_space<vmem>> -> memref<80xi32, #tpu.memory_space<vmem>>
        %dma_start3A_237 = arith.constant 0 : i32
        %dma_start3A_238 = arith.constant 0 : i32
        %dma_start3A_239 = tpu.memref_slice %arg17[%dma_start3A_237, %dma_start3A_238] : memref<5128x128xf32, #tpu.memory_space<vmem_shared>> -> memref<5128x128xf32, #tpu.memory_space<vmem_shared>>
        %dma_start3A_240 = arith.constant 5120 : i32
        tpu.enqueue_indirect_dma source(%arg11 : memref<80x128xf32, #tpu.memory_space<vmem>>) target(%dma_start3A_239 : memref<5128x128xf32, #tpu.memory_space<vmem_shared>>) offsets(%dma_start3A_236 : memref<80xi32, #tpu.memory_space<vmem>>) offset_filter(%dma_start3A_240) semaphore(%arg20 : memref<!tpu.dma_semaphore, #tpu.memory_space<semaphore_mem>>) {add = true}
        %dma_wait3A_241 = arith.constant 2 : i32
        %dma_wait3A_242 = arith.constant 0 : i32
        %dma_wait3A_243 = tpu.memref_slice %arg16[%dma_wait3A_241, %dma_wait3A_242] : memref<4x80xi32, #tpu.memory_space<vmem>> -> memref<1x80xi32, #tpu.memory_space<vmem>>
        %dma_wait3A_244 = tpu.memref_squeeze %dma_wait3A_243 : memref<1x80xi32, #tpu.memory_space<vmem>> -> memref<80xi32, #tpu.memory_space<vmem>>
        %dma_wait3A_245 = arith.constant 0 : i32
        %dma_wait3A_246 = arith.constant 0 : i32
        %dma_wait3A_247 = tpu.memref_slice %arg2[%dma_wait3A_245, %dma_wait3A_246] : memref<20000x128xf32, #tpu.memory_space<hbm>> -> memref<20000x128xf32, #tpu.memory_space<hbm>>
        tpu.wait_indirect_dma semaphore(%arg19 : memref<!tpu.dma_semaphore, #tpu.memory_space<semaphore_mem>>) src(%dma_wait3A_247 : memref<20000x128xf32, #tpu.memory_space<hbm>>) dst(%arg10 : memref<80x128xf32, #tpu.memory_space<vmem>>)
        %jit3A_248 = arith.constant 5 : i32
        %div3A_249 = arith.divsi %add3A_102, %jit3A_248 : i32
        %sign3A_250 = arith.constant 0 : i32
        %sign3A_251 = arith.cmpi sgt, %add3A_102, %sign3A_250 : i32
        %sign3A_252 = arith.extui %sign3A_251 : i1 to i32
        %sign3A_253 = arith.constant 0 : i32
        %sign3A_254 = arith.cmpi slt, %add3A_102, %sign3A_253 : i32
        %sign3A_255 = arith.extui %sign3A_254 : i1 to i32
        %sign3A_256 = arith.subi %sign3A_252, %sign3A_255 : i32
        %sign3A_257 = arith.constant 0 : i32
        %sign3A_258 = arith.cmpi sgt, %jit3A_248, %sign3A_257 : i32
        %sign3A_259 = arith.extui %sign3A_258 : i1 to i32
        %sign3A_260 = arith.constant 0 : i32
        %sign3A_261 = arith.cmpi slt, %jit3A_248, %sign3A_260 : i32
        %sign3A_262 = arith.extui %sign3A_261 : i1 to i32
        %sign3A_263 = arith.subi %sign3A_259, %sign3A_262 : i32
        %ne3A_264 = arith.cmpi ne, %sign3A_256, %sign3A_263 : i32
        %rem3A_265 = arith.remsi %add3A_102, %jit3A_248 : i32
        %ne3A_266 = arith.constant 0 : i32
        %ne3A_267 = arith.cmpi ne, %rem3A_265, %ne3A_266 : i32
        %and3A_268 = arith.andi %ne3A_264, %ne3A_267 : i1
        %sub3A_269 = arith.constant 1 : i32
        %sub3A_270 = arith.subi %div3A_249, %sub3A_269 : i32
        %select_n3A_271 = arith.select %and3A_268, %sub3A_270, %div3A_249 : i32
        %mul3A_272 = arith.constant 80 : i32
        %mul3A_273 = arith.muli %add3A_102, %mul3A_272 : i32
        %mul3A_274 = arith.constant 400 : i32
        %mul3A_275 = arith.muli %select_n3A_271, %mul3A_274 : i32
        %sub3A_276 = arith.subi %mul3A_273, %mul3A_275 : i32
        %scan3A_277 = arith.constant 0 : i32
        %scan3A_278 = arith.constant 0 : i32
        %scan3A_279 = arith.constant 5 : i32
        %scan3A_280 = arith.addi %scan3A_278, %scan3A_279 : i32
        %scan3A_281 = arith.constant 1 : i32
        %scan3A_282 = scf.for %scan3A_316 = %scan3A_278 to %scan3A_280 step %scan3A_281 iter_args(%scan3A_317 = %scan3A_277) -> (i32)  : i32 {
          %mul3A_318 = arith.constant 16 : i32
          %mul3A_319 = arith.muli %scan3A_316, %mul3A_318 : i32
          %add3A_320 = vector.broadcast %mul3A_319 : i32 to vector<16xi32>
          %add3A_321 = arith.addi %iota3A, %add3A_320 : vector<16xi32>
          %mul3A_322 = arith.constant 80 : i32
          %mul3A_323 = arith.muli %add3A_102, %mul3A_322 : i32
          %add3A_324 = vector.broadcast %mul3A_323 : i32 to vector<16xi32>
          %add3A_325 = arith.addi %add3A_321, %add3A_324 : vector<16xi32>
          %mul3A_326 = arith.constant 8 : i32
          %mul3A_327 = vector.broadcast %mul3A_326 : i32 to vector<16xi32>
          %mul3A_328 = arith.muli %add3A_325, %mul3A_327 : vector<16xi32>
          %mul3A_329 = arith.constant 3200 : i32
          %mul3A_330 = arith.muli %select_n3A_271, %mul3A_329 : i32
          %add3A_331 = arith.constant 0 : i32
          %add3A_332 = arith.addi %mul3A_330, %add3A_331 : i32
          %add3A_333 = arith.addi %add3A_332, %sub3A_276 : i32
          %mul3A_334 = arith.constant 16 : i32
          %mul3A_335 = arith.muli %scan3A_316, %mul3A_334 : i32
          %add3A_336 = arith.addi %add3A_333, %mul3A_335 : i32
          %get3A = arith.index_cast %add3A_336 : i32 to index
          %get3A_337 = tpu.vector_load %arg14[%get3A] {strides = array<i32>} : memref<6400xf32, #tpu.memory_space<vmem>>, vector<16xf32>,
          %add3A_338 = arith.constant 0 : i32
          %add3A_339 = vector.broadcast %add3A_338 : i32 to vector<16xi32>
          %add3A_340 = arith.addi %mul3A_328, %add3A_339 : vector<16xi32>
          tpu.vector_store_idx %arg15[%add3A_340], %get3A_337 : memref<6400xf32, #tpu.memory_space<vmem>>[vector<16xi32>], vector<16xf32>,
          %mul3A_341 = arith.constant 3200 : i32
          %mul3A_342 = arith.muli %select_n3A_271, %mul3A_341 : i32
          %add3A_343 = arith.constant 400 : i32
          %add3A_344 = arith.addi %mul3A_342, %add3A_343 : i32
          %add3A_345 = arith.addi %add3A_344, %sub3A_276 : i32
          %mul3A_346 = arith.constant 16 : i32
          %mul3A_347 = arith.muli %scan3A_316, %mul3A_346 : i32
          %add3A_348 = arith.addi %add3A_345, %mul3A_347 : i32
          %get3A_349 = arith.index_cast %add3A_348 : i32 to index
          %get3A_350 = tpu.vector_load %arg14[%get3A_349] {strides = array<i32>} : memref<6400xf32, #tpu.memory_space<vmem>>, vector<16xf32>,
          %add3A_351 = arith.constant 1 : i32
          %add3A_352 = vector.broadcast %add3A_351 : i32 to vector<16xi32>
          %add3A_353 = arith.addi %mul3A_328, %add3A_352 : vector<16xi32>
          tpu.vector_store_idx %arg15[%add3A_353], %get3A_350 : memref<6400xf32, #tpu.memory_space<vmem>>[vector<16xi32>], vector<16xf32>,
          %mul3A_354 = arith.constant 3200 : i32
          %mul3A_355 = arith.muli %select_n3A_271, %mul3A_354 : i32
          %add3A_356 = arith.constant 800 : i32
          %add3A_357 = arith.addi %mul3A_355, %add3A_356 : i32
          %add3A_358 = arith.addi %add3A_357, %sub3A_276 : i32
          %mul3A_359 = arith.constant 16 : i32
          %mul3A_360 = arith.muli %scan3A_316, %mul3A_359 : i32
          %add3A_361 = arith.addi %add3A_358, %mul3A_360 : i32
          %get3A_362 = arith.index_cast %add3A_361 : i32 to index
          %get3A_363 = tpu.vector_load %arg14[%get3A_362] {strides = array<i32>} : memref<6400xf32, #tpu.memory_space<vmem>>, vector<16xf32>,
          %add3A_364 = arith.constant 2 : i32
          %add3A_365 = vector.broadcast %add3A_364 : i32 to vector<16xi32>
          %add3A_366 = arith.addi %mul3A_328, %add3A_365 : vector<16xi32>
          tpu.vector_store_idx %arg15[%add3A_366], %get3A_363 : memref<6400xf32, #tpu.memory_space<vmem>>[vector<16xi32>], vector<16xf32>,
          %mul3A_367 = arith.constant 3200 : i32
          %mul3A_368 = arith.muli %select_n3A_271, %mul3A_367 : i32
          %add3A_369 = arith.constant 1200 : i32
          %add3A_370 = arith.addi %mul3A_368, %add3A_369 : i32
          %add3A_371 = arith.addi %add3A_370, %sub3A_276 : i32
          %mul3A_372 = arith.constant 16 : i32
          %mul3A_373 = arith.muli %scan3A_316, %mul3A_372 : i32
          %add3A_374 = arith.addi %add3A_371, %mul3A_373 : i32
          %get3A_375 = arith.index_cast %add3A_374 : i32 to index
          %get3A_376 = tpu.vector_load %arg14[%get3A_375] {strides = array<i32>} : memref<6400xf32, #tpu.memory_space<vmem>>, vector<16xf32>,
          %add3A_377 = arith.constant 3 : i32
          %add3A_378 = vector.broadcast %add3A_377 : i32 to vector<16xi32>
          %add3A_379 = arith.addi %mul3A_328, %add3A_378 : vector<16xi32>
          tpu.vector_store_idx %arg15[%add3A_379], %get3A_376 : memref<6400xf32, #tpu.memory_space<vmem>>[vector<16xi32>], vector<16xf32>,
          %mul3A_380 = arith.constant 3200 : i32
          %mul3A_381 = arith.muli %select_n3A_271, %mul3A_380 : i32
          %add3A_382 = arith.constant 1600 : i32
          %add3A_383 = arith.addi %mul3A_381, %add3A_382 : i32
          %add3A_384 = arith.addi %add3A_383, %sub3A_276 : i32
          %mul3A_385 = arith.constant 16 : i32
          %mul3A_386 = arith.muli %scan3A_316, %mul3A_385 : i32
          %add3A_387 = arith.addi %add3A_384, %mul3A_386 : i32
          %get3A_388 = arith.index_cast %add3A_387 : i32 to index
          %get3A_389 = tpu.vector_load %arg14[%get3A_388] {strides = array<i32>} : memref<6400xf32, #tpu.memory_space<vmem>>, vector<16xf32>,
          %add3A_390 = arith.constant 4 : i32
          %add3A_391 = vector.broadcast %add3A_390 : i32 to vector<16xi32>
          %add3A_392 = arith.addi %mul3A_328, %add3A_391 : vector<16xi32>
          tpu.vector_store_idx %arg15[%add3A_392], %get3A_389 : memref<6400xf32, #tpu.memory_space<vmem>>[vector<16xi32>], vector<16xf32>,
          %mul3A_393 = arith.constant 3200 : i32
          %mul3A_394 = arith.muli %select_n3A_271, %mul3A_393 : i32
          %add3A_395 = arith.constant 2000 : i32
          %add3A_396 = arith.addi %mul3A_394, %add3A_395 : i32
          %add3A_397 = arith.addi %add3A_396, %sub3A_276 : i32
          %mul3A_398 = arith.constant 16 : i32
          %mul3A_399 = arith.muli %scan3A_316, %mul3A_398 : i32
          %add3A_400 = arith.addi %add3A_397, %mul3A_399 : i32
          %get3A_401 = arith.index_cast %add3A_400 : i32 to index
          %get3A_402 = tpu.vector_load %arg14[%get3A_401] {strides = array<i32>} : memref<6400xf32, #tpu.memory_space<vmem>>, vector<16xf32>,
          %add3A_403 = arith.constant 5 : i32
          %add3A_404 = vector.broadcast %add3A_403 : i32 to vector<16xi32>
          %add3A_405 = arith.addi %mul3A_328, %add3A_404 : vector<16xi32>
          tpu.vector_store_idx %arg15[%add3A_405], %get3A_402 : memref<6400xf32, #tpu.memory_space<vmem>>[vector<16xi32>], vector<16xf32>,
          %mul3A_406 = arith.constant 3200 : i32
          %mul3A_407 = arith.muli %select_n3A_271, %mul3A_406 : i32
          %add3A_408 = arith.constant 2400 : i32
          %add3A_409 = arith.addi %mul3A_407, %add3A_408 : i32
          %add3A_410 = arith.addi %add3A_409, %sub3A_276 : i32
          %mul3A_411 = arith.constant 16 : i32
          %mul3A_412 = arith.muli %scan3A_316, %mul3A_411 : i32
          %add3A_413 = arith.addi %add3A_410, %mul3A_412 : i32
          %get3A_414 = arith.index_cast %add3A_413 : i32 to index
          %get3A_415 = tpu.vector_load %arg14[%get3A_414] {strides = array<i32>} : memref<6400xf32, #tpu.memory_space<vmem>>, vector<16xf32>,
          %add3A_416 = arith.constant 6 : i32
          %add3A_417 = vector.broadcast %add3A_416 : i32 to vector<16xi32>
          %add3A_418 = arith.addi %mul3A_328, %add3A_417 : vector<16xi32>
          tpu.vector_store_idx %arg15[%add3A_418], %get3A_415 : memref<6400xf32, #tpu.memory_space<vmem>>[vector<16xi32>], vector<16xf32>,
          %mul3A_419 = arith.constant 3200 : i32
          %mul3A_420 = arith.muli %select_n3A_271, %mul3A_419 : i32
          %add3A_421 = arith.constant 2800 : i32
          %add3A_422 = arith.addi %mul3A_420, %add3A_421 : i32
          %add3A_423 = arith.addi %add3A_422, %sub3A_276 : i32
          %mul3A_424 = arith.constant 16 : i32
          %mul3A_425 = arith.muli %scan3A_316, %mul3A_424 : i32
          %add3A_426 = arith.addi %add3A_423, %mul3A_425 : i32
          %get3A_427 = arith.index_cast %add3A_426 : i32 to index
          %get3A_428 = tpu.vector_load %arg14[%get3A_427] {strides = array<i32>} : memref<6400xf32, #tpu.memory_space<vmem>>, vector<16xf32>,
          %add3A_429 = arith.constant 7 : i32
          %add3A_430 = vector.broadcast %add3A_429 : i32 to vector<16xi32>
          %add3A_431 = arith.addi %mul3A_328, %add3A_430 : vector<16xi32>
          tpu.vector_store_idx %arg15[%add3A_431], %get3A_428 : memref<6400xf32, #tpu.memory_space<vmem>>[vector<16xi32>], vector<16xf32>,
          %scan3A_432 = arith.constant 0 : i32
          scf.yield %scan3A_432 : i32
        }
        %scan3A_283 = arith.constant 5 : i32
        %broadcast_in_dim3A_284 = arith.constant 1 : i32
        %broadcast_in_dim3A_285 = vector.broadcast %broadcast_in_dim3A_284 : i32 to vector<16xi32>
        %scan3A_286 = arith.constant 0 : i32
        %scan3A_287 = arith.constant 0 : i32
        %scan3A_288 = arith.constant 80 : i32
        %scan3A_289 = arith.addi %scan3A_287, %scan3A_288 : i32
        %scan3A_290 = arith.constant 1 : i32
        %scan3A_291 = scf.for %scan3A_316 = %scan3A_287 to %scan3A_289 step %scan3A_290 iter_args(%scan3A_317 = %scan3A_286) -> (i32)  : i32 {
          %mul3A_318 = vector.broadcast %scan3A_316 : i32 to vector<16xi32>
          %mul3A_319 = arith.muli %broadcast_in_dim3A_285, %mul3A_318 : vector<16xi32>
          %mul3A_320 = arith.constant 3200 : i32
          %mul3A_321 = arith.muli %select_n3A_271, %mul3A_320 : i32
          %add3A_322 = arith.addi %mul3A_321, %sub3A_276 : i32
          %add3A_323 = arith.addi %add3A_322, %scan3A_316 : i32
          %add3A_324 = arith.constant 0 : i32
          %add3A_325 = vector.broadcast %add3A_324 : i32 to vector<16xi32>
          %add3A_326 = arith.addi %iota3A, %add3A_325 : vector<16xi32>
          %add3A_327 = arith.constant 0 : i32
          %add3A_328 = arith.addi %add3A_323, %add3A_327 : i32
          %mul3A_329 = vector.broadcast %add3A_328 : i32 to vector<16xi32>
          %mul3A_330 = arith.muli %broadcast_in_dim3A_285, %mul3A_329 : vector<16xi32>
          %gather3A = tpu.vector_load_idx %arg14[%mul3A_330] : memref<6400xf32, #tpu.memory_space<vmem>>[vector<16xi32>], vector<16xf32>,
          %gather3A_331 = tpu.vector_load_idx %arg10[%mul3A_319, %add3A_326] : memref<80x128xf32, #tpu.memory_space<vmem>>[vector<16xi32>, vector<16xi32>], vector<16xf32>,
          %mul3A_332 = arith.mulf %gather3A_331, %gather3A : vector<16xf32>
          tpu.vector_store_idx %arg12[%mul3A_319, %add3A_326], %mul3A_332 : memref<80x128xf32, #tpu.memory_space<vmem>>[vector<16xi32>, vector<16xi32>], vector<16xf32>,
          %add3A_333 = arith.constant 16 : i32
          %add3A_334 = vector.broadcast %add3A_333 : i32 to vector<16xi32>
          %add3A_335 = arith.addi %iota3A, %add3A_334 : vector<16xi32>
          %add3A_336 = arith.constant 400 : i32
          %add3A_337 = arith.addi %add3A_323, %add3A_336 : i32
          %mul3A_338 = vector.broadcast %add3A_337 : i32 to vector<16xi32>
          %mul3A_339 = arith.muli %broadcast_in_dim3A_285, %mul3A_338 : vector<16xi32>
          %gather3A_340 = tpu.vector_load_idx %arg14[%mul3A_339] : memref<6400xf32, #tpu.memory_space<vmem>>[vector<16xi32>], vector<16xf32>,
          %gather3A_341 = tpu.vector_load_idx %arg10[%mul3A_319, %add3A_335] : memref<80x128xf32, #tpu.memory_space<vmem>>[vector<16xi32>, vector<16xi32>], vector<16xf32>,
          %mul3A_342 = arith.mulf %gather3A_341, %gather3A_340 : vector<16xf32>
          tpu.vector_store_idx %arg12[%mul3A_319, %add3A_335], %mul3A_342 : memref<80x128xf32, #tpu.memory_space<vmem>>[vector<16xi32>, vector<16xi32>], vector<16xf32>,
          %add3A_343 = arith.constant 32 : i32
          %add3A_344 = vector.broadcast %add3A_343 : i32 to vector<16xi32>
          %add3A_345 = arith.addi %iota3A, %add3A_344 : vector<16xi32>
          %add3A_346 = arith.constant 800 : i32
          %add3A_347 = arith.addi %add3A_323, %add3A_346 : i32
          %mul3A_348 = vector.broadcast %add3A_347 : i32 to vector<16xi32>
          %mul3A_349 = arith.muli %broadcast_in_dim3A_285, %mul3A_348 : vector<16xi32>
          %gather3A_350 = tpu.vector_load_idx %arg14[%mul3A_349] : memref<6400xf32, #tpu.memory_space<vmem>>[vector<16xi32>], vector<16xf32>,
          %gather3A_351 = tpu.vector_load_idx %arg10[%mul3A_319, %add3A_345] : memref<80x128xf32, #tpu.memory_space<vmem>>[vector<16xi32>, vector<16xi32>], vector<16xf32>,
          %mul3A_352 = arith.mulf %gather3A_351, %gather3A_350 : vector<16xf32>
          tpu.vector_store_idx %arg12[%mul3A_319, %add3A_345], %mul3A_352 : memref<80x128xf32, #tpu.memory_space<vmem>>[vector<16xi32>, vector<16xi32>], vector<16xf32>,
          %add3A_353 = arith.constant 48 : i32
          %add3A_354 = vector.broadcast %add3A_353 : i32 to vector<16xi32>
          %add3A_355 = arith.addi %iota3A, %add3A_354 : vector<16xi32>
          %add3A_356 = arith.constant 1200 : i32
          %add3A_357 = arith.addi %add3A_323, %add3A_356 : i32
          %mul3A_358 = vector.broadcast %add3A_357 : i32 to vector<16xi32>
          %mul3A_359 = arith.muli %broadcast_in_dim3A_285, %mul3A_358 : vector<16xi32>
          %gather3A_360 = tpu.vector_load_idx %arg14[%mul3A_359] : memref<6400xf32, #tpu.memory_space<vmem>>[vector<16xi32>], vector<16xf32>,
          %gather3A_361 = tpu.vector_load_idx %arg10[%mul3A_319, %add3A_355] : memref<80x128xf32, #tpu.memory_space<vmem>>[vector<16xi32>, vector<16xi32>], vector<16xf32>,
          %mul3A_362 = arith.mulf %gather3A_361, %gather3A_360 : vector<16xf32>
          tpu.vector_store_idx %arg12[%mul3A_319, %add3A_355], %mul3A_362 : memref<80x128xf32, #tpu.memory_space<vmem>>[vector<16xi32>, vector<16xi32>], vector<16xf32>,
          %add3A_363 = arith.constant 64 : i32
          %add3A_364 = vector.broadcast %add3A_363 : i32 to vector<16xi32>
          %add3A_365 = arith.addi %iota3A, %add3A_364 : vector<16xi32>
          %add3A_366 = arith.constant 1600 : i32
          %add3A_367 = arith.addi %add3A_323, %add3A_366 : i32
          %mul3A_368 = vector.broadcast %add3A_367 : i32 to vector<16xi32>
          %mul3A_369 = arith.muli %broadcast_in_dim3A_285, %mul3A_368 : vector<16xi32>
          %gather3A_370 = tpu.vector_load_idx %arg14[%mul3A_369] : memref<6400xf32, #tpu.memory_space<vmem>>[vector<16xi32>], vector<16xf32>,
          %gather3A_371 = tpu.vector_load_idx %arg10[%mul3A_319, %add3A_365] : memref<80x128xf32, #tpu.memory_space<vmem>>[vector<16xi32>, vector<16xi32>], vector<16xf32>,
          %mul3A_372 = arith.mulf %gather3A_371, %gather3A_370 : vector<16xf32>
          tpu.vector_store_idx %arg12[%mul3A_319, %add3A_365], %mul3A_372 : memref<80x128xf32, #tpu.memory_space<vmem>>[vector<16xi32>, vector<16xi32>], vector<16xf32>,
          %add3A_373 = arith.constant 80 : i32
          %add3A_374 = vector.broadcast %add3A_373 : i32 to vector<16xi32>
          %add3A_375 = arith.addi %iota3A, %add3A_374 : vector<16xi32>
          %add3A_376 = arith.constant 2000 : i32
          %add3A_377 = arith.addi %add3A_323, %add3A_376 : i32
          %mul3A_378 = vector.broadcast %add3A_377 : i32 to vector<16xi32>
          %mul3A_379 = arith.muli %broadcast_in_dim3A_285, %mul3A_378 : vector<16xi32>
          %gather3A_380 = tpu.vector_load_idx %arg14[%mul3A_379] : memref<6400xf32, #tpu.memory_space<vmem>>[vector<16xi32>], vector<16xf32>,
          %gather3A_381 = tpu.vector_load_idx %arg10[%mul3A_319, %add3A_375] : memref<80x128xf32, #tpu.memory_space<vmem>>[vector<16xi32>, vector<16xi32>], vector<16xf32>,
          %mul3A_382 = arith.mulf %gather3A_381, %gather3A_380 : vector<16xf32>
          tpu.vector_store_idx %arg12[%mul3A_319, %add3A_375], %mul3A_382 : memref<80x128xf32, #tpu.memory_space<vmem>>[vector<16xi32>, vector<16xi32>], vector<16xf32>,
          %add3A_383 = arith.constant 96 : i32
          %add3A_384 = vector.broadcast %add3A_383 : i32 to vector<16xi32>
          %add3A_385 = arith.addi %iota3A, %add3A_384 : vector<16xi32>
          %add3A_386 = arith.constant 2400 : i32
          %add3A_387 = arith.addi %add3A_323, %add3A_386 : i32
          %mul3A_388 = vector.broadcast %add3A_387 : i32 to vector<16xi32>
          %mul3A_389 = arith.muli %broadcast_in_dim3A_285, %mul3A_388 : vector<16xi32>
          %gather3A_390 = tpu.vector_load_idx %arg14[%mul3A_389] : memref<6400xf32, #tpu.memory_space<vmem>>[vector<16xi32>], vector<16xf32>,
          %gather3A_391 = tpu.vector_load_idx %arg10[%mul3A_319, %add3A_385] : memref<80x128xf32, #tpu.memory_space<vmem>>[vector<16xi32>, vector<16xi32>], vector<16xf32>,
          %mul3A_392 = arith.mulf %gather3A_391, %gather3A_390 : vector<16xf32>
          tpu.vector_store_idx %arg12[%mul3A_319, %add3A_385], %mul3A_392 : memref<80x128xf32, #tpu.memory_space<vmem>>[vector<16xi32>, vector<16xi32>], vector<16xf32>,
          %add3A_393 = arith.constant 112 : i32
          %add3A_394 = vector.broadcast %add3A_393 : i32 to vector<16xi32>
          %add3A_395 = arith.addi %iota3A, %add3A_394 : vector<16xi32>
          %add3A_396 = arith.constant 2800 : i32
          %add3A_397 = arith.addi %add3A_323, %add3A_396 : i32
          %mul3A_398 = vector.broadcast %add3A_397 : i32 to vector<16xi32>
          %mul3A_399 = arith.muli %broadcast_in_dim3A_285, %mul3A_398 : vector<16xi32>
          %gather3A_400 = tpu.vector_load_idx %arg14[%mul3A_399] : memref<6400xf32, #tpu.memory_space<vmem>>[vector<16xi32>], vector<16xf32>,
          %gather3A_401 = tpu.vector_load_idx %arg10[%mul3A_319, %add3A_395] : memref<80x128xf32, #tpu.memory_space<vmem>>[vector<16xi32>, vector<16xi32>], vector<16xf32>,
          %mul3A_402 = arith.mulf %gather3A_401, %gather3A_400 : vector<16xf32>
          tpu.vector_store_idx %arg12[%mul3A_319, %add3A_395], %mul3A_402 : memref<80x128xf32, #tpu.memory_space<vmem>>[vector<16xi32>, vector<16xi32>], vector<16xf32>,
          %scan3A_403 = arith.constant 0 : i32
          scf.yield %scan3A_403 : i32
        }
        %scan3A_292 = arith.constant 80 : i32
        %dma_start3A_293 = arith.constant 3 : i32
        %dma_start3A_294 = arith.constant 0 : i32
        %dma_start3A_295 = tpu.memref_slice %arg16[%dma_start3A_293, %dma_start3A_294] : memref<4x80xi32, #tpu.memory_space<vmem>> -> memref<1x80xi32, #tpu.memory_space<vmem>>
        %dma_start3A_296 = tpu.memref_squeeze %dma_start3A_295 : memref<1x80xi32, #tpu.memory_space<vmem>> -> memref<80xi32, #tpu.memory_space<vmem>>
        %dma_start3A_297 = arith.constant 0 : i32
        %dma_start3A_298 = arith.constant 0 : i32
        %dma_start3A_299 = tpu.memref_slice %arg17[%dma_start3A_297, %dma_start3A_298] : memref<5128x128xf32, #tpu.memory_space<vmem_shared>> -> memref<5128x128xf32, #tpu.memory_space<vmem_shared>>
        %dma_start3A_300 = arith.constant 5120 : i32
        tpu.enqueue_indirect_dma source(%arg12 : memref<80x128xf32, #tpu.memory_space<vmem>>) target(%dma_start3A_299 : memref<5128x128xf32, #tpu.memory_space<vmem_shared>>) offsets(%dma_start3A_296 : memref<80xi32, #tpu.memory_space<vmem>>) offset_filter(%dma_start3A_300) semaphore(%arg21 : memref<!tpu.dma_semaphore, #tpu.memory_space<semaphore_mem>>) {add = true}
        %dma_wait3A_301 = arith.constant 1 : i32
        %dma_wait3A_302 = arith.constant 0 : i32
        %dma_wait3A_303 = tpu.memref_slice %arg16[%dma_wait3A_301, %dma_wait3A_302] : memref<4x80xi32, #tpu.memory_space<vmem>> -> memref<1x80xi32, #tpu.memory_space<vmem>>
        %dma_wait3A_304 = tpu.memref_squeeze %dma_wait3A_303 : memref<1x80xi32, #tpu.memory_space<vmem>> -> memref<80xi32, #tpu.memory_space<vmem>>
        %dma_wait3A_305 = arith.constant 0 : i32
        %dma_wait3A_306 = arith.constant 0 : i32
        %dma_wait3A_307 = tpu.memref_slice %arg17[%dma_wait3A_305, %dma_wait3A_306] : memref<5128x128xf32, #tpu.memory_space<vmem_shared>> -> memref<5128x128xf32, #tpu.memory_space<vmem_shared>>
        tpu.wait_indirect_dma semaphore(%arg20 : memref<!tpu.dma_semaphore, #tpu.memory_space<semaphore_mem>>) src(%arg11 : memref<80x128xf32, #tpu.memory_space<vmem>>) dst(%dma_wait3A_307 : memref<5128x128xf32, #tpu.memory_space<vmem_shared>>)
        %dma_wait3A_308 = arith.constant 3 : i32
        %dma_wait3A_309 = arith.constant 0 : i32
        %dma_wait3A_310 = tpu.memref_slice %arg16[%dma_wait3A_308, %dma_wait3A_309] : memref<4x80xi32, #tpu.memory_space<vmem>> -> memref<1x80xi32, #tpu.memory_space<vmem>>
        %dma_wait3A_311 = tpu.memref_squeeze %dma_wait3A_310 : memref<1x80xi32, #tpu.memory_space<vmem>> -> memref<80xi32, #tpu.memory_space<vmem>>
        %dma_wait3A_312 = arith.constant 0 : i32
        %dma_wait3A_313 = arith.constant 0 : i32
        %dma_wait3A_314 = tpu.memref_slice %arg17[%dma_wait3A_312, %dma_wait3A_313] : memref<5128x128xf32, #tpu.memory_space<vmem_shared>> -> memref<5128x128xf32, #tpu.memory_space<vmem_shared>>
        tpu.wait_indirect_dma semaphore(%arg21 : memref<!tpu.dma_semaphore, #tpu.memory_space<semaphore_mem>>) src(%arg12 : memref<80x128xf32, #tpu.memory_space<vmem>>) dst(%dma_wait3A_314 : memref<5128x128xf32, #tpu.memory_space<vmem_shared>>)
        %scan3A_315 = arith.constant 0 : i32
        scf.yield %scan3A_315 : i32
      }
      %scan3A_83 = arith.constant 5 : i32
      %mul3A_84 = arith.constant 320000 : i32
      %mul3A_85 = arith.muli %arg0, %mul3A_84 : i32
      %mul3A_86 = arith.constant 20000 : i32
      %mul3A_87 = arith.muli %arg1, %mul3A_86 : i32
      %add3A_88 = arith.addi %mul3A_85, %mul3A_87 : i32
      %mul3A_89 = arith.constant 800 : i32
      %mul3A_90 = arith.muli %scan3A_54, %mul3A_89 : i32
      %add3A_91 = arith.addi %add3A_88, %mul3A_90 : i32
      %mul3A_92 = arith.constant 8 : i32
      %mul3A_93 = arith.muli %add3A_91, %mul3A_92 : i32
      "tpu.region"() ({
        %run_scoped3A = tpu.sem_alloc : memref<!tpu.dma_semaphore, #tpu.memory_space<semaphore_mem>>
        %dma_start3A = tpu.memref_slice %arg7[%mul3A_93] : memref<5120000xf32, #tpu.memory_space<hbm>> -> memref<6400xf32, #tpu.memory_space<hbm>>
        %dma_start3A_95 = tpu.memref_slice %arg7[%mul3A_93] : memref<5120000xf32, #tpu.memory_space<hbm>> -> memref<6400xf32, #tpu.memory_space<hbm>>
        tpu.enqueue_dma source(%arg15 : memref<6400xf32, #tpu.memory_space<vmem>>) target(%dma_start3A_95 : memref<6400xf32, #tpu.memory_space<hbm>>) target_semaphore(%run_scoped3A : memref<!tpu.dma_semaphore, #tpu.memory_space<semaphore_mem>>)
        %dma_wait3A = tpu.memref_slice %arg7[%mul3A_93] : memref<5120000xf32, #tpu.memory_space<hbm>> -> memref<6400xf32, #tpu.memory_space<hbm>>
        %dma_wait3A_96 = tpu.memref_slice %arg7[%mul3A_93] : memref<5120000xf32, #tpu.memory_space<hbm>> -> memref<6400xf32, #tpu.memory_space<hbm>>
        tpu.wait_dma2 semaphore(%run_scoped3A : memref<!tpu.dma_semaphore, #tpu.memory_space<semaphore_mem>>) src(%arg15 : memref<6400xf32, #tpu.memory_space<vmem>>) dst(%dma_wait3A_96 : memref<6400xf32, #tpu.memory_space<hbm>>)
        tpu.yield
      }) : () -> ()
      %scan3A_94 = arith.constant 0 : i32
      scf.yield %scan3A_94 : i32
    }
    %scan3A_18 = arith.constant 25 : i32
    %barrier3A_19 = arith.constant 0 : index
    tpu.barrier barrier_id(%barrier3A_19)
    %scan3A_20 = arith.constant 0 : i32
    %scan3A_21 = arith.constant 0 : i32
    %scan3A_22 = arith.constant 20 : i32
    %scan3A_23 = arith.addi %scan3A_21, %scan3A_22 : i32
    %scan3A_24 = arith.constant 1 : i32
    %scan3A_25 = scf.for %scan3A_54 = %scan3A_21 to %scan3A_23 step %scan3A_24 iter_args(%scan3A_55 = %scan3A_20) -> (i32)  : i32 {
      %mul3A_56 = arith.constant 320 : i32
      %mul3A_57 = arith.muli %arg1, %mul3A_56 : i32
      %mul3A_58 = arith.constant 16 : i32
      %mul3A_59 = arith.muli %scan3A_54, %mul3A_58 : i32
      %add3A = arith.addi %mul3A_57, %mul3A_59 : i32
      "tpu.region"() ({
        %run_scoped3A = tpu.sem_alloc : memref<!tpu.dma_semaphore, #tpu.memory_space<semaphore_mem>>
        %dma_start3A = arith.constant 0 : i32
        %dma_start3A_75 = arith.constant 0 : i32
        %dma_start3A_76 = tpu.memref_slice %arg9[%dma_start3A, %dma_start3A_75] : memref<80x128xf32, #tpu.memory_space<vmem>> -> memref<16x128xf32, #tpu.memory_space<vmem>>
        %dma_start3A_77 = arith.constant 0 : i32
        %dma_start3A_78 = tpu.memref_slice %arg17[%add3A, %dma_start3A_77] : memref<5128x128xf32, #tpu.memory_space<vmem_shared>> -> memref<16x128xf32, #tpu.memory_space<vmem_shared>>
        %dma_start3A_79 = arith.constant 0 : i32
        %dma_start3A_80 = arith.constant 0 : i32
        %dma_start3A_81 = tpu.memref_slice %arg9[%dma_start3A_79, %dma_start3A_80] : memref<80x128xf32, #tpu.memory_space<vmem>> -> memref<16x128xf32, #tpu.memory_space<vmem>>
        %dma_start3A_82 = arith.constant 0 : i32
        %dma_start3A_83 = tpu.memref_slice %arg17[%add3A, %dma_start3A_82] : memref<5128x128xf32, #tpu.memory_space<vmem_shared>> -> memref<16x128xf32, #tpu.memory_space<vmem_shared>>
        tpu.enqueue_dma source(%dma_start3A_83 : memref<16x128xf32, #tpu.memory_space<vmem_shared>>) target(%dma_start3A_81 : memref<16x128xf32, #tpu.memory_space<vmem>>) target_semaphore(%run_scoped3A : memref<!tpu.dma_semaphore, #tpu.memory_space<semaphore_mem>>)
        %dma_wait3A = arith.constant 0 : i32
        %dma_wait3A_84 = arith.constant 0 : i32
        %dma_wait3A_85 = tpu.memref_slice %arg9[%dma_wait3A, %dma_wait3A_84] : memref<80x128xf32, #tpu.memory_space<vmem>> -> memref<16x128xf32, #tpu.memory_space<vmem>>
        %dma_wait3A_86 = arith.constant 0 : i32
        %dma_wait3A_87 = tpu.memref_slice %arg17[%add3A, %dma_wait3A_86] : memref<5128x128xf32, #tpu.memory_space<vmem_shared>> -> memref<16x128xf32, #tpu.memory_space<vmem_shared>>
        %dma_wait3A_88 = arith.constant 0 : i32
        %dma_wait3A_89 = arith.constant 0 : i32
        %dma_wait3A_90 = tpu.memref_slice %arg9[%dma_wait3A_88, %dma_wait3A_89] : memref<80x128xf32, #tpu.memory_space<vmem>> -> memref<16x128xf32, #tpu.memory_space<vmem>>
        %dma_wait3A_91 = arith.constant 0 : i32
        %dma_wait3A_92 = tpu.memref_slice %arg17[%add3A, %dma_wait3A_91] : memref<5128x128xf32, #tpu.memory_space<vmem_shared>> -> memref<16x128xf32, #tpu.memory_space<vmem_shared>>
        tpu.wait_dma2 semaphore(%run_scoped3A : memref<!tpu.dma_semaphore, #tpu.memory_space<semaphore_mem>>) src(%dma_wait3A_92 : memref<16x128xf32, #tpu.memory_space<vmem_shared>>) dst(%dma_wait3A_90 : memref<16x128xf32, #tpu.memory_space<vmem>>)
        tpu.yield
      }) : () -> ()
      %mul3A_60 = arith.constant 10240 : i32
      %mul3A_61 = arith.muli %arg0, %mul3A_60 : i32
      %add3A_62 = arith.constant 0 : i32
      %add3A_63 = arith.addi %mul3A_61, %add3A_62 : i32
      %add3A_64 = arith.addi %add3A_63, %add3A : i32
      "tpu.region"() ({
        %run_scoped3A = tpu.sem_alloc : memref<!tpu.dma_semaphore, #tpu.memory_space<semaphore_mem>>
        %dma_start3A = arith.constant 16 : i32
        %dma_start3A_75 = arith.constant 0 : i32
        %dma_start3A_76 = tpu.memref_slice %arg9[%dma_start3A, %dma_start3A_75] : memref<80x128xf32, #tpu.memory_space<vmem>> -> memref<16x128xf32, #tpu.memory_space<vmem>>
        %dma_start3A_77 = arith.constant 0 : i32
        %dma_start3A_78 = tpu.memref_slice %arg5[%add3A_64, %dma_start3A_77] : memref<20480x128xf32, #tpu.memory_space<hbm>> -> memref<16x128xf32, #tpu.memory_space<hbm>>
        %dma_start3A_79 = arith.constant 16 : i32
        %dma_start3A_80 = arith.constant 0 : i32
        %dma_start3A_81 = tpu.memref_slice %arg9[%dma_start3A_79, %dma_start3A_80] : memref<80x128xf32, #tpu.memory_space<vmem>> -> memref<16x128xf32, #tpu.memory_space<vmem>>
        %dma_start3A_82 = arith.constant 0 : i32
        %dma_start3A_83 = tpu.memref_slice %arg5[%add3A_64, %dma_start3A_82] : memref<20480x128xf32, #tpu.memory_space<hbm>> -> memref<16x128xf32, #tpu.memory_space<hbm>>
        tpu.enqueue_dma source(%dma_start3A_83 : memref<16x128xf32, #tpu.memory_space<hbm>>) target(%dma_start3A_81 : memref<16x128xf32, #tpu.memory_space<vmem>>) target_semaphore(%run_scoped3A : memref<!tpu.dma_semaphore, #tpu.memory_space<semaphore_mem>>)
        %dma_wait3A = arith.constant 16 : i32
        %dma_wait3A_84 = arith.constant 0 : i32
        %dma_wait3A_85 = tpu.memref_slice %arg9[%dma_wait3A, %dma_wait3A_84] : memref<80x128xf32, #tpu.memory_space<vmem>> -> memref<16x128xf32, #tpu.memory_space<vmem>>
        %dma_wait3A_86 = arith.constant 0 : i32
        %dma_wait3A_87 = tpu.memref_slice %arg5[%add3A_64, %dma_wait3A_86] : memref<20480x128xf32, #tpu.memory_space<hbm>> -> memref<16x128xf32, #tpu.memory_space<hbm>>
        %dma_wait3A_88 = arith.constant 16 : i32
        %dma_wait3A_89 = arith.constant 0 : i32
        %dma_wait3A_90 = tpu.memref_slice %arg9[%dma_wait3A_88, %dma_wait3A_89] : memref<80x128xf32, #tpu.memory_space<vmem>> -> memref<16x128xf32, #tpu.memory_space<vmem>>
        %dma_wait3A_91 = arith.constant 0 : i32
        %dma_wait3A_92 = tpu.memref_slice %arg5[%add3A_64, %dma_wait3A_91] : memref<20480x128xf32, #tpu.memory_space<hbm>> -> memref<16x128xf32, #tpu.memory_space<hbm>>
        tpu.wait_dma2 semaphore(%run_scoped3A : memref<!tpu.dma_semaphore, #tpu.memory_space<semaphore_mem>>) src(%dma_wait3A_92 : memref<16x128xf32, #tpu.memory_space<hbm>>) dst(%dma_wait3A_90 : memref<16x128xf32, #tpu.memory_space<vmem>>)
        tpu.yield
      }) : () -> ()
      %scan3A_65 = arith.constant 0 : i32
      %scan3A_66 = arith.constant 0 : i32
      %scan3A_67 = arith.constant 16 : i32
      %scan3A_68 = arith.addi %scan3A_66, %scan3A_67 : i32
      %scan3A_69 = arith.constant 1 : i32
      %scan3A_70 = scf.for %scan3A_75 = %scan3A_66 to %scan3A_68 step %scan3A_69 iter_args(%scan3A_76 = %scan3A_65) -> (i32)  : i32 {
        %broadcast_in_dim3A_77 = arith.constant 1 : i32
        %broadcast_in_dim3A_78 = vector.broadcast %broadcast_in_dim3A_77 : i32 to vector<16xi32>
        %mul3A_79 = vector.broadcast %scan3A_75 : i32 to vector<16xi32>
        %mul3A_80 = arith.muli %broadcast_in_dim3A_78, %mul3A_79 : vector<16xi32>
        %add3A_81 = arith.constant 0 : i32
        %add3A_82 = vector.broadcast %add3A_81 : i32 to vector<16xi32>
        %add3A_83 = arith.addi %iota3A, %add3A_82 : vector<16xi32>
        %gather3A = tpu.vector_load_idx %arg9[%mul3A_80, %add3A_83] : memref<80x128xf32, #tpu.memory_space<vmem>>[vector<16xi32>, vector<16xi32>], vector<16xf32>,
        %add3A_84 = arith.constant 16 : i32
        %add3A_85 = vector.broadcast %add3A_84 : i32 to vector<16xi32>
        %add3A_86 = arith.addi %mul3A_80, %add3A_85 : vector<16xi32>
        %gather3A_87 = tpu.vector_load_idx %arg9[%add3A_86, %add3A_83] : memref<80x128xf32, #tpu.memory_space<vmem>>[vector<16xi32>, vector<16xi32>], vector<16xf32>,
        %add3A_88 = arith.addf %gather3A, %gather3A_87 : vector<16xf32>
        %gt3A = arith.constant 0.000000e+00 : f32
        %gt3A_89 = vector.broadcast %gt3A : f32 to vector<16xf32>
        %gt3A_90 = arith.cmpf ogt, %add3A_88, %gt3A_89 : vector<16xf32>
        %exp3A = math.exp %add3A_88 : vector<16xf32>
        %sub3A = arith.constant 1.000000e+00 : f32
        %sub3A_91 = vector.broadcast %sub3A : f32 to vector<16xf32>
        %sub3A_92 = arith.subf %exp3A, %sub3A_91 : vector<16xf32>
        %select_n3A = arith.select %gt3A_90, %add3A_88, %sub3A_92 : vector<16xi1>, vector<16xf32>
        %add3A_93 = arith.constant 32 : i32
        %add3A_94 = vector.broadcast %add3A_93 : i32 to vector<16xi32>
        %add3A_95 = arith.addi %mul3A_80, %add3A_94 : vector<16xi32>
        tpu.vector_store_idx %arg9[%add3A_95, %add3A_83], %select_n3A : memref<80x128xf32, #tpu.memory_space<vmem>>[vector<16xi32>, vector<16xi32>], vector<16xf32>,
        %add3A_96 = arith.constant 16 : i32
        %add3A_97 = vector.broadcast %add3A_96 : i32 to vector<16xi32>
        %add3A_98 = arith.addi %iota3A, %add3A_97 : vector<16xi32>
        %gather3A_99 = tpu.vector_load_idx %arg9[%mul3A_80, %add3A_98] : memref<80x128xf32, #tpu.memory_space<vmem>>[vector<16xi32>, vector<16xi32>], vector<16xf32>,
        %add3A_100 = arith.constant 16 : i32
        %add3A_101 = vector.broadcast %add3A_100 : i32 to vector<16xi32>
        %add3A_102 = arith.addi %mul3A_80, %add3A_101 : vector<16xi32>
        %gather3A_103 = tpu.vector_load_idx %arg9[%add3A_102, %add3A_98] : memref<80x128xf32, #tpu.memory_space<vmem>>[vector<16xi32>, vector<16xi32>], vector<16xf32>,
        %add3A_104 = arith.addf %gather3A_99, %gather3A_103 : vector<16xf32>
        %gt3A_105 = arith.constant 0.000000e+00 : f32
        %gt3A_106 = vector.broadcast %gt3A_105 : f32 to vector<16xf32>
        %gt3A_107 = arith.cmpf ogt, %add3A_104, %gt3A_106 : vector<16xf32>
        %exp3A_108 = math.exp %add3A_104 : vector<16xf32>
        %sub3A_109 = arith.constant 1.000000e+00 : f32
        %sub3A_110 = vector.broadcast %sub3A_109 : f32 to vector<16xf32>
        %sub3A_111 = arith.subf %exp3A_108, %sub3A_110 : vector<16xf32>
        %select_n3A_112 = arith.select %gt3A_107, %add3A_104, %sub3A_111 : vector<16xi1>, vector<16xf32>
        %add3A_113 = arith.constant 32 : i32
        %add3A_114 = vector.broadcast %add3A_113 : i32 to vector<16xi32>
        %add3A_115 = arith.addi %mul3A_80, %add3A_114 : vector<16xi32>
        tpu.vector_store_idx %arg9[%add3A_115, %add3A_98], %select_n3A_112 : memref<80x128xf32, #tpu.memory_space<vmem>>[vector<16xi32>, vector<16xi32>], vector<16xf32>,
        %add3A_116 = arith.constant 32 : i32
        %add3A_117 = vector.broadcast %add3A_116 : i32 to vector<16xi32>
        %add3A_118 = arith.addi %iota3A, %add3A_117 : vector<16xi32>
        %gather3A_119 = tpu.vector_load_idx %arg9[%mul3A_80, %add3A_118] : memref<80x128xf32, #tpu.memory_space<vmem>>[vector<16xi32>, vector<16xi32>], vector<16xf32>,
        %add3A_120 = arith.constant 16 : i32
        %add3A_121 = vector.broadcast %add3A_120 : i32 to vector<16xi32>
        %add3A_122 = arith.addi %mul3A_80, %add3A_121 : vector<16xi32>
        %gather3A_123 = tpu.vector_load_idx %arg9[%add3A_122, %add3A_118] : memref<80x128xf32, #tpu.memory_space<vmem>>[vector<16xi32>, vector<16xi32>], vector<16xf32>,
        %add3A_124 = arith.addf %gather3A_119, %gather3A_123 : vector<16xf32>
        %gt3A_125 = arith.constant 0.000000e+00 : f32
        %gt3A_126 = vector.broadcast %gt3A_125 : f32 to vector<16xf32>
        %gt3A_127 = arith.cmpf ogt, %add3A_124, %gt3A_126 : vector<16xf32>
        %exp3A_128 = math.exp %add3A_124 : vector<16xf32>
        %sub3A_129 = arith.constant 1.000000e+00 : f32
        %sub3A_130 = vector.broadcast %sub3A_129 : f32 to vector<16xf32>
        %sub3A_131 = arith.subf %exp3A_128, %sub3A_130 : vector<16xf32>
        %select_n3A_132 = arith.select %gt3A_127, %add3A_124, %sub3A_131 : vector<16xi1>, vector<16xf32>
        %add3A_133 = arith.constant 32 : i32
        %add3A_134 = vector.broadcast %add3A_133 : i32 to vector<16xi32>
        %add3A_135 = arith.addi %mul3A_80, %add3A_134 : vector<16xi32>
        tpu.vector_store_idx %arg9[%add3A_135, %add3A_118], %select_n3A_132 : memref<80x128xf32, #tpu.memory_space<vmem>>[vector<16xi32>, vector<16xi32>], vector<16xf32>,
        %add3A_136 = arith.constant 48 : i32
        %add3A_137 = vector.broadcast %add3A_136 : i32 to vector<16xi32>
        %add3A_138 = arith.addi %iota3A, %add3A_137 : vector<16xi32>
        %gather3A_139 = tpu.vector_load_idx %arg9[%mul3A_80, %add3A_138] : memref<80x128xf32, #tpu.memory_space<vmem>>[vector<16xi32>, vector<16xi32>], vector<16xf32>,
        %add3A_140 = arith.constant 16 : i32
        %add3A_141 = vector.broadcast %add3A_140 : i32 to vector<16xi32>
        %add3A_142 = arith.addi %mul3A_80, %add3A_141 : vector<16xi32>
        %gather3A_143 = tpu.vector_load_idx %arg9[%add3A_142, %add3A_138] : memref<80x128xf32, #tpu.memory_space<vmem>>[vector<16xi32>, vector<16xi32>], vector<16xf32>,
        %add3A_144 = arith.addf %gather3A_139, %gather3A_143 : vector<16xf32>
        %gt3A_145 = arith.constant 0.000000e+00 : f32
        %gt3A_146 = vector.broadcast %gt3A_145 : f32 to vector<16xf32>
        %gt3A_147 = arith.cmpf ogt, %add3A_144, %gt3A_146 : vector<16xf32>
        %exp3A_148 = math.exp %add3A_144 : vector<16xf32>
        %sub3A_149 = arith.constant 1.000000e+00 : f32
        %sub3A_150 = vector.broadcast %sub3A_149 : f32 to vector<16xf32>
        %sub3A_151 = arith.subf %exp3A_148, %sub3A_150 : vector<16xf32>
        %select_n3A_152 = arith.select %gt3A_147, %add3A_144, %sub3A_151 : vector<16xi1>, vector<16xf32>
        %add3A_153 = arith.constant 32 : i32
        %add3A_154 = vector.broadcast %add3A_153 : i32 to vector<16xi32>
        %add3A_155 = arith.addi %mul3A_80, %add3A_154 : vector<16xi32>
        tpu.vector_store_idx %arg9[%add3A_155, %add3A_138], %select_n3A_152 : memref<80x128xf32, #tpu.memory_space<vmem>>[vector<16xi32>, vector<16xi32>], vector<16xf32>,
        %add3A_156 = arith.constant 64 : i32
        %add3A_157 = vector.broadcast %add3A_156 : i32 to vector<16xi32>
        %add3A_158 = arith.addi %iota3A, %add3A_157 : vector<16xi32>
        %gather3A_159 = tpu.vector_load_idx %arg9[%mul3A_80, %add3A_158] : memref<80x128xf32, #tpu.memory_space<vmem>>[vector<16xi32>, vector<16xi32>], vector<16xf32>,
        %add3A_160 = arith.constant 16 : i32
        %add3A_161 = vector.broadcast %add3A_160 : i32 to vector<16xi32>
        %add3A_162 = arith.addi %mul3A_80, %add3A_161 : vector<16xi32>
        %gather3A_163 = tpu.vector_load_idx %arg9[%add3A_162, %add3A_158] : memref<80x128xf32, #tpu.memory_space<vmem>>[vector<16xi32>, vector<16xi32>], vector<16xf32>,
        %add3A_164 = arith.addf %gather3A_159, %gather3A_163 : vector<16xf32>
        %gt3A_165 = arith.constant 0.000000e+00 : f32
        %gt3A_166 = vector.broadcast %gt3A_165 : f32 to vector<16xf32>
        %gt3A_167 = arith.cmpf ogt, %add3A_164, %gt3A_166 : vector<16xf32>
        %exp3A_168 = math.exp %add3A_164 : vector<16xf32>
        %sub3A_169 = arith.constant 1.000000e+00 : f32
        %sub3A_170 = vector.broadcast %sub3A_169 : f32 to vector<16xf32>
        %sub3A_171 = arith.subf %exp3A_168, %sub3A_170 : vector<16xf32>
        %select_n3A_172 = arith.select %gt3A_167, %add3A_164, %sub3A_171 : vector<16xi1>, vector<16xf32>
        %add3A_173 = arith.constant 32 : i32
        %add3A_174 = vector.broadcast %add3A_173 : i32 to vector<16xi32>
        %add3A_175 = arith.addi %mul3A_80, %add3A_174 : vector<16xi32>
        tpu.vector_store_idx %arg9[%add3A_175, %add3A_158], %select_n3A_172 : memref<80x128xf32, #tpu.memory_space<vmem>>[vector<16xi32>, vector<16xi32>], vector<16xf32>,
        %add3A_176 = arith.constant 80 : i32
        %add3A_177 = vector.broadcast %add3A_176 : i32 to vector<16xi32>
        %add3A_178 = arith.addi %iota3A, %add3A_177 : vector<16xi32>
        %gather3A_179 = tpu.vector_load_idx %arg9[%mul3A_80, %add3A_178] : memref<80x128xf32, #tpu.memory_space<vmem>>[vector<16xi32>, vector<16xi32>], vector<16xf32>,
        %add3A_180 = arith.constant 16 : i32
        %add3A_181 = vector.broadcast %add3A_180 : i32 to vector<16xi32>
        %add3A_182 = arith.addi %mul3A_80, %add3A_181 : vector<16xi32>
        %gather3A_183 = tpu.vector_load_idx %arg9[%add3A_182, %add3A_178] : memref<80x128xf32, #tpu.memory_space<vmem>>[vector<16xi32>, vector<16xi32>], vector<16xf32>,
        %add3A_184 = arith.addf %gather3A_179, %gather3A_183 : vector<16xf32>
        %gt3A_185 = arith.constant 0.000000e+00 : f32
        %gt3A_186 = vector.broadcast %gt3A_185 : f32 to vector<16xf32>
        %gt3A_187 = arith.cmpf ogt, %add3A_184, %gt3A_186 : vector<16xf32>
        %exp3A_188 = math.exp %add3A_184 : vector<16xf32>
        %sub3A_189 = arith.constant 1.000000e+00 : f32
        %sub3A_190 = vector.broadcast %sub3A_189 : f32 to vector<16xf32>
        %sub3A_191 = arith.subf %exp3A_188, %sub3A_190 : vector<16xf32>
        %select_n3A_192 = arith.select %gt3A_187, %add3A_184, %sub3A_191 : vector<16xi1>, vector<16xf32>
        %add3A_193 = arith.constant 32 : i32
        %add3A_194 = vector.broadcast %add3A_193 : i32 to vector<16xi32>
        %add3A_195 = arith.addi %mul3A_80, %add3A_194 : vector<16xi32>
        tpu.vector_store_idx %arg9[%add3A_195, %add3A_178], %select_n3A_192 : memref<80x128xf32, #tpu.memory_space<vmem>>[vector<16xi32>, vector<16xi32>], vector<16xf32>,
        %add3A_196 = arith.constant 96 : i32
        %add3A_197 = vector.broadcast %add3A_196 : i32 to vector<16xi32>
        %add3A_198 = arith.addi %iota3A, %add3A_197 : vector<16xi32>
        %gather3A_199 = tpu.vector_load_idx %arg9[%mul3A_80, %add3A_198] : memref<80x128xf32, #tpu.memory_space<vmem>>[vector<16xi32>, vector<16xi32>], vector<16xf32>,
        %add3A_200 = arith.constant 16 : i32
        %add3A_201 = vector.broadcast %add3A_200 : i32 to vector<16xi32>
        %add3A_202 = arith.addi %mul3A_80, %add3A_201 : vector<16xi32>
        %gather3A_203 = tpu.vector_load_idx %arg9[%add3A_202, %add3A_198] : memref<80x128xf32, #tpu.memory_space<vmem>>[vector<16xi32>, vector<16xi32>], vector<16xf32>,
        %add3A_204 = arith.addf %gather3A_199, %gather3A_203 : vector<16xf32>
        %gt3A_205 = arith.constant 0.000000e+00 : f32
        %gt3A_206 = vector.broadcast %gt3A_205 : f32 to vector<16xf32>
        %gt3A_207 = arith.cmpf ogt, %add3A_204, %gt3A_206 : vector<16xf32>
        %exp3A_208 = math.exp %add3A_204 : vector<16xf32>
        %sub3A_209 = arith.constant 1.000000e+00 : f32
        %sub3A_210 = vector.broadcast %sub3A_209 : f32 to vector<16xf32>
        %sub3A_211 = arith.subf %exp3A_208, %sub3A_210 : vector<16xf32>
        %select_n3A_212 = arith.select %gt3A_207, %add3A_204, %sub3A_211 : vector<16xi1>, vector<16xf32>
        %add3A_213 = arith.constant 32 : i32
        %add3A_214 = vector.broadcast %add3A_213 : i32 to vector<16xi32>
        %add3A_215 = arith.addi %mul3A_80, %add3A_214 : vector<16xi32>
        tpu.vector_store_idx %arg9[%add3A_215, %add3A_198], %select_n3A_212 : memref<80x128xf32, #tpu.memory_space<vmem>>[vector<16xi32>, vector<16xi32>], vector<16xf32>,
        %add3A_216 = arith.constant 112 : i32
        %add3A_217 = vector.broadcast %add3A_216 : i32 to vector<16xi32>
        %add3A_218 = arith.addi %iota3A, %add3A_217 : vector<16xi32>
        %gather3A_219 = tpu.vector_load_idx %arg9[%mul3A_80, %add3A_218] : memref<80x128xf32, #tpu.memory_space<vmem>>[vector<16xi32>, vector<16xi32>], vector<16xf32>,
        %add3A_220 = arith.constant 16 : i32
        %add3A_221 = vector.broadcast %add3A_220 : i32 to vector<16xi32>
        %add3A_222 = arith.addi %mul3A_80, %add3A_221 : vector<16xi32>
        %gather3A_223 = tpu.vector_load_idx %arg9[%add3A_222, %add3A_218] : memref<80x128xf32, #tpu.memory_space<vmem>>[vector<16xi32>, vector<16xi32>], vector<16xf32>,
        %add3A_224 = arith.addf %gather3A_219, %gather3A_223 : vector<16xf32>
        %gt3A_225 = arith.constant 0.000000e+00 : f32
        %gt3A_226 = vector.broadcast %gt3A_225 : f32 to vector<16xf32>
        %gt3A_227 = arith.cmpf ogt, %add3A_224, %gt3A_226 : vector<16xf32>
        %exp3A_228 = math.exp %add3A_224 : vector<16xf32>
        %sub3A_229 = arith.constant 1.000000e+00 : f32
        %sub3A_230 = vector.broadcast %sub3A_229 : f32 to vector<16xf32>
        %sub3A_231 = arith.subf %exp3A_228, %sub3A_230 : vector<16xf32>
        %select_n3A_232 = arith.select %gt3A_227, %add3A_224, %sub3A_231 : vector<16xi1>, vector<16xf32>
        %add3A_233 = arith.constant 32 : i32
        %add3A_234 = vector.broadcast %add3A_233 : i32 to vector<16xi32>
        %add3A_235 = arith.addi %mul3A_80, %add3A_234 : vector<16xi32>
        tpu.vector_store_idx %arg9[%add3A_235, %add3A_218], %select_n3A_232 : memref<80x128xf32, #tpu.memory_space<vmem>>[vector<16xi32>, vector<16xi32>], vector<16xf32>,
        %scan3A_236 = arith.constant 0 : i32
        scf.yield %scan3A_236 : i32
      }
      %scan3A_71 = arith.constant 16 : i32
      %add3A_72 = arith.constant 0 : i32
      %add3A_73 = arith.addi %add3A_72, %add3A : i32
      "tpu.region"() ({
        %run_scoped3A = tpu.sem_alloc : memref<!tpu.dma_semaphore, #tpu.memory_space<semaphore_mem>>
        %dma_start3A = arith.constant 32 : i32
        %dma_start3A_75 = arith.constant 0 : i32
        %dma_start3A_76 = tpu.memref_slice %arg9[%dma_start3A, %dma_start3A_75] : memref<80x128xf32, #tpu.memory_space<vmem>> -> memref<16x128xf32, #tpu.memory_space<vmem>>
        %dma_start3A_77 = arith.constant 0 : i32
        %dma_start3A_78 = tpu.memref_slice %arg8[%arg0, %add3A_73, %dma_start3A_77] : memref<2x10240x128xf32, #tpu.memory_space<hbm>> -> memref<1x16x128xf32, #tpu.memory_space<hbm>>
        %dma_start3A_79 = tpu.memref_squeeze %dma_start3A_78 : memref<1x16x128xf32, #tpu.memory_space<hbm>> -> memref<16x128xf32, #tpu.memory_space<hbm>>
        %dma_start3A_80 = arith.constant 0 : i32
        %dma_start3A_81 = tpu.memref_slice %arg8[%arg0, %add3A_73, %dma_start3A_80] : memref<2x10240x128xf32, #tpu.memory_space<hbm>> -> memref<1x16x128xf32, #tpu.memory_space<hbm>>
        %dma_start3A_82 = tpu.memref_squeeze %dma_start3A_81 : memref<1x16x128xf32, #tpu.memory_space<hbm>> -> memref<16x128xf32, #tpu.memory_space<hbm>>
        %dma_start3A_83 = arith.constant 32 : i32
        %dma_start3A_84 = arith.constant 0 : i32
        %dma_start3A_85 = tpu.memref_slice %arg9[%dma_start3A_83, %dma_start3A_84] : memref<80x128xf32, #tpu.memory_space<vmem>> -> memref<16x128xf32, #tpu.memory_space<vmem>>
        tpu.enqueue_dma source(%dma_start3A_85 : memref<16x128xf32, #tpu.memory_space<vmem>>) target(%dma_start3A_82 : memref<16x128xf32, #tpu.memory_space<hbm>>) target_semaphore(%run_scoped3A : memref<!tpu.dma_semaphore, #tpu.memory_space<semaphore_mem>>)
        %dma_wait3A = arith.constant 32 : i32
        %dma_wait3A_86 = arith.constant 0 : i32
        %dma_wait3A_87 = tpu.memref_slice %arg9[%dma_wait3A, %dma_wait3A_86] : memref<80x128xf32, #tpu.memory_space<vmem>> -> memref<16x128xf32, #tpu.memory_space<vmem>>
        %dma_wait3A_88 = arith.constant 0 : i32
        %dma_wait3A_89 = tpu.memref_slice %arg8[%arg0, %add3A_73, %dma_wait3A_88] : memref<2x10240x128xf32, #tpu.memory_space<hbm>> -> memref<1x16x128xf32, #tpu.memory_space<hbm>>
        %dma_wait3A_90 = tpu.memref_squeeze %dma_wait3A_89 : memref<1x16x128xf32, #tpu.memory_space<hbm>> -> memref<16x128xf32, #tpu.memory_space<hbm>>
        %dma_wait3A_91 = arith.constant 0 : i32
        %dma_wait3A_92 = tpu.memref_slice %arg8[%arg0, %add3A_73, %dma_wait3A_91] : memref<2x10240x128xf32, #tpu.memory_space<hbm>> -> memref<1x16x128xf32, #tpu.memory_space<hbm>>
        %dma_wait3A_93 = tpu.memref_squeeze %dma_wait3A_92 : memref<1x16x128xf32, #tpu.memory_space<hbm>> -> memref<16x128xf32, #tpu.memory_space<hbm>>
        %dma_wait3A_94 = arith.constant 32 : i32
        %dma_wait3A_95 = arith.constant 0 : i32
        %dma_wait3A_96 = tpu.memref_slice %arg9[%dma_wait3A_94, %dma_wait3A_95] : memref<80x128xf32, #tpu.memory_space<vmem>> -> memref<16x128xf32, #tpu.memory_space<vmem>>
        tpu.wait_dma2 semaphore(%run_scoped3A : memref<!tpu.dma_semaphore, #tpu.memory_space<semaphore_mem>>) src(%dma_wait3A_96 : memref<16x128xf32, #tpu.memory_space<vmem>>) dst(%dma_wait3A_93 : memref<16x128xf32, #tpu.memory_space<hbm>>)
        tpu.yield
      }) : () -> ()
      %scan3A_74 = arith.constant 0 : i32
      scf.yield %scan3A_74 : i32
    }
    %scan3A_26 = arith.constant 20 : i32
    %barrier3A_27 = arith.constant 0 : index
    tpu.barrier barrier_id(%barrier3A_27)
    %broadcast_in_dim3A_28 = arith.constant 5120 : i32
    %broadcast_in_dim3A_29 = vector.broadcast %broadcast_in_dim3A_28 : i32 to vector<16xi32>
    %scan3A_30 = arith.constant 0 : i32
    %scan3A_31 = arith.constant 0 : i32
    %scan3A_32 = arith.constant 20 : i32
    %scan3A_33 = arith.addi %scan3A_31, %scan3A_32 : i32
    %scan3A_34 = arith.constant 1 : i32
    %scan3A_35 = scf.for %scan3A_54 = %scan3A_31 to %scan3A_33 step %scan3A_34 iter_args(%scan3A_55 = %scan3A_30) -> (i32)  : i32 {
      %mul3A_56 = arith.constant 320 : i32
      %mul3A_57 = arith.muli %arg1, %mul3A_56 : i32
      %mul3A_58 = arith.constant 16 : i32
      %mul3A_59 = arith.muli %scan3A_54, %mul3A_58 : i32
      %add3A = arith.addi %mul3A_57, %mul3A_59 : i32
      "tpu.region"() ({
        %run_scoped3A = tpu.sem_alloc : memref<!tpu.dma_semaphore, #tpu.memory_space<semaphore_mem>>
        %dma_start3A = arith.constant 0 : i32
        %dma_start3A_61 = tpu.memref_slice %arg17[%add3A, %dma_start3A] : memref<5128x128xf32, #tpu.memory_space<vmem_shared>> -> memref<16x128xf32, #tpu.memory_space<vmem_shared>>
        tpu.enqueue_dma source(%arg6 : memref<16x128xf32, #tpu.memory_space<hbm>>) target(%dma_start3A_61 : memref<16x128xf32, #tpu.memory_space<vmem_shared>>) target_semaphore(%run_scoped3A : memref<!tpu.dma_semaphore, #tpu.memory_space<semaphore_mem>>)
        %dma_wait3A = arith.constant 0 : i32
        %dma_wait3A_62 = tpu.memref_slice %arg17[%add3A, %dma_wait3A] : memref<5128x128xf32, #tpu.memory_space<vmem_shared>> -> memref<16x128xf32, #tpu.memory_space<vmem_shared>>
        tpu.wait_dma2 semaphore(%run_scoped3A : memref<!tpu.dma_semaphore, #tpu.memory_space<semaphore_mem>>) src(%arg6 : memref<16x128xf32, #tpu.memory_space<hbm>>) dst(%dma_wait3A_62 : memref<16x128xf32, #tpu.memory_space<vmem_shared>>)
        tpu.yield
      }) : () -> ()
      %scan3A_60 = arith.constant 0 : i32
      scf.yield %scan3A_60 : i32
    }
    %scan3A_36 = arith.constant 20 : i32
    %barrier3A_37 = arith.constant 0 : index
    tpu.barrier barrier_id(%barrier3A_37)
    %scan3A_38 = arith.constant 0 : i32
    %scan3A_39 = arith.constant 0 : i32
    %scan3A_40 = arith.constant 25 : i32
    %scan3A_41 = arith.addi %scan3A_39, %scan3A_40 : i32
    %scan3A_42 = arith.constant 1 : i32
    %scan3A_43 = scf.for %scan3A_54 = %scan3A_39 to %scan3A_41 step %scan3A_42 iter_args(%scan3A_55 = %scan3A_38) -> (i32)  : i32 {
      %mul3A_56 = arith.constant 320000 : i32
      %mul3A_57 = arith.muli %arg0, %mul3A_56 : i32
      %mul3A_58 = arith.constant 20000 : i32
      %mul3A_59 = arith.muli %arg1, %mul3A_58 : i32
      %add3A = arith.addi %mul3A_57, %mul3A_59 : i32
      %mul3A_60 = arith.constant 2 : i32
      %mul3A_61 = arith.muli %add3A, %mul3A_60 : i32
      %mul3A_62 = arith.constant 1600 : i32
      %mul3A_63 = arith.muli %scan3A_54, %mul3A_62 : i32
      %add3A_64 = arith.addi %mul3A_61, %mul3A_63 : i32
      "tpu.region"() ({
        %run_scoped3A = tpu.sem_alloc : memref<!tpu.dma_semaphore, #tpu.memory_space<semaphore_mem>>
        %dma_start3A = tpu.memref_slice %arg3[%add3A_64] : memref<1280000xi32, #tpu.memory_space<hbm>> -> memref<1600xi32, #tpu.memory_space<hbm>>
        %dma_start3A_85 = tpu.memref_slice %arg3[%add3A_64] : memref<1280000xi32, #tpu.memory_space<hbm>> -> memref<1600xi32, #tpu.memory_space<hbm>>
        tpu.enqueue_dma source(%dma_start3A_85 : memref<1600xi32, #tpu.memory_space<hbm>>) target(%arg13 : memref<1600xi32, #tpu.memory_space<vmem>>) target_semaphore(%run_scoped3A : memref<!tpu.dma_semaphore, #tpu.memory_space<semaphore_mem>>)
        %dma_wait3A = tpu.memref_slice %arg3[%add3A_64] : memref<1280000xi32, #tpu.memory_space<hbm>> -> memref<1600xi32, #tpu.memory_space<hbm>>
        %dma_wait3A_86 = tpu.memref_slice %arg3[%add3A_64] : memref<1280000xi32, #tpu.memory_space<hbm>> -> memref<1600xi32, #tpu.memory_space<hbm>>
        tpu.wait_dma2 semaphore(%run_scoped3A : memref<!tpu.dma_semaphore, #tpu.memory_space<semaphore_mem>>) src(%dma_wait3A_86 : memref<1600xi32, #tpu.memory_space<hbm>>) dst(%arg13 : memref<1600xi32, #tpu.memory_space<vmem>>)
        tpu.yield
      }) : () -> ()
      %mul3A_65 = arith.constant 50 : i32
      %mul3A_66 = arith.muli %arg1, %mul3A_65 : i32
      %mul3A_67 = arith.constant 2 : i32
      %mul3A_68 = arith.muli %scan3A_54, %mul3A_67 : i32
      %add3A_69 = arith.addi %mul3A_66, %mul3A_68 : i32
      %mul3A_70 = arith.constant 8 : i32
      %mul3A_71 = arith.muli %arg0, %mul3A_70 : i32
      %mul3A_72 = arith.constant 320000 : i32
      %mul3A_73 = arith.muli %mul3A_71, %mul3A_72 : i32
      %mul3A_74 = arith.constant 3200 : i32
      %mul3A_75 = arith.muli %add3A_69, %mul3A_74 : i32
      %add3A_76 = arith.addi %mul3A_73, %mul3A_75 : i32
      "tpu.region"() ({
        %run_scoped3A = tpu.sem_alloc : memref<!tpu.dma_semaphore, #tpu.memory_space<semaphore_mem>>
        %dma_start3A = tpu.memref_slice %arg4[%add3A_76] : memref<5120000xf32, #tpu.memory_space<hbm>> -> memref<6400xf32, #tpu.memory_space<hbm>>
        %dma_start3A_85 = tpu.memref_slice %arg4[%add3A_76] : memref<5120000xf32, #tpu.memory_space<hbm>> -> memref<6400xf32, #tpu.memory_space<hbm>>
        tpu.enqueue_dma source(%dma_start3A_85 : memref<6400xf32, #tpu.memory_space<hbm>>) target(%arg14 : memref<6400xf32, #tpu.memory_space<vmem>>) target_semaphore(%run_scoped3A : memref<!tpu.dma_semaphore, #tpu.memory_space<semaphore_mem>>)
        %dma_wait3A = tpu.memref_slice %arg4[%add3A_76] : memref<5120000xf32, #tpu.memory_space<hbm>> -> memref<6400xf32, #tpu.memory_space<hbm>>
        %dma_wait3A_86 = tpu.memref_slice %arg4[%add3A_76] : memref<5120000xf32, #tpu.memory_space<hbm>> -> memref<6400xf32, #tpu.memory_space<hbm>>
        tpu.wait_dma2 semaphore(%run_scoped3A : memref<!tpu.dma_semaphore, #tpu.memory_space<semaphore_mem>>) src(%dma_wait3A_86 : memref<6400xf32, #tpu.memory_space<hbm>>) dst(%arg14 : memref<6400xf32, #tpu.memory_space<vmem>>)
        tpu.yield
      }) : () -> ()
      %scan3A_77 = arith.constant 0 : i32
      %scan3A_78 = arith.constant 0 : i32
      %scan3A_79 = arith.constant 5 : i32
      %scan3A_80 = arith.addi %scan3A_78, %scan3A_79 : i32
      %scan3A_81 = arith.constant 1 : i32
      %scan3A_82 = scf.for %scan3A_85 = %scan3A_78 to %scan3A_80 step %scan3A_81 iter_args(%scan3A_86 = %scan3A_77) -> (i32)  : i32 {
        %mul3A_87 = arith.constant 2 : i32
        %mul3A_88 = arith.muli %mul3A_87, %scan3A_85 : i32
        %mul3A_89 = arith.constant 2 : i32
        %mul3A_90 = arith.muli %mul3A_89, %scan3A_85 : i32
        %add3A_91 = arith.constant 1 : i32
        %add3A_92 = arith.addi %mul3A_90, %add3A_91 : i32
        %jit3A = arith.constant 5 : i32
        %div3A = arith.divsi %mul3A_88, %jit3A : i32
        %sign3A = arith.constant 0 : i32
        %sign3A_93 = arith.cmpi sgt, %mul3A_88, %sign3A : i32
        %sign3A_94 = arith.extui %sign3A_93 : i1 to i32
        %sign3A_95 = arith.constant 0 : i32
        %sign3A_96 = arith.cmpi slt, %mul3A_88, %sign3A_95 : i32
        %sign3A_97 = arith.extui %sign3A_96 : i1 to i32
        %sign3A_98 = arith.subi %sign3A_94, %sign3A_97 : i32
        %sign3A_99 = arith.constant 0 : i32
        %sign3A_100 = arith.cmpi sgt, %jit3A, %sign3A_99 : i32
        %sign3A_101 = arith.extui %sign3A_100 : i1 to i32
        %sign3A_102 = arith.constant 0 : i32
        %sign3A_103 = arith.cmpi slt, %jit3A, %sign3A_102 : i32
        %sign3A_104 = arith.extui %sign3A_103 : i1 to i32
        %sign3A_105 = arith.subi %sign3A_101, %sign3A_104 : i32
        %ne3A = arith.cmpi ne, %sign3A_98, %sign3A_105 : i32
        %rem3A = arith.remsi %mul3A_88, %jit3A : i32
        %ne3A_106 = arith.constant 0 : i32
        %ne3A_107 = arith.cmpi ne, %rem3A, %ne3A_106 : i32
        %and3A = arith.andi %ne3A, %ne3A_107 : i1
        %sub3A = arith.constant 1 : i32
        %sub3A_108 = arith.subi %div3A, %sub3A : i32
        %select_n3A = arith.select %and3A, %sub3A_108, %div3A : i32
        %mul3A_109 = arith.constant 80 : i32
        %mul3A_110 = arith.muli %mul3A_88, %mul3A_109 : i32
        %mul3A_111 = arith.constant 400 : i32
        %mul3A_112 = arith.muli %select_n3A, %mul3A_111 : i32
        %sub3A_113 = arith.subi %mul3A_110, %mul3A_112 : i32
        %scan3A_114 = arith.constant 0 : i32
        %scan3A_115 = arith.constant 0 : i32
        %scan3A_116 = arith.constant 5 : i32
        %scan3A_117 = arith.addi %scan3A_115, %scan3A_116 : i32
        %scan3A_118 = arith.constant 1 : i32
        %scan3A_119 = scf.for %scan3A_292 = %scan3A_115 to %scan3A_117 step %scan3A_118 iter_args(%scan3A_293 = %scan3A_114) -> (i32)  : i32 {
          %mul3A_294 = arith.constant 16 : i32
          %mul3A_295 = arith.muli %scan3A_292, %mul3A_294 : i32
          %mul3A_296 = arith.constant 800 : i32
          %mul3A_297 = arith.muli %select_n3A, %mul3A_296 : i32
          %add3A_298 = arith.addi %mul3A_297, %sub3A_113 : i32
          %mul3A_299 = arith.constant 16 : i32
          %mul3A_300 = arith.muli %scan3A_292, %mul3A_299 : i32
          %add3A_301 = arith.addi %add3A_298, %mul3A_300 : i32
          %add3A_302 = arith.constant 400 : i32
          %add3A_303 = arith.addi %add3A_301, %add3A_302 : i32
          %get3A = arith.index_cast %add3A_303 : i32 to index
          %get3A_304 = tpu.vector_load %arg13[%get3A] {strides = array<i32>} : memref<1600xi32, #tpu.memory_space<vmem>>, vector<16xi32>,
          %sub3A_305 = arith.subi %get3A_304, %broadcast_in_dim3A_29 : vector<16xi32>
          %ge3A = arith.constant 0 : i32
          %ge3A_306 = vector.broadcast %ge3A : i32 to vector<16xi32>
          %ge3A_307 = arith.cmpi sge, %sub3A_305, %ge3A_306 : vector<16xi32>
          %lt3A = arith.constant 5120 : i32
          %lt3A_308 = vector.broadcast %lt3A : i32 to vector<16xi32>
          %lt3A_309 = arith.cmpi slt, %sub3A_305, %lt3A_308 : vector<16xi32>
          %and3A_310 = arith.andi %ge3A_307, %lt3A_309 : vector<16xi1>
          %get3A_311 = arith.index_cast %add3A_301 : i32 to index
          %get3A_312 = tpu.vector_load %arg13[%get3A_311] {strides = array<i32>} : memref<1600xi32, #tpu.memory_space<vmem>>, vector<16xi32>,
          %add3A_313 = arith.addi %get3A_312, %mul3A_3 : vector<16xi32>
          %jit3A_314 = arith.constant -1 : i32
          %broadcast_in_dim3A_315 = vector.broadcast %jit3A_314 : i32 to vector<16xi32>
          %select_n3A_316 = arith.select %and3A_310, %add3A_313, %broadcast_in_dim3A_315 : vector<16xi1>, vector<16xi32>
          %swap3A = arith.constant 0 : i32
          %swap3A_317 = arith.index_cast %swap3A : i32 to index
          %swap3A_318 = arith.index_cast %mul3A_295 : i32 to index
          %swap3A_319 = tpu.vector_load %arg16[%swap3A_317, %swap3A_318] {strides = array<i32>} : memref<4x80xi32, #tpu.memory_space<vmem>>, vector<16xi32>,
          tpu.vector_store %arg16[%swap3A_317, %swap3A_318], %select_n3A_316 {strides = array<i32>} : memref<4x80xi32, #tpu.memory_space<vmem>>, vector<16xi32>,
          %jit3A_320 = arith.constant 5120 : i32
          %broadcast_in_dim3A_321 = vector.broadcast %jit3A_320 : i32 to vector<16xi32>
          %select_n3A_322 = arith.select %and3A_310, %sub3A_305, %broadcast_in_dim3A_321 : vector<16xi1>, vector<16xi32>
          %swap3A_323 = arith.constant 1 : i32
          %swap3A_324 = arith.index_cast %swap3A_323 : i32 to index
          %swap3A_325 = arith.index_cast %mul3A_295 : i32 to index
          %swap3A_326 = tpu.vector_load %arg16[%swap3A_324, %swap3A_325] {strides = array<i32>} : memref<4x80xi32, #tpu.memory_space<vmem>>, vector<16xi32>,
          tpu.vector_store %arg16[%swap3A_324, %swap3A_325], %select_n3A_322 {strides = array<i32>} : memref<4x80xi32, #tpu.memory_space<vmem>>, vector<16xi32>,
          %scan3A_327 = arith.constant 0 : i32
          scf.yield %scan3A_327 : i32
        }
        %scan3A_120 = arith.constant 5 : i32
        %dma_start3A = arith.constant 0 : i32
        %dma_start3A_121 = arith.constant 0 : i32
        %dma_start3A_122 = tpu.memref_slice %arg16[%dma_start3A, %dma_start3A_121] : memref<4x80xi32, #tpu.memory_space<vmem>> -> memref<1x80xi32, #tpu.memory_space<vmem>>
        %dma_start3A_123 = tpu.memref_squeeze %dma_start3A_122 : memref<1x80xi32, #tpu.memory_space<vmem>> -> memref<80xi32, #tpu.memory_space<vmem>>
        %dma_start3A_124 = arith.constant 0 : i32
        %dma_start3A_125 = arith.constant 0 : i32
        %dma_start3A_126 = tpu.memref_slice %arg2[%dma_start3A_124, %dma_start3A_125] : memref<20000x128xf32, #tpu.memory_space<hbm>> -> memref<20000x128xf32, #tpu.memory_space<hbm>>
        %dma_start3A_127 = arith.constant -1 : i32
        tpu.enqueue_indirect_dma source(%dma_start3A_126 : memref<20000x128xf32, #tpu.memory_space<hbm>>) target(%arg9 : memref<80x128xf32, #tpu.memory_space<vmem>>) offsets(%dma_start3A_123 : memref<80xi32, #tpu.memory_space<vmem>>) offset_filter(%dma_start3A_127) semaphore(%arg18 : memref<!tpu.dma_semaphore, #tpu.memory_space<semaphore_mem>>)
        %jit3A_128 = arith.constant 5 : i32
        %div3A_129 = arith.divsi %add3A_92, %jit3A_128 : i32
        %sign3A_130 = arith.constant 0 : i32
        %sign3A_131 = arith.cmpi sgt, %add3A_92, %sign3A_130 : i32
        %sign3A_132 = arith.extui %sign3A_131 : i1 to i32
        %sign3A_133 = arith.constant 0 : i32
        %sign3A_134 = arith.cmpi slt, %add3A_92, %sign3A_133 : i32
        %sign3A_135 = arith.extui %sign3A_134 : i1 to i32
        %sign3A_136 = arith.subi %sign3A_132, %sign3A_135 : i32
        %sign3A_137 = arith.constant 0 : i32
        %sign3A_138 = arith.cmpi sgt, %jit3A_128, %sign3A_137 : i32
        %sign3A_139 = arith.extui %sign3A_138 : i1 to i32
        %sign3A_140 = arith.constant 0 : i32
        %sign3A_141 = arith.cmpi slt, %jit3A_128, %sign3A_140 : i32
        %sign3A_142 = arith.extui %sign3A_141 : i1 to i32
        %sign3A_143 = arith.subi %sign3A_139, %sign3A_142 : i32
        %ne3A_144 = arith.cmpi ne, %sign3A_136, %sign3A_143 : i32
        %rem3A_145 = arith.remsi %add3A_92, %jit3A_128 : i32
        %ne3A_146 = arith.constant 0 : i32
        %ne3A_147 = arith.cmpi ne, %rem3A_145, %ne3A_146 : i32
        %and3A_148 = arith.andi %ne3A_144, %ne3A_147 : i1
        %sub3A_149 = arith.constant 1 : i32
        %sub3A_150 = arith.subi %div3A_129, %sub3A_149 : i32
        %select_n3A_151 = arith.select %and3A_148, %sub3A_150, %div3A_129 : i32
        %mul3A_152 = arith.constant 80 : i32
        %mul3A_153 = arith.muli %add3A_92, %mul3A_152 : i32
        %mul3A_154 = arith.constant 400 : i32
        %mul3A_155 = arith.muli %select_n3A_151, %mul3A_154 : i32
        %sub3A_156 = arith.subi %mul3A_153, %mul3A_155 : i32
        %scan3A_157 = arith.constant 0 : i32
        %scan3A_158 = arith.constant 0 : i32
        %scan3A_159 = arith.constant 5 : i32
        %scan3A_160 = arith.addi %scan3A_158, %scan3A_159 : i32
        %scan3A_161 = arith.constant 1 : i32
        %scan3A_162 = scf.for %scan3A_292 = %scan3A_158 to %scan3A_160 step %scan3A_161 iter_args(%scan3A_293 = %scan3A_157) -> (i32)  : i32 {
          %mul3A_294 = arith.constant 16 : i32
          %mul3A_295 = arith.muli %scan3A_292, %mul3A_294 : i32
          %mul3A_296 = arith.constant 800 : i32
          %mul3A_297 = arith.muli %select_n3A_151, %mul3A_296 : i32
          %add3A_298 = arith.addi %mul3A_297, %sub3A_156 : i32
          %mul3A_299 = arith.constant 16 : i32
          %mul3A_300 = arith.muli %scan3A_292, %mul3A_299 : i32
          %add3A_301 = arith.addi %add3A_298, %mul3A_300 : i32
          %add3A_302 = arith.constant 400 : i32
          %add3A_303 = arith.addi %add3A_301, %add3A_302 : i32
          %get3A = arith.index_cast %add3A_303 : i32 to index
          %get3A_304 = tpu.vector_load %arg13[%get3A] {strides = array<i32>} : memref<1600xi32, #tpu.memory_space<vmem>>, vector<16xi32>,
          %sub3A_305 = arith.subi %get3A_304, %broadcast_in_dim3A_29 : vector<16xi32>
          %ge3A = arith.constant 0 : i32
          %ge3A_306 = vector.broadcast %ge3A : i32 to vector<16xi32>
          %ge3A_307 = arith.cmpi sge, %sub3A_305, %ge3A_306 : vector<16xi32>
          %lt3A = arith.constant 5120 : i32
          %lt3A_308 = vector.broadcast %lt3A : i32 to vector<16xi32>
          %lt3A_309 = arith.cmpi slt, %sub3A_305, %lt3A_308 : vector<16xi32>
          %and3A_310 = arith.andi %ge3A_307, %lt3A_309 : vector<16xi1>
          %get3A_311 = arith.index_cast %add3A_301 : i32 to index
          %get3A_312 = tpu.vector_load %arg13[%get3A_311] {strides = array<i32>} : memref<1600xi32, #tpu.memory_space<vmem>>, vector<16xi32>,
          %add3A_313 = arith.addi %get3A_312, %mul3A_3 : vector<16xi32>
          %jit3A_314 = arith.constant -1 : i32
          %broadcast_in_dim3A_315 = vector.broadcast %jit3A_314 : i32 to vector<16xi32>
          %select_n3A_316 = arith.select %and3A_310, %add3A_313, %broadcast_in_dim3A_315 : vector<16xi1>, vector<16xi32>
          %swap3A = arith.constant 2 : i32
          %swap3A_317 = arith.index_cast %swap3A : i32 to index
          %swap3A_318 = arith.index_cast %mul3A_295 : i32 to index
          %swap3A_319 = tpu.vector_load %arg16[%swap3A_317, %swap3A_318] {strides = array<i32>} : memref<4x80xi32, #tpu.memory_space<vmem>>, vector<16xi32>,
          tpu.vector_store %arg16[%swap3A_317, %swap3A_318], %select_n3A_316 {strides = array<i32>} : memref<4x80xi32, #tpu.memory_space<vmem>>, vector<16xi32>,
          %jit3A_320 = arith.constant 5120 : i32
          %broadcast_in_dim3A_321 = vector.broadcast %jit3A_320 : i32 to vector<16xi32>
          %select_n3A_322 = arith.select %and3A_310, %sub3A_305, %broadcast_in_dim3A_321 : vector<16xi1>, vector<16xi32>
          %swap3A_323 = arith.constant 3 : i32
          %swap3A_324 = arith.index_cast %swap3A_323 : i32 to index
          %swap3A_325 = arith.index_cast %mul3A_295 : i32 to index
          %swap3A_326 = tpu.vector_load %arg16[%swap3A_324, %swap3A_325] {strides = array<i32>} : memref<4x80xi32, #tpu.memory_space<vmem>>, vector<16xi32>,
          tpu.vector_store %arg16[%swap3A_324, %swap3A_325], %select_n3A_322 {strides = array<i32>} : memref<4x80xi32, #tpu.memory_space<vmem>>, vector<16xi32>,
          %scan3A_327 = arith.constant 0 : i32
          scf.yield %scan3A_327 : i32
        }
        %scan3A_163 = arith.constant 5 : i32
        %dma_start3A_164 = arith.constant 2 : i32
        %dma_start3A_165 = arith.constant 0 : i32
        %dma_start3A_166 = tpu.memref_slice %arg16[%dma_start3A_164, %dma_start3A_165] : memref<4x80xi32, #tpu.memory_space<vmem>> -> memref<1x80xi32, #tpu.memory_space<vmem>>
        %dma_start3A_167 = tpu.memref_squeeze %dma_start3A_166 : memref<1x80xi32, #tpu.memory_space<vmem>> -> memref<80xi32, #tpu.memory_space<vmem>>
        %dma_start3A_168 = arith.constant 0 : i32
        %dma_start3A_169 = arith.constant 0 : i32
        %dma_start3A_170 = tpu.memref_slice %arg2[%dma_start3A_168, %dma_start3A_169] : memref<20000x128xf32, #tpu.memory_space<hbm>> -> memref<20000x128xf32, #tpu.memory_space<hbm>>
        %dma_start3A_171 = arith.constant -1 : i32
        tpu.enqueue_indirect_dma source(%dma_start3A_170 : memref<20000x128xf32, #tpu.memory_space<hbm>>) target(%arg10 : memref<80x128xf32, #tpu.memory_space<vmem>>) offsets(%dma_start3A_167 : memref<80xi32, #tpu.memory_space<vmem>>) offset_filter(%dma_start3A_171) semaphore(%arg19 : memref<!tpu.dma_semaphore, #tpu.memory_space<semaphore_mem>>)
        %dma_wait3A = arith.constant 0 : i32
        %dma_wait3A_172 = arith.constant 0 : i32
        %dma_wait3A_173 = tpu.memref_slice %arg16[%dma_wait3A, %dma_wait3A_172] : memref<4x80xi32, #tpu.memory_space<vmem>> -> memref<1x80xi32, #tpu.memory_space<vmem>>
        %dma_wait3A_174 = tpu.memref_squeeze %dma_wait3A_173 : memref<1x80xi32, #tpu.memory_space<vmem>> -> memref<80xi32, #tpu.memory_space<vmem>>
        %dma_wait3A_175 = arith.constant 0 : i32
        %dma_wait3A_176 = arith.constant 0 : i32
        %dma_wait3A_177 = tpu.memref_slice %arg2[%dma_wait3A_175, %dma_wait3A_176] : memref<20000x128xf32, #tpu.memory_space<hbm>> -> memref<20000x128xf32, #tpu.memory_space<hbm>>
        tpu.wait_indirect_dma semaphore(%arg18 : memref<!tpu.dma_semaphore, #tpu.memory_space<semaphore_mem>>) src(%dma_wait3A_177 : memref<20000x128xf32, #tpu.memory_space<hbm>>) dst(%arg9 : memref<80x128xf32, #tpu.memory_space<vmem>>)
        %jit3A_178 = arith.constant 5 : i32
        %div3A_179 = arith.divsi %mul3A_88, %jit3A_178 : i32
        %sign3A_180 = arith.constant 0 : i32
        %sign3A_181 = arith.cmpi sgt, %mul3A_88, %sign3A_180 : i32
        %sign3A_182 = arith.extui %sign3A_181 : i1 to i32
        %sign3A_183 = arith.constant 0 : i32
        %sign3A_184 = arith.cmpi slt, %mul3A_88, %sign3A_183 : i32
        %sign3A_185 = arith.extui %sign3A_184 : i1 to i32
        %sign3A_186 = arith.subi %sign3A_182, %sign3A_185 : i32
        %sign3A_187 = arith.constant 0 : i32
        %sign3A_188 = arith.cmpi sgt, %jit3A_178, %sign3A_187 : i32
        %sign3A_189 = arith.extui %sign3A_188 : i1 to i32
        %sign3A_190 = arith.constant 0 : i32
        %sign3A_191 = arith.cmpi slt, %jit3A_178, %sign3A_190 : i32
        %sign3A_192 = arith.extui %sign3A_191 : i1 to i32
        %sign3A_193 = arith.subi %sign3A_189, %sign3A_192 : i32
        %ne3A_194 = arith.cmpi ne, %sign3A_186, %sign3A_193 : i32
        %rem3A_195 = arith.remsi %mul3A_88, %jit3A_178 : i32
        %ne3A_196 = arith.constant 0 : i32
        %ne3A_197 = arith.cmpi ne, %rem3A_195, %ne3A_196 : i32
        %and3A_198 = arith.andi %ne3A_194, %ne3A_197 : i1
        %sub3A_199 = arith.constant 1 : i32
        %sub3A_200 = arith.subi %div3A_179, %sub3A_199 : i32
        %select_n3A_201 = arith.select %and3A_198, %sub3A_200, %div3A_179 : i32
        %mul3A_202 = arith.constant 80 : i32
        %mul3A_203 = arith.muli %mul3A_88, %mul3A_202 : i32
        %mul3A_204 = arith.constant 400 : i32
        %mul3A_205 = arith.muli %select_n3A_201, %mul3A_204 : i32
        %sub3A_206 = arith.subi %mul3A_203, %mul3A_205 : i32
        %broadcast_in_dim3A_207 = arith.constant 1 : i32
        %broadcast_in_dim3A_208 = vector.broadcast %broadcast_in_dim3A_207 : i32 to vector<16xi32>
        %scan3A_209 = arith.constant 0 : i32
        %scan3A_210 = arith.constant 0 : i32
        %scan3A_211 = arith.constant 80 : i32
        %scan3A_212 = arith.addi %scan3A_210, %scan3A_211 : i32
        %scan3A_213 = arith.constant 1 : i32
        %scan3A_214 = scf.for %scan3A_292 = %scan3A_210 to %scan3A_212 step %scan3A_213 iter_args(%scan3A_293 = %scan3A_209) -> (i32)  : i32 {
          %mul3A_294 = vector.broadcast %scan3A_292 : i32 to vector<16xi32>
          %mul3A_295 = arith.muli %broadcast_in_dim3A_208, %mul3A_294 : vector<16xi32>
          %mul3A_296 = arith.constant 3200 : i32
          %mul3A_297 = arith.muli %select_n3A_201, %mul3A_296 : i32
          %add3A_298 = arith.addi %mul3A_297, %sub3A_206 : i32
          %add3A_299 = arith.addi %add3A_298, %scan3A_292 : i32
          %add3A_300 = arith.constant 0 : i32
          %add3A_301 = vector.broadcast %add3A_300 : i32 to vector<16xi32>
          %add3A_302 = arith.addi %iota3A, %add3A_301 : vector<16xi32>
          %add3A_303 = arith.constant 0 : i32
          %add3A_304 = arith.addi %add3A_299, %add3A_303 : i32
          %mul3A_305 = vector.broadcast %add3A_304 : i32 to vector<16xi32>
          %mul3A_306 = arith.muli %broadcast_in_dim3A_208, %mul3A_305 : vector<16xi32>
          %gather3A = tpu.vector_load_idx %arg14[%mul3A_306] : memref<6400xf32, #tpu.memory_space<vmem>>[vector<16xi32>], vector<16xf32>,
          %gather3A_307 = tpu.vector_load_idx %arg9[%mul3A_295, %add3A_302] : memref<80x128xf32, #tpu.memory_space<vmem>>[vector<16xi32>, vector<16xi32>], vector<16xf32>,
          %mul3A_308 = arith.mulf %gather3A_307, %gather3A : vector<16xf32>
          tpu.vector_store_idx %arg11[%mul3A_295, %add3A_302], %mul3A_308 : memref<80x128xf32, #tpu.memory_space<vmem>>[vector<16xi32>, vector<16xi32>], vector<16xf32>,
          %add3A_309 = arith.constant 16 : i32
          %add3A_310 = vector.broadcast %add3A_309 : i32 to vector<16xi32>
          %add3A_311 = arith.addi %iota3A, %add3A_310 : vector<16xi32>
          %add3A_312 = arith.constant 400 : i32
          %add3A_313 = arith.addi %add3A_299, %add3A_312 : i32
          %mul3A_314 = vector.broadcast %add3A_313 : i32 to vector<16xi32>
          %mul3A_315 = arith.muli %broadcast_in_dim3A_208, %mul3A_314 : vector<16xi32>
          %gather3A_316 = tpu.vector_load_idx %arg14[%mul3A_315] : memref<6400xf32, #tpu.memory_space<vmem>>[vector<16xi32>], vector<16xf32>,
          %gather3A_317 = tpu.vector_load_idx %arg9[%mul3A_295, %add3A_311] : memref<80x128xf32, #tpu.memory_space<vmem>>[vector<16xi32>, vector<16xi32>], vector<16xf32>,
          %mul3A_318 = arith.mulf %gather3A_317, %gather3A_316 : vector<16xf32>
          tpu.vector_store_idx %arg11[%mul3A_295, %add3A_311], %mul3A_318 : memref<80x128xf32, #tpu.memory_space<vmem>>[vector<16xi32>, vector<16xi32>], vector<16xf32>,
          %add3A_319 = arith.constant 32 : i32
          %add3A_320 = vector.broadcast %add3A_319 : i32 to vector<16xi32>
          %add3A_321 = arith.addi %iota3A, %add3A_320 : vector<16xi32>
          %add3A_322 = arith.constant 800 : i32
          %add3A_323 = arith.addi %add3A_299, %add3A_322 : i32
          %mul3A_324 = vector.broadcast %add3A_323 : i32 to vector<16xi32>
          %mul3A_325 = arith.muli %broadcast_in_dim3A_208, %mul3A_324 : vector<16xi32>
          %gather3A_326 = tpu.vector_load_idx %arg14[%mul3A_325] : memref<6400xf32, #tpu.memory_space<vmem>>[vector<16xi32>], vector<16xf32>,
          %gather3A_327 = tpu.vector_load_idx %arg9[%mul3A_295, %add3A_321] : memref<80x128xf32, #tpu.memory_space<vmem>>[vector<16xi32>, vector<16xi32>], vector<16xf32>,
          %mul3A_328 = arith.mulf %gather3A_327, %gather3A_326 : vector<16xf32>
          tpu.vector_store_idx %arg11[%mul3A_295, %add3A_321], %mul3A_328 : memref<80x128xf32, #tpu.memory_space<vmem>>[vector<16xi32>, vector<16xi32>], vector<16xf32>,
          %add3A_329 = arith.constant 48 : i32
          %add3A_330 = vector.broadcast %add3A_329 : i32 to vector<16xi32>
          %add3A_331 = arith.addi %iota3A, %add3A_330 : vector<16xi32>
          %add3A_332 = arith.constant 1200 : i32
          %add3A_333 = arith.addi %add3A_299, %add3A_332 : i32
          %mul3A_334 = vector.broadcast %add3A_333 : i32 to vector<16xi32>
          %mul3A_335 = arith.muli %broadcast_in_dim3A_208, %mul3A_334 : vector<16xi32>
          %gather3A_336 = tpu.vector_load_idx %arg14[%mul3A_335] : memref<6400xf32, #tpu.memory_space<vmem>>[vector<16xi32>], vector<16xf32>,
          %gather3A_337 = tpu.vector_load_idx %arg9[%mul3A_295, %add3A_331] : memref<80x128xf32, #tpu.memory_space<vmem>>[vector<16xi32>, vector<16xi32>], vector<16xf32>,
          %mul3A_338 = arith.mulf %gather3A_337, %gather3A_336 : vector<16xf32>
          tpu.vector_store_idx %arg11[%mul3A_295, %add3A_331], %mul3A_338 : memref<80x128xf32, #tpu.memory_space<vmem>>[vector<16xi32>, vector<16xi32>], vector<16xf32>,
          %add3A_339 = arith.constant 64 : i32
          %add3A_340 = vector.broadcast %add3A_339 : i32 to vector<16xi32>
          %add3A_341 = arith.addi %iota3A, %add3A_340 : vector<16xi32>
          %add3A_342 = arith.constant 1600 : i32
          %add3A_343 = arith.addi %add3A_299, %add3A_342 : i32
          %mul3A_344 = vector.broadcast %add3A_343 : i32 to vector<16xi32>
          %mul3A_345 = arith.muli %broadcast_in_dim3A_208, %mul3A_344 : vector<16xi32>
          %gather3A_346 = tpu.vector_load_idx %arg14[%mul3A_345] : memref<6400xf32, #tpu.memory_space<vmem>>[vector<16xi32>], vector<16xf32>,
          %gather3A_347 = tpu.vector_load_idx %arg9[%mul3A_295, %add3A_341] : memref<80x128xf32, #tpu.memory_space<vmem>>[vector<16xi32>, vector<16xi32>], vector<16xf32>,
          %mul3A_348 = arith.mulf %gather3A_347, %gather3A_346 : vector<16xf32>
          tpu.vector_store_idx %arg11[%mul3A_295, %add3A_341], %mul3A_348 : memref<80x128xf32, #tpu.memory_space<vmem>>[vector<16xi32>, vector<16xi32>], vector<16xf32>,
          %add3A_349 = arith.constant 80 : i32
          %add3A_350 = vector.broadcast %add3A_349 : i32 to vector<16xi32>
          %add3A_351 = arith.addi %iota3A, %add3A_350 : vector<16xi32>
          %add3A_352 = arith.constant 2000 : i32
          %add3A_353 = arith.addi %add3A_299, %add3A_352 : i32
          %mul3A_354 = vector.broadcast %add3A_353 : i32 to vector<16xi32>
          %mul3A_355 = arith.muli %broadcast_in_dim3A_208, %mul3A_354 : vector<16xi32>
          %gather3A_356 = tpu.vector_load_idx %arg14[%mul3A_355] : memref<6400xf32, #tpu.memory_space<vmem>>[vector<16xi32>], vector<16xf32>,
          %gather3A_357 = tpu.vector_load_idx %arg9[%mul3A_295, %add3A_351] : memref<80x128xf32, #tpu.memory_space<vmem>>[vector<16xi32>, vector<16xi32>], vector<16xf32>,
          %mul3A_358 = arith.mulf %gather3A_357, %gather3A_356 : vector<16xf32>
          tpu.vector_store_idx %arg11[%mul3A_295, %add3A_351], %mul3A_358 : memref<80x128xf32, #tpu.memory_space<vmem>>[vector<16xi32>, vector<16xi32>], vector<16xf32>,
          %add3A_359 = arith.constant 96 : i32
          %add3A_360 = vector.broadcast %add3A_359 : i32 to vector<16xi32>
          %add3A_361 = arith.addi %iota3A, %add3A_360 : vector<16xi32>
          %add3A_362 = arith.constant 2400 : i32
          %add3A_363 = arith.addi %add3A_299, %add3A_362 : i32
          %mul3A_364 = vector.broadcast %add3A_363 : i32 to vector<16xi32>
          %mul3A_365 = arith.muli %broadcast_in_dim3A_208, %mul3A_364 : vector<16xi32>
          %gather3A_366 = tpu.vector_load_idx %arg14[%mul3A_365] : memref<6400xf32, #tpu.memory_space<vmem>>[vector<16xi32>], vector<16xf32>,
          %gather3A_367 = tpu.vector_load_idx %arg9[%mul3A_295, %add3A_361] : memref<80x128xf32, #tpu.memory_space<vmem>>[vector<16xi32>, vector<16xi32>], vector<16xf32>,
          %mul3A_368 = arith.mulf %gather3A_367, %gather3A_366 : vector<16xf32>
          tpu.vector_store_idx %arg11[%mul3A_295, %add3A_361], %mul3A_368 : memref<80x128xf32, #tpu.memory_space<vmem>>[vector<16xi32>, vector<16xi32>], vector<16xf32>,
          %add3A_369 = arith.constant 112 : i32
          %add3A_370 = vector.broadcast %add3A_369 : i32 to vector<16xi32>
          %add3A_371 = arith.addi %iota3A, %add3A_370 : vector<16xi32>
          %add3A_372 = arith.constant 2800 : i32
          %add3A_373 = arith.addi %add3A_299, %add3A_372 : i32
          %mul3A_374 = vector.broadcast %add3A_373 : i32 to vector<16xi32>
          %mul3A_375 = arith.muli %broadcast_in_dim3A_208, %mul3A_374 : vector<16xi32>
          %gather3A_376 = tpu.vector_load_idx %arg14[%mul3A_375] : memref<6400xf32, #tpu.memory_space<vmem>>[vector<16xi32>], vector<16xf32>,
          %gather3A_377 = tpu.vector_load_idx %arg9[%mul3A_295, %add3A_371] : memref<80x128xf32, #tpu.memory_space<vmem>>[vector<16xi32>, vector<16xi32>], vector<16xf32>,
          %mul3A_378 = arith.mulf %gather3A_377, %gather3A_376 : vector<16xf32>
          tpu.vector_store_idx %arg11[%mul3A_295, %add3A_371], %mul3A_378 : memref<80x128xf32, #tpu.memory_space<vmem>>[vector<16xi32>, vector<16xi32>], vector<16xf32>,
          %scan3A_379 = arith.constant 0 : i32
          scf.yield %scan3A_379 : i32
        }
        %scan3A_215 = arith.constant 80 : i32
        %dma_start3A_216 = arith.constant 1 : i32
        %dma_start3A_217 = arith.constant 0 : i32
        %dma_start3A_218 = tpu.memref_slice %arg16[%dma_start3A_216, %dma_start3A_217] : memref<4x80xi32, #tpu.memory_space<vmem>> -> memref<1x80xi32, #tpu.memory_space<vmem>>
        %dma_start3A_219 = tpu.memref_squeeze %dma_start3A_218 : memref<1x80xi32, #tpu.memory_space<vmem>> -> memref<80xi32, #tpu.memory_space<vmem>>
        %dma_start3A_220 = arith.constant 0 : i32
        %dma_start3A_221 = arith.constant 0 : i32
        %dma_start3A_222 = tpu.memref_slice %arg17[%dma_start3A_220, %dma_start3A_221] : memref<5128x128xf32, #tpu.memory_space<vmem_shared>> -> memref<5128x128xf32, #tpu.memory_space<vmem_shared>>
        %dma_start3A_223 = arith.constant 5120 : i32
        tpu.enqueue_indirect_dma source(%arg11 : memref<80x128xf32, #tpu.memory_space<vmem>>) target(%dma_start3A_222 : memref<5128x128xf32, #tpu.memory_space<vmem_shared>>) offsets(%dma_start3A_219 : memref<80xi32, #tpu.memory_space<vmem>>) offset_filter(%dma_start3A_223) semaphore(%arg20 : memref<!tpu.dma_semaphore, #tpu.memory_space<semaphore_mem>>) {add = true}
        %dma_wait3A_224 = arith.constant 2 : i32
        %dma_wait3A_225 = arith.constant 0 : i32
        %dma_wait3A_226 = tpu.memref_slice %arg16[%dma_wait3A_224, %dma_wait3A_225] : memref<4x80xi32, #tpu.memory_space<vmem>> -> memref<1x80xi32, #tpu.memory_space<vmem>>
        %dma_wait3A_227 = tpu.memref_squeeze %dma_wait3A_226 : memref<1x80xi32, #tpu.memory_space<vmem>> -> memref<80xi32, #tpu.memory_space<vmem>>
        %dma_wait3A_228 = arith.constant 0 : i32
        %dma_wait3A_229 = arith.constant 0 : i32
        %dma_wait3A_230 = tpu.memref_slice %arg2[%dma_wait3A_228, %dma_wait3A_229] : memref<20000x128xf32, #tpu.memory_space<hbm>> -> memref<20000x128xf32, #tpu.memory_space<hbm>>
        tpu.wait_indirect_dma semaphore(%arg19 : memref<!tpu.dma_semaphore, #tpu.memory_space<semaphore_mem>>) src(%dma_wait3A_230 : memref<20000x128xf32, #tpu.memory_space<hbm>>) dst(%arg10 : memref<80x128xf32, #tpu.memory_space<vmem>>)
        %jit3A_231 = arith.constant 5 : i32
        %div3A_232 = arith.divsi %add3A_92, %jit3A_231 : i32
        %sign3A_233 = arith.constant 0 : i32
        %sign3A_234 = arith.cmpi sgt, %add3A_92, %sign3A_233 : i32
        %sign3A_235 = arith.extui %sign3A_234 : i1 to i32
        %sign3A_236 = arith.constant 0 : i32
        %sign3A_237 = arith.cmpi slt, %add3A_92, %sign3A_236 : i32
        %sign3A_238 = arith.extui %sign3A_237 : i1 to i32
        %sign3A_239 = arith.subi %sign3A_235, %sign3A_238 : i32
        %sign3A_240 = arith.constant 0 : i32
        %sign3A_241 = arith.cmpi sgt, %jit3A_231, %sign3A_240 : i32
        %sign3A_242 = arith.extui %sign3A_241 : i1 to i32
        %sign3A_243 = arith.constant 0 : i32
        %sign3A_244 = arith.cmpi slt, %jit3A_231, %sign3A_243 : i32
        %sign3A_245 = arith.extui %sign3A_244 : i1 to i32
        %sign3A_246 = arith.subi %sign3A_242, %sign3A_245 : i32
        %ne3A_247 = arith.cmpi ne, %sign3A_239, %sign3A_246 : i32
        %rem3A_248 = arith.remsi %add3A_92, %jit3A_231 : i32
        %ne3A_249 = arith.constant 0 : i32
        %ne3A_250 = arith.cmpi ne, %rem3A_248, %ne3A_249 : i32
        %and3A_251 = arith.andi %ne3A_247, %ne3A_250 : i1
        %sub3A_252 = arith.constant 1 : i32
        %sub3A_253 = arith.subi %div3A_232, %sub3A_252 : i32
        %select_n3A_254 = arith.select %and3A_251, %sub3A_253, %div3A_232 : i32
        %mul3A_255 = arith.constant 80 : i32
        %mul3A_256 = arith.muli %add3A_92, %mul3A_255 : i32
        %mul3A_257 = arith.constant 400 : i32
        %mul3A_258 = arith.muli %select_n3A_254, %mul3A_257 : i32
        %sub3A_259 = arith.subi %mul3A_256, %mul3A_258 : i32
        %broadcast_in_dim3A_260 = arith.constant 1 : i32
        %broadcast_in_dim3A_261 = vector.broadcast %broadcast_in_dim3A_260 : i32 to vector<16xi32>
        %scan3A_262 = arith.constant 0 : i32
        %scan3A_263 = arith.constant 0 : i32
        %scan3A_264 = arith.constant 80 : i32
        %scan3A_265 = arith.addi %scan3A_263, %scan3A_264 : i32
        %scan3A_266 = arith.constant 1 : i32
        %scan3A_267 = scf.for %scan3A_292 = %scan3A_263 to %scan3A_265 step %scan3A_266 iter_args(%scan3A_293 = %scan3A_262) -> (i32)  : i32 {
          %mul3A_294 = vector.broadcast %scan3A_292 : i32 to vector<16xi32>
          %mul3A_295 = arith.muli %broadcast_in_dim3A_261, %mul3A_294 : vector<16xi32>
          %mul3A_296 = arith.constant 3200 : i32
          %mul3A_297 = arith.muli %select_n3A_254, %mul3A_296 : i32
          %add3A_298 = arith.addi %mul3A_297, %sub3A_259 : i32
          %add3A_299 = arith.addi %add3A_298, %scan3A_292 : i32
          %add3A_300 = arith.constant 0 : i32
          %add3A_301 = vector.broadcast %add3A_300 : i32 to vector<16xi32>
          %add3A_302 = arith.addi %iota3A, %add3A_301 : vector<16xi32>
          %add3A_303 = arith.constant 0 : i32
          %add3A_304 = arith.addi %add3A_299, %add3A_303 : i32
          %mul3A_305 = vector.broadcast %add3A_304 : i32 to vector<16xi32>
          %mul3A_306 = arith.muli %broadcast_in_dim3A_261, %mul3A_305 : vector<16xi32>
          %gather3A = tpu.vector_load_idx %arg14[%mul3A_306] : memref<6400xf32, #tpu.memory_space<vmem>>[vector<16xi32>], vector<16xf32>,
          %gather3A_307 = tpu.vector_load_idx %arg10[%mul3A_295, %add3A_302] : memref<80x128xf32, #tpu.memory_space<vmem>>[vector<16xi32>, vector<16xi32>], vector<16xf32>,
          %mul3A_308 = arith.mulf %gather3A_307, %gather3A : vector<16xf32>
          tpu.vector_store_idx %arg12[%mul3A_295, %add3A_302], %mul3A_308 : memref<80x128xf32, #tpu.memory_space<vmem>>[vector<16xi32>, vector<16xi32>], vector<16xf32>,
          %add3A_309 = arith.constant 16 : i32
          %add3A_310 = vector.broadcast %add3A_309 : i32 to vector<16xi32>
          %add3A_311 = arith.addi %iota3A, %add3A_310 : vector<16xi32>
          %add3A_312 = arith.constant 400 : i32
          %add3A_313 = arith.addi %add3A_299, %add3A_312 : i32
          %mul3A_314 = vector.broadcast %add3A_313 : i32 to vector<16xi32>
          %mul3A_315 = arith.muli %broadcast_in_dim3A_261, %mul3A_314 : vector<16xi32>
          %gather3A_316 = tpu.vector_load_idx %arg14[%mul3A_315] : memref<6400xf32, #tpu.memory_space<vmem>>[vector<16xi32>], vector<16xf32>,
          %gather3A_317 = tpu.vector_load_idx %arg10[%mul3A_295, %add3A_311] : memref<80x128xf32, #tpu.memory_space<vmem>>[vector<16xi32>, vector<16xi32>], vector<16xf32>,
          %mul3A_318 = arith.mulf %gather3A_317, %gather3A_316 : vector<16xf32>
          tpu.vector_store_idx %arg12[%mul3A_295, %add3A_311], %mul3A_318 : memref<80x128xf32, #tpu.memory_space<vmem>>[vector<16xi32>, vector<16xi32>], vector<16xf32>,
          %add3A_319 = arith.constant 32 : i32
          %add3A_320 = vector.broadcast %add3A_319 : i32 to vector<16xi32>
          %add3A_321 = arith.addi %iota3A, %add3A_320 : vector<16xi32>
          %add3A_322 = arith.constant 800 : i32
          %add3A_323 = arith.addi %add3A_299, %add3A_322 : i32
          %mul3A_324 = vector.broadcast %add3A_323 : i32 to vector<16xi32>
          %mul3A_325 = arith.muli %broadcast_in_dim3A_261, %mul3A_324 : vector<16xi32>
          %gather3A_326 = tpu.vector_load_idx %arg14[%mul3A_325] : memref<6400xf32, #tpu.memory_space<vmem>>[vector<16xi32>], vector<16xf32>,
          %gather3A_327 = tpu.vector_load_idx %arg10[%mul3A_295, %add3A_321] : memref<80x128xf32, #tpu.memory_space<vmem>>[vector<16xi32>, vector<16xi32>], vector<16xf32>,
          %mul3A_328 = arith.mulf %gather3A_327, %gather3A_326 : vector<16xf32>
          tpu.vector_store_idx %arg12[%mul3A_295, %add3A_321], %mul3A_328 : memref<80x128xf32, #tpu.memory_space<vmem>>[vector<16xi32>, vector<16xi32>], vector<16xf32>,
          %add3A_329 = arith.constant 48 : i32
          %add3A_330 = vector.broadcast %add3A_329 : i32 to vector<16xi32>
          %add3A_331 = arith.addi %iota3A, %add3A_330 : vector<16xi32>
          %add3A_332 = arith.constant 1200 : i32
          %add3A_333 = arith.addi %add3A_299, %add3A_332 : i32
          %mul3A_334 = vector.broadcast %add3A_333 : i32 to vector<16xi32>
          %mul3A_335 = arith.muli %broadcast_in_dim3A_261, %mul3A_334 : vector<16xi32>
          %gather3A_336 = tpu.vector_load_idx %arg14[%mul3A_335] : memref<6400xf32, #tpu.memory_space<vmem>>[vector<16xi32>], vector<16xf32>,
          %gather3A_337 = tpu.vector_load_idx %arg10[%mul3A_295, %add3A_331] : memref<80x128xf32, #tpu.memory_space<vmem>>[vector<16xi32>, vector<16xi32>], vector<16xf32>,
          %mul3A_338 = arith.mulf %gather3A_337, %gather3A_336 : vector<16xf32>
          tpu.vector_store_idx %arg12[%mul3A_295, %add3A_331], %mul3A_338 : memref<80x128xf32, #tpu.memory_space<vmem>>[vector<16xi32>, vector<16xi32>], vector<16xf32>,
          %add3A_339 = arith.constant 64 : i32
          %add3A_340 = vector.broadcast %add3A_339 : i32 to vector<16xi32>
          %add3A_341 = arith.addi %iota3A, %add3A_340 : vector<16xi32>
          %add3A_342 = arith.constant 1600 : i32
          %add3A_343 = arith.addi %add3A_299, %add3A_342 : i32
          %mul3A_344 = vector.broadcast %add3A_343 : i32 to vector<16xi32>
          %mul3A_345 = arith.muli %broadcast_in_dim3A_261, %mul3A_344 : vector<16xi32>
          %gather3A_346 = tpu.vector_load_idx %arg14[%mul3A_345] : memref<6400xf32, #tpu.memory_space<vmem>>[vector<16xi32>], vector<16xf32>,
          %gather3A_347 = tpu.vector_load_idx %arg10[%mul3A_295, %add3A_341] : memref<80x128xf32, #tpu.memory_space<vmem>>[vector<16xi32>, vector<16xi32>], vector<16xf32>,
          %mul3A_348 = arith.mulf %gather3A_347, %gather3A_346 : vector<16xf32>
          tpu.vector_store_idx %arg12[%mul3A_295, %add3A_341], %mul3A_348 : memref<80x128xf32, #tpu.memory_space<vmem>>[vector<16xi32>, vector<16xi32>], vector<16xf32>,
          %add3A_349 = arith.constant 80 : i32
          %add3A_350 = vector.broadcast %add3A_349 : i32 to vector<16xi32>
          %add3A_351 = arith.addi %iota3A, %add3A_350 : vector<16xi32>
          %add3A_352 = arith.constant 2000 : i32
          %add3A_353 = arith.addi %add3A_299, %add3A_352 : i32
          %mul3A_354 = vector.broadcast %add3A_353 : i32 to vector<16xi32>
          %mul3A_355 = arith.muli %broadcast_in_dim3A_261, %mul3A_354 : vector<16xi32>
          %gather3A_356 = tpu.vector_load_idx %arg14[%mul3A_355] : memref<6400xf32, #tpu.memory_space<vmem>>[vector<16xi32>], vector<16xf32>,
          %gather3A_357 = tpu.vector_load_idx %arg10[%mul3A_295, %add3A_351] : memref<80x128xf32, #tpu.memory_space<vmem>>[vector<16xi32>, vector<16xi32>], vector<16xf32>,
          %mul3A_358 = arith.mulf %gather3A_357, %gather3A_356 : vector<16xf32>
          tpu.vector_store_idx %arg12[%mul3A_295, %add3A_351], %mul3A_358 : memref<80x128xf32, #tpu.memory_space<vmem>>[vector<16xi32>, vector<16xi32>], vector<16xf32>,
          %add3A_359 = arith.constant 96 : i32
          %add3A_360 = vector.broadcast %add3A_359 : i32 to vector<16xi32>
          %add3A_361 = arith.addi %iota3A, %add3A_360 : vector<16xi32>
          %add3A_362 = arith.constant 2400 : i32
          %add3A_363 = arith.addi %add3A_299, %add3A_362 : i32
          %mul3A_364 = vector.broadcast %add3A_363 : i32 to vector<16xi32>
          %mul3A_365 = arith.muli %broadcast_in_dim3A_261, %mul3A_364 : vector<16xi32>
          %gather3A_366 = tpu.vector_load_idx %arg14[%mul3A_365] : memref<6400xf32, #tpu.memory_space<vmem>>[vector<16xi32>], vector<16xf32>,
          %gather3A_367 = tpu.vector_load_idx %arg10[%mul3A_295, %add3A_361] : memref<80x128xf32, #tpu.memory_space<vmem>>[vector<16xi32>, vector<16xi32>], vector<16xf32>,
          %mul3A_368 = arith.mulf %gather3A_367, %gather3A_366 : vector<16xf32>
          tpu.vector_store_idx %arg12[%mul3A_295, %add3A_361], %mul3A_368 : memref<80x128xf32, #tpu.memory_space<vmem>>[vector<16xi32>, vector<16xi32>], vector<16xf32>,
          %add3A_369 = arith.constant 112 : i32
          %add3A_370 = vector.broadcast %add3A_369 : i32 to vector<16xi32>
          %add3A_371 = arith.addi %iota3A, %add3A_370 : vector<16xi32>
          %add3A_372 = arith.constant 2800 : i32
          %add3A_373 = arith.addi %add3A_299, %add3A_372 : i32
          %mul3A_374 = vector.broadcast %add3A_373 : i32 to vector<16xi32>
          %mul3A_375 = arith.muli %broadcast_in_dim3A_261, %mul3A_374 : vector<16xi32>
          %gather3A_376 = tpu.vector_load_idx %arg14[%mul3A_375] : memref<6400xf32, #tpu.memory_space<vmem>>[vector<16xi32>], vector<16xf32>,
          %gather3A_377 = tpu.vector_load_idx %arg10[%mul3A_295, %add3A_371] : memref<80x128xf32, #tpu.memory_space<vmem>>[vector<16xi32>, vector<16xi32>], vector<16xf32>,
          %mul3A_378 = arith.mulf %gather3A_377, %gather3A_376 : vector<16xf32>
          tpu.vector_store_idx %arg12[%mul3A_295, %add3A_371], %mul3A_378 : memref<80x128xf32, #tpu.memory_space<vmem>>[vector<16xi32>, vector<16xi32>], vector<16xf32>,
          %scan3A_379 = arith.constant 0 : i32
          scf.yield %scan3A_379 : i32
        }
        %scan3A_268 = arith.constant 80 : i32
        %dma_start3A_269 = arith.constant 3 : i32
        %dma_start3A_270 = arith.constant 0 : i32
        %dma_start3A_271 = tpu.memref_slice %arg16[%dma_start3A_269, %dma_start3A_270] : memref<4x80xi32, #tpu.memory_space<vmem>> -> memref<1x80xi32, #tpu.memory_space<vmem>>
        %dma_start3A_272 = tpu.memref_squeeze %dma_start3A_271 : memref<1x80xi32, #tpu.memory_space<vmem>> -> memref<80xi32, #tpu.memory_space<vmem>>
        %dma_start3A_273 = arith.constant 0 : i32
        %dma_start3A_274 = arith.constant 0 : i32
        %dma_start3A_275 = tpu.memref_slice %arg17[%dma_start3A_273, %dma_start3A_274] : memref<5128x128xf32, #tpu.memory_space<vmem_shared>> -> memref<5128x128xf32, #tpu.memory_space<vmem_shared>>
        %dma_start3A_276 = arith.constant 5120 : i32
        tpu.enqueue_indirect_dma source(%arg12 : memref<80x128xf32, #tpu.memory_space<vmem>>) target(%dma_start3A_275 : memref<5128x128xf32, #tpu.memory_space<vmem_shared>>) offsets(%dma_start3A_272 : memref<80xi32, #tpu.memory_space<vmem>>) offset_filter(%dma_start3A_276) semaphore(%arg21 : memref<!tpu.dma_semaphore, #tpu.memory_space<semaphore_mem>>) {add = true}
        %dma_wait3A_277 = arith.constant 1 : i32
        %dma_wait3A_278 = arith.constant 0 : i32
        %dma_wait3A_279 = tpu.memref_slice %arg16[%dma_wait3A_277, %dma_wait3A_278] : memref<4x80xi32, #tpu.memory_space<vmem>> -> memref<1x80xi32, #tpu.memory_space<vmem>>
        %dma_wait3A_280 = tpu.memref_squeeze %dma_wait3A_279 : memref<1x80xi32, #tpu.memory_space<vmem>> -> memref<80xi32, #tpu.memory_space<vmem>>
        %dma_wait3A_281 = arith.constant 0 : i32
        %dma_wait3A_282 = arith.constant 0 : i32
        %dma_wait3A_283 = tpu.memref_slice %arg17[%dma_wait3A_281, %dma_wait3A_282] : memref<5128x128xf32, #tpu.memory_space<vmem_shared>> -> memref<5128x128xf32, #tpu.memory_space<vmem_shared>>
        tpu.wait_indirect_dma semaphore(%arg20 : memref<!tpu.dma_semaphore, #tpu.memory_space<semaphore_mem>>) src(%arg11 : memref<80x128xf32, #tpu.memory_space<vmem>>) dst(%dma_wait3A_283 : memref<5128x128xf32, #tpu.memory_space<vmem_shared>>)
        %dma_wait3A_284 = arith.constant 3 : i32
        %dma_wait3A_285 = arith.constant 0 : i32
        %dma_wait3A_286 = tpu.memref_slice %arg16[%dma_wait3A_284, %dma_wait3A_285] : memref<4x80xi32, #tpu.memory_space<vmem>> -> memref<1x80xi32, #tpu.memory_space<vmem>>
        %dma_wait3A_287 = tpu.memref_squeeze %dma_wait3A_286 : memref<1x80xi32, #tpu.memory_space<vmem>> -> memref<80xi32, #tpu.memory_space<vmem>>
        %dma_wait3A_288 = arith.constant 0 : i32
        %dma_wait3A_289 = arith.constant 0 : i32
        %dma_wait3A_290 = tpu.memref_slice %arg17[%dma_wait3A_288, %dma_wait3A_289] : memref<5128x128xf32, #tpu.memory_space<vmem_shared>> -> memref<5128x128xf32, #tpu.memory_space<vmem_shared>>
        tpu.wait_indirect_dma semaphore(%arg21 : memref<!tpu.dma_semaphore, #tpu.memory_space<semaphore_mem>>) src(%arg12 : memref<80x128xf32, #tpu.memory_space<vmem>>) dst(%dma_wait3A_290 : memref<5128x128xf32, #tpu.memory_space<vmem_shared>>)
        %scan3A_291 = arith.constant 0 : i32
        scf.yield %scan3A_291 : i32
      }
      %scan3A_83 = arith.constant 5 : i32
      %scan3A_84 = arith.constant 0 : i32
      scf.yield %scan3A_84 : i32
    }
    %scan3A_44 = arith.constant 25 : i32
    %barrier3A_45 = arith.constant 0 : index
    tpu.barrier barrier_id(%barrier3A_45)
    %scan3A_46 = arith.constant 0 : i32
    %scan3A_47 = arith.constant 0 : i32
    %scan3A_48 = arith.constant 20 : i32
    %scan3A_49 = arith.addi %scan3A_47, %scan3A_48 : i32
    %scan3A_50 = arith.constant 1 : i32
    %scan3A_51 = scf.for %scan3A_54 = %scan3A_47 to %scan3A_49 step %scan3A_50 iter_args(%scan3A_55 = %scan3A_46) -> (i32)  : i32 {
      %mul3A_56 = arith.constant 320 : i32
      %mul3A_57 = arith.muli %arg1, %mul3A_56 : i32
      %mul3A_58 = arith.constant 16 : i32
      %mul3A_59 = arith.muli %scan3A_54, %mul3A_58 : i32
      %add3A = arith.addi %mul3A_57, %mul3A_59 : i32
      "tpu.region"() ({
        %run_scoped3A = tpu.sem_alloc : memref<!tpu.dma_semaphore, #tpu.memory_space<semaphore_mem>>
        %dma_start3A = arith.constant 0 : i32
        %dma_start3A_75 = arith.constant 0 : i32
        %dma_start3A_76 = tpu.memref_slice %arg9[%dma_start3A, %dma_start3A_75] : memref<80x128xf32, #tpu.memory_space<vmem>> -> memref<16x128xf32, #tpu.memory_space<vmem>>
        %dma_start3A_77 = arith.constant 0 : i32
        %dma_start3A_78 = tpu.memref_slice %arg17[%add3A, %dma_start3A_77] : memref<5128x128xf32, #tpu.memory_space<vmem_shared>> -> memref<16x128xf32, #tpu.memory_space<vmem_shared>>
        %dma_start3A_79 = arith.constant 0 : i32
        %dma_start3A_80 = arith.constant 0 : i32
        %dma_start3A_81 = tpu.memref_slice %arg9[%dma_start3A_79, %dma_start3A_80] : memref<80x128xf32, #tpu.memory_space<vmem>> -> memref<16x128xf32, #tpu.memory_space<vmem>>
        %dma_start3A_82 = arith.constant 0 : i32
        %dma_start3A_83 = tpu.memref_slice %arg17[%add3A, %dma_start3A_82] : memref<5128x128xf32, #tpu.memory_space<vmem_shared>> -> memref<16x128xf32, #tpu.memory_space<vmem_shared>>
        tpu.enqueue_dma source(%dma_start3A_83 : memref<16x128xf32, #tpu.memory_space<vmem_shared>>) target(%dma_start3A_81 : memref<16x128xf32, #tpu.memory_space<vmem>>) target_semaphore(%run_scoped3A : memref<!tpu.dma_semaphore, #tpu.memory_space<semaphore_mem>>)
        %dma_wait3A = arith.constant 0 : i32
        %dma_wait3A_84 = arith.constant 0 : i32
        %dma_wait3A_85 = tpu.memref_slice %arg9[%dma_wait3A, %dma_wait3A_84] : memref<80x128xf32, #tpu.memory_space<vmem>> -> memref<16x128xf32, #tpu.memory_space<vmem>>
        %dma_wait3A_86 = arith.constant 0 : i32
        %dma_wait3A_87 = tpu.memref_slice %arg17[%add3A, %dma_wait3A_86] : memref<5128x128xf32, #tpu.memory_space<vmem_shared>> -> memref<16x128xf32, #tpu.memory_space<vmem_shared>>
        %dma_wait3A_88 = arith.constant 0 : i32
        %dma_wait3A_89 = arith.constant 0 : i32
        %dma_wait3A_90 = tpu.memref_slice %arg9[%dma_wait3A_88, %dma_wait3A_89] : memref<80x128xf32, #tpu.memory_space<vmem>> -> memref<16x128xf32, #tpu.memory_space<vmem>>
        %dma_wait3A_91 = arith.constant 0 : i32
        %dma_wait3A_92 = tpu.memref_slice %arg17[%add3A, %dma_wait3A_91] : memref<5128x128xf32, #tpu.memory_space<vmem_shared>> -> memref<16x128xf32, #tpu.memory_space<vmem_shared>>
        tpu.wait_dma2 semaphore(%run_scoped3A : memref<!tpu.dma_semaphore, #tpu.memory_space<semaphore_mem>>) src(%dma_wait3A_92 : memref<16x128xf32, #tpu.memory_space<vmem_shared>>) dst(%dma_wait3A_90 : memref<16x128xf32, #tpu.memory_space<vmem>>)
        tpu.yield
      }) : () -> ()
      %mul3A_60 = arith.constant 10240 : i32
      %mul3A_61 = arith.muli %arg0, %mul3A_60 : i32
      %add3A_62 = arith.constant 5120 : i32
      %add3A_63 = arith.addi %mul3A_61, %add3A_62 : i32
      %add3A_64 = arith.addi %add3A_63, %add3A : i32
      "tpu.region"() ({
        %run_scoped3A = tpu.sem_alloc : memref<!tpu.dma_semaphore, #tpu.memory_space<semaphore_mem>>
        %dma_start3A = arith.constant 16 : i32
        %dma_start3A_75 = arith.constant 0 : i32
        %dma_start3A_76 = tpu.memref_slice %arg9[%dma_start3A, %dma_start3A_75] : memref<80x128xf32, #tpu.memory_space<vmem>> -> memref<16x128xf32, #tpu.memory_space<vmem>>
        %dma_start3A_77 = arith.constant 0 : i32
        %dma_start3A_78 = tpu.memref_slice %arg5[%add3A_64, %dma_start3A_77] : memref<20480x128xf32, #tpu.memory_space<hbm>> -> memref<16x128xf32, #tpu.memory_space<hbm>>
        %dma_start3A_79 = arith.constant 16 : i32
        %dma_start3A_80 = arith.constant 0 : i32
        %dma_start3A_81 = tpu.memref_slice %arg9[%dma_start3A_79, %dma_start3A_80] : memref<80x128xf32, #tpu.memory_space<vmem>> -> memref<16x128xf32, #tpu.memory_space<vmem>>
        %dma_start3A_82 = arith.constant 0 : i32
        %dma_start3A_83 = tpu.memref_slice %arg5[%add3A_64, %dma_start3A_82] : memref<20480x128xf32, #tpu.memory_space<hbm>> -> memref<16x128xf32, #tpu.memory_space<hbm>>
        tpu.enqueue_dma source(%dma_start3A_83 : memref<16x128xf32, #tpu.memory_space<hbm>>) target(%dma_start3A_81 : memref<16x128xf32, #tpu.memory_space<vmem>>) target_semaphore(%run_scoped3A : memref<!tpu.dma_semaphore, #tpu.memory_space<semaphore_mem>>)
        %dma_wait3A = arith.constant 16 : i32
        %dma_wait3A_84 = arith.constant 0 : i32
        %dma_wait3A_85 = tpu.memref_slice %arg9[%dma_wait3A, %dma_wait3A_84] : memref<80x128xf32, #tpu.memory_space<vmem>> -> memref<16x128xf32, #tpu.memory_space<vmem>>
        %dma_wait3A_86 = arith.constant 0 : i32
        %dma_wait3A_87 = tpu.memref_slice %arg5[%add3A_64, %dma_wait3A_86] : memref<20480x128xf32, #tpu.memory_space<hbm>> -> memref<16x128xf32, #tpu.memory_space<hbm>>
        %dma_wait3A_88 = arith.constant 16 : i32
        %dma_wait3A_89 = arith.constant 0 : i32
        %dma_wait3A_90 = tpu.memref_slice %arg9[%dma_wait3A_88, %dma_wait3A_89] : memref<80x128xf32, #tpu.memory_space<vmem>> -> memref<16x128xf32, #tpu.memory_space<vmem>>
        %dma_wait3A_91 = arith.constant 0 : i32
        %dma_wait3A_92 = tpu.memref_slice %arg5[%add3A_64, %dma_wait3A_91] : memref<20480x128xf32, #tpu.memory_space<hbm>> -> memref<16x128xf32, #tpu.memory_space<hbm>>
        tpu.wait_dma2 semaphore(%run_scoped3A : memref<!tpu.dma_semaphore, #tpu.memory_space<semaphore_mem>>) src(%dma_wait3A_92 : memref<16x128xf32, #tpu.memory_space<hbm>>) dst(%dma_wait3A_90 : memref<16x128xf32, #tpu.memory_space<vmem>>)
        tpu.yield
      }) : () -> ()
      %scan3A_65 = arith.constant 0 : i32
      %scan3A_66 = arith.constant 0 : i32
      %scan3A_67 = arith.constant 16 : i32
      %scan3A_68 = arith.addi %scan3A_66, %scan3A_67 : i32
      %scan3A_69 = arith.constant 1 : i32
      %scan3A_70 = scf.for %scan3A_75 = %scan3A_66 to %scan3A_68 step %scan3A_69 iter_args(%scan3A_76 = %scan3A_65) -> (i32)  : i32 {
        %broadcast_in_dim3A_77 = arith.constant 1 : i32
        %broadcast_in_dim3A_78 = vector.broadcast %broadcast_in_dim3A_77 : i32 to vector<16xi32>
        %mul3A_79 = vector.broadcast %scan3A_75 : i32 to vector<16xi32>
        %mul3A_80 = arith.muli %broadcast_in_dim3A_78, %mul3A_79 : vector<16xi32>
        %add3A_81 = arith.constant 0 : i32
        %add3A_82 = vector.broadcast %add3A_81 : i32 to vector<16xi32>
        %add3A_83 = arith.addi %iota3A, %add3A_82 : vector<16xi32>
        %gather3A = tpu.vector_load_idx %arg9[%mul3A_80, %add3A_83] : memref<80x128xf32, #tpu.memory_space<vmem>>[vector<16xi32>, vector<16xi32>], vector<16xf32>,
        %add3A_84 = arith.constant 16 : i32
        %add3A_85 = vector.broadcast %add3A_84 : i32 to vector<16xi32>
        %add3A_86 = arith.addi %mul3A_80, %add3A_85 : vector<16xi32>
        %gather3A_87 = tpu.vector_load_idx %arg9[%add3A_86, %add3A_83] : memref<80x128xf32, #tpu.memory_space<vmem>>[vector<16xi32>, vector<16xi32>], vector<16xf32>,
        %add3A_88 = arith.addf %gather3A, %gather3A_87 : vector<16xf32>
        %gt3A = arith.constant 0.000000e+00 : f32
        %gt3A_89 = vector.broadcast %gt3A : f32 to vector<16xf32>
        %gt3A_90 = arith.cmpf ogt, %add3A_88, %gt3A_89 : vector<16xf32>
        %exp3A = math.exp %add3A_88 : vector<16xf32>
        %sub3A = arith.constant 1.000000e+00 : f32
        %sub3A_91 = vector.broadcast %sub3A : f32 to vector<16xf32>
        %sub3A_92 = arith.subf %exp3A, %sub3A_91 : vector<16xf32>
        %select_n3A = arith.select %gt3A_90, %add3A_88, %sub3A_92 : vector<16xi1>, vector<16xf32>
        %add3A_93 = arith.constant 32 : i32
        %add3A_94 = vector.broadcast %add3A_93 : i32 to vector<16xi32>
        %add3A_95 = arith.addi %mul3A_80, %add3A_94 : vector<16xi32>
        tpu.vector_store_idx %arg9[%add3A_95, %add3A_83], %select_n3A : memref<80x128xf32, #tpu.memory_space<vmem>>[vector<16xi32>, vector<16xi32>], vector<16xf32>,
        %add3A_96 = arith.constant 16 : i32
        %add3A_97 = vector.broadcast %add3A_96 : i32 to vector<16xi32>
        %add3A_98 = arith.addi %iota3A, %add3A_97 : vector<16xi32>
        %gather3A_99 = tpu.vector_load_idx %arg9[%mul3A_80, %add3A_98] : memref<80x128xf32, #tpu.memory_space<vmem>>[vector<16xi32>, vector<16xi32>], vector<16xf32>,
        %add3A_100 = arith.constant 16 : i32
        %add3A_101 = vector.broadcast %add3A_100 : i32 to vector<16xi32>
        %add3A_102 = arith.addi %mul3A_80, %add3A_101 : vector<16xi32>
        %gather3A_103 = tpu.vector_load_idx %arg9[%add3A_102, %add3A_98] : memref<80x128xf32, #tpu.memory_space<vmem>>[vector<16xi32>, vector<16xi32>], vector<16xf32>,
        %add3A_104 = arith.addf %gather3A_99, %gather3A_103 : vector<16xf32>
        %gt3A_105 = arith.constant 0.000000e+00 : f32
        %gt3A_106 = vector.broadcast %gt3A_105 : f32 to vector<16xf32>
        %gt3A_107 = arith.cmpf ogt, %add3A_104, %gt3A_106 : vector<16xf32>
        %exp3A_108 = math.exp %add3A_104 : vector<16xf32>
        %sub3A_109 = arith.constant 1.000000e+00 : f32
        %sub3A_110 = vector.broadcast %sub3A_109 : f32 to vector<16xf32>
        %sub3A_111 = arith.subf %exp3A_108, %sub3A_110 : vector<16xf32>
        %select_n3A_112 = arith.select %gt3A_107, %add3A_104, %sub3A_111 : vector<16xi1>, vector<16xf32>
        %add3A_113 = arith.constant 32 : i32
        %add3A_114 = vector.broadcast %add3A_113 : i32 to vector<16xi32>
        %add3A_115 = arith.addi %mul3A_80, %add3A_114 : vector<16xi32>
        tpu.vector_store_idx %arg9[%add3A_115, %add3A_98], %select_n3A_112 : memref<80x128xf32, #tpu.memory_space<vmem>>[vector<16xi32>, vector<16xi32>], vector<16xf32>,
        %add3A_116 = arith.constant 32 : i32
        %add3A_117 = vector.broadcast %add3A_116 : i32 to vector<16xi32>
        %add3A_118 = arith.addi %iota3A, %add3A_117 : vector<16xi32>
        %gather3A_119 = tpu.vector_load_idx %arg9[%mul3A_80, %add3A_118] : memref<80x128xf32, #tpu.memory_space<vmem>>[vector<16xi32>, vector<16xi32>], vector<16xf32>,
        %add3A_120 = arith.constant 16 : i32
        %add3A_121 = vector.broadcast %add3A_120 : i32 to vector<16xi32>
        %add3A_122 = arith.addi %mul3A_80, %add3A_121 : vector<16xi32>
        %gather3A_123 = tpu.vector_load_idx %arg9[%add3A_122, %add3A_118] : memref<80x128xf32, #tpu.memory_space<vmem>>[vector<16xi32>, vector<16xi32>], vector<16xf32>,
        %add3A_124 = arith.addf %gather3A_119, %gather3A_123 : vector<16xf32>
        %gt3A_125 = arith.constant 0.000000e+00 : f32
        %gt3A_126 = vector.broadcast %gt3A_125 : f32 to vector<16xf32>
        %gt3A_127 = arith.cmpf ogt, %add3A_124, %gt3A_126 : vector<16xf32>
        %exp3A_128 = math.exp %add3A_124 : vector<16xf32>
        %sub3A_129 = arith.constant 1.000000e+00 : f32
        %sub3A_130 = vector.broadcast %sub3A_129 : f32 to vector<16xf32>
        %sub3A_131 = arith.subf %exp3A_128, %sub3A_130 : vector<16xf32>
        %select_n3A_132 = arith.select %gt3A_127, %add3A_124, %sub3A_131 : vector<16xi1>, vector<16xf32>
        %add3A_133 = arith.constant 32 : i32
        %add3A_134 = vector.broadcast %add3A_133 : i32 to vector<16xi32>
        %add3A_135 = arith.addi %mul3A_80, %add3A_134 : vector<16xi32>
        tpu.vector_store_idx %arg9[%add3A_135, %add3A_118], %select_n3A_132 : memref<80x128xf32, #tpu.memory_space<vmem>>[vector<16xi32>, vector<16xi32>], vector<16xf32>,
        %add3A_136 = arith.constant 48 : i32
        %add3A_137 = vector.broadcast %add3A_136 : i32 to vector<16xi32>
        %add3A_138 = arith.addi %iota3A, %add3A_137 : vector<16xi32>
        %gather3A_139 = tpu.vector_load_idx %arg9[%mul3A_80, %add3A_138] : memref<80x128xf32, #tpu.memory_space<vmem>>[vector<16xi32>, vector<16xi32>], vector<16xf32>,
        %add3A_140 = arith.constant 16 : i32
        %add3A_141 = vector.broadcast %add3A_140 : i32 to vector<16xi32>
        %add3A_142 = arith.addi %mul3A_80, %add3A_141 : vector<16xi32>
        %gather3A_143 = tpu.vector_load_idx %arg9[%add3A_142, %add3A_138] : memref<80x128xf32, #tpu.memory_space<vmem>>[vector<16xi32>, vector<16xi32>], vector<16xf32>,
        %add3A_144 = arith.addf %gather3A_139, %gather3A_143 : vector<16xf32>
        %gt3A_145 = arith.constant 0.000000e+00 : f32
        %gt3A_146 = vector.broadcast %gt3A_145 : f32 to vector<16xf32>
        %gt3A_147 = arith.cmpf ogt, %add3A_144, %gt3A_146 : vector<16xf32>
        %exp3A_148 = math.exp %add3A_144 : vector<16xf32>
        %sub3A_149 = arith.constant 1.000000e+00 : f32
        %sub3A_150 = vector.broadcast %sub3A_149 : f32 to vector<16xf32>
        %sub3A_151 = arith.subf %exp3A_148, %sub3A_150 : vector<16xf32>
        %select_n3A_152 = arith.select %gt3A_147, %add3A_144, %sub3A_151 : vector<16xi1>, vector<16xf32>
        %add3A_153 = arith.constant 32 : i32
        %add3A_154 = vector.broadcast %add3A_153 : i32 to vector<16xi32>
        %add3A_155 = arith.addi %mul3A_80, %add3A_154 : vector<16xi32>
        tpu.vector_store_idx %arg9[%add3A_155, %add3A_138], %select_n3A_152 : memref<80x128xf32, #tpu.memory_space<vmem>>[vector<16xi32>, vector<16xi32>], vector<16xf32>,
        %add3A_156 = arith.constant 64 : i32
        %add3A_157 = vector.broadcast %add3A_156 : i32 to vector<16xi32>
        %add3A_158 = arith.addi %iota3A, %add3A_157 : vector<16xi32>
        %gather3A_159 = tpu.vector_load_idx %arg9[%mul3A_80, %add3A_158] : memref<80x128xf32, #tpu.memory_space<vmem>>[vector<16xi32>, vector<16xi32>], vector<16xf32>,
        %add3A_160 = arith.constant 16 : i32
        %add3A_161 = vector.broadcast %add3A_160 : i32 to vector<16xi32>
        %add3A_162 = arith.addi %mul3A_80, %add3A_161 : vector<16xi32>
        %gather3A_163 = tpu.vector_load_idx %arg9[%add3A_162, %add3A_158] : memref<80x128xf32, #tpu.memory_space<vmem>>[vector<16xi32>, vector<16xi32>], vector<16xf32>,
        %add3A_164 = arith.addf %gather3A_159, %gather3A_163 : vector<16xf32>
        %gt3A_165 = arith.constant 0.000000e+00 : f32
        %gt3A_166 = vector.broadcast %gt3A_165 : f32 to vector<16xf32>
        %gt3A_167 = arith.cmpf ogt, %add3A_164, %gt3A_166 : vector<16xf32>
        %exp3A_168 = math.exp %add3A_164 : vector<16xf32>
        %sub3A_169 = arith.constant 1.000000e+00 : f32
        %sub3A_170 = vector.broadcast %sub3A_169 : f32 to vector<16xf32>
        %sub3A_171 = arith.subf %exp3A_168, %sub3A_170 : vector<16xf32>
        %select_n3A_172 = arith.select %gt3A_167, %add3A_164, %sub3A_171 : vector<16xi1>, vector<16xf32>
        %add3A_173 = arith.constant 32 : i32
        %add3A_174 = vector.broadcast %add3A_173 : i32 to vector<16xi32>
        %add3A_175 = arith.addi %mul3A_80, %add3A_174 : vector<16xi32>
        tpu.vector_store_idx %arg9[%add3A_175, %add3A_158], %select_n3A_172 : memref<80x128xf32, #tpu.memory_space<vmem>>[vector<16xi32>, vector<16xi32>], vector<16xf32>,
        %add3A_176 = arith.constant 80 : i32
        %add3A_177 = vector.broadcast %add3A_176 : i32 to vector<16xi32>
        %add3A_178 = arith.addi %iota3A, %add3A_177 : vector<16xi32>
        %gather3A_179 = tpu.vector_load_idx %arg9[%mul3A_80, %add3A_178] : memref<80x128xf32, #tpu.memory_space<vmem>>[vector<16xi32>, vector<16xi32>], vector<16xf32>,
        %add3A_180 = arith.constant 16 : i32
        %add3A_181 = vector.broadcast %add3A_180 : i32 to vector<16xi32>
        %add3A_182 = arith.addi %mul3A_80, %add3A_181 : vector<16xi32>
        %gather3A_183 = tpu.vector_load_idx %arg9[%add3A_182, %add3A_178] : memref<80x128xf32, #tpu.memory_space<vmem>>[vector<16xi32>, vector<16xi32>], vector<16xf32>,
        %add3A_184 = arith.addf %gather3A_179, %gather3A_183 : vector<16xf32>
        %gt3A_185 = arith.constant 0.000000e+00 : f32
        %gt3A_186 = vector.broadcast %gt3A_185 : f32 to vector<16xf32>
        %gt3A_187 = arith.cmpf ogt, %add3A_184, %gt3A_186 : vector<16xf32>
        %exp3A_188 = math.exp %add3A_184 : vector<16xf32>
        %sub3A_189 = arith.constant 1.000000e+00 : f32
        %sub3A_190 = vector.broadcast %sub3A_189 : f32 to vector<16xf32>
        %sub3A_191 = arith.subf %exp3A_188, %sub3A_190 : vector<16xf32>
        %select_n3A_192 = arith.select %gt3A_187, %add3A_184, %sub3A_191 : vector<16xi1>, vector<16xf32>
        %add3A_193 = arith.constant 32 : i32
        %add3A_194 = vector.broadcast %add3A_193 : i32 to vector<16xi32>
        %add3A_195 = arith.addi %mul3A_80, %add3A_194 : vector<16xi32>
        tpu.vector_store_idx %arg9[%add3A_195, %add3A_178], %select_n3A_192 : memref<80x128xf32, #tpu.memory_space<vmem>>[vector<16xi32>, vector<16xi32>], vector<16xf32>,
        %add3A_196 = arith.constant 96 : i32
        %add3A_197 = vector.broadcast %add3A_196 : i32 to vector<16xi32>
        %add3A_198 = arith.addi %iota3A, %add3A_197 : vector<16xi32>
        %gather3A_199 = tpu.vector_load_idx %arg9[%mul3A_80, %add3A_198] : memref<80x128xf32, #tpu.memory_space<vmem>>[vector<16xi32>, vector<16xi32>], vector<16xf32>,
        %add3A_200 = arith.constant 16 : i32
        %add3A_201 = vector.broadcast %add3A_200 : i32 to vector<16xi32>
        %add3A_202 = arith.addi %mul3A_80, %add3A_201 : vector<16xi32>
        %gather3A_203 = tpu.vector_load_idx %arg9[%add3A_202, %add3A_198] : memref<80x128xf32, #tpu.memory_space<vmem>>[vector<16xi32>, vector<16xi32>], vector<16xf32>,
        %add3A_204 = arith.addf %gather3A_199, %gather3A_203 : vector<16xf32>
        %gt3A_205 = arith.constant 0.000000e+00 : f32
        %gt3A_206 = vector.broadcast %gt3A_205 : f32 to vector<16xf32>
        %gt3A_207 = arith.cmpf ogt, %add3A_204, %gt3A_206 : vector<16xf32>
        %exp3A_208 = math.exp %add3A_204 : vector<16xf32>
        %sub3A_209 = arith.constant 1.000000e+00 : f32
        %sub3A_210 = vector.broadcast %sub3A_209 : f32 to vector<16xf32>
        %sub3A_211 = arith.subf %exp3A_208, %sub3A_210 : vector<16xf32>
        %select_n3A_212 = arith.select %gt3A_207, %add3A_204, %sub3A_211 : vector<16xi1>, vector<16xf32>
        %add3A_213 = arith.constant 32 : i32
        %add3A_214 = vector.broadcast %add3A_213 : i32 to vector<16xi32>
        %add3A_215 = arith.addi %mul3A_80, %add3A_214 : vector<16xi32>
        tpu.vector_store_idx %arg9[%add3A_215, %add3A_198], %select_n3A_212 : memref<80x128xf32, #tpu.memory_space<vmem>>[vector<16xi32>, vector<16xi32>], vector<16xf32>,
        %add3A_216 = arith.constant 112 : i32
        %add3A_217 = vector.broadcast %add3A_216 : i32 to vector<16xi32>
        %add3A_218 = arith.addi %iota3A, %add3A_217 : vector<16xi32>
        %gather3A_219 = tpu.vector_load_idx %arg9[%mul3A_80, %add3A_218] : memref<80x128xf32, #tpu.memory_space<vmem>>[vector<16xi32>, vector<16xi32>], vector<16xf32>,
        %add3A_220 = arith.constant 16 : i32
        %add3A_221 = vector.broadcast %add3A_220 : i32 to vector<16xi32>
        %add3A_222 = arith.addi %mul3A_80, %add3A_221 : vector<16xi32>
        %gather3A_223 = tpu.vector_load_idx %arg9[%add3A_222, %add3A_218] : memref<80x128xf32, #tpu.memory_space<vmem>>[vector<16xi32>, vector<16xi32>], vector<16xf32>,
        %add3A_224 = arith.addf %gather3A_219, %gather3A_223 : vector<16xf32>
        %gt3A_225 = arith.constant 0.000000e+00 : f32
        %gt3A_226 = vector.broadcast %gt3A_225 : f32 to vector<16xf32>
        %gt3A_227 = arith.cmpf ogt, %add3A_224, %gt3A_226 : vector<16xf32>
        %exp3A_228 = math.exp %add3A_224 : vector<16xf32>
        %sub3A_229 = arith.constant 1.000000e+00 : f32
        %sub3A_230 = vector.broadcast %sub3A_229 : f32 to vector<16xf32>
        %sub3A_231 = arith.subf %exp3A_228, %sub3A_230 : vector<16xf32>
        %select_n3A_232 = arith.select %gt3A_227, %add3A_224, %sub3A_231 : vector<16xi1>, vector<16xf32>
        %add3A_233 = arith.constant 32 : i32
        %add3A_234 = vector.broadcast %add3A_233 : i32 to vector<16xi32>
        %add3A_235 = arith.addi %mul3A_80, %add3A_234 : vector<16xi32>
        tpu.vector_store_idx %arg9[%add3A_235, %add3A_218], %select_n3A_232 : memref<80x128xf32, #tpu.memory_space<vmem>>[vector<16xi32>, vector<16xi32>], vector<16xf32>,
        %scan3A_236 = arith.constant 0 : i32
        scf.yield %scan3A_236 : i32
      }
      %scan3A_71 = arith.constant 16 : i32
      %add3A_72 = arith.constant 5120 : i32
      %add3A_73 = arith.addi %add3A_72, %add3A : i32
      "tpu.region"() ({
        %run_scoped3A = tpu.sem_alloc : memref<!tpu.dma_semaphore, #tpu.memory_space<semaphore_mem>>
        %dma_start3A = arith.constant 32 : i32
        %dma_start3A_75 = arith.constant 0 : i32
        %dma_start3A_76 = tpu.memref_slice %arg9[%dma_start3A, %dma_start3A_75] : memref<80x128xf32, #tpu.memory_space<vmem>> -> memref<16x128xf32, #tpu.memory_space<vmem>>
        %dma_start3A_77 = arith.constant 0 : i32
        %dma_start3A_78 = tpu.memref_slice %arg8[%arg0, %add3A_73, %dma_start3A_77] : memref<2x10240x128xf32, #tpu.memory_space<hbm>> -> memref<1x16x128xf32, #tpu.memory_space<hbm>>
        %dma_start3A_79 = tpu.memref_squeeze %dma_start3A_78 : memref<1x16x128xf32, #tpu.memory_space<hbm>> -> memref<16x128xf32, #tpu.memory_space<hbm>>
        %dma_start3A_80 = arith.constant 0 : i32
        %dma_start3A_81 = tpu.memref_slice %arg8[%arg0, %add3A_73, %dma_start3A_80] : memref<2x10240x128xf32, #tpu.memory_space<hbm>> -> memref<1x16x128xf32, #tpu.memory_space<hbm>>
        %dma_start3A_82 = tpu.memref_squeeze %dma_start3A_81 : memref<1x16x128xf32, #tpu.memory_space<hbm>> -> memref<16x128xf32, #tpu.memory_space<hbm>>
        %dma_start3A_83 = arith.constant 32 : i32
        %dma_start3A_84 = arith.constant 0 : i32
        %dma_start3A_85 = tpu.memref_slice %arg9[%dma_start3A_83, %dma_start3A_84] : memref<80x128xf32, #tpu.memory_space<vmem>> -> memref<16x128xf32, #tpu.memory_space<vmem>>
        tpu.enqueue_dma source(%dma_start3A_85 : memref<16x128xf32, #tpu.memory_space<vmem>>) target(%dma_start3A_82 : memref<16x128xf32, #tpu.memory_space<hbm>>) target_semaphore(%run_scoped3A : memref<!tpu.dma_semaphore, #tpu.memory_space<semaphore_mem>>)
        %dma_wait3A = arith.constant 32 : i32
        %dma_wait3A_86 = arith.constant 0 : i32
        %dma_wait3A_87 = tpu.memref_slice %arg9[%dma_wait3A, %dma_wait3A_86] : memref<80x128xf32, #tpu.memory_space<vmem>> -> memref<16x128xf32, #tpu.memory_space<vmem>>
        %dma_wait3A_88 = arith.constant 0 : i32
        %dma_wait3A_89 = tpu.memref_slice %arg8[%arg0, %add3A_73, %dma_wait3A_88] : memref<2x10240x128xf32, #tpu.memory_space<hbm>> -> memref<1x16x128xf32, #tpu.memory_space<hbm>>
        %dma_wait3A_90 = tpu.memref_squeeze %dma_wait3A_89 : memref<1x16x128xf32, #tpu.memory_space<hbm>> -> memref<16x128xf32, #tpu.memory_space<hbm>>
        %dma_wait3A_91 = arith.constant 0 : i32
        %dma_wait3A_92 = tpu.memref_slice %arg8[%arg0, %add3A_73, %dma_wait3A_91] : memref<2x10240x128xf32, #tpu.memory_space<hbm>> -> memref<1x16x128xf32, #tpu.memory_space<hbm>>
        %dma_wait3A_93 = tpu.memref_squeeze %dma_wait3A_92 : memref<1x16x128xf32, #tpu.memory_space<hbm>> -> memref<16x128xf32, #tpu.memory_space<hbm>>
        %dma_wait3A_94 = arith.constant 32 : i32
        %dma_wait3A_95 = arith.constant 0 : i32
        %dma_wait3A_96 = tpu.memref_slice %arg9[%dma_wait3A_94, %dma_wait3A_95] : memref<80x128xf32, #tpu.memory_space<vmem>> -> memref<16x128xf32, #tpu.memory_space<vmem>>
        tpu.wait_dma2 semaphore(%run_scoped3A : memref<!tpu.dma_semaphore, #tpu.memory_space<semaphore_mem>>) src(%dma_wait3A_96 : memref<16x128xf32, #tpu.memory_space<vmem>>) dst(%dma_wait3A_93 : memref<16x128xf32, #tpu.memory_space<hbm>>)
        tpu.yield
      }) : () -> ()
      %scan3A_74 = arith.constant 0 : i32
      scf.yield %scan3A_74 : i32
    }
    %scan3A_52 = arith.constant 20 : i32
    %barrier3A_53 = arith.constant 0 : index
    tpu.barrier barrier_id(%barrier3A_53)
    return
  }
}

module attributes {stable_mosaic.version = 14 : i64} {
  func.func @_l0_body(%arg0: i32, %arg1: i32, %arg2: memref<1x1000x128xf32, #tpu.memory_space<vmem>>, %arg3: memref<1x128x128xf32, #tpu.memory_space<vmem>>, %arg4: memref<1x128x8xf32, #tpu.memory_space<vmem>>, %arg5: memref<1x128x8xf32, #tpu.memory_space<vmem>>, %arg6: memref<1x1000x128xf32, #tpu.memory_space<vmem>>, %arg7: memref<1x1000x8xf32, #tpu.memory_space<vmem>>, %arg8: memref<1x1000x8xf32, #tpu.memory_space<vmem>>) attributes {dimension_semantics = [#tpu.dimension_semantics<arbitrary>, #tpu.dimension_semantics<arbitrary>], iteration_bounds = array<i64: 2, 10>, scalar_prefetch = 0 : i64, scratch_operands = 0 : i64, tpu.core_type = #tpu.core_type<tc>, window_params = [{transform_indices = @transform_0, window_bounds = array<i64: 1, 1000, 128>}, {transform_indices = @transform_1, window_bounds = array<i64: 1, 128, 128>}, {transform_indices = @transform_2, window_bounds = array<i64: 1, 128, 8>}, {transform_indices = @transform_3, window_bounds = array<i64: 1, 128, 8>}, {transform_indices = @transform_4, window_bounds = array<i64: 1, 1000, 128>}, {transform_indices = @transform_5, window_bounds = array<i64: 1, 1000, 8>}, {transform_indices = @transform_6, window_bounds = array<i64: 1, 1000, 8>}]} {
    %get3A = arith.constant 0 : index
    %get3A_0 = arith.constant 0 : index
    %get3A_1 = arith.constant 0 : index
    %get3A_2 = vector.load %arg2[%get3A, %get3A_0, %get3A_1] : memref<1x1000x128xf32, #tpu.memory_space<vmem>>, vector<1x1000x128xf32>
    %get3A_3 = vector.shape_cast %get3A_2 : vector<1x1000x128xf32> to vector<1000x128xf32>
    %get3A_4 = arith.constant 0 : index
    %get3A_5 = arith.constant 0 : index
    %get3A_6 = arith.constant 0 : index
    %get3A_7 = vector.load %arg3[%get3A_4, %get3A_5, %get3A_6] : memref<1x128x128xf32, #tpu.memory_space<vmem>>, vector<1x128x128xf32>
    %get3A_8 = vector.shape_cast %get3A_7 : vector<1x128x128xf32> to vector<128x128xf32>
    %dot_general3A = arith.constant dense<0.000000e+00> : vector<1000x128xf32>
    %dot_general3A_9 = tpu.matmul %get3A_3, %get3A_8, %dot_general3A {dimension_numbers = #tpu.dot_dimension_numbers<[1], [0], [0], [1], [0, 0, 1, 1], [], []>, transpose_lhs_hint = false} : vector<1000x128xf32>, vector<128x128xf32>, vector<1000x128xf32> -> vector<1000x128xf32>
    %swap3A = arith.constant 0 : index
    %swap3A_10 = arith.constant 0 : index
    %swap3A_11 = arith.constant 0 : index
    %swap3A_12 = vector.load %arg6[%swap3A, %swap3A_10, %swap3A_11] : memref<1x1000x128xf32, #tpu.memory_space<vmem>>, vector<1x1000x128xf32>
    %swap3A_13 = vector.shape_cast %swap3A_12 : vector<1x1000x128xf32> to vector<1000x128xf32>
    %swap3A_14 = vector.shape_cast %dot_general3A_9 : vector<1000x128xf32> to vector<1x1000x128xf32>
    tpu.vector_store %arg6[%swap3A, %swap3A_10, %swap3A_11], %swap3A_14 {strides = array<i32>} : memref<1x1000x128xf32, #tpu.memory_space<vmem>>, vector<1x1000x128xf32>,
    %get3A_15 = arith.constant 0 : index
    %get3A_16 = arith.constant 0 : index
    %get3A_17 = arith.constant 0 : index
    %get3A_18 = vector.load %arg4[%get3A_15, %get3A_16, %get3A_17] : memref<1x128x8xf32, #tpu.memory_space<vmem>>, vector<1x128x8xf32>
    %get3A_19 = vector.shape_cast %get3A_18 : vector<1x128x8xf32> to vector<128x8xf32>
    %dot_general3A_20 = arith.constant dense<0.000000e+00> : vector<1000x8xf32>
    %dot_general3A_21 = tpu.matmul %dot_general3A_9, %get3A_19, %dot_general3A_20 {dimension_numbers = #tpu.dot_dimension_numbers<[1], [0], [0], [1], [0, 0, 1, 1], [], []>, transpose_lhs_hint = false} : vector<1000x128xf32>, vector<128x8xf32>, vector<1000x8xf32> -> vector<1000x8xf32>
    %swap3A_22 = arith.constant 0 : index
    %swap3A_23 = arith.constant 0 : index
    %swap3A_24 = arith.constant 0 : index
    %swap3A_25 = vector.load %arg7[%swap3A_22, %swap3A_23, %swap3A_24] : memref<1x1000x8xf32, #tpu.memory_space<vmem>>, vector<1x1000x8xf32>
    %swap3A_26 = vector.shape_cast %swap3A_25 : vector<1x1000x8xf32> to vector<1000x8xf32>
    %swap3A_27 = vector.shape_cast %dot_general3A_21 : vector<1000x8xf32> to vector<1x1000x8xf32>
    tpu.vector_store %arg7[%swap3A_22, %swap3A_23, %swap3A_24], %swap3A_27 {strides = array<i32>} : memref<1x1000x8xf32, #tpu.memory_space<vmem>>, vector<1x1000x8xf32>,
    %get3A_28 = arith.constant 0 : index
    %get3A_29 = arith.constant 0 : index
    %get3A_30 = arith.constant 0 : index
    %get3A_31 = vector.load %arg5[%get3A_28, %get3A_29, %get3A_30] : memref<1x128x8xf32, #tpu.memory_space<vmem>>, vector<1x128x8xf32>
    %get3A_32 = vector.shape_cast %get3A_31 : vector<1x128x8xf32> to vector<128x8xf32>
    %dot_general3A_33 = arith.constant dense<0.000000e+00> : vector<1000x8xf32>
    %dot_general3A_34 = tpu.matmul %dot_general3A_9, %get3A_32, %dot_general3A_33 {dimension_numbers = #tpu.dot_dimension_numbers<[1], [0], [0], [1], [0, 0, 1, 1], [], []>, transpose_lhs_hint = false} : vector<1000x128xf32>, vector<128x8xf32>, vector<1000x8xf32> -> vector<1000x8xf32>
    %swap3A_35 = arith.constant 0 : index
    %swap3A_36 = arith.constant 0 : index
    %swap3A_37 = arith.constant 0 : index
    %swap3A_38 = vector.load %arg8[%swap3A_35, %swap3A_36, %swap3A_37] : memref<1x1000x8xf32, #tpu.memory_space<vmem>>, vector<1x1000x8xf32>
    %swap3A_39 = vector.shape_cast %swap3A_38 : vector<1x1000x8xf32> to vector<1000x8xf32>
    %swap3A_40 = vector.shape_cast %dot_general3A_34 : vector<1000x8xf32> to vector<1x1000x8xf32>
    tpu.vector_store %arg8[%swap3A_35, %swap3A_36, %swap3A_37], %swap3A_40 {strides = array<i32>} : memref<1x1000x8xf32, #tpu.memory_space<vmem>>, vector<1x1000x8xf32>,
    return
  }
  func.func @transform_0(%arg0: i32, %arg1: i32) -> (i32, i32, i32) {
    %c0_i32 = arith.constant 0 : i32
    %c0_i32_0 = arith.constant 0 : i32
    return %arg0, %arg1, %c0_i32 : i32, i32, i32
  }
  func.func @transform_1(%arg0: i32, %arg1: i32) -> (i32, i32, i32) {
    %c0_i32 = arith.constant 0 : i32
    %c0_i32_0 = arith.constant 0 : i32
    %c0_i32_1 = arith.constant 0 : i32
    return %arg0, %c0_i32, %c0_i32_0 : i32, i32, i32
  }
  func.func @transform_2(%arg0: i32, %arg1: i32) -> (i32, i32, i32) {
    %c0_i32 = arith.constant 0 : i32
    %c0_i32_0 = arith.constant 0 : i32
    %c0_i32_1 = arith.constant 0 : i32
    return %arg0, %c0_i32, %c0_i32_0 : i32, i32, i32
  }
  func.func @transform_3(%arg0: i32, %arg1: i32) -> (i32, i32, i32) {
    %c0_i32 = arith.constant 0 : i32
    %c0_i32_0 = arith.constant 0 : i32
    %c0_i32_1 = arith.constant 0 : i32
    return %arg0, %c0_i32, %c0_i32_0 : i32, i32, i32
  }
  func.func @transform_4(%arg0: i32, %arg1: i32) -> (i32, i32, i32) {
    %c0_i32 = arith.constant 0 : i32
    %c0_i32_0 = arith.constant 0 : i32
    return %arg0, %arg1, %c0_i32 : i32, i32, i32
  }
  func.func @transform_5(%arg0: i32, %arg1: i32) -> (i32, i32, i32) {
    %c0_i32 = arith.constant 0 : i32
    %c0_i32_0 = arith.constant 0 : i32
    return %arg0, %arg1, %c0_i32 : i32, i32, i32
  }
  func.func @transform_6(%arg0: i32, %arg1: i32) -> (i32, i32, i32) {
    %c0_i32 = arith.constant 0 : i32
    %c0_i32_0 = arith.constant 0 : i32
    return %arg0, %arg1, %c0_i32 : i32, i32, i32
  }
}

</mosaic_0001>

<sc_bundles>
// kernel: kernel.5.cloned.1.call-start
scs
__scs_entry_jumppad:
0x0: {  	(pc) =	sbr.rel $0x88, $3  }
0x1: {  	(tag) =	ssettag $0x0;
	lr =	simm.s32 $0x1  }
0x2: {  	[smem:$0x3F95] =	sst lr;
	_ =	strace $0xD0000000  }
0x3: {  	_ = 	snop  }
0x4: {  	_ = 	snop  }
0x5: {  	_ = 	snop  }
0x6: {  	_ = 	snop  }
0x7: {  	_ = 	snop  }
__scs_overlays_trampoline_lowered:
0x8: {  	[smem:$0x3FA4] =	sst s0  }
0x9: {  	[smem:$0x3FA5] =	sst s1  }
0xa: {  	[smem:$0x3FA6] =	sst s2  }
0xb: {  	[smem:$0x3FA7] =	sst s3  }
0xc: {  	[smem:$0x3FA8] =	sst s4  }
0xd: {  	[smem:$0x3FA9] =	sst s5  }
0xe: {  	[smem:$0x3FAA] =	sst s6  }
0xf: {  	[smem:$0x3FAB] =	sst s7  }
0x10: {  	[smem:$0x3FAC] =	sst s8  }
0x11: {  	[smem:$0x3FAD] =	sst s9;
	s0 =	simm.s32 @!p0 $0x0  }
0x12: {  	s1 =	sld [smem:$0x3F93];
	s0 =	simm.s32 @p0 $0x1  }
0x13: {  	[smem:$0x3FAE] =	sst s0;
	s0 =	simm.s32 @!p1 $0x0  }
0x14: {  	s2 =	sld [smem:$0x3F92];
	s0 =	simm.s32 @p1 $0x1  }
0x15: {  	[smem:$0x3FAF] =	sst s0;
	s0 =	simm.s32 @!p2 $0x0  }
0x16: {  	s3 =	sld [smem:$0x3FDB];
	s0 =	simm.s32 @p2 $0x1  }
0x17: {  	s4 =	simm.s32 $0x1BF5;
	[smem:$0x3FB1] =	sst s0  }
0x18: {  	s0 =	sld [smem:$0x3F94];
	_ =	swait.ge [sflag:s4], $0x0  }
0x19: {  	s7 =	sld [smem:$0x3F95]  }
0x1a: {  	s8 =	sadd.s32 $0xFFFFE003, lr  }
0x1b: {  	s9 =	sadd.s32 $0xFFFFFEF7, lr;
	s5 =	simm.s32 $0xFFFFFFFF;
	p2 =	slt.u32 s8, $0xFFFFF086  }
0x1c: {  	p1 =	slt.u32 s9, $0xF7A;
	s5 =	simm.s32 @!p2 $0x0  }
0x1d: {  	s5 =	simm.s32 @p1 $0x1;
	p0 =	seq.s32 s7, s2  }
0x1e: {  	s7 =	smul.u32 @!p0 $0xF7A, s2;
	p2 =	seq.s32 @!p0 s5, $0x0  }
0x1f: {  	s9 =	smul.u32 $0xF7A, s1;
	s8 =	simm.s32 @!p0 $0x1BF5;
	p2 =	por !p2, p0  }
0x20: {  	[sflag:s8] =	ssyncset.s32 @!p0 $0xFFFFF086;
	s6 =	sadd.s32 @!p0 s3, s7;
	s7 =	simm.s32 @!p0 $0x108  }
0x21: {  	s3 =	sadd.s32 s3, s9;
	s6 =	sadd.s32 @!p0 $0x88, s6;
	s7 =	simm.s32 @p2 $0x1082  }
0x22: {  	[simem:s7], [sflag:s8] =	dma.local @!p0 [hbm:s6], $0xF7A  }
0x23: {  	s9 =	sor.u32 $0xD0000000, s2;
	s6 =	simm.s32 $0x108;
	_ =	swait.ge @!p0 [sflag:s8], $0x0  }
0x24: {  	s3 =	sadd.s32 $0x88, s3;
	s6 =	simm.s32 @!p1 $0x1082;
	[sflag:s4] =	ssyncset.s32 $0xFFFFF086  }
0x25: {  	[simem:s6], [sflag:s4] =	dma.local [hbm:s3], $0xF7A  }
0x26: {  	[smem:$0x3F95] =	sst s1;
	(tag) =	ssettag s2;
	_ =	strace s9  }
0x27: {  	s1 =	sld [smem:$0x3FA5]  }
0x28: {  	s2 =	sld [smem:$0x3FA6]  }
0x29: {  	s4 =	sld [smem:$0x3FA8]  }
0x2a: {  	p0 =	seq.s32 s5, $0x0;
	s5 =	sld [smem:$0x3FA9]  }
0x2b: {  	s6 =	sld [smem:$0x3FAA]  }
0x2c: {  	s7 =	sld [smem:$0x3FAB]  }
0x2d: {  	s3 =	simm.s32 $0x108;
	s8 =	sld [smem:$0x3FAC]  }
0x2e: {  	s3 =	simm.s32 @!p0 $0x1082;
	s9 =	sld [smem:$0x3FAD]  }
0x2f: {  	lr =	sadd.s32 s0, s3;
	s0 =	sld [smem:$0x3FA4]  }
0x30: {  	s3 =	sld [smem:$0x3FA7]  }
0x31: {  	[smem:$0x3FB0] =	sst s10  }
0x32: {  	s10 =	sld [smem:$0x3FAE];
	_ =	sdelay $0x3  }
0x33: {  	p0 =	seq.s32 s10, $0x1;
	s10 =	sld [smem:$0x3FB0];
	_ =	sdelay $0x3  }
0x34: {  	[smem:$0x3FB0] =	sst s10  }
0x35: {  	s10 =	sld [smem:$0x3FAF];
	_ =	sdelay $0x3  }
0x36: {  	p1 =	seq.s32 s10, $0x1;
	s10 =	sld [smem:$0x3FB0];
	_ =	sdelay $0x3  }
0x37: {  	[smem:$0x3FB0] =	sst s10  }
0x38: {  	s10 =	sld [smem:$0x3FB1]  }
0x39: {  	_ = 	snop;
	(pc) =	sbr.ind lr, $3  }
0x3a: {  	_ = 	snop  }
0x3b: {  	_ = 	snop  }
0x3c: {  	p2 =	seq.s32 s10, $0x1;
	s10 =	sld [smem:$0x3FB0]  }
0x3d: {  	_ =	shalt  }
0x3e: {  	_ =	shalt  }
0x3f: {  	_ =	shalt  }
0x40: {  	_ =	shalt  }
0x41: {  	_ =	shalt  }
0x42: {  	_ =	shalt  }
0x43: {  	_ =	shalt  }
0x44: {  	_ =	shalt  }
0x45: {  	_ =	shalt  }
0x46: {  	_ =	shalt  }
0x47: {  	_ =	shalt  }
0x48: {  	_ =	shalt  }
0x49: {  	_ =	shalt  }
0x4a: {  	_ =	shalt  }
0x4b: {  	_ =	shalt  }
0x4c: {  	_ =	shalt  }
0x4d: {  	_ =	shalt  }
0x4e: {  	_ =	shalt  }
0x4f: {  	_ =	shalt  }
0x50: {  	_ =	shalt  }
0x51: {  	_ =	shalt  }
0x52: {  	_ =	shalt  }
0x53: {  	_ =	shalt  }
0x54: {  	_ =	shalt  }
0x55: {  	_ =	shalt  }
0x56: {  	_ =	shalt  }
0x57: {  	_ =	shalt  }
0x58: {  	_ =	shalt  }
0x59: {  	_ =	shalt  }
0x5a: {  	_ =	shalt  }
0x5b: {  	_ =	shalt  }
0x5c: {  	_ =	shalt  }
0x5d: {  	_ =	shalt  }
0x5e: {  	_ =	shalt  }
0x5f: {  	_ =	shalt  }
0x60: {  	_ =	shalt  }
0x61: {  	_ =	shalt  }
0x62: {  	_ =	shalt  }
0x63: {  	_ =	shalt  }
0x64: {  	_ =	shalt  }
0x65: {  	_ =	shalt  }
0x66: {  	_ =	shalt  }
0x67: {  	_ =	shalt  }
0x68: {  	_ =	shalt  }
0x69: {  	_ =	shalt  }
0x6a: {  	_ =	shalt  }
0x6b: {  	_ =	shalt  }
0x6c: {  	_ =	shalt  }
0x6d: {  	_ =	shalt  }
0x6e: {  	_ =	shalt  }
0x6f: {  	_ =	shalt  }
0x70: {  	_ =	shalt  }
0x71: {  	_ =	shalt  }
0x72: {  	_ =	shalt  }
0x73: {  	_ =	shalt  }
0x74: {  	_ =	shalt  }
0x75: {  	_ =	shalt  }
0x76: {  	_ =	shalt  }
0x77: {  	_ =	shalt  }
0x78: {  	_ =	shalt  }
0x79: {  	_ =	shalt  }
0x7a: {  	_ =	shalt  }
0x7b: {  	_ =	shalt  }
0x7c: {  	_ =	shalt  }
0x7d: {  	_ =	shalt  }
0x7e: {  	_ =	shalt  }
0x7f: {  	_ =	shalt  }
0x80: {  	_ =	shalt  }
0x81: {  	_ =	shalt  }
0x82: {  	_ =	shalt  }
0x83: {  	_ =	shalt  }
0x84: {  	_ =	shalt  }
0x85: {  	_ =	shalt  }
0x86: {  	_ =	shalt  }
0x87: {  	_ =	shalt  }
.Lfunc_end0:
.L_simem_size_0:
called_computation_lowered:
.L_overlay_start_0:
0x88: {  	s2 =	sld [smem:$0x3FD9]  }
0x89: {  	s3 =	sld [smem:$0x3FFE];
	_ =	sdelay $0x1  }
0x8a: {  	s1 =	srdreg.scid  }
0x8b: {  	s0 =	sand.u32 $0x1, s1  }
0x8c: {  	s14 =	sshll.u32 s0, $0xA;
	s2 =	sadd.s32 s3, s2  }
0x8d: {  	s2 =	sadd.s32 s2, s14  }
0x8e: {  	[smem:$0x3FBC] =	sst s2  }
0x8f: {  	_ = 	snop  }
0x90: {  	s2 =	sld [smem:$0x3FD0];
	_ =	sdelay $0x2  }
0x91: {  	s15 =	simm.s32 $0xA;
	s4 =	simm.s32 $0x10  }
0x92: {  	[smem:s4], [sflag:s15] =	dma.local [hbm:s2], $0x1  }
0x93: {  	_ =	swait.eq [sflag:s15], $0x1  }
0x94: {  	s16 =	sld [smem:$0x10];
	[sflag:s15] =	ssyncset.done $0x0  }
0x95: {  	s17 =	sld [smem:$0x11];
	[sflag:s15] =	ssyncadd.s32 $0xFFFFFFFF  }
0x96: {  	s18 =	sld [smem:$0x12];
	(tm) =	ssettm $0x1  }
0x97: {  	s5 =	sld [smem:$0x3FFB];
	_ =	sdelay $0x3  }
0x98: {  	_ =	strace s5  }
0x99: {  	s5 =	sld [smem:$0x3FFC];
	_ =	sdelay $0x3  }
0x9a: {  	_ =	strace s5  }
0x9b: {  	s5 =	sld [smem:$0x3FFD];
	_ =	sdelay $0x3  }
0x9c: {  	_ =	strace s5  }
0x9d: {  	_ =	strace $0x8FFFFFFF  }
0x9e: {  	s19 =	sld [smem:$0x3FDB];
	_ =	sdelay $0x1  }
0x9f: {  	s6 =	simm.s32 $_scs_section_size  }
0xa0: {  	s7 =	simm.s32 $_size__tile_overlayer_lowered;
	s8 =	simm.s32 $_tile_overlayer_lowered  }
0xa1: {  	s22 =	simm.s32 $0x1BFF;
	s21 =	sshll.u32 s8, $0x1;
	s5 =	sadd.s32 s6, s19  }
0xa2: {  	s9 =	simm.s32 $0x0;
	s20 =	sshll.u32 s7, $0x1;
	s7 =	sadd.s32 s21, s5  }
0xa3: {  	[timem:s9], [sflag:s22] =	dma.local [hbm:s7], s20  }
0xa4: {  	_ =	swait.ge [sflag:s22], s20  }
0xa5: {  	s6 =	ssub.s32 $0x0, s20;
	[sflag:s22] =	ssyncset.done $0x0  }
0xa6: {  	[sflag:s22] =	ssyncadd.s32 s6;
	_ =	sdelay $0x1  }
0xa7: {  	s23 =	simm.s32 $0x1B8B  }
0xa8: {  	_ =	swait.ge [sflag:s23], $0x1  }
0xa9: {  	[sflag:s23] =	ssyncset.done $0x0  }
0xaa: {  	s25 =	simm.s32 $0x1B8E;
	s24 =	sld [smem:$0x3FFE];
	[sflag:s23] =	ssyncadd.s32 $0xFFFFFFFF  }
0xab: {  	s26 =	simm.s32 $execute0_lowered;
	[smem:$0x3FD2] =	sst s25  }
0xac: {  	s7 =	sshll.u32 s26, $0x1;
	_ =	strace $0x80000046;
	[dreg:$0x1] =	wrdreg $0xFFFFFFFF  }
0xad: {  	s28 =	simm.s32 $_size_execute0_lowered;
	s5 =	sadd.s32 s5, s7;
	[dreg:$0x0] =	wrdreg $0x0  }
0xae: {  	s7 =	sshll.u32 s28, $0x1;
	[dreg:$0x2] =	wrdreg s5  }
0xaf: {  	[dreg:$0x3] =	wrdreg s7  }
0xb0: {  	[dreg:$0x4] =	wrdreg $0xC0  }
0xb1: {  	_ =	task [dreg:s9], $0x5FFFF  }
0xb2: {  	[dreg:$0x1] =	wrdreg $0xFFFFFFFF  }
0xb3: {  	[dreg:$0x0] =	wrdreg $0x60  }
0xb4: {  	[dreg:$0x2] =	wrdreg s17  }
0xb5: {  	[dreg:$0x3] =	wrdreg s24  }
0xb6: {  	[dreg:$0x4] =	wrdreg s16  }
0xb7: {  	[dreg:$0x5] =	wrdreg s18  }
0xb8: {  	[dreg:$0x6] =	wrdreg $0x9  }
0xb9: {  	_ =	task.clear_ibuf [dreg:s9], $0x7FFFF;
	_ =	strace $0x90000046  }
0xba: {  	s29 =	simm.s32 $0x9;
	_ =	strace $0x80000048  }
0xbb: {  	_ =	swait.ge [sflag:s29], $0x1  }
0xbc: {  	[sflag:s29] =	ssyncadd.s32 $0xFFFFFFFF  }
0xbd: {  	_ =	strace $0x90000048  }
0xbe: {  	_ =	sfence  }
0xbf: {  	s30 =	sld [smem:$0x0];
	_ =	sdelay $0x2  }
0xc0: {  	s31 =	sshll.u32 s1, $0xD;
	s1 =	sshrl.u32 s1, $0x2  }
0xc1: {  	s3 =	sand.u32 $0x4000, s31;
	s1 =	sadd.s32 s1, s30  }
0xc2: {  	s0 =	sor.u32 s3, s0;
	s1 =	sshll.u32 s1, $0x11  }
0xc3: {  	s0 =	sor.u32 s1, s0  }
0xc4: {  	s0 =	sadd.s32 $0x8F2B, s0  }
0xc5: {  	[sflag:s0] =	ssyncadd.remote.s32 $0x1  }
0xc6: {  	_ =	sfence.sel $0xFFFF  }
0xc7: {  	[dreg:$0x0] =	wrdreg $0xFFFFFFFF;
	(pc) =	sbr.abs _section_cstart, $3  }
0xc8: {  	[dreg:$0x1] =	wrdreg $0xFFFFFFFF  }
0xc9: {  	_ =	task.clear_ibuf [dreg:s9], $0x2FFFF;
	_ =	strace $0x9FFFFFFF  }
0xca: {  	(tm) =	ssettm $0x7FFFFFFF  }
0xcb: {  	_ =	shalt  }
tec
execute0_lowered:
.L_overlay_start_1:
0x0: {  	(tag) =	ssettag $0x1  }
0x1: {  	s0 =	rddreg [dreg:$0x0]  }
0x2: {  	s4 =	rddreg [dreg:$0x1]  }
0x3: {  	s1 =	rddreg [dreg:$0x2]  }
0x4: {  	s2 =	rddreg [dreg:$0x3]  }
0x5: {  	s3 =	simm.s32 $0x0;
	s5 =	srdreg.scid;
	s15 =	stileid.u32  }
0x6: {  	s21 =	simm.s32 $0x1;
	s22 =	simm.s32 $0xA000;
	s23 =	simm.s32 $0x1E000  }
0x7: {  	s28 =	simm.s32 $0x1E380;
	s29 =	simm.s32 $0x0;
	s11 =	smul.u32 $0xA000, s15  }
0x8: {  	[smem:$0x7FF] =	sst s3;
	s6 =	sand.u32 $0x1, s5;
	s13 =	smul.u32 $0xA00, s15  }
0x9: {  	s7 =	sadd.s32 $0x2600, s4;
	s5 =	sadd.s32 $0x9E00, s4;
	s10 =	smul.u32 $0xA000, s6  }
0xa: {  	s4 =	sadd.s32 $0x7600, s4;
	s9 =	smul.u32 $0xA0000, s6;
	s8 =	ssub.s32 $0x2, s6  }
0xb: {  	_ =	strace $0x80000047;
	s12 =	sshrl.u32 s8, $0x1;
	s14 =	sshrl.u32 s10, $0x3  }
0xc: {  	s20 =	ssub.s32 s8, s12;
	s8 =	smul.u32 $0x9C40, s15;
	s11 =	sadd.s32 s11, s9  }
0xd: {  	s9 =	sor.u32 s13, s9;
	s13 =	sadd.s32 s13, s10;
	s15 =	smul.u32 $0x32, s15  }
0xe: {  	s24 =	sadd.s32 s0, s14;
	s25 =	sadd.s32 s7, s14;
	s11 =	sshrl.u32 s11, $0x3  }
0xf: {  	s26 =	sshrl.u32 s9, $0x3;
	s30 =	sshrl.u32 s13, $0x3;
	s13 =	smul.u32 $0x640, s6  }
0x10: {  	s31 =	sadd.s32 $0x2800, s14;
	s14 =	sadd.s32 s4, s14;
	[dreg:$0x5] =	wrdreg s24  }
0x11: {  	s20 =	smax.u32 s20, $0x1;
	[dreg:$0x6] =	wrdreg s25;
	s10 =	sadd.s32 s2, s11  }
0x12: {  	s11 =	sadd.s32 s2, s26;
	s12 =	sadd.s32 s4, s30;
	s16 =	sadd.s32 s0, s31  }
0x13: {  	s17 =	sadd.s32 s7, s31;
	s18 =	sadd.s32 $0x9C400, s8;
	s24 =	simm.s32 $0x14000  }
0x14: {  	v0 =	vimm.f32 $0.0e+00;
	s25 =	simm.s32 $0x1EA00;
	s26 =	simm.s32 $0x1F400;
	s19 =	sor.u32 $0x271000, s13  }
.LBB2_1:
0x15: {  	s0 =	rddreg [dreg:$0x5]  }
0x16: {  	[tilespmem:s3], [sflag:$0x1] =	stream.linear.gather [hbm4b:s0+s3], $0xA000, $0x38;
	[tilespmem:$0x1FE00] =	vst v63  }
0x17: {  	_ =	swait.ge [sflag:s21], $0xA000  }
0x18: {  	[sflag:s21] =	ssyncset.done $0x0  }
0x19: {  	s31 =	rddreg [dreg:$0x6];
	[sflag:s21] =	ssyncadd.s32 $0xFFFF6000  }
0x1a: {  	[tilespmem:s22], [sflag:$0x1] =	stream.linear.gather [hbm4b:s31+s3], $0xA000, $0x38;
	[tilespmem:$0x1FE00] =	vst v63  }
0x1b: {  	_ =	swait.ge [sflag:s21], $0xA000  }
0x1c: {  	[sflag:s21] =	ssyncset.done $0x0  }
0x1d: {  	s4 =	simm.s32 $0x0;
	s0 =	simm.s32 $0x40;
	[sflag:s21] =	ssyncadd.s32 $0xFFFF6000  }
.LBB2_2:
0x1e: {  	p0 =	sne.s32 s0, $0x27FC0;
	[tilespmem:s4+$0x14000] =	vst v0;
	s4 =	smov.u32 s0;
	s0 =	sadd.s32 $0x40, s0  }
.Ltmp0:
0x1f: {  	(pc) =	sbr.rel @p0 .LBB2_2-.Ltmp0, $2  }
0x20: {  	_ =	sdelay $0x2  }
0x21: {  	s4 =	sshra.s32 s4, $0x2  }
0x22: {  	[tilespmem:s4+$0x14000] =	vst v0;
	s0 =	simm.s32 $0x0;
	s30 =	simm.s32 $0x0  }
.LBB2_4:
0x23: {  	s4 =	smul.u32 $0x320, s30;
	_ =	sdelay $0x1  }
0x24: {  	s4 =	sadd.s32 s8, s4  }
0x25: {  	s4 =	sshrl.u32 s4, $0x3  }
0x26: {  	s4 =	sadd.s32 s1, s4  }
0x27: {  	[tilespmem:s23], [sflag:$0x1] =	stream.linear.gather [hbm4b:s4+s0], $0x320, $0x38;
	[tilespmem:$0x1FE00] =	vst v63  }
0x28: {  	_ =	swait.ge [sflag:s21], $0x320  }
0x29: {  	[sflag:s21] =	ssyncset.done $0x0  }
0x2a: {  	s31 =	simm.s32 $0x0;
	[sflag:s21] =	ssyncadd.s32 $0xFFFFFCE0  }
0x2b: {  	v1 =	vld [tilespmem:s31+$0x1E000]  }
0x2c: {  	v2 =	vld [tilespmem:s31+$0x1E190];
	_ =	sdelay $0x6  }
0x2d: {  	v3 =	vld.idx.msk [tilespmem:v1+s3+$0x0], $0xffff  }
0x2e: {  	v4 =	vld.idx.msk [tilespmem:v2+s22+$0x0], $0xffff;
	_ =	sdelay $0x4  }
0x2f: {  	v3 =	vadd.f32 v4, v3;
	_ =	sdelay $0x1  }
0x30: {  	v4 =	vmul.f32 $2.000000030e-01, v3;
	_ =	sdelay $0x1  }
0x31: {  	v3 =	vmax.f32 v3, v4  }
0x32: {  	v3 =	vmul.f32 $1.442695020e+00, v3;
	_ =	sdelay $0x1  }
0x33: {  	(erf) = vpow2.f32 v3;
	_ =	sdelay $0x5  }
0x34: {  	v3 =	vadd.s32 $0x2800, v1  }
0x35: {  	v62 =	vadd.s32 $0x2800, v2;
	_ =	sdelay $0x1  }
0x36: {  	v5 =	vpop (erf)  }
0x37: {  	[tilespmem:v2+s24+$0x0] =	vst.idx.add.f32.msk $0xffff, v5  }
0x38: {  	v3 =	vld.idx.msk [tilespmem:v3+s3+$0x0], $0xffff  }
0x39: {  	v5 =	vld.idx.msk [tilespmem:v62+s22+$0x0], $0xffff;
	_ =	sdelay $0x4  }
0x3a: {  	v3 =	vadd.f32 v5, v3;
	_ =	sdelay $0x1  }
0x3b: {  	v5 =	vmul.f32 $2.000000030e-01, v3;
	_ =	sdelay $0x1  }
0x3c: {  	v3 =	vmax.f32 v3, v5  }
0x3d: {  	v3 =	vmul.f32 $1.442695020e+00, v3;
	_ =	sdelay $0x1  }
0x3e: {  	(erf) = vpow2.f32 v3;
	_ =	sdelay $0x5  }
0x3f: {  	v3 =	vadd.s32 $0x5000, v1  }
0x40: {  	v63 =	vadd.s32 $0x5000, v2;
	_ =	sdelay $0x1  }
0x41: {  	v6 =	vpop (erf)  }
0x42: {  	[tilespmem:v62+s24+$0x0] =	vst.idx.add.f32.msk $0xffff, v6  }
0x43: {  	v3 =	vld.idx.msk [tilespmem:v3+s3+$0x0], $0xffff  }
0x44: {  	v4 =	vld.idx.msk [tilespmem:v63+s22+$0x0], $0xffff;
	_ =	sdelay $0x4  }
0x45: {  	v3 =	vadd.f32 v4, v3;
	_ =	sdelay $0x1  }
0x46: {  	v4 =	vmul.f32 $2.000000030e-01, v3;
	_ =	sdelay $0x1  }
0x47: {  	v3 =	vmax.f32 v3, v4  }
0x48: {  	v3 =	vmul.f32 $1.442695020e+00, v3;
	_ =	sdelay $0x1  }
0x49: {  	(erf) = vpow2.f32 v3;
	_ =	sdelay $0x5  }
0x4a: {  	v3 =	vadd.s32 $0x7800, v1  }
0x4b: {  	v1 =	vadd.s32 $0x7800, v2;
	_ =	sdelay $0x1  }
0x4c: {  	v2 =	vpop (erf)  }
0x4d: {  	[tilespmem:v63+s24+$0x0] =	vst.idx.add.f32.msk $0xffff, v2  }
0x4e: {  	v2 =	vld.idx.msk [tilespmem:v3+s3+$0x0], $0xffff  }
0x4f: {  	v3 =	vld.idx.msk [tilespmem:v1+s22+$0x0], $0xffff;
	_ =	sdelay $0x4  }
0x50: {  	v2 =	vadd.f32 v3, v2;
	_ =	sdelay $0x1  }
0x51: {  	v3 =	vmul.f32 $2.000000030e-01, v2;
	_ =	sdelay $0x1  }
0x52: {  	v2 =	vmax.f32 v2, v3  }
0x53: {  	v2 =	vmul.f32 $1.442695020e+00, v2;
	_ =	sdelay $0x1  }
0x54: {  	s4 =	simm.s32 $0x40;
	(erf) = vpow2.f32 v2  }
.LBB2_5:
0x55: {  	_ =	sdelay $0x4  }
0x56: {  	p0 =	sne.s32 s4, $0x600;
	s6 =	smov.u32 s4;
	s4 =	sadd.s32 $0x40, s4  }
0x57: {  	_ =	sdelay $0x1  }
0x58: {  	v2 =	vpop (erf)  }
0x59: {  	s6 =	sshra.s32 s6, $0x2;
	[tilespmem:v1+s24+$0x0] =	vst.idx.add.f32.msk $0xffff, v2  }
0x5a: {  	v1 =	vld [tilespmem:s6+$0x1E000]  }
0x5b: {  	v2 =	vld [tilespmem:s6+$0x1E190];
	_ =	sdelay $0x6  }
0x5c: {  	v3 =	vld.idx.msk [tilespmem:v1+s3+$0x0], $0xffff  }
0x5d: {  	v4 =	vld.idx.msk [tilespmem:v2+s22+$0x0], $0xffff;
	_ =	sdelay $0x5  }
0x5e: {  	v3 =	vadd.f32 v4, v3;
	_ =	sdelay $0x1  }
0x5f: {  	v4 =	vmul.f32 $2.000000030e-01, v3;
	_ =	sdelay $0x1  }
0x60: {  	v3 =	vmax.f32 v3, v4  }
0x61: {  	v3 =	vmul.f32 $1.442695020e+00, v3;
	_ =	sdelay $0x1  }
0x62: {  	(erf) = vpow2.f32 v3;
	_ =	sdelay $0x5  }
0x63: {  	v4 =	vadd.s32 $0x2800, v2;
	v3 =	vadd.s32 $0x2800, v1;
	_ =	sdelay $0x2  }
0x64: {  	v5 =	vpop (erf)  }
0x65: {  	[tilespmem:v2+s24+$0x0] =	vst.idx.add.f32.msk $0xffff, v5  }
0x66: {  	v3 =	vld.idx.msk [tilespmem:v3+s3+$0x0], $0xffff  }
0x67: {  	v5 =	vld.idx.msk [tilespmem:v4+s22+$0x0], $0xffff;
	_ =	sdelay $0x5  }
0x68: {  	v3 =	vadd.f32 v5, v3;
	_ =	sdelay $0x1  }
0x69: {  	v5 =	vmul.f32 $2.000000030e-01, v3;
	_ =	sdelay $0x1  }
0x6a: {  	v3 =	vmax.f32 v3, v5  }
0x6b: {  	v3 =	vmul.f32 $1.442695020e+00, v3;
	_ =	sdelay $0x1  }
0x6c: {  	(erf) = vpow2.f32 v3;
	_ =	sdelay $0x5  }
0x6d: {  	v5 =	vadd.s32 $0x5000, v2;
	v3 =	vadd.s32 $0x5000, v1;
	_ =	sdelay $0x2  }
0x6e: {  	v6 =	vpop (erf)  }
0x6f: {  	[tilespmem:v4+s24+$0x0] =	vst.idx.add.f32.msk $0xffff, v6  }
0x70: {  	v3 =	vld.idx.msk [tilespmem:v3+s3+$0x0], $0xffff  }
0x71: {  	v4 =	vld.idx.msk [tilespmem:v5+s22+$0x0], $0xffff;
	_ =	sdelay $0x5  }
0x72: {  	v3 =	vadd.f32 v4, v3;
	_ =	sdelay $0x1  }
0x73: {  	v4 =	vmul.f32 $2.000000030e-01, v3;
	_ =	sdelay $0x1  }
0x74: {  	v3 =	vmax.f32 v3, v4  }
0x75: {  	v3 =	vmul.f32 $1.442695020e+00, v3;
	_ =	sdelay $0x1  }
0x76: {  	(erf) = vpow2.f32 v3;
	_ =	sdelay $0x5  }
0x77: {  	v3 =	vadd.s32 $0x7800, v1;
	v1 =	vadd.s32 $0x7800, v2;
	_ =	sdelay $0x2  }
0x78: {  	v2 =	vpop (erf)  }
0x79: {  	[tilespmem:v5+s24+$0x0] =	vst.idx.add.f32.msk $0xffff, v2  }
0x7a: {  	v2 =	vld.idx.msk [tilespmem:v3+s3+$0x0], $0xffff  }
0x7b: {  	v3 =	vld.idx.msk [tilespmem:v1+s22+$0x0], $0xffff;
	_ =	sdelay $0x5  }
0x7c: {  	v2 =	vadd.f32 v3, v2;
	_ =	sdelay $0x1  }
0x7d: {  	v3 =	vmul.f32 $2.000000030e-01, v2  }
.Ltmp1:
0x7e: {  	(pc) =	sbr.rel @p0 .LBB2_5-.Ltmp1, $3  }
0x7f: {  	v2 =	vmax.f32 v2, v3  }
0x80: {  	v2 =	vmul.f32 $1.442695020e+00, v2;
	_ =	sdelay $0x1  }
0x81: {  	(erf) = vpow2.f32 v2  }
0x82: {  	_ =	sdelay $0x2  }
0x83: {  	s30 =	sadd.s32 $0x1, s30  }
0x84: {  	p0 =	sne.s32 s30, $0x32  }
.Ltmp2:
0x85: {  	_ = 	snop;
	(pc) =	sbr.rel @p0 .LBB2_4-.Ltmp2, $3  }
0x86: {  	_ =	sdelay $0x1  }
0x87: {  	v2 =	vpop (erf)  }
0x88: {  	[tilespmem:v1+s24+$0x0] =	vst.idx.add.f32.msk $0xffff, v2  }
0x89: {  	[hbm4b:s10+s3] =	stream.linear.scatter [tilespmem:s24], [sflag:$0x1], $0xA000, $0x38;
	[tilespmem:$0x1FE00] =	vst v63  }
0x8a: {  	s0 =	simm.s32 $0x1  }
0x8b: {  	_ =	swait.ge [sflag:s0], $0xA000  }
0x8c: {  	[sflag:s0] =	ssyncset.done $0x0  }
0x8d: {  	[sflag:s0] =	ssyncadd.s32 $0xFFFF6000  }
0x8e: {  	[bflag:$0x0] =	sbarrier.arrive $0xFFFF  }
0x8f: {  	[tilespmem:s25], [sflag:$0x1] =	stream.linear.gather [hbm4b:s11+s3], $0xA00, $0x38;
	[tilespmem:$0x1FE00] =	vst v63  }
0x90: {  	_ =	swait.ge [sflag:s0], $0xA00  }
0x91: {  	[sflag:s0] =	ssyncset.done $0x0  }
0x92: {  	[sflag:s0] =	ssyncadd.s32 $0xFFFFF600  }
.LBB2_8:
0x93: {  	s4 =	smul.u32 $0xA000, s0;
	_ =	sdelay $0x1  }
0x94: {  	s4 =	sadd.s32 s4, s9  }
0x95: {  	s4 =	sshrl.u32 s4, $0x3  }
0x96: {  	s6 =	simm.s32 $0x0;
	s4 =	sadd.s32 s2, s4  }
0x97: {  	[tilespmem:s26], [sflag:$0x1] =	stream.linear.gather [hbm4b:s4+s6], $0xA00, $0x38;
	[tilespmem:$0x1FE00] =	vst v63  }
0x98: {  	_ =	swait.ge [sflag:s21], $0xA00  }
0x99: {  	[sflag:s21] =	ssyncset.done $0x0  }
0x9a: {  	s4 =	simm.s32 $0x0;
	[sflag:s21] =	ssyncadd.s32 $0xFFFFF600  }
0x9b: {  	s6 =	simm.s32 $0x40;
	v1 =	vld [tilespmem:s4+$0x1F400]  }
.LBB2_9:
0x9c: {  	p0 =	sne.s32 s6, $0x27C0;
	v2 =	vld [tilespmem:s4+$0x1EA00];
	_ =	sdelay $0x2  }
.Ltmp3:
0x9d: {  	(pc) =	sbr.rel @p0 .LBB2_9-.Ltmp3, $4  }
0x9e: {  	_ = 	snop  }
0x9f: {  	v2 =	vadd.f32 v1, v2  }
0xa0: {  	s7 =	sshra.s32 s6, $0x2  }
0xa1: {  	s6 =	sadd.s32 $0x40, s6;
	v1 =	vld [tilespmem:s7+$0x1F400];
	[tilespmem:s4+$0x1EA00] =	vst v2;
	s4 =	smov.u32 s7  }
0xa2: {  	v2 =	vld [tilespmem:s4+$0x1EA00]  }
0xa3: {  	s0 =	sadd.s32 $0x1, s0  }
0xa4: {  	p0 =	sne.s32 s0, $0x10  }
.Ltmp4:
0xa5: {  	_ = 	snop;
	(pc) =	sbr.rel @p0 .LBB2_8-.Ltmp4, $3  }
0xa6: {  	_ = 	snop  }
0xa7: {  	v1 =	vadd.f32 v1, v2;
	_ =	sdelay $0x1  }
0xa8: {  	[tilespmem:s4+$0x1EA00] =	vst v1  }
0xa9: {  	s0 =	simm.s32 $0x0;
	s4 =	simm.s32 $0x40  }
.LBB2_12:
0xaa: {  	p0 =	sne.s32 s4, $0x27C0;
	v1 =	vld [tilespmem:s0+$0x1EA00];
	_ =	sdelay $0x4  }
0xab: {  	(erf) = vrcp.f32 v1;
	_ =	sdelay $0x5  }
.Ltmp5:
0xac: {  	(pc) =	sbr.rel @p0 .LBB2_12-.Ltmp5, $3  }
0xad: {  	_ =	sdelay $0x1  }
0xae: {  	v1 =	vpop (erf)  }
0xaf: {  	[tilespmem:s0+$0x1EA00] =	vst v1;
	s0 =	sshra.s32 s4, $0x2;
	s4 =	sadd.s32 $0x40, s4  }
0xb0: {  	v1 =	vld [tilespmem:s0+$0x1EA00];
	_ =	sdelay $0x4  }
0xb1: {  	(erf) = vrcp.f32 v1;
	_ =	sdelay $0x8  }
0xb2: {  	v1 =	vpop (erf)  }
0xb3: {  	s30 =	simm.s32 $0x0;
	[tilespmem:s0+$0x1EA00] =	vst v1  }
0xb4: {  	[hbm4b:s12+s30] =	stream.linear.scatter [tilespmem:s25], [sflag:$0x1], $0xA00, $0x38;
	[tilespmem:$0x1FE00] =	vst v63  }
0xb5: {  	_ =	swait.ge [sflag:s21], $0xA00  }
0xb6: {  	[sflag:s21] =	ssyncset.done $0x0  }
0xb7: {  	[sflag:s21] =	ssyncadd.s32 $0xFFFFF600  }
0xb8: {  	[bflag:$0x0] =	sbarrier.arrive $0xFFFF  }
0xb9: {  	[tilespmem:s24], [sflag:$0x1] =	stream.linear.gather [hbm4b:s14+s30], $0xA000, $0x38;
	[tilespmem:$0x1FE00] =	vst v63  }
0xba: {  	_ =	swait.ge [sflag:s21], $0xA000  }
0xbb: {  	[sflag:s21] =	ssyncset.done $0x0  }
0xbc: {  	s31 =	simm.s32 $0x0;
	[sflag:s21] =	ssyncadd.s32 $0xFFFF6000  }
.LBB2_14:
0xbd: {  	s0 =	smul.u32 $0x320, s31;
	_ =	sdelay $0x1  }
0xbe: {  	s0 =	sadd.s32 s8, s0  }
0xbf: {  	s0 =	sshrl.u32 s0, $0x3  }
0xc0: {  	s0 =	sadd.s32 s1, s0  }
0xc1: {  	[tilespmem:s23], [sflag:$0x1] =	stream.linear.gather [hbm4b:s0+s30], $0x320, $0x38;
	[tilespmem:$0x1FE00] =	vst v63  }
0xc2: {  	_ =	swait.ge [sflag:s21], $0x320  }
0xc3: {  	[sflag:s21] =	ssyncset.done $0x0  }
0xc4: {  	s0 =	simm.s32 $0x0;
	[sflag:s21] =	ssyncadd.s32 $0xFFFFFCE0  }
0xc5: {  	v1 =	vld [tilespmem:s0+$0x1E000]  }
0xc6: {  	v2 =	vld [tilespmem:s0+$0x1E190];
	_ =	sdelay $0x6  }
0xc7: {  	v3 =	vld.idx.msk [tilespmem:v1+s3+$0x0], $0xffff  }
0xc8: {  	v4 =	vld.idx.msk [tilespmem:v2+s22+$0x0], $0xffff;
	_ =	sdelay $0x4  }
0xc9: {  	v3 =	vadd.f32 v4, v3;
	_ =	sdelay $0x1  }
0xca: {  	v4 =	vmul.f32 $2.000000030e-01, v3;
	_ =	sdelay $0x1  }
0xcb: {  	v3 =	vmax.f32 v3, v4  }
0xcc: {  	v3 =	vmul.f32 $1.442695020e+00, v3;
	_ =	sdelay $0x1  }
0xcd: {  	(erf) = vpow2.f32 v3;
	_ =	sdelay $0x4  }
0xce: {  	v3 =	vld.idx.msk [tilespmem:v2+s24+$0x0], $0xffff;
	_ =	sdelay $0x2  }
0xcf: {  	v4 =	vadd.s32 $0x2800, v1  }
0xd0: {  	v5 =	vadd.s32 $0x2800, v2;
	v6 =	vpop (erf)  }
0xd1: {  	v3 =	vmul.f32 v6, v3;
	_ =	sdelay $0x1  }
0xd2: {  	[tilespmem:s0+$0x1E380] =	vst v3  }
0xd3: {  	v3 =	vld.idx.msk [tilespmem:v4+s3+$0x0], $0xffff  }
0xd4: {  	v4 =	vld.idx.msk [tilespmem:v5+s22+$0x0], $0xffff;
	_ =	sdelay $0x4  }
0xd5: {  	v3 =	vadd.f32 v4, v3;
	_ =	sdelay $0x1  }
0xd6: {  	v4 =	vmul.f32 $2.000000030e-01, v3;
	_ =	sdelay $0x1  }
0xd7: {  	v3 =	vmax.f32 v3, v4  }
0xd8: {  	v3 =	vmul.f32 $1.442695020e+00, v3;
	_ =	sdelay $0x1  }
0xd9: {  	(erf) = vpow2.f32 v3;
	_ =	sdelay $0x4  }
0xda: {  	v3 =	vld.idx.msk [tilespmem:v5+s24+$0x0], $0xffff;
	_ =	sdelay $0x2  }
0xdb: {  	v4 =	vadd.s32 $0x5000, v1  }
0xdc: {  	v5 =	vadd.s32 $0x5000, v2;
	v63 =	vpop (erf)  }
0xdd: {  	v3 =	vmul.f32 v63, v3;
	_ =	sdelay $0x1  }
0xde: {  	[tilespmem:s0+$0x1E510] =	vst v3  }
0xdf: {  	v3 =	vld.idx.msk [tilespmem:v4+s3+$0x0], $0xffff  }
0xe0: {  	v4 =	vld.idx.msk [tilespmem:v5+s22+$0x0], $0xffff;
	_ =	sdelay $0x4  }
0xe1: {  	v3 =	vadd.f32 v4, v3;
	_ =	sdelay $0x1  }
0xe2: {  	v4 =	vmul.f32 $2.000000030e-01, v3;
	_ =	sdelay $0x1  }
0xe3: {  	v3 =	vmax.f32 v3, v4  }
0xe4: {  	v3 =	vmul.f32 $1.442695020e+00, v3;
	_ =	sdelay $0x1  }
0xe5: {  	(erf) = vpow2.f32 v3;
	_ =	sdelay $0x4  }
0xe6: {  	v3 =	vld.idx.msk [tilespmem:v5+s24+$0x0], $0xffff;
	_ =	sdelay $0x2  }
0xe7: {  	v1 =	vadd.s32 $0x7800, v1  }
0xe8: {  	v2 =	vadd.s32 $0x7800, v2;
	v4 =	vpop (erf)  }
0xe9: {  	v3 =	vmul.f32 v4, v3;
	_ =	sdelay $0x1  }
0xea: {  	[tilespmem:s0+$0x1E6A0] =	vst v3  }
0xeb: {  	v1 =	vld.idx.msk [tilespmem:v1+s3+$0x0], $0xffff  }
0xec: {  	v3 =	vld.idx.msk [tilespmem:v2+s22+$0x0], $0xffff;
	_ =	sdelay $0x4  }
0xed: {  	v1 =	vadd.f32 v3, v1;
	_ =	sdelay $0x1  }
0xee: {  	v3 =	vmul.f32 $2.000000030e-01, v1;
	_ =	sdelay $0x1  }
0xef: {  	v1 =	vmax.f32 v1, v3  }
0xf0: {  	v3 =	vld.idx.msk [tilespmem:v2+s24+$0x0], $0xffff;
	v2 =	vmul.f32 $1.442695020e+00, v1;
	_ =	sdelay $0x1  }
0xf1: {  	(erf) = vpow2.f32 v2;
	_ =	sdelay $0x3  }
0xf2: {  	s7 =	simm.s32 $0x10  }
0xf3: {  	v1 =	vld [tilespmem:s7+$0x1E000]  }
0xf4: {  	s4 =	simm.s32 $0x80;
	v2 =	vld [tilespmem:s7+$0x1E190]  }
.LBB2_15:
0xf5: {  	_ = 	snop  }
0xf6: {  	p0 =	sne.s32 s4, $0x600;
	s6 =	smov.u32 s4;
	s4 =	sadd.s32 $0x40, s4  }
0xf7: {  	v4 =	vpop (erf)  }
0xf8: {  	v3 =	vmul.f32 v4, v3;
	_ =	sdelay $0x1  }
0xf9: {  	[tilespmem:s0+$0x1E830] =	vst v3;
	s0 =	smov.u32 s7  }
0xfa: {  	v3 =	vld.idx.msk [tilespmem:v1+s3+$0x0], $0xffff  }
0xfb: {  	v4 =	vld.idx.msk [tilespmem:v2+s22+$0x0], $0xffff;
	_ =	sdelay $0x5  }
0xfc: {  	v3 =	vadd.f32 v4, v3;
	_ =	sdelay $0x1  }
0xfd: {  	v4 =	vmul.f32 $2.000000030e-01, v3;
	_ =	sdelay $0x1  }
0xfe: {  	v3 =	vmax.f32 v3, v4  }
0xff: {  	v3 =	vmul.f32 $1.442695020e+00, v3;
	_ =	sdelay $0x1  }
0x100: {  	(erf) = vpow2.f32 v3;
	_ =	sdelay $0x2  }
0x101: {  	v3 =	vld.idx.msk [tilespmem:v2+s24+$0x0], $0xffff;
	_ =	sdelay $0x4  }
0x102: {  	v5 =	vadd.s32 $0x2800, v2;
	v4 =	vadd.s32 $0x2800, v1  }
0x103: {  	v6 =	vpop (erf)  }
0x104: {  	v3 =	vmul.f32 v6, v3;
	_ =	sdelay $0x1  }
0x105: {  	[tilespmem:s0+$0x1E380] =	vst v3  }
0x106: {  	v3 =	vld.idx.msk [tilespmem:v4+s3+$0x0], $0xffff  }
0x107: {  	v4 =	vld.idx.msk [tilespmem:v5+s22+$0x0], $0xffff;
	_ =	sdelay $0x5  }
0x108: {  	v3 =	vadd.f32 v4, v3;
	_ =	sdelay $0x1  }
0x109: {  	v4 =	vmul.f32 $2.000000030e-01, v3;
	_ =	sdelay $0x1  }
0x10a: {  	v3 =	vmax.f32 v3, v4  }
0x10b: {  	v3 =	vmul.f32 $1.442695020e+00, v3;
	_ =	sdelay $0x1  }
0x10c: {  	(erf) = vpow2.f32 v3;
	_ =	sdelay $0x1  }
0x10d: {  	v3 =	vld.idx.msk [tilespmem:v5+s24+$0x0], $0xffff;
	_ =	sdelay $0x5  }
0x10e: {  	v4 =	vadd.s32 $0x5000, v1;
	v5 =	vadd.s32 $0x5000, v2  }
0x10f: {  	v6 =	vpop (erf)  }
0x110: {  	v3 =	vmul.f32 v6, v3;
	_ =	sdelay $0x1  }
0x111: {  	[tilespmem:s0+$0x1E510] =	vst v3  }
0x112: {  	v3 =	vld.idx.msk [tilespmem:v4+s3+$0x0], $0xffff  }
0x113: {  	v4 =	vld.idx.msk [tilespmem:v5+s22+$0x0], $0xffff;
	_ =	sdelay $0x5  }
0x114: {  	v3 =	vadd.f32 v4, v3;
	_ =	sdelay $0x1  }
0x115: {  	v4 =	vmul.f32 $2.000000030e-01, v3;
	_ =	sdelay $0x1  }
0x116: {  	v3 =	vmax.f32 v3, v4  }
0x117: {  	v3 =	vmul.f32 $1.442695020e+00, v3;
	_ =	sdelay $0x1  }
0x118: {  	(erf) = vpow2.f32 v3  }
0x119: {  	v3 =	vld.idx.msk [tilespmem:v5+s24+$0x0], $0xffff;
	_ =	sdelay $0x6  }
0x11a: {  	v1 =	vadd.s32 $0x7800, v1;
	v2 =	vadd.s32 $0x7800, v2  }
0x11b: {  	v4 =	vpop (erf)  }
0x11c: {  	v3 =	vmul.f32 v4, v3;
	_ =	sdelay $0x1  }
0x11d: {  	[tilespmem:s0+$0x1E6A0] =	vst v3  }
0x11e: {  	v1 =	vld.idx.msk [tilespmem:v1+s3+$0x0], $0xffff  }
0x11f: {  	v4 =	vld.idx.msk [tilespmem:v2+s22+$0x0], $0xffff  }
0x120: {  	v3 =	vld.idx.msk [tilespmem:v2+s24+$0x0], $0xffff;
	_ =	sdelay $0x4  }
0x121: {  	v1 =	vadd.f32 v4, v1;
	_ =	sdelay $0x1  }
0x122: {  	v2 =	vmul.f32 $2.000000030e-01, v1;
	_ =	sdelay $0x1  }
0x123: {  	v1 =	vmax.f32 v1, v2  }
0x124: {  	v1 =	vmul.f32 $1.442695020e+00, v1;
	_ =	sdelay $0x1  }
0x125: {  	(erf) = vpow2.f32 v1;
	_ =	sdelay $0x1  }
.Ltmp6:
0x126: {  	(pc) =	sbr.rel @p0 .LBB2_15-.Ltmp6, $4  }
0x127: {  	_ = 	snop  }
0x128: {  	s7 =	sshra.s32 s6, $0x2  }
0x129: {  	v1 =	vld [tilespmem:s7+$0x1E000]  }
0x12a: {  	v2 =	vld [tilespmem:s7+$0x1E190]  }
0x12b: {  	_ =	sdelay $0x2  }
0x12c: {  	v4 =	vpop (erf)  }
0x12d: {  	v3 =	vmul.f32 v4, v3;
	_ =	sdelay $0x1  }
0x12e: {  	[tilespmem:s0+$0x1E830] =	vst v3  }
0x12f: {  	v3 =	vld.idx.msk [tilespmem:v1+s3+$0x0], $0xffff  }
0x130: {  	v56 =	vld.idx.msk [tilespmem:v2+s22+$0x0], $0xffff;
	_ =	sdelay $0x4  }
0x131: {  	v3 =	vadd.f32 v56, v3;
	_ =	sdelay $0x1  }
0x132: {  	v4 =	vmul.f32 $2.000000030e-01, v3;
	_ =	sdelay $0x1  }
0x133: {  	v3 =	vmax.f32 v3, v4  }
0x134: {  	v3 =	vmul.f32 $1.442695020e+00, v3;
	_ =	sdelay $0x1  }
0x135: {  	(erf) = vpow2.f32 v3;
	_ =	sdelay $0x4  }
0x136: {  	v3 =	vld.idx.msk [tilespmem:v2+s24+$0x0], $0xffff;
	_ =	sdelay $0x2  }
0x137: {  	v57 =	vadd.s32 $0x2800, v1  }
0x138: {  	v5 =	vadd.s32 $0x2800, v2;
	v6 =	vpop (erf)  }
0x139: {  	v3 =	vmul.f32 v6, v3;
	_ =	sdelay $0x1  }
0x13a: {  	[tilespmem:s7+$0x1E380] =	vst v3  }
0x13b: {  	v3 =	vld.idx.msk [tilespmem:v57+s3+$0x0], $0xffff  }
0x13c: {  	v58 =	vld.idx.msk [tilespmem:v5+s22+$0x0], $0xffff;
	_ =	sdelay $0x4  }
0x13d: {  	v3 =	vadd.f32 v58, v3;
	_ =	sdelay $0x1  }
0x13e: {  	v4 =	vmul.f32 $2.000000030e-01, v3;
	_ =	sdelay $0x1  }
0x13f: {  	v3 =	vmax.f32 v3, v4  }
0x140: {  	v3 =	vmul.f32 $1.442695020e+00, v3;
	_ =	sdelay $0x1  }
0x141: {  	(erf) = vpow2.f32 v3;
	_ =	sdelay $0x4  }
0x142: {  	v3 =	vld.idx.msk [tilespmem:v5+s24+$0x0], $0xffff;
	_ =	sdelay $0x2  }
0x143: {  	v59 =	vadd.s32 $0x5000, v1  }
0x144: {  	v60 =	vadd.s32 $0x5000, v2;
	v61 =	vpop (erf)  }
0x145: {  	v3 =	vmul.f32 v61, v3;
	_ =	sdelay $0x1  }
0x146: {  	[tilespmem:s7+$0x1E510] =	vst v3  }
0x147: {  	v3 =	vld.idx.msk [tilespmem:v59+s3+$0x0], $0xffff  }
0x148: {  	v62 =	vld.idx.msk [tilespmem:v60+s22+$0x0], $0xffff;
	_ =	sdelay $0x4  }
0x149: {  	v3 =	vadd.f32 v62, v3;
	_ =	sdelay $0x1  }
0x14a: {  	v4 =	vmul.f32 $2.000000030e-01, v3;
	_ =	sdelay $0x1  }
0x14b: {  	v3 =	vmax.f32 v3, v4  }
0x14c: {  	v3 =	vmul.f32 $1.442695020e+00, v3;
	_ =	sdelay $0x1  }
0x14d: {  	(erf) = vpow2.f32 v3;
	_ =	sdelay $0x4  }
0x14e: {  	v3 =	vld.idx.msk [tilespmem:v60+s24+$0x0], $0xffff;
	_ =	sdelay $0x2  }
0x14f: {  	v1 =	vadd.s32 $0x7800, v1  }
0x150: {  	v2 =	vadd.s32 $0x7800, v2;
	v63 =	vpop (erf)  }
0x151: {  	v3 =	vmul.f32 v63, v3;
	_ =	sdelay $0x1  }
0x152: {  	[tilespmem:s7+$0x1E6A0] =	vst v3  }
0x153: {  	v1 =	vld.idx.msk [tilespmem:v1+s3+$0x0], $0xffff  }
0x154: {  	v3 =	vld.idx.msk [tilespmem:v2+s22+$0x0], $0xffff;
	_ =	sdelay $0x4  }
0x155: {  	v1 =	vadd.f32 v3, v1;
	_ =	sdelay $0x1  }
0x156: {  	v3 =	vmul.f32 $2.000000030e-01, v1;
	_ =	sdelay $0x1  }
0x157: {  	v1 =	vmax.f32 v1, v3  }
0x158: {  	v1 =	vmul.f32 $1.442695020e+00, v1;
	_ =	sdelay $0x1  }
0x159: {  	(erf) = vpow2.f32 v1;
	_ =	sdelay $0x4  }
0x15a: {  	v1 =	vld.idx.msk [tilespmem:v2+s24+$0x0], $0xffff;
	_ =	sdelay $0x1  }
0x15b: {  	s6 =	sadd.s32 s15, s31  }
0x15c: {  	s0 =	smul.u32 $0xC80, s6  }
0x15d: {  	v2 =	vpop (erf)  }
0x15e: {  	s31 =	sadd.s32 $0x1, s31;
	s0 =	sadd.s32 s13, s0;
	v1 =	vmul.f32 v2, v1  }
0x15f: {  	p0 =	sne.s32 s31, $0x32;
	s0 =	sshrl.u32 s0, $0x3  }
.Ltmp7:
0x160: {  	s0 =	sadd.s32 s5, s0;
	[tilespmem:s7+$0x1E830] =	vst v1;
	(pc) =	sbr.rel @p0 .LBB2_14-.Ltmp7, $4  }
0x161: {  	[hbm4b:s0+s3] =	stream.linear.scatter [tilespmem:s28], [sflag:$0x1], $0x640, $0x38;
	[tilespmem:$0x1FE00] =	vst v63  }
0x162: {  	_ =	swait.ge [sflag:s21], $0x640  }
0x163: {  	[sflag:s21] =	ssyncset.done $0x0  }
0x164: {  	[sflag:s21] =	ssyncadd.s32 $0xFFFFF9C0  }
0x165: {  	s30 =	simm.s32 $0x0  }
0x166: {  	[tilespmem:s30], [sflag:$0x1] =	stream.linear.gather [hbm4b:s16+s30], $0xA000, $0x38;
	[tilespmem:$0x1FE00] =	vst v63  }
0x167: {  	_ =	swait.ge [sflag:s21], $0xA000  }
0x168: {  	[sflag:s21] =	ssyncset.done $0x0  }
0x169: {  	[sflag:s21] =	ssyncadd.s32 $0xFFFF6000  }
0x16a: {  	[tilespmem:s22], [sflag:$0x1] =	stream.linear.gather [hbm4b:s17+s30], $0xA000, $0x38;
	[tilespmem:$0x1FE00] =	vst v63  }
0x16b: {  	_ =	swait.ge [sflag:s21], $0xA000  }
0x16c: {  	[sflag:s21] =	ssyncset.done $0x0  }
0x16d: {  	s0 =	simm.s32 $0x40;
	s4 =	simm.s32 $0x0;
	[sflag:s21] =	ssyncadd.s32 $0xFFFF6000  }
.LBB2_18:
0x16e: {  	p0 =	sne.s32 s0, $0x27FC0;
	[tilespmem:s4+$0x14000] =	vst v0;
	s4 =	smov.u32 s0;
	s0 =	sadd.s32 $0x40, s0  }
.Ltmp8:
0x16f: {  	(pc) =	sbr.rel @p0 .LBB2_18-.Ltmp8, $2  }
0x170: {  	_ =	sdelay $0x2  }
0x171: {  	s4 =	sshra.s32 s4, $0x2  }
0x172: {  	[tilespmem:s4+$0x14000] =	vst v0  }
.LBB2_20:
0x173: {  	s0 =	smul.u32 $0x320, s30;
	_ =	sdelay $0x1  }
0x174: {  	s0 =	sadd.s32 s0, s18  }
0x175: {  	s0 =	sshrl.u32 s0, $0x3  }
0x176: {  	s4 =	simm.s32 $0x0;
	s0 =	sadd.s32 s1, s0  }
0x177: {  	[tilespmem:s23], [sflag:$0x1] =	stream.linear.gather [hbm4b:s0+s4], $0x320, $0x38;
	[tilespmem:$0x1FE00] =	vst v63  }
0x178: {  	_ =	swait.ge [sflag:s21], $0x320  }
0x179: {  	[sflag:s21] =	ssyncset.done $0x0  }
0x17a: {  	s31 =	simm.s32 $0x0;
	[sflag:s21] =	ssyncadd.s32 $0xFFFFFCE0  }
0x17b: {  	v1 =	vld [tilespmem:s31+$0x1E000]  }
0x17c: {  	v2 =	vld [tilespmem:s31+$0x1E190];
	_ =	sdelay $0x6  }
0x17d: {  	v3 =	vld.idx.msk [tilespmem:v1+s3+$0x0], $0xffff  }
0x17e: {  	v4 =	vld.idx.msk [tilespmem:v2+s22+$0x0], $0xffff;
	_ =	sdelay $0x4  }
0x17f: {  	v3 =	vadd.f32 v4, v3;
	_ =	sdelay $0x1  }
0x180: {  	v4 =	vmul.f32 $2.000000030e-01, v3;
	_ =	sdelay $0x1  }
0x181: {  	v3 =	vmax.f32 v3, v4  }
0x182: {  	v3 =	vmul.f32 $1.442695020e+00, v3;
	_ =	sdelay $0x1  }
0x183: {  	(erf) = vpow2.f32 v3;
	_ =	sdelay $0x5  }
0x184: {  	v3 =	vadd.s32 $0x2800, v1  }
0x185: {  	v62 =	vadd.s32 $0x2800, v2;
	_ =	sdelay $0x1  }
0x186: {  	v5 =	vpop (erf)  }
0x187: {  	[tilespmem:v2+s24+$0x0] =	vst.idx.add.f32.msk $0xffff, v5  }
0x188: {  	v3 =	vld.idx.msk [tilespmem:v3+s3+$0x0], $0xffff  }
0x189: {  	v5 =	vld.idx.msk [tilespmem:v62+s22+$0x0], $0xffff;
	_ =	sdelay $0x4  }
0x18a: {  	v3 =	vadd.f32 v5, v3;
	_ =	sdelay $0x1  }
0x18b: {  	v5 =	vmul.f32 $2.000000030e-01, v3;
	_ =	sdelay $0x1  }
0x18c: {  	v3 =	vmax.f32 v3, v5  }
0x18d: {  	v3 =	vmul.f32 $1.442695020e+00, v3;
	_ =	sdelay $0x1  }
0x18e: {  	(erf) = vpow2.f32 v3;
	_ =	sdelay $0x5  }
0x18f: {  	v3 =	vadd.s32 $0x5000, v1  }
0x190: {  	v63 =	vadd.s32 $0x5000, v2;
	_ =	sdelay $0x1  }
0x191: {  	v6 =	vpop (erf)  }
0x192: {  	[tilespmem:v62+s24+$0x0] =	vst.idx.add.f32.msk $0xffff, v6  }
0x193: {  	v3 =	vld.idx.msk [tilespmem:v3+s3+$0x0], $0xffff  }
0x194: {  	v4 =	vld.idx.msk [tilespmem:v63+s22+$0x0], $0xffff;
	_ =	sdelay $0x4  }
0x195: {  	v3 =	vadd.f32 v4, v3;
	_ =	sdelay $0x1  }
0x196: {  	v4 =	vmul.f32 $2.000000030e-01, v3;
	_ =	sdelay $0x1  }
0x197: {  	v3 =	vmax.f32 v3, v4  }
0x198: {  	v3 =	vmul.f32 $1.442695020e+00, v3;
	_ =	sdelay $0x1  }
0x199: {  	(erf) = vpow2.f32 v3;
	_ =	sdelay $0x5  }
0x19a: {  	v3 =	vadd.s32 $0x7800, v1  }
0x19b: {  	v1 =	vadd.s32 $0x7800, v2;
	_ =	sdelay $0x1  }
0x19c: {  	v2 =	vpop (erf)  }
0x19d: {  	[tilespmem:v63+s24+$0x0] =	vst.idx.add.f32.msk $0xffff, v2  }
0x19e: {  	v2 =	vld.idx.msk [tilespmem:v3+s3+$0x0], $0xffff  }
0x19f: {  	v3 =	vld.idx.msk [tilespmem:v1+s22+$0x0], $0xffff;
	_ =	sdelay $0x4  }
0x1a0: {  	v2 =	vadd.f32 v3, v2;
	_ =	sdelay $0x1  }
0x1a1: {  	v3 =	vmul.f32 $2.000000030e-01, v2;
	_ =	sdelay $0x1  }
0x1a2: {  	v2 =	vmax.f32 v2, v3  }
0x1a3: {  	v2 =	vmul.f32 $1.442695020e+00, v2;
	_ =	sdelay $0x1  }
0x1a4: {  	s0 =	simm.s32 $0x40;
	(erf) = vpow2.f32 v2  }
.LBB2_21:
0x1a5: {  	_ =	sdelay $0x4  }
0x1a6: {  	p0 =	sne.s32 s0, $0x600;
	s4 =	smov.u32 s0;
	s0 =	sadd.s32 $0x40, s0  }
0x1a7: {  	_ =	sdelay $0x1  }
0x1a8: {  	v2 =	vpop (erf)  }
0x1a9: {  	s4 =	sshra.s32 s4, $0x2;
	[tilespmem:v1+s24+$0x0] =	vst.idx.add.f32.msk $0xffff, v2  }
0x1aa: {  	v1 =	vld [tilespmem:s4+$0x1E000]  }
0x1ab: {  	v2 =	vld [tilespmem:s4+$0x1E190];
	_ =	sdelay $0x6  }
0x1ac: {  	v3 =	vld.idx.msk [tilespmem:v1+s3+$0x0], $0xffff  }
0x1ad: {  	v4 =	vld.idx.msk [tilespmem:v2+s22+$0x0], $0xffff;
	_ =	sdelay $0x5  }
0x1ae: {  	v3 =	vadd.f32 v4, v3;
	_ =	sdelay $0x1  }
0x1af: {  	v4 =	vmul.f32 $2.000000030e-01, v3;
	_ =	sdelay $0x1  }
0x1b0: {  	v3 =	vmax.f32 v3, v4  }
0x1b1: {  	v3 =	vmul.f32 $1.442695020e+00, v3;
	_ =	sdelay $0x1  }
0x1b2: {  	(erf) = vpow2.f32 v3;
	_ =	sdelay $0x5  }
0x1b3: {  	v4 =	vadd.s32 $0x2800, v2;
	v3 =	vadd.s32 $0x2800, v1;
	_ =	sdelay $0x2  }
0x1b4: {  	v5 =	vpop (erf)  }
0x1b5: {  	[tilespmem:v2+s24+$0x0] =	vst.idx.add.f32.msk $0xffff, v5  }
0x1b6: {  	v3 =	vld.idx.msk [tilespmem:v3+s3+$0x0], $0xffff  }
0x1b7: {  	v5 =	vld.idx.msk [tilespmem:v4+s22+$0x0], $0xffff;
	_ =	sdelay $0x5  }
0x1b8: {  	v3 =	vadd.f32 v5, v3;
	_ =	sdelay $0x1  }
0x1b9: {  	v5 =	vmul.f32 $2.000000030e-01, v3;
	_ =	sdelay $0x1  }
0x1ba: {  	v3 =	vmax.f32 v3, v5  }
0x1bb: {  	v3 =	vmul.f32 $1.442695020e+00, v3;
	_ =	sdelay $0x1  }
0x1bc: {  	(erf) = vpow2.f32 v3;
	_ =	sdelay $0x5  }
0x1bd: {  	v5 =	vadd.s32 $0x5000, v2;
	v3 =	vadd.s32 $0x5000, v1;
	_ =	sdelay $0x2  }
0x1be: {  	v6 =	vpop (erf)  }
0x1bf: {  	[tilespmem:v4+s24+$0x0] =	vst.idx.add.f32.msk $0xffff, v6  }
0x1c0: {  	v3 =	vld.idx.msk [tilespmem:v3+s3+$0x0], $0xffff  }
0x1c1: {  	v4 =	vld.idx.msk [tilespmem:v5+s22+$0x0], $0xffff;
	_ =	sdelay $0x5  }
0x1c2: {  	v3 =	vadd.f32 v4, v3;
	_ =	sdelay $0x1  }
0x1c3: {  	v4 =	vmul.f32 $2.000000030e-01, v3;
	_ =	sdelay $0x1  }
0x1c4: {  	v3 =	vmax.f32 v3, v4  }
0x1c5: {  	v3 =	vmul.f32 $1.442695020e+00, v3;
	_ =	sdelay $0x1  }
0x1c6: {  	(erf) = vpow2.f32 v3;
	_ =	sdelay $0x5  }
0x1c7: {  	v3 =	vadd.s32 $0x7800, v1;
	v1 =	vadd.s32 $0x7800, v2;
	_ =	sdelay $0x2  }
0x1c8: {  	v2 =	vpop (erf)  }
0x1c9: {  	[tilespmem:v5+s24+$0x0] =	vst.idx.add.f32.msk $0xffff, v2  }
0x1ca: {  	v2 =	vld.idx.msk [tilespmem:v3+s3+$0x0], $0xffff  }
0x1cb: {  	v3 =	vld.idx.msk [tilespmem:v1+s22+$0x0], $0xffff;
	_ =	sdelay $0x5  }
0x1cc: {  	v2 =	vadd.f32 v3, v2;
	_ =	sdelay $0x1  }
0x1cd: {  	v3 =	vmul.f32 $2.000000030e-01, v2  }
.Ltmp9:
0x1ce: {  	(pc) =	sbr.rel @p0 .LBB2_21-.Ltmp9, $3  }
0x1cf: {  	v2 =	vmax.f32 v2, v3  }
0x1d0: {  	v2 =	vmul.f32 $1.442695020e+00, v2;
	_ =	sdelay $0x1  }
0x1d1: {  	(erf) = vpow2.f32 v2  }
0x1d2: {  	_ =	sdelay $0x2  }
0x1d3: {  	s30 =	sadd.s32 $0x1, s30  }
0x1d4: {  	p0 =	sne.s32 s30, $0x32  }
.Ltmp10:
0x1d5: {  	_ = 	snop;
	(pc) =	sbr.rel @p0 .LBB2_20-.Ltmp10, $3  }
0x1d6: {  	_ =	sdelay $0x1  }
0x1d7: {  	v2 =	vpop (erf)  }
0x1d8: {  	[tilespmem:v1+s24+$0x0] =	vst.idx.add.f32.msk $0xffff, v2  }
0x1d9: {  	[hbm4b:s10+s3] =	stream.linear.scatter [tilespmem:s24], [sflag:$0x1], $0xA000, $0x38;
	[tilespmem:$0x1FE00] =	vst v63  }
0x1da: {  	s0 =	simm.s32 $0x1  }
0x1db: {  	_ =	swait.ge [sflag:s0], $0xA000  }
0x1dc: {  	[sflag:s0] =	ssyncset.done $0x0  }
0x1dd: {  	[sflag:s0] =	ssyncadd.s32 $0xFFFF6000  }
0x1de: {  	[bflag:$0x0] =	sbarrier.arrive $0xFFFF  }
0x1df: {  	[tilespmem:s25], [sflag:$0x1] =	stream.linear.gather [hbm4b:s11+s3], $0xA00, $0x38;
	[tilespmem:$0x1FE00] =	vst v63  }
0x1e0: {  	_ =	swait.ge [sflag:s0], $0xA00  }
0x1e1: {  	[sflag:s0] =	ssyncset.done $0x0  }
0x1e2: {  	[sflag:s0] =	ssyncadd.s32 $0xFFFFF600  }
.LBB2_24:
0x1e3: {  	s4 =	smul.u32 $0xA000, s0;
	_ =	sdelay $0x1  }
0x1e4: {  	s4 =	sadd.s32 s4, s9  }
0x1e5: {  	s4 =	sshrl.u32 s4, $0x3  }
0x1e6: {  	s6 =	simm.s32 $0x0;
	s4 =	sadd.s32 s2, s4  }
0x1e7: {  	[tilespmem:s26], [sflag:$0x1] =	stream.linear.gather [hbm4b:s4+s6], $0xA00, $0x38;
	[tilespmem:$0x1FE00] =	vst v63  }
0x1e8: {  	_ =	swait.ge [sflag:s21], $0xA00  }
0x1e9: {  	[sflag:s21] =	ssyncset.done $0x0  }
0x1ea: {  	s4 =	simm.s32 $0x0;
	[sflag:s21] =	ssyncadd.s32 $0xFFFFF600  }
0x1eb: {  	s6 =	simm.s32 $0x40;
	v1 =	vld [tilespmem:s4+$0x1F400]  }
.LBB2_25:
0x1ec: {  	p0 =	sne.s32 s6, $0x27C0;
	v2 =	vld [tilespmem:s4+$0x1EA00];
	_ =	sdelay $0x2  }
.Ltmp11:
0x1ed: {  	(pc) =	sbr.rel @p0 .LBB2_25-.Ltmp11, $4  }
0x1ee: {  	_ = 	snop  }
0x1ef: {  	v2 =	vadd.f32 v1, v2  }
0x1f0: {  	s7 =	sshra.s32 s6, $0x2  }
0x1f1: {  	s6 =	sadd.s32 $0x40, s6;
	v1 =	vld [tilespmem:s7+$0x1F400];
	[tilespmem:s4+$0x1EA00] =	vst v2;
	s4 =	smov.u32 s7  }
0x1f2: {  	v2 =	vld [tilespmem:s4+$0x1EA00]  }
0x1f3: {  	s0 =	sadd.s32 $0x1, s0  }
0x1f4: {  	p0 =	sne.s32 s0, $0x10  }
.Ltmp12:
0x1f5: {  	_ = 	snop;
	(pc) =	sbr.rel @p0 .LBB2_24-.Ltmp12, $3  }
0x1f6: {  	_ = 	snop  }
0x1f7: {  	v1 =	vadd.f32 v1, v2;
	_ =	sdelay $0x1  }
0x1f8: {  	[tilespmem:s4+$0x1EA00] =	vst v1  }
0x1f9: {  	s0 =	simm.s32 $0x0;
	s4 =	simm.s32 $0x40  }
.LBB2_28:
0x1fa: {  	p0 =	sne.s32 s4, $0x27C0;
	v1 =	vld [tilespmem:s0+$0x1EA00];
	_ =	sdelay $0x4  }
0x1fb: {  	(erf) = vrcp.f32 v1;
	_ =	sdelay $0x5  }
.Ltmp13:
0x1fc: {  	(pc) =	sbr.rel @p0 .LBB2_28-.Ltmp13, $3  }
0x1fd: {  	_ =	sdelay $0x1  }
0x1fe: {  	v1 =	vpop (erf)  }
0x1ff: {  	[tilespmem:s0+$0x1EA00] =	vst v1;
	s0 =	sshra.s32 s4, $0x2;
	s4 =	sadd.s32 $0x40, s4  }
0x200: {  	v1 =	vld [tilespmem:s0+$0x1EA00];
	_ =	sdelay $0x4  }
0x201: {  	(erf) = vrcp.f32 v1;
	_ =	sdelay $0x8  }
0x202: {  	v1 =	vpop (erf)  }
0x203: {  	s30 =	simm.s32 $0x0;
	[tilespmem:s0+$0x1EA00] =	vst v1  }
0x204: {  	[hbm4b:s12+s30] =	stream.linear.scatter [tilespmem:s25], [sflag:$0x1], $0xA00, $0x38;
	[tilespmem:$0x1FE00] =	vst v63  }
0x205: {  	_ =	swait.ge [sflag:s21], $0xA00  }
0x206: {  	[sflag:s21] =	ssyncset.done $0x0  }
0x207: {  	[sflag:s21] =	ssyncadd.s32 $0xFFFFF600  }
0x208: {  	[bflag:$0x0] =	sbarrier.arrive $0xFFFF  }
0x209: {  	[tilespmem:s24], [sflag:$0x1] =	stream.linear.gather [hbm4b:s14+s30], $0xA000, $0x38;
	[tilespmem:$0x1FE00] =	vst v63  }
0x20a: {  	_ =	swait.ge [sflag:s21], $0xA000  }
0x20b: {  	[sflag:s21] =	ssyncset.done $0x0  }
0x20c: {  	s31 =	simm.s32 $0x0;
	[sflag:s21] =	ssyncadd.s32 $0xFFFF6000  }
.LBB2_30:
0x20d: {  	s0 =	smul.u32 $0x320, s31;
	_ =	sdelay $0x1  }
0x20e: {  	s0 =	sadd.s32 s0, s18  }
0x20f: {  	s0 =	sshrl.u32 s0, $0x3  }
0x210: {  	s0 =	sadd.s32 s1, s0  }
0x211: {  	[tilespmem:s23], [sflag:$0x1] =	stream.linear.gather [hbm4b:s0+s30], $0x320, $0x38;
	[tilespmem:$0x1FE00] =	vst v63  }
0x212: {  	_ =	swait.ge [sflag:s21], $0x320  }
0x213: {  	[sflag:s21] =	ssyncset.done $0x0  }
0x214: {  	s0 =	simm.s32 $0x0;
	[sflag:s21] =	ssyncadd.s32 $0xFFFFFCE0  }
0x215: {  	v1 =	vld [tilespmem:s0+$0x1E000]  }
0x216: {  	v2 =	vld [tilespmem:s0+$0x1E190];
	_ =	sdelay $0x6  }
0x217: {  	v3 =	vld.idx.msk [tilespmem:v1+s3+$0x0], $0xffff  }
0x218: {  	v4 =	vld.idx.msk [tilespmem:v2+s22+$0x0], $0xffff;
	_ =	sdelay $0x4  }
0x219: {  	v3 =	vadd.f32 v4, v3;
	_ =	sdelay $0x1  }
0x21a: {  	v4 =	vmul.f32 $2.000000030e-01, v3;
	_ =	sdelay $0x1  }
0x21b: {  	v3 =	vmax.f32 v3, v4  }
0x21c: {  	v3 =	vmul.f32 $1.442695020e+00, v3;
	_ =	sdelay $0x1  }
0x21d: {  	(erf) = vpow2.f32 v3;
	_ =	sdelay $0x4  }
0x21e: {  	v3 =	vld.idx.msk [tilespmem:v2+s24+$0x0], $0xffff;
	_ =	sdelay $0x2  }
0x21f: {  	v4 =	vadd.s32 $0x2800, v1  }
0x220: {  	v5 =	vadd.s32 $0x2800, v2;
	v6 =	vpop (erf)  }
0x221: {  	v3 =	vmul.f32 v6, v3;
	_ =	sdelay $0x1  }
0x222: {  	[tilespmem:s0+$0x1E380] =	vst v3  }
0x223: {  	v3 =	vld.idx.msk [tilespmem:v4+s3+$0x0], $0xffff  }
0x224: {  	v4 =	vld.idx.msk [tilespmem:v5+s22+$0x0], $0xffff;
	_ =	sdelay $0x4  }
0x225: {  	v3 =	vadd.f32 v4, v3;
	_ =	sdelay $0x1  }
0x226: {  	v4 =	vmul.f32 $2.000000030e-01, v3;
	_ =	sdelay $0x1  }
0x227: {  	v3 =	vmax.f32 v3, v4  }
0x228: {  	v3 =	vmul.f32 $1.442695020e+00, v3;
	_ =	sdelay $0x1  }
0x229: {  	(erf) = vpow2.f32 v3;
	_ =	sdelay $0x4  }
0x22a: {  	v3 =	vld.idx.msk [tilespmem:v5+s24+$0x0], $0xffff;
	_ =	sdelay $0x2  }
0x22b: {  	v4 =	vadd.s32 $0x5000, v1  }
0x22c: {  	v5 =	vadd.s32 $0x5000, v2;
	v63 =	vpop (erf)  }
0x22d: {  	v3 =	vmul.f32 v63, v3;
	_ =	sdelay $0x1  }
0x22e: {  	[tilespmem:s0+$0x1E510] =	vst v3  }
0x22f: {  	v3 =	vld.idx.msk [tilespmem:v4+s3+$0x0], $0xffff  }
0x230: {  	v4 =	vld.idx.msk [tilespmem:v5+s22+$0x0], $0xffff;
	_ =	sdelay $0x4  }
0x231: {  	v3 =	vadd.f32 v4, v3;
	_ =	sdelay $0x1  }
0x232: {  	v4 =	vmul.f32 $2.000000030e-01, v3;
	_ =	sdelay $0x1  }
0x233: {  	v3 =	vmax.f32 v3, v4  }
0x234: {  	v3 =	vmul.f32 $1.442695020e+00, v3;
	_ =	sdelay $0x1  }
0x235: {  	(erf) = vpow2.f32 v3;
	_ =	sdelay $0x4  }
0x236: {  	v3 =	vld.idx.msk [tilespmem:v5+s24+$0x0], $0xffff;
	_ =	sdelay $0x2  }
0x237: {  	v1 =	vadd.s32 $0x7800, v1  }
0x238: {  	v2 =	vadd.s32 $0x7800, v2;
	v4 =	vpop (erf)  }
0x239: {  	v3 =	vmul.f32 v4, v3;
	_ =	sdelay $0x1  }
0x23a: {  	[tilespmem:s0+$0x1E6A0] =	vst v3  }
0x23b: {  	v1 =	vld.idx.msk [tilespmem:v1+s3+$0x0], $0xffff  }
0x23c: {  	v3 =	vld.idx.msk [tilespmem:v2+s22+$0x0], $0xffff;
	_ =	sdelay $0x4  }
0x23d: {  	v1 =	vadd.f32 v3, v1;
	_ =	sdelay $0x1  }
0x23e: {  	v3 =	vmul.f32 $2.000000030e-01, v1;
	_ =	sdelay $0x1  }
0x23f: {  	v1 =	vmax.f32 v1, v3  }
0x240: {  	v3 =	vld.idx.msk [tilespmem:v2+s24+$0x0], $0xffff;
	v2 =	vmul.f32 $1.442695020e+00, v1;
	_ =	sdelay $0x1  }
0x241: {  	(erf) = vpow2.f32 v2;
	_ =	sdelay $0x3  }
0x242: {  	s7 =	simm.s32 $0x10  }
0x243: {  	v1 =	vld [tilespmem:s7+$0x1E000]  }
0x244: {  	s4 =	simm.s32 $0x80;
	v2 =	vld [tilespmem:s7+$0x1E190]  }
.LBB2_31:
0x245: {  	_ = 	snop  }
0x246: {  	p0 =	sne.s32 s4, $0x600;
	s6 =	smov.u32 s4;
	s4 =	sadd.s32 $0x40, s4  }
0x247: {  	v4 =	vpop (erf)  }
0x248: {  	v3 =	vmul.f32 v4, v3;
	_ =	sdelay $0x1  }
0x249: {  	[tilespmem:s0+$0x1E830] =	vst v3;
	s0 =	smov.u32 s7  }
0x24a: {  	v3 =	vld.idx.msk [tilespmem:v1+s3+$0x0], $0xffff  }
0x24b: {  	v4 =	vld.idx.msk [tilespmem:v2+s22+$0x0], $0xffff;
	_ =	sdelay $0x5  }
0x24c: {  	v3 =	vadd.f32 v4, v3;
	_ =	sdelay $0x1  }
0x24d: {  	v4 =	vmul.f32 $2.000000030e-01, v3;
	_ =	sdelay $0x1  }
0x24e: {  	v3 =	vmax.f32 v3, v4  }
0x24f: {  	v3 =	vmul.f32 $1.442695020e+00, v3;
	_ =	sdelay $0x1  }
0x250: {  	(erf) = vpow2.f32 v3;
	_ =	sdelay $0x2  }
0x251: {  	v3 =	vld.idx.msk [tilespmem:v2+s24+$0x0], $0xffff;
	_ =	sdelay $0x4  }
0x252: {  	v5 =	vadd.s32 $0x2800, v2;
	v4 =	vadd.s32 $0x2800, v1  }
0x253: {  	v6 =	vpop (erf)  }
0x254: {  	v3 =	vmul.f32 v6, v3;
	_ =	sdelay $0x1  }
0x255: {  	[tilespmem:s0+$0x1E380] =	vst v3  }
0x256: {  	v3 =	vld.idx.msk [tilespmem:v4+s3+$0x0], $0xffff  }
0x257: {  	v4 =	vld.idx.msk [tilespmem:v5+s22+$0x0], $0xffff;
	_ =	sdelay $0x5  }
0x258: {  	v3 =	vadd.f32 v4, v3;
	_ =	sdelay $0x1  }
0x259: {  	v4 =	vmul.f32 $2.000000030e-01, v3;
	_ =	sdelay $0x1  }
0x25a: {  	v3 =	vmax.f32 v3, v4  }
0x25b: {  	v3 =	vmul.f32 $1.442695020e+00, v3;
	_ =	sdelay $0x1  }
0x25c: {  	(erf) = vpow2.f32 v3;
	_ =	sdelay $0x1  }
0x25d: {  	v3 =	vld.idx.msk [tilespmem:v5+s24+$0x0], $0xffff;
	_ =	sdelay $0x5  }
0x25e: {  	v4 =	vadd.s32 $0x5000, v1;
	v5 =	vadd.s32 $0x5000, v2  }
0x25f: {  	v6 =	vpop (erf)  }
0x260: {  	v3 =	vmul.f32 v6, v3;
	_ =	sdelay $0x1  }
0x261: {  	[tilespmem:s0+$0x1E510] =	vst v3  }
0x262: {  	v3 =	vld.idx.msk [tilespmem:v4+s3+$0x0], $0xffff  }
0x263: {  	v4 =	vld.idx.msk [tilespmem:v5+s22+$0x0], $0xffff;
	_ =	sdelay $0x5  }
0x264: {  	v3 =	vadd.f32 v4, v3;
	_ =	sdelay $0x1  }
0x265: {  	v4 =	vmul.f32 $2.000000030e-01, v3;
	_ =	sdelay $0x1  }
0x266: {  	v3 =	vmax.f32 v3, v4  }
0x267: {  	v3 =	vmul.f32 $1.442695020e+00, v3;
	_ =	sdelay $0x1  }
0x268: {  	(erf) = vpow2.f32 v3  }
0x269: {  	v3 =	vld.idx.msk [tilespmem:v5+s24+$0x0], $0xffff;
	_ =	sdelay $0x6  }
0x26a: {  	v1 =	vadd.s32 $0x7800, v1;
	v2 =	vadd.s32 $0x7800, v2  }
0x26b: {  	v4 =	vpop (erf)  }
0x26c: {  	v3 =	vmul.f32 v4, v3;
	_ =	sdelay $0x1  }
0x26d: {  	[tilespmem:s0+$0x1E6A0] =	vst v3  }
0x26e: {  	v1 =	vld.idx.msk [tilespmem:v1+s3+$0x0], $0xffff  }
0x26f: {  	v4 =	vld.idx.msk [tilespmem:v2+s22+$0x0], $0xffff  }
0x270: {  	v3 =	vld.idx.msk [tilespmem:v2+s24+$0x0], $0xffff;
	_ =	sdelay $0x4  }
0x271: {  	v1 =	vadd.f32 v4, v1;
	_ =	sdelay $0x1  }
0x272: {  	v2 =	vmul.f32 $2.000000030e-01, v1;
	_ =	sdelay $0x1  }
0x273: {  	v1 =	vmax.f32 v1, v2  }
0x274: {  	v1 =	vmul.f32 $1.442695020e+00, v1;
	_ =	sdelay $0x1  }
0x275: {  	(erf) = vpow2.f32 v1;
	_ =	sdelay $0x1  }
.Ltmp14:
0x276: {  	(pc) =	sbr.rel @p0 .LBB2_31-.Ltmp14, $4  }
0x277: {  	_ = 	snop  }
0x278: {  	s7 =	sshra.s32 s6, $0x2  }
0x279: {  	v1 =	vld [tilespmem:s7+$0x1E000]  }
0x27a: {  	v2 =	vld [tilespmem:s7+$0x1E190]  }
0x27b: {  	_ =	sdelay $0x2  }
0x27c: {  	v4 =	vpop (erf)  }
0x27d: {  	v3 =	vmul.f32 v4, v3;
	_ =	sdelay $0x1  }
0x27e: {  	[tilespmem:s0+$0x1E830] =	vst v3  }
0x27f: {  	v3 =	vld.idx.msk [tilespmem:v1+s3+$0x0], $0xffff  }
0x280: {  	v56 =	vld.idx.msk [tilespmem:v2+s22+$0x0], $0xffff;
	_ =	sdelay $0x4  }
0x281: {  	v3 =	vadd.f32 v56, v3;
	_ =	sdelay $0x1  }
0x282: {  	v4 =	vmul.f32 $2.000000030e-01, v3;
	_ =	sdelay $0x1  }
0x283: {  	v3 =	vmax.f32 v3, v4  }
0x284: {  	v3 =	vmul.f32 $1.442695020e+00, v3;
	_ =	sdelay $0x1  }
0x285: {  	(erf) = vpow2.f32 v3;
	_ =	sdelay $0x4  }
0x286: {  	v3 =	vld.idx.msk [tilespmem:v2+s24+$0x0], $0xffff;
	_ =	sdelay $0x2  }
0x287: {  	v57 =	vadd.s32 $0x2800, v1  }
0x288: {  	v5 =	vadd.s32 $0x2800, v2;
	v6 =	vpop (erf)  }
0x289: {  	v3 =	vmul.f32 v6, v3;
	_ =	sdelay $0x1  }
0x28a: {  	[tilespmem:s7+$0x1E380] =	vst v3  }
0x28b: {  	v3 =	vld.idx.msk [tilespmem:v57+s3+$0x0], $0xffff  }
0x28c: {  	v58 =	vld.idx.msk [tilespmem:v5+s22+$0x0], $0xffff;
	_ =	sdelay $0x4  }
0x28d: {  	v3 =	vadd.f32 v58, v3;
	_ =	sdelay $0x1  }
0x28e: {  	v4 =	vmul.f32 $2.000000030e-01, v3;
	_ =	sdelay $0x1  }
0x28f: {  	v3 =	vmax.f32 v3, v4  }
0x290: {  	v3 =	vmul.f32 $1.442695020e+00, v3;
	_ =	sdelay $0x1  }
0x291: {  	(erf) = vpow2.f32 v3;
	_ =	sdelay $0x4  }
0x292: {  	v3 =	vld.idx.msk [tilespmem:v5+s24+$0x0], $0xffff;
	_ =	sdelay $0x2  }
0x293: {  	v59 =	vadd.s32 $0x5000, v1  }
0x294: {  	v60 =	vadd.s32 $0x5000, v2;
	v61 =	vpop (erf)  }
0x295: {  	v3 =	vmul.f32 v61, v3;
	_ =	sdelay $0x1  }
0x296: {  	[tilespmem:s7+$0x1E510] =	vst v3  }
0x297: {  	v3 =	vld.idx.msk [tilespmem:v59+s3+$0x0], $0xffff  }
0x298: {  	v62 =	vld.idx.msk [tilespmem:v60+s22+$0x0], $0xffff;
	_ =	sdelay $0x4  }
0x299: {  	v3 =	vadd.f32 v62, v3;
	_ =	sdelay $0x1  }
0x29a: {  	v4 =	vmul.f32 $2.000000030e-01, v3;
	_ =	sdelay $0x1  }
0x29b: {  	v3 =	vmax.f32 v3, v4  }
0x29c: {  	v3 =	vmul.f32 $1.442695020e+00, v3;
	_ =	sdelay $0x1  }
0x29d: {  	(erf) = vpow2.f32 v3;
	_ =	sdelay $0x4  }
0x29e: {  	v3 =	vld.idx.msk [tilespmem:v60+s24+$0x0], $0xffff;
	_ =	sdelay $0x2  }
0x29f: {  	v1 =	vadd.s32 $0x7800, v1  }
0x2a0: {  	v2 =	vadd.s32 $0x7800, v2;
	v63 =	vpop (erf)  }
0x2a1: {  	v3 =	vmul.f32 v63, v3;
	_ =	sdelay $0x1  }
0x2a2: {  	[tilespmem:s7+$0x1E6A0] =	vst v3  }
0x2a3: {  	v1 =	vld.idx.msk [tilespmem:v1+s3+$0x0], $0xffff  }
0x2a4: {  	v3 =	vld.idx.msk [tilespmem:v2+s22+$0x0], $0xffff;
	_ =	sdelay $0x4  }
0x2a5: {  	v1 =	vadd.f32 v3, v1;
	_ =	sdelay $0x1  }
0x2a6: {  	v3 =	vmul.f32 $2.000000030e-01, v1;
	_ =	sdelay $0x1  }
0x2a7: {  	v1 =	vmax.f32 v1, v3  }
0x2a8: {  	v1 =	vmul.f32 $1.442695020e+00, v1;
	_ =	sdelay $0x1  }
0x2a9: {  	(erf) = vpow2.f32 v1;
	_ =	sdelay $0x4  }
0x2aa: {  	v1 =	vld.idx.msk [tilespmem:v2+s24+$0x0], $0xffff;
	_ =	sdelay $0x1  }
0x2ab: {  	s6 =	sadd.s32 s15, s31  }
0x2ac: {  	s0 =	smul.u32 $0xC80, s6  }
0x2ad: {  	v2 =	vpop (erf)  }
0x2ae: {  	s31 =	sadd.s32 $0x1, s31;
	s0 =	sadd.s32 s0, s19;
	v1 =	vmul.f32 v2, v1  }
0x2af: {  	p0 =	sne.s32 s31, $0x32;
	s0 =	sshrl.u32 s0, $0x3  }
.Ltmp15:
0x2b0: {  	s0 =	sadd.s32 s5, s0;
	[tilespmem:s7+$0x1E830] =	vst v1;
	(pc) =	sbr.rel @p0 .LBB2_30-.Ltmp15, $4  }
0x2b1: {  	[hbm4b:s0+s3] =	stream.linear.scatter [tilespmem:s28], [sflag:$0x1], $0x640, $0x38;
	[tilespmem:$0x1FE00] =	vst v63  }
0x2b2: {  	_ =	swait.ge [sflag:s21], $0x640  }
0x2b3: {  	[sflag:s21] =	ssyncset.done $0x0  }
0x2b4: {  	[sflag:s21] =	ssyncadd.s32 $0xFFFFF9C0  }
0x2b5: {  	s29 =	sadd.s32 $0x1, s29  }
0x2b6: {  	p0 =	sne.s32 s29, s20  }
.Ltmp16:
0x2b7: {  	_ = 	snop;
	(pc) =	sbr.rel @p0 .LBB2_1-.Ltmp16, $1  }
0x2b8: {  	_ =	sdelay $0x3  }
0x2b9: {  	_ =	sfence.sel $0x180000  }
0x2ba: {  	[bflag:$0x0] =	sbarrier.arrive $0xFFFF  }
0x2bb: {  	_ =	strace $0x90000047  }
0x2bc: {  	s0 =	stileid.u32;
	[bflag:$0x2] =	sbarrier.arrive $0xFFFF  }
0x2bd: {  	p0 =	sne.s32 s0, $0x0;
	s0 =	rddreg [dreg:$0x4]  }
0x2be: {  	s0 =	sadd.s32 @!p0 $0x100000, s0  }
0x2bf: {  	[sflag:s0] =	ssyncadd.tile.s32 @!p0 $0x1;
	_ =	shalt  }
.Lfunc_end2:
_tile_overlayer_lowered:
.L_overlay_start_2:
0x2c0: {  	(tag) =	ssettag $0x2  }
0x2c1: {  	s0 =	rddreg [dreg:$0x0];
	s2 =	stileid.u32  }
0x2c2: {  	s1 =	rddreg [dreg:$0x1];
	p0 =	sne.s32 s2, $0x0  }
0x2c3: {  	s3 =	rddreg [dreg:$0x2];
	[bflag:$0x3] =	sbarrier.arrive $0xFFFF;
	s2 =	simm.s32 @!p0 $0x1C01  }
0x2c4: {  	[timem:s3], [sflag:s2] =	dma.local @!p0 [hbm:s0], s1  }
0x2c5: {  	s0 =	simm.s32 @!p0 $0x1  }
0x2c6: {  	_ =	swait.ge @!p0 [sflag:s0], s1  }
0x2c7: {  	s1 =	ssub.s32 @!p0 $0x0, s1;
	[sflag:s0] =	ssyncset.done @!p0 $0x0  }
0x2c8: {  	[sflag:s0] =	ssyncadd.s32 @!p0 s1  }
0x2c9: {  	[bflag:$0x3] =	sbarrier.arrive $0xFFFF  }
0x2ca: {  	_ =	shalt  }

// kernel: kernel.8.cloned.1.call-start
scs
__scs_entry_jumppad:
0x0: {  	(pc) =	sbr.rel $0x88, $3  }
0x1: {  	(tag) =	ssettag $0x0;
	lr =	simm.s32 $0x1  }
0x2: {  	[smem:$0x3F95] =	sst lr;
	_ =	strace $0xD0000000  }
0x3: {  	_ = 	snop  }
0x4: {  	_ = 	snop  }
0x5: {  	_ = 	snop  }
0x6: {  	_ = 	snop  }
0x7: {  	_ = 	snop  }
__scs_overlays_trampoline_lowered:
0x8: {  	[smem:$0x3FA4] =	sst s0  }
0x9: {  	[smem:$0x3FA5] =	sst s1  }
0xa: {  	[smem:$0x3FA6] =	sst s2  }
0xb: {  	[smem:$0x3FA7] =	sst s3  }
0xc: {  	[smem:$0x3FA8] =	sst s4  }
0xd: {  	[smem:$0x3FA9] =	sst s5  }
0xe: {  	[smem:$0x3FAA] =	sst s6  }
0xf: {  	[smem:$0x3FAB] =	sst s7  }
0x10: {  	[smem:$0x3FAC] =	sst s8  }
0x11: {  	[smem:$0x3FAD] =	sst s9;
	s0 =	simm.s32 @!p0 $0x0  }
0x12: {  	s1 =	sld [smem:$0x3F93];
	s0 =	simm.s32 @p0 $0x1  }
0x13: {  	[smem:$0x3FAE] =	sst s0;
	s0 =	simm.s32 @!p1 $0x0  }
0x14: {  	s2 =	sld [smem:$0x3F92];
	s0 =	simm.s32 @p1 $0x1  }
0x15: {  	[smem:$0x3FAF] =	sst s0;
	s0 =	simm.s32 @!p2 $0x0  }
0x16: {  	s3 =	sld [smem:$0x3FDB];
	s0 =	simm.s32 @p2 $0x1  }
0x17: {  	s4 =	simm.s32 $0x1BF5;
	[smem:$0x3FB1] =	sst s0  }
0x18: {  	s0 =	sld [smem:$0x3F94];
	_ =	swait.ge [sflag:s4], $0x0  }
0x19: {  	s7 =	sld [smem:$0x3F95]  }
0x1a: {  	s8 =	sadd.s32 $0xFFFFE003, lr  }
0x1b: {  	s9 =	sadd.s32 $0xFFFFFEF7, lr;
	s5 =	simm.s32 $0xFFFFFFFF;
	p2 =	slt.u32 s8, $0xFFFFF086  }
0x1c: {  	p1 =	slt.u32 s9, $0xF7A;
	s5 =	simm.s32 @!p2 $0x0  }
0x1d: {  	s5 =	simm.s32 @p1 $0x1;
	p0 =	seq.s32 s7, s2  }
0x1e: {  	s7 =	smul.u32 @!p0 $0xF7A, s2;
	p2 =	seq.s32 @!p0 s5, $0x0  }
0x1f: {  	s9 =	smul.u32 $0xF7A, s1;
	s8 =	simm.s32 @!p0 $0x1BF5;
	p2 =	por !p2, p0  }
0x20: {  	[sflag:s8] =	ssyncset.s32 @!p0 $0xFFFFF086;
	s6 =	sadd.s32 @!p0 s3, s7;
	s7 =	simm.s32 @!p0 $0x108  }
0x21: {  	s3 =	sadd.s32 s3, s9;
	s6 =	sadd.s32 @!p0 $0x88, s6;
	s7 =	simm.s32 @p2 $0x1082  }
0x22: {  	[simem:s7], [sflag:s8] =	dma.local @!p0 [hbm:s6], $0xF7A  }
0x23: {  	s9 =	sor.u32 $0xD0000000, s2;
	s6 =	simm.s32 $0x108;
	_ =	swait.ge @!p0 [sflag:s8], $0x0  }
0x24: {  	s3 =	sadd.s32 $0x88, s3;
	s6 =	simm.s32 @!p1 $0x1082;
	[sflag:s4] =	ssyncset.s32 $0xFFFFF086  }
0x25: {  	[simem:s6], [sflag:s4] =	dma.local [hbm:s3], $0xF7A  }
0x26: {  	[smem:$0x3F95] =	sst s1;
	(tag) =	ssettag s2;
	_ =	strace s9  }
0x27: {  	s1 =	sld [smem:$0x3FA5]  }
0x28: {  	s2 =	sld [smem:$0x3FA6]  }
0x29: {  	s4 =	sld [smem:$0x3FA8]  }
0x2a: {  	p0 =	seq.s32 s5, $0x0;
	s5 =	sld [smem:$0x3FA9]  }
0x2b: {  	s6 =	sld [smem:$0x3FAA]  }
0x2c: {  	s7 =	sld [smem:$0x3FAB]  }
0x2d: {  	s3 =	simm.s32 $0x108;
	s8 =	sld [smem:$0x3FAC]  }
0x2e: {  	s3 =	simm.s32 @!p0 $0x1082;
	s9 =	sld [smem:$0x3FAD]  }
0x2f: {  	lr =	sadd.s32 s0, s3;
	s0 =	sld [smem:$0x3FA4]  }
0x30: {  	s3 =	sld [smem:$0x3FA7]  }
0x31: {  	[smem:$0x3FB0] =	sst s10  }
0x32: {  	s10 =	sld [smem:$0x3FAE];
	_ =	sdelay $0x3  }
0x33: {  	p0 =	seq.s32 s10, $0x1;
	s10 =	sld [smem:$0x3FB0];
	_ =	sdelay $0x3  }
0x34: {  	[smem:$0x3FB0] =	sst s10  }
0x35: {  	s10 =	sld [smem:$0x3FAF];
	_ =	sdelay $0x3  }
0x36: {  	p1 =	seq.s32 s10, $0x1;
	s10 =	sld [smem:$0x3FB0];
	_ =	sdelay $0x3  }
0x37: {  	[smem:$0x3FB0] =	sst s10  }
0x38: {  	s10 =	sld [smem:$0x3FB1]  }
0x39: {  	_ = 	snop;
	(pc) =	sbr.ind lr, $3  }
0x3a: {  	_ = 	snop  }
0x3b: {  	_ = 	snop  }
0x3c: {  	p2 =	seq.s32 s10, $0x1;
	s10 =	sld [smem:$0x3FB0]  }
0x3d: {  	_ =	shalt  }
0x3e: {  	_ =	shalt  }
0x3f: {  	_ =	shalt  }
0x40: {  	_ =	shalt  }
0x41: {  	_ =	shalt  }
0x42: {  	_ =	shalt  }
0x43: {  	_ =	shalt  }
0x44: {  	_ =	shalt  }
0x45: {  	_ =	shalt  }
0x46: {  	_ =	shalt  }
0x47: {  	_ =	shalt  }
0x48: {  	_ =	shalt  }
0x49: {  	_ =	shalt  }
0x4a: {  	_ =	shalt  }
0x4b: {  	_ =	shalt  }
0x4c: {  	_ =	shalt  }
0x4d: {  	_ =	shalt  }
0x4e: {  	_ =	shalt  }
0x4f: {  	_ =	shalt  }
0x50: {  	_ =	shalt  }
0x51: {  	_ =	shalt  }
0x52: {  	_ =	shalt  }
0x53: {  	_ =	shalt  }
0x54: {  	_ =	shalt  }
0x55: {  	_ =	shalt  }
0x56: {  	_ =	shalt  }
0x57: {  	_ =	shalt  }
0x58: {  	_ =	shalt  }
0x59: {  	_ =	shalt  }
0x5a: {  	_ =	shalt  }
0x5b: {  	_ =	shalt  }
0x5c: {  	_ =	shalt  }
0x5d: {  	_ =	shalt  }
0x5e: {  	_ =	shalt  }
0x5f: {  	_ =	shalt  }
0x60: {  	_ =	shalt  }
0x61: {  	_ =	shalt  }
0x62: {  	_ =	shalt  }
0x63: {  	_ =	shalt  }
0x64: {  	_ =	shalt  }
0x65: {  	_ =	shalt  }
0x66: {  	_ =	shalt  }
0x67: {  	_ =	shalt  }
0x68: {  	_ =	shalt  }
0x69: {  	_ =	shalt  }
0x6a: {  	_ =	shalt  }
0x6b: {  	_ =	shalt  }
0x6c: {  	_ =	shalt  }
0x6d: {  	_ =	shalt  }
0x6e: {  	_ =	shalt  }
0x6f: {  	_ =	shalt  }
0x70: {  	_ =	shalt  }
0x71: {  	_ =	shalt  }
0x72: {  	_ =	shalt  }
0x73: {  	_ =	shalt  }
0x74: {  	_ =	shalt  }
0x75: {  	_ =	shalt  }
0x76: {  	_ =	shalt  }
0x77: {  	_ =	shalt  }
0x78: {  	_ =	shalt  }
0x79: {  	_ =	shalt  }
0x7a: {  	_ =	shalt  }
0x7b: {  	_ =	shalt  }
0x7c: {  	_ =	shalt  }
0x7d: {  	_ =	shalt  }
0x7e: {  	_ =	shalt  }
0x7f: {  	_ =	shalt  }
0x80: {  	_ =	shalt  }
0x81: {  	_ =	shalt  }
0x82: {  	_ =	shalt  }
0x83: {  	_ =	shalt  }
0x84: {  	_ =	shalt  }
0x85: {  	_ =	shalt  }
0x86: {  	_ =	shalt  }
0x87: {  	_ =	shalt  }
.Lfunc_end0:
.L_simem_size_0:
called_computation.1_lowered:
.L_overlay_start_0:
0x88: {  	s2 =	sld [smem:$0x3FD9]  }
0x89: {  	s3 =	sld [smem:$0x3FFE];
	_ =	sdelay $0x1  }
0x8a: {  	s1 =	srdreg.scid  }
0x8b: {  	s0 =	sand.u32 $0x1, s1  }
0x8c: {  	s14 =	sshll.u32 s0, $0xA;
	s2 =	sadd.s32 s3, s2  }
0x8d: {  	s2 =	sadd.s32 s2, s14  }
0x8e: {  	[smem:$0x3FBC] =	sst s2  }
0x8f: {  	_ = 	snop  }
0x90: {  	s2 =	sld [smem:$0x3FD0];
	_ =	sdelay $0x2  }
0x91: {  	s15 =	simm.s32 $0xA;
	s4 =	simm.s32 $0x10  }
0x92: {  	[smem:s4], [sflag:s15] =	dma.local [hbm:s2], $0x1  }
0x93: {  	_ =	swait.eq [sflag:s15], $0x1  }
0x94: {  	s16 =	sld [smem:$0x10];
	[sflag:s15] =	ssyncset.done $0x0  }
0x95: {  	s17 =	sld [smem:$0x11];
	[sflag:s15] =	ssyncadd.s32 $0xFFFFFFFF  }
0x96: {  	s18 =	sld [smem:$0x13];
	(tm) =	ssettm $0x1  }
0x97: {  	s5 =	sld [smem:$0x3FFB];
	_ =	sdelay $0x3  }
0x98: {  	_ =	strace s5  }
0x99: {  	s5 =	sld [smem:$0x3FFC];
	_ =	sdelay $0x3  }
0x9a: {  	_ =	strace s5  }
0x9b: {  	s5 =	sld [smem:$0x3FFD];
	_ =	sdelay $0x3  }
0x9c: {  	_ =	strace s5  }
0x9d: {  	_ =	strace $0x8FFFFFFF  }
0x9e: {  	s19 =	sld [smem:$0x3FDB];
	_ =	sdelay $0x1  }
0x9f: {  	s6 =	simm.s32 $_scs_section_size  }
0xa0: {  	s7 =	simm.s32 $_size__tile_overlayer_lowered;
	s8 =	simm.s32 $_tile_overlayer_lowered  }
0xa1: {  	s22 =	simm.s32 $0x1BFF;
	s21 =	sshll.u32 s8, $0x1;
	s5 =	sadd.s32 s6, s19  }
0xa2: {  	s9 =	simm.s32 $0x0;
	s20 =	sshll.u32 s7, $0x1;
	s7 =	sadd.s32 s21, s5  }
0xa3: {  	[timem:s9], [sflag:s22] =	dma.local [hbm:s7], s20  }
0xa4: {  	_ =	swait.ge [sflag:s22], s20  }
0xa5: {  	s6 =	ssub.s32 $0x0, s20;
	[sflag:s22] =	ssyncset.done $0x0  }
0xa6: {  	[sflag:s22] =	ssyncadd.s32 s6;
	_ =	sdelay $0x1  }
0xa7: {  	s23 =	simm.s32 $0x1B8B  }
0xa8: {  	_ =	swait.ge [sflag:s23], $0x1  }
0xa9: {  	[sflag:s23] =	ssyncset.done $0x0  }
0xaa: {  	s25 =	simm.s32 $0x1B8E;
	s24 =	sld [smem:$0x3FFE];
	[sflag:s23] =	ssyncadd.s32 $0xFFFFFFFF  }
0xab: {  	s26 =	simm.s32 $execute0_lowered;
	[smem:$0x3FD2] =	sst s25  }
0xac: {  	s7 =	sshll.u32 s26, $0x1;
	_ =	strace $0x80000049;
	[dreg:$0x1] =	wrdreg $0xFFFFFFFF  }
0xad: {  	s28 =	simm.s32 $_size_execute0_lowered;
	s5 =	sadd.s32 s5, s7;
	[dreg:$0x0] =	wrdreg $0x0  }
0xae: {  	s7 =	sshll.u32 s28, $0x1;
	[dreg:$0x2] =	wrdreg s5  }
0xaf: {  	[dreg:$0x3] =	wrdreg s7  }
0xb0: {  	[dreg:$0x4] =	wrdreg $0xC0  }
0xb1: {  	_ =	task [dreg:s9], $0x5FFFF  }
0xb2: {  	[dreg:$0x1] =	wrdreg $0xFFFFFFFF  }
0xb3: {  	[dreg:$0x0] =	wrdreg $0x60  }
0xb4: {  	[dreg:$0x2] =	wrdreg s18  }
0xb5: {  	[dreg:$0x3] =	wrdreg s16  }
0xb6: {  	[dreg:$0x4] =	wrdreg s24  }
0xb7: {  	[dreg:$0x5] =	wrdreg s17  }
0xb8: {  	[dreg:$0x6] =	wrdreg $0xDA800  }
0xb9: {  	[dreg:$0x7] =	wrdreg $0x9  }
0xba: {  	_ =	task.clear_ibuf [dreg:s9], $0x8FFFF;
	_ =	strace $0x90000049  }
0xbb: {  	s29 =	simm.s32 $0x9;
	_ =	strace $0x8000004B  }
0xbc: {  	_ =	swait.ge [sflag:s29], $0x1  }
0xbd: {  	[sflag:s29] =	ssyncadd.s32 $0xFFFFFFFF  }
0xbe: {  	_ =	strace $0x9000004B  }
0xbf: {  	_ =	sfence  }
0xc0: {  	s30 =	sld [smem:$0x0];
	_ =	sdelay $0x2  }
0xc1: {  	s31 =	sshll.u32 s1, $0xD;
	s1 =	sshrl.u32 s1, $0x2  }
0xc2: {  	s3 =	sand.u32 $0x4000, s31;
	s1 =	sadd.s32 s1, s30  }
0xc3: {  	s0 =	sor.u32 s3, s0;
	s1 =	sshll.u32 s1, $0x11  }
0xc4: {  	s0 =	sor.u32 s1, s0  }
0xc5: {  	s0 =	sadd.s32 $0x8F2B, s0  }
0xc6: {  	[sflag:s0] =	ssyncadd.remote.s32 $0x1  }
0xc7: {  	_ =	sfence.sel $0xFFFF  }
0xc8: {  	[dreg:$0x0] =	wrdreg $0xFFFFFFFF;
	(pc) =	sbr.abs _section_cstart, $3  }
0xc9: {  	[dreg:$0x1] =	wrdreg $0xFFFFFFFF  }
0xca: {  	_ =	task.clear_ibuf [dreg:s9], $0x2FFFF;
	_ =	strace $0x9FFFFFFF  }
0xcb: {  	(tm) =	ssettm $0x7FFFFFFF  }
tec
execute0_lowered:
.L_overlay_start_1:
0x0: {  	(tag) =	ssettag $0x1  }
0x1: {  	s0 =	rddreg [dreg:$0x0]  }
0x2: {  	s31 =	rddreg [dreg:$0x1];
	s12 =	stileid.u32  }
0x3: {  	s1 =	rddreg [dreg:$0x2];
	s4 =	smul.u32 $0x4E20, s12  }
0x4: {  	s2 =	srdreg.scid;
	s21 =	smul.u32 $0x28000, s12  }
0x5: {  	s5 =	rddreg [dreg:$0x4];
	s22 =	smul.u32 $0x27100, s12  }
0x6: {  	s6 =	simm.s32 $0x0;
	s2 =	sand.u32 $0x1, s2;
	s26 =	smul.u32 $0x9C40, s12  }
0x7: {  	[smem:$0x7FF] =	sst s6;
	s8 =	sadd.s32 $0x9E00, s1;
	s3 =	smul.u32 $0x4E200, s2  }
0x8: {  	s15 =	sadd.s32 $0xA6200, s1;
	s17 =	sadd.s32 $0x192600, s1;
	s7 =	smul.u32 $0x2710, s2  }
0x9: {  	_ =	strace $0x8000004A;
	[dreg:$0x6] =	wrdreg s8;
	s11 =	smul.u32 $0x271000, s2  }
0xa: {  	s25 =	sshll.u32 s12, $0x6;
	s13 =	smul.u32 $0x2800, s2;
	[dreg:$0x7] =	wrdreg s15  }
0xb: {  	s10 =	ssub.s32 $0x2, s2;
	s24 =	smul.u32 $0x140000, s2;
	[dreg:$0x8] =	wrdreg s17  }
0xc: {  	s2 =	smul.u32 $0x9C400, s2;
	s8 =	sshrl.u32 s21, $0x2;
	[dreg:$0x9] =	wrdreg s13  }
0xd: {  	s14 =	sadd.s32 s8, s5;
	s8 =	sor.u32 $0x1C05, s25;
	[dreg:$0xa] =	wrdreg s24  }
0xe: {  	s3 =	sadd.s32 s4, s3;
	s4 =	sadd.s32 s11, s22;
	[dreg:$0xc] =	wrdreg s8  }
0xf: {  	s2 =	sadd.s32 s26, s2;
	[dreg:$0xe] =	wrdreg s4  }
0x10: {  	[dreg:$0x11] =	wrdreg s2  }
0x11: {  	s18 =	sadd.s32 $0xA0000, s24;
	[dreg:$0xb] =	wrdreg s14  }
0x12: {  	s9 =	sadd.s32 s3, s1;
	s3 =	sshll.u32 s3, $0x1;
	[dreg:$0x13] =	wrdreg s18  }
0x13: {  	s30 =	sadd.s32 $0x800, s14;
	[dreg:$0xd] =	wrdreg s3  }
0x14: {  	s2 =	sadd.s32 $0x1000, s14;
	[dreg:$0x15] =	wrdreg s30  }
0x15: {  	s23 =	sshrl.u32 s10, $0x1;
	s4 =	sadd.s32 $0x2000, s14;
	[dreg:$0x16] =	wrdreg s2  }
0x16: {  	s1 =	ssub.s32 s10, s23;
	s10 =	sadd.s32 $0x2800, s14;
	[dreg:$0x18] =	wrdreg s4  }
0x17: {  	s11 =	sadd.s32 $0x3000, s14;
	[dreg:$0x19] =	wrdreg s10  }
0x18: {  	s8 =	smul.u32 $0x140, s12;
	s12 =	sadd.s32 $0x3800, s14;
	[dreg:$0x1a] =	wrdreg s11  }
0x19: {  	s16 =	sadd.s32 $0x4800, s14;
	[dreg:$0x1b] =	wrdreg s12  }
0x1a: {  	s19 =	sadd.s32 $0x5000, s14;
	[dreg:$0x1d] =	wrdreg s16  }
0x1b: {  	s20 =	sadd.s32 $0x5800, s14;
	[dreg:$0x1e] =	wrdreg s19  }
0x1c: {  	s21 =	sadd.s32 $0x6000, s14;
	[dreg:$0x1f] =	wrdreg s20  }
0x1d: {  	s22 =	sadd.s32 $0x6800, s14;
	[smem:$0x7F6] =	sst s21  }
0x1e: {  	s23 =	sadd.s32 $0x7000, s14;
	[smem:$0x7F7] =	sst s22  }
0x1f: {  	s24 =	sadd.s32 $0x7800, s14;
	[smem:$0x7F8] =	sst s23  }
0x20: {  	s25 =	sadd.s32 $0x8000, s14;
	[smem:$0x7F9] =	sst s24  }
0x21: {  	s29 =	simm.s32 $0x2;
	s26 =	sadd.s32 $0x8800, s14;
	[smem:$0x7FA] =	sst s25  }
0x22: {  	v0 =	vlaneseq.u32;
	s28 =	sadd.s32 $0xF6200, s9;
	s9 =	sadd.s32 $0x1400, s13;
	[smem:$0x7FB] =	sst s26  }
0x23: {  	v2 =	vor.u32 $0x10, v0;
	v3 =	vor.u32 $0x20, v0;
	v4 =	vor.u32 $0x30, v0;
	s1 =	smax.u32 s1, $0x1;
	s3 =	sadd.s32 $0x1800, s14;
	[dreg:$0xf] =	wrdreg s28  }
0x24: {  	v5 =	vor.u32 $0x40, v0;
	v6 =	vor.u32 $0x50, v0;
	v7 =	vor.u32 $0x60, v0;
	s13 =	sadd.s32 $0x4000, s14;
	s30 =	sadd.s32 $0x9800, s14;
	[dreg:$0x14] =	wrdreg s1  }
0x25: {  	v8 =	vor.u32 $0x70, v0;
	v9 =	vor.u32 $0x800, v0;
	v10 =	vor.u32 $0x1000, v0;
	s20 =	simm.s32 $0x5;
	s2 =	simm.s32 $0x50;
	[dreg:$0x17] =	wrdreg s3  }
0x26: {  	v11 =	vor.u32 $0x810, v0;
	v12 =	vor.u32 $0x1010, v0;
	v13 =	vor.u32 $0x820, v0;
	s22 =	simm.s32 $0x2800;
	s23 =	simm.s32 $0x1;
	[dreg:$0x1c] =	wrdreg s13  }
0x27: {  	v14 =	vor.u32 $0x1020, v0;
	v15 =	vor.u32 $0x830, v0;
	v16 =	vor.u32 $0x1030, v0;
	s24 =	simm.s32 $0xBF80;
	s25 =	simm.s32 $0xA680;
	[smem:$0x7FD] =	sst s30  }
0x28: {  	v17 =	vor.u32 $0x840, v0;
	v18 =	vor.u32 $0x1040, v0;
	v19 =	vor.u32 $0x850, v0;
	s26 =	simm.s32 $0x5000;
	s12 =	simm.s32 $0x7800;
	[dreg:$0x10] =	wrdreg s8  }
0x29: {  	v20 =	vor.u32 $0x1050, v0;
	v21 =	vor.u32 $0x860, v0;
	v22 =	vor.u32 $0x1060, v0;
	s10 =	simm.s32 $0x4;
	s28 =	sadd.s32 $0x9000, s14;
	[dreg:$0x12] =	wrdreg s9  }
0x2a: {  	v23 =	vor.u32 $0x870, v0;
	v24 =	vor.u32 $0x1070, v0;
	v1 =	vmov s7;
	s4 =	simm.s32 $0x0;
	s1 =	simm.s32 $0x3;
	[smem:$0x7FC] =	sst s28  }
.LBB2_1:
0x2b: {  	[smem:$0x7E1] =	sst s4  }
0x2c: {  	s3 =	rddreg [dreg:$0xb]  }
0x2d: {  	s4 =	rddreg [dreg:$0xc]  }
0x2e: {  	s7 =	sshrl.u32 s3, $0x3;
	s3 =	rddreg [dreg:$0x3]  }
0x2f: {  	[smem:$0x7E2] =	sst s7  }
0x30: {  	[spmem:s7], [sflag:s4] =	dma.local [hbm:s3], $0x100  }
0x31: {  	_ =	swait.ge [sflag:s20], $0x100  }
0x32: {  	s17 =	rddreg [dreg:$0x15]  }
0x33: {  	[sflag:s20] =	ssyncset.done $0x0;
	s7 =	sshrl.u32 s17, $0x3  }
0x34: {  	[sflag:s20] =	ssyncadd.s32 $0xFFFFFF00;
	[smem:$0x7E3] =	sst s7  }
0x35: {  	[spmem:s7], [sflag:s4] =	dma.local [hbm:s3], $0x100  }
0x36: {  	_ =	swait.ge [sflag:s20], $0x100  }
0x37: {  	s18 =	rddreg [dreg:$0x16]  }
0x38: {  	[sflag:s20] =	ssyncset.done $0x0;
	s7 =	sshrl.u32 s18, $0x3  }
0x39: {  	[sflag:s20] =	ssyncadd.s32 $0xFFFFFF00;
	[smem:$0x7E4] =	sst s7  }
0x3a: {  	[spmem:s7], [sflag:s4] =	dma.local [hbm:s3], $0x100  }
0x3b: {  	_ =	swait.ge [sflag:s20], $0x100  }
0x3c: {  	s19 =	rddreg [dreg:$0x17]  }
0x3d: {  	[sflag:s20] =	ssyncset.done $0x0;
	s7 =	sshrl.u32 s19, $0x3  }
0x3e: {  	[sflag:s20] =	ssyncadd.s32 $0xFFFFFF00;
	[smem:$0x7E5] =	sst s7  }
0x3f: {  	[spmem:s7], [sflag:s4] =	dma.local [hbm:s3], $0x100  }
0x40: {  	_ =	swait.ge [sflag:s20], $0x100  }
0x41: {  	s21 =	rddreg [dreg:$0x18]  }
0x42: {  	[sflag:s20] =	ssyncset.done $0x0;
	s7 =	sshrl.u32 s21, $0x3  }
0x43: {  	[sflag:s20] =	ssyncadd.s32 $0xFFFFFF00;
	[smem:$0x7E6] =	sst s7  }
0x44: {  	[spmem:s7], [sflag:s4] =	dma.local [hbm:s3], $0x100  }
0x45: {  	_ =	swait.ge [sflag:s20], $0x100  }
0x46: {  	s28 =	rddreg [dreg:$0x19]  }
0x47: {  	[sflag:s20] =	ssyncset.done $0x0;
	s7 =	sshrl.u32 s28, $0x3  }
0x48: {  	[sflag:s20] =	ssyncadd.s32 $0xFFFFFF00;
	[smem:$0x7E7] =	sst s7  }
0x49: {  	[spmem:s7], [sflag:s4] =	dma.local [hbm:s3], $0x100  }
0x4a: {  	_ =	swait.ge [sflag:s20], $0x100  }
0x4b: {  	s30 =	rddreg [dreg:$0x1a]  }
0x4c: {  	[sflag:s20] =	ssyncset.done $0x0;
	s7 =	sshrl.u32 s30, $0x3  }
0x4d: {  	[sflag:s20] =	ssyncadd.s32 $0xFFFFFF00;
	[smem:$0x7E8] =	sst s7  }
0x4e: {  	[spmem:s7], [sflag:s4] =	dma.local [hbm:s3], $0x100  }
0x4f: {  	_ =	swait.ge [sflag:s20], $0x100  }
0x50: {  	s8 =	rddreg [dreg:$0x1b]  }
0x51: {  	[sflag:s20] =	ssyncset.done $0x0;
	s7 =	sshrl.u32 s8, $0x3  }
0x52: {  	[sflag:s20] =	ssyncadd.s32 $0xFFFFFF00;
	[smem:$0x7E9] =	sst s7  }
0x53: {  	[spmem:s7], [sflag:s4] =	dma.local [hbm:s3], $0x100  }
0x54: {  	_ =	swait.ge [sflag:s20], $0x100  }
0x55: {  	s9 =	rddreg [dreg:$0x1c]  }
0x56: {  	[sflag:s20] =	ssyncset.done $0x0;
	s7 =	sshrl.u32 s9, $0x3  }
0x57: {  	[sflag:s20] =	ssyncadd.s32 $0xFFFFFF00;
	[smem:$0x7EA] =	sst s7  }
0x58: {  	[spmem:s7], [sflag:s4] =	dma.local [hbm:s3], $0x100  }
0x59: {  	_ =	swait.ge [sflag:s20], $0x100  }
0x5a: {  	s11 =	rddreg [dreg:$0x1d]  }
0x5b: {  	[sflag:s20] =	ssyncset.done $0x0;
	s7 =	sshrl.u32 s11, $0x3  }
0x5c: {  	[sflag:s20] =	ssyncadd.s32 $0xFFFFFF00;
	[smem:$0x7EB] =	sst s7  }
0x5d: {  	[spmem:s7], [sflag:s4] =	dma.local [hbm:s3], $0x100  }
0x5e: {  	_ =	swait.ge [sflag:s20], $0x100  }
0x5f: {  	s13 =	rddreg [dreg:$0x1e]  }
0x60: {  	[sflag:s20] =	ssyncset.done $0x0;
	s7 =	sshrl.u32 s13, $0x3  }
0x61: {  	[sflag:s20] =	ssyncadd.s32 $0xFFFFFF00;
	[smem:$0x7EC] =	sst s7  }
0x62: {  	[spmem:s7], [sflag:s4] =	dma.local [hbm:s3], $0x100  }
0x63: {  	_ =	swait.ge [sflag:s20], $0x100  }
0x64: {  	s14 =	rddreg [dreg:$0x1f]  }
0x65: {  	[sflag:s20] =	ssyncset.done $0x0;
	s7 =	sshrl.u32 s14, $0x3  }
0x66: {  	[sflag:s20] =	ssyncadd.s32 $0xFFFFFF00;
	[smem:$0x7ED] =	sst s7  }
0x67: {  	[spmem:s7], [sflag:s4] =	dma.local [hbm:s3], $0x100  }
0x68: {  	_ =	swait.ge [sflag:s20], $0x100  }
0x69: {  	s15 =	sld [smem:$0x7F6];
	_ =	sdelay $0x2  }
0x6a: {  	[sflag:s20] =	ssyncset.done $0x0;
	s7 =	sshrl.u32 s15, $0x3  }
0x6b: {  	[sflag:s20] =	ssyncadd.s32 $0xFFFFFF00;
	[smem:$0x7EE] =	sst s7  }
0x6c: {  	[spmem:s7], [sflag:s4] =	dma.local [hbm:s3], $0x100  }
0x6d: {  	_ =	swait.ge [sflag:s20], $0x100  }
0x6e: {  	s16 =	sld [smem:$0x7F7];
	_ =	sdelay $0x2  }
0x6f: {  	[sflag:s20] =	ssyncset.done $0x0;
	s7 =	sshrl.u32 s16, $0x3  }
0x70: {  	[sflag:s20] =	ssyncadd.s32 $0xFFFFFF00;
	[smem:$0x7EF] =	sst s7  }
0x71: {  	[spmem:s7], [sflag:s4] =	dma.local [hbm:s3], $0x100  }
0x72: {  	_ =	swait.ge [sflag:s20], $0x100  }
0x73: {  	s17 =	sld [smem:$0x7F8];
	_ =	sdelay $0x2  }
0x74: {  	[sflag:s20] =	ssyncset.done $0x0;
	s7 =	sshrl.u32 s17, $0x3  }
0x75: {  	[sflag:s20] =	ssyncadd.s32 $0xFFFFFF00;
	[smem:$0x7F0] =	sst s7  }
0x76: {  	[spmem:s7], [sflag:s4] =	dma.local [hbm:s3], $0x100  }
0x77: {  	_ =	swait.ge [sflag:s20], $0x100  }
0x78: {  	s18 =	sld [smem:$0x7F9];
	_ =	sdelay $0x2  }
0x79: {  	[sflag:s20] =	ssyncset.done $0x0;
	s7 =	sshrl.u32 s18, $0x3  }
0x7a: {  	[sflag:s20] =	ssyncadd.s32 $0xFFFFFF00;
	[smem:$0x7F1] =	sst s7  }
0x7b: {  	[spmem:s7], [sflag:s4] =	dma.local [hbm:s3], $0x100  }
0x7c: {  	_ =	swait.ge [sflag:s20], $0x100  }
0x7d: {  	s19 =	sld [smem:$0x7FA];
	_ =	sdelay $0x2  }
0x7e: {  	[sflag:s20] =	ssyncset.done $0x0;
	s7 =	sshrl.u32 s19, $0x3  }
0x7f: {  	[sflag:s20] =	ssyncadd.s32 $0xFFFFFF00;
	[smem:$0x7F2] =	sst s7  }
0x80: {  	[spmem:s7], [sflag:s4] =	dma.local [hbm:s3], $0x100  }
0x81: {  	_ =	swait.ge [sflag:s20], $0x100  }
0x82: {  	s21 =	sld [smem:$0x7FB];
	_ =	sdelay $0x2  }
0x83: {  	[sflag:s20] =	ssyncset.done $0x0;
	s7 =	sshrl.u32 s21, $0x3  }
0x84: {  	[sflag:s20] =	ssyncadd.s32 $0xFFFFFF00;
	[smem:$0x7F3] =	sst s7  }
0x85: {  	[spmem:s7], [sflag:s4] =	dma.local [hbm:s3], $0x100  }
0x86: {  	_ =	swait.ge [sflag:s20], $0x100  }
0x87: {  	s28 =	sld [smem:$0x7FC];
	_ =	sdelay $0x2  }
0x88: {  	[sflag:s20] =	ssyncset.done $0x0;
	s7 =	sshrl.u32 s28, $0x3  }
0x89: {  	[sflag:s20] =	ssyncadd.s32 $0xFFFFFF00;
	[smem:$0x7F4] =	sst s7  }
0x8a: {  	[spmem:s7], [sflag:s4] =	dma.local [hbm:s3], $0x100  }
0x8b: {  	_ =	swait.ge [sflag:s20], $0x100  }
0x8c: {  	s30 =	sld [smem:$0x7FD];
	_ =	sdelay $0x2  }
0x8d: {  	[sflag:s20] =	ssyncset.done $0x0;
	s7 =	sshrl.u32 s30, $0x3  }
0x8e: {  	[sflag:s20] =	ssyncadd.s32 $0xFFFFFF00;
	[smem:$0x7F5] =	sst s7  }
0x8f: {  	[spmem:s7], [sflag:s4] =	dma.local [hbm:s3], $0x100  }
0x90: {  	_ =	swait.ge [sflag:s20], $0x100  }
0x91: {  	[sflag:s20] =	ssyncset.done $0x0  }
0x92: {  	[sflag:s20] =	ssyncadd.s32 $0xFFFFFF00  }
0x93: {  	s7 =	simm.s32 $0x0;
	[bflag:$0x0] =	sbarrier.arrive $0xFFFF  }
.LBB2_2:
0x94: {  	s3 =	smul.u32 $0x640, s7  }
0x95: {  	s4 =	rddreg [dreg:$0xd]  }
0x96: {  	s3 =	sadd.s32 s4, s3  }
0x97: {  	s18 =	simm.s32 $0x0;
	s3 =	sshrl.u32 s3, $0x3  }
0x98: {  	[smem:$0x7E0] =	sst s7;
	s21 =	simm.s32 $0xA000;
	s3 =	sadd.s32 s31, s3  }
0x99: {  	[tilespmem:s21], [sflag:$0x5] =	stream.linear.gather [hbm4b:s3+s18], $0x640, $0x38;
	[tilespmem:$0x17AC0] =	vst v63  }
0x9a: {  	s19 =	smul.u32 $0x1900, s7;
	_ =	swait.ge [sflag:s20], $0x640  }
0x9b: {  	s28 =	rddreg [dreg:$0xe]  }
0x9c: {  	s3 =	sadd.s32 s28, s19  }
0x9d: {  	[sflag:s20] =	ssyncset.done $0x0;
	s30 =	rddreg [dreg:$0x6];
	s3 =	sshrl.u32 s3, $0x3  }
0x9e: {  	[sflag:s20] =	ssyncadd.s32 $0xFFFFF9C0;
	s19 =	simm.s32 $0xA680;
	s3 =	sadd.s32 s30, s3  }
0x9f: {  	[tilespmem:s19], [sflag:$0x5] =	stream.linear.gather [hbm4b:s3+s18], $0x1900, $0x38;
	[tilespmem:$0x17AC0] =	vst v63  }
0xa0: {  	_ =	swait.ge [sflag:s20], $0x1900  }
0xa1: {  	s11 =	simm.s32 $0x0;
	[sflag:s20] =	ssyncset.done $0x0  }
0xa2: {  	s31 =	simm.s32 $0x0;
	[sflag:s20] =	ssyncadd.s32 $0xFFFFE700;
	s20 =	simm.s32 $0x1  }
.LBB2_3:
0xa3: {  	p0 =	sgt.u32 s11, $0x2;
	s15 =	smul.u32 $0xA0, s11;
	s8 =	simm.s32 $0xFFFFFE70  }
0xa4: {  	s3 =	simm.s32 $0x320;
	s8 =	simm.s32 @!p0 $0x0  }
0xa5: {  	s3 =	simm.s32 @!p0 $0x0;
	s7 =	sadd.s32 s15, s8  }
0xa6: {  	s3 =	sadd.s32 s7, s3  }
0xa7: {  	v25 =	vld [tilespmem:s3+$0xA190]  }
0xa8: {  	v26 =	vld [tilespmem:s3+$0xA000];
	_ =	sdelay $0x4  }
0xa9: {  	vm0 =	vlt.u32 v25, $0x1400;
	v26 =	vadd.s32 v1, v26;
	v25 =	vmin.u32 v25, $0x1400  }
0xaa: {  	v26 =	vnsel vm0, $0xFFFFFFFF, v26;
	[tilespmem:$0xD900] =	vst v25  }
0xab: {  	[tilespmem:$0xD880] =	vst v26  }
0xac: {  	v25 =	vld [tilespmem:s3+$0xA1A0]  }
0xad: {  	v26 =	vld [tilespmem:s3+$0xA010];
	_ =	sdelay $0x4  }
0xae: {  	vm7 =	vlt.u32 v25, $0x1400;
	v26 =	vadd.s32 v1, v26;
	v25 =	vmin.u32 v25, $0x1400  }
0xaf: {  	v26 =	vnsel vm7, $0xFFFFFFFF, v26;
	[tilespmem:$0xD910] =	vst v25  }
0xb0: {  	[tilespmem:$0xD890] =	vst v26  }
0xb1: {  	v25 =	vld [tilespmem:s3+$0xA1B0]  }
0xb2: {  	v26 =	vld [tilespmem:s3+$0xA020];
	_ =	sdelay $0x4  }
0xb3: {  	vm8 =	vlt.u32 v25, $0x1400;
	v26 =	vadd.s32 v1, v26;
	v25 =	vmin.u32 v25, $0x1400  }
0xb4: {  	v26 =	vnsel vm8, $0xFFFFFFFF, v26;
	[tilespmem:$0xD920] =	vst v25  }
0xb5: {  	[tilespmem:$0xD8A0] =	vst v26  }
0xb6: {  	v25 =	vld [tilespmem:s3+$0xA1C0]  }
0xb7: {  	v26 =	vld [tilespmem:s3+$0xA030];
	_ =	sdelay $0x4  }
0xb8: {  	vm9 =	vlt.u32 v25, $0x1400;
	v26 =	vadd.s32 v1, v26;
	v25 =	vmin.u32 v25, $0x1400  }
0xb9: {  	v26 =	vnsel vm9, $0xFFFFFFFF, v26;
	[tilespmem:$0xD930] =	vst v25  }
0xba: {  	[tilespmem:$0xD8B0] =	vst v26  }
0xbb: {  	v25 =	vld [tilespmem:s3+$0xA1D0]  }
0xbc: {  	s14 =	sshllo.u32 s11, $0x1;
	v26 =	vld [tilespmem:s3+$0xA040]  }
0xbd: {  	s16 =	smulhi.u32 $0x66666667, s14;
	_ =	sdelay $0x1  }
0xbe: {  	s13 =	smul.u32 $0x50, s14;
	s7 =	sshrl.u32 s16, $0x1  }
0xbf: {  	s17 =	smul.u32 $0xFFFFFE70, s7  }
0xc0: {  	s7 =	smul.u32 $0xC80, s7;
	vm10 =	vlt.u32 v25, $0x1400;
	v26 =	vadd.s32 v1, v26;
	v25 =	vmin.u32 v25, $0x1400  }
0xc1: {  	v26 =	vnsel vm10, $0xFFFFFFFF, v26;
	[tilespmem:$0xD940] =	vst v25  }
0xc2: {  	s7 =	sshra.s32 s7, $0x2;
	s3 =	sadd.s32 s13, s17;
	[tilespmem:$0xD8C0] =	vst v26;
	(ifvalue) =	ssetifvalue $0xFFFFFFFF  }
0xc3: {  	s4 =	simm.s32 $0xD880;
	s3 =	sadd.s32 s3, s7;
	(ifvalue) =	ssetifvalue $0xFFFFFFFF  }
0xc4: {  	[tilespmem:s18], [sflag:$0x1] =	stream.indirect.gather [hbm4b:s0+s2], $0x80, s4, s2, $0x40b8;
	[tilespmem:$0x17AC0] =	vst v63  }
0xc5: {  	v25 =	vld [tilespmem:s3+$0xA190]  }
0xc6: {  	v26 =	vld [tilespmem:s3+$0xA000];
	_ =	sdelay $0x4  }
0xc7: {  	vm11 =	vlt.u32 v25, $0x1400;
	v26 =	vadd.s32 v1, v26;
	v25 =	vmin.u32 v25, $0x1400  }
0xc8: {  	v26 =	vnsel vm11, $0xFFFFFFFF, v26;
	[tilespmem:$0xDA00] =	vst v25  }
0xc9: {  	[tilespmem:$0xD980] =	vst v26  }
0xca: {  	v25 =	vld [tilespmem:s3+$0xA1A0]  }
0xcb: {  	v26 =	vld [tilespmem:s3+$0xA010];
	_ =	sdelay $0x4  }
0xcc: {  	vm12 =	vlt.u32 v25, $0x1400;
	v26 =	vadd.s32 v1, v26;
	v25 =	vmin.u32 v25, $0x1400  }
0xcd: {  	v26 =	vnsel vm12, $0xFFFFFFFF, v26;
	[tilespmem:$0xDA10] =	vst v25  }
0xce: {  	[tilespmem:$0xD990] =	vst v26  }
0xcf: {  	v25 =	vld [tilespmem:s3+$0xA1B0]  }
0xd0: {  	v26 =	vld [tilespmem:s3+$0xA020];
	_ =	sdelay $0x4  }
0xd1: {  	vm13 =	vlt.u32 v25, $0x1400;
	v26 =	vadd.s32 v1, v26;
	v25 =	vmin.u32 v25, $0x1400  }
0xd2: {  	v26 =	vnsel vm13, $0xFFFFFFFF, v26;
	[tilespmem:$0xDA20] =	vst v25  }
0xd3: {  	[tilespmem:$0xD9A0] =	vst v26  }
0xd4: {  	v25 =	vld [tilespmem:s3+$0xA1C0]  }
0xd5: {  	v26 =	vld [tilespmem:s3+$0xA030];
	_ =	sdelay $0x4  }
0xd6: {  	vm14 =	vlt.u32 v25, $0x1400;
	v26 =	vadd.s32 v1, v26;
	v25 =	vmin.u32 v25, $0x1400  }
0xd7: {  	v26 =	vnsel vm14, $0xFFFFFFFF, v26;
	[tilespmem:$0xDA30] =	vst v25  }
0xd8: {  	[tilespmem:$0xD9B0] =	vst v26  }
0xd9: {  	v25 =	vld [tilespmem:s3+$0xA1D0]  }
0xda: {  	v26 =	vld [tilespmem:s3+$0xA040];
	_ =	sdelay $0x3  }
0xdb: {  	s21 =	smulhi.u32 $0xCCCCCCCD, s20  }
0xdc: {  	s28 =	simm.s32 $0xD980;
	s9 =	simm.s32 $0xC80;
	s14 =	sadd.s32 s31, s8;
	vm15 =	vlt.u32 v25, $0x1400;
	v26 =	vadd.s32 v1, v26;
	v25 =	vmin.u32 v25, $0x1400  }
0xdd: {  	s9 =	simm.s32 @!p0 $0x0;
	s14 =	sshll.u32 s14, $0x2;
	s3 =	sshrl.u32 s21, $0x2;
	v26 =	vnsel vm15, $0xFFFFFFFF, v26;
	[tilespmem:$0xDA40] =	vst v25  }
0xde: {  	s17 =	sshll.u32 s9, $0x2;
	s30 =	smul.u32 $0xAF0, s3;
	[tilespmem:$0xD9C0] =	vst v26;
	(ifvalue) =	ssetifvalue $0xFFFFFFFF  }
0xdf: {  	s17 =	sadd.s32 s14, s17;
	s3 =	smul.u32 $0x2BC0, s3;
	(ifvalue) =	ssetifvalue $0xFFFFFFFF  }
0xe0: {  	[tilespmem:s22], [sflag:$0x2] =	stream.indirect.gather [hbm4b:s0+s2], $0x80, s28, s2, $0x40b8;
	[tilespmem:$0x17AC0] =	vst v63  }
0xe1: {  	s17 =	sshra.s32 s17, $0x2;
	s3 =	sshra.s32 s3, $0x2;
	_ =	swait.ge [sflag:s23], $0x2800  }
0xe2: {  	s14 =	sadd.s32 s30, s31;
	s7 =	sadd.s32 s3, s19;
	v25 =	vor.u32 s15, v0;
	[sflag:s23] =	ssyncset.done $0x0  }
0xe3: {  	s3 =	simm.s32 $0x10;
	s15 =	sadd.s32 $0xACC0, s17;
	v26 =	vadd.s32 s18, v25;
	[sflag:s23] =	ssyncadd.s32 $0xFFFFD800  }
.LBB2_4:
0xe4: {  	p0 =	seq.s32 s3, $0x40;
	v26 =	vshll.u32 v26, $0x3;
	v27 =	vld [tilespmem:s15+$0xFFFFF9C0];
	_ =	sdelay $0x4  }
0xe5: {  	[tilespmem:v26+s24+$0x0] =	vst.idx.msk $0xffff, v27  }
0xe6: {  	v28 =	vor.u32 $0x1, v26;
	v27 =	vld [tilespmem:s15+$0xFFFFFB50];
	_ =	sdelay $0x4  }
0xe7: {  	[tilespmem:v28+s24+$0x0] =	vst.idx.msk $0xffff, v27  }
0xe8: {  	v28 =	vor.u32 $0x2, v26;
	v27 =	vld [tilespmem:s15+$0xFFFFFCE0];
	_ =	sdelay $0x4  }
0xe9: {  	[tilespmem:v28+s24+$0x0] =	vst.idx.msk $0xffff, v27  }
0xea: {  	v28 =	vor.u32 $0x3, v26;
	v27 =	vld [tilespmem:s15+$0xFFFFFE70];
	_ =	sdelay $0x4  }
0xeb: {  	[tilespmem:v28+s24+$0x0] =	vst.idx.msk $0xffff, v27  }
0xec: {  	v28 =	vor.u32 $0x4, v26;
	v27 =	vld [tilespmem:s15+$0x0];
	_ =	sdelay $0x4  }
0xed: {  	[tilespmem:v28+s24+$0x0] =	vst.idx.msk $0xffff, v27  }
0xee: {  	v28 =	vor.u32 $0x5, v26;
	v27 =	vld [tilespmem:s15+$0x190];
	_ =	sdelay $0x4  }
0xef: {  	[tilespmem:v28+s24+$0x0] =	vst.idx.msk $0xffff, v27  }
0xf0: {  	v28 =	vor.u32 $0x6, v26;
	v27 =	vld [tilespmem:s15+$0x320];
	_ =	sdelay $0x4  }
0xf1: {  	[tilespmem:v28+s24+$0x0] =	vst.idx.msk $0xffff, v27  }
0xf2: {  	v28 =	vor.u32 $0x7, v26;
	v27 =	vld [tilespmem:s15+$0x4B0]  }
.Ltmp0:
0xf3: {  	(pc) =	sbr.rel @!p0 .LBB2_4-.Ltmp0, $2  }
0xf4: {  	_ =	sdelay $0x2  }
0xf5: {  	v26 =	vadd.s32 s3, v25;
	s3 =	sadd.s32 $0x10, s3;
	s15 =	sadd.s32 $0x10, s15;
	[tilespmem:v28+s24+$0x0] =	vst.idx.msk $0xffff, v27  }
0xf6: {  	v25 =	vshll.u32 v26, $0x3;
	v26 =	vld [tilespmem:s15+$0xFFFFF9C0];
	_ =	sdelay $0x4  }
0xf7: {  	[tilespmem:v25+s24+$0x0] =	vst.idx.msk $0xffff, v26  }
0xf8: {  	v27 =	vor.u32 $0x1, v25;
	v26 =	vld [tilespmem:s15+$0xFFFFFB50];
	_ =	sdelay $0x4  }
0xf9: {  	[tilespmem:v27+s24+$0x0] =	vst.idx.msk $0xffff, v26  }
0xfa: {  	v27 =	vor.u32 $0x2, v25;
	v26 =	vld [tilespmem:s15+$0xFFFFFCE0];
	_ =	sdelay $0x4  }
0xfb: {  	[tilespmem:v27+s24+$0x0] =	vst.idx.msk $0xffff, v26  }
0xfc: {  	v27 =	vor.u32 $0x3, v25;
	v26 =	vld [tilespmem:s15+$0xFFFFFE70];
	_ =	sdelay $0x4  }
0xfd: {  	[tilespmem:v27+s24+$0x0] =	vst.idx.msk $0xffff, v26  }
0xfe: {  	v27 =	vor.u32 $0x4, v25;
	v26 =	vld [tilespmem:s15+$0x0];
	_ =	sdelay $0x4  }
0xff: {  	[tilespmem:v27+s24+$0x0] =	vst.idx.msk $0xffff, v26  }
0x100: {  	v27 =	vor.u32 $0x5, v25;
	v26 =	vld [tilespmem:s15+$0x190];
	_ =	sdelay $0x4  }
0x101: {  	[tilespmem:v27+s24+$0x0] =	vst.idx.msk $0xffff, v26  }
0x102: {  	v27 =	vor.u32 $0x6, v25;
	v26 =	vld [tilespmem:s15+$0x320];
	_ =	sdelay $0x4  }
0x103: {  	[tilespmem:v27+s24+$0x0] =	vst.idx.msk $0xffff, v26  }
0x104: {  	v25 =	vor.u32 $0x7, v25;
	v26 =	vld [tilespmem:s15+$0x4B0];
	_ =	sdelay $0x1  }
0x105: {  	s3 =	sadd.s32 s9, s8  }
0x106: {  	s8 =	sadd.s32 s31, s3  }
0x107: {  	s3 =	sadd.s32 $0x0, s8  }
0x108: {  	s15 =	simm.s32 $0x0;
	[tilespmem:v25+s24+$0x0] =	vst.idx.msk $0xffff, v26;
	v25 =	vmov s3  }
0x109: {  	v26 =	vor.u32 s15, v0;
	_ =	sdelay $0x3  }
0x10a: {  	v25 =	vld.idx.msk [tilespmem:v25+s25+$0x0], $0xffff  }
0x10b: {  	v27 =	vld.idx.msk [tilespmem:v26+s6+$0x0], $0xffff;
	_ =	sdelay $0x1  }
0x10c: {  	s4 =	sadd.s32 $0x190, s3  }
0x10d: {  	v28 =	vmov s4  }
0x10e: {  	v29 =	vor.u32 s15, v2  }
0x10f: {  	v25 =	vmul.f32 v27, v25;
	_ =	sdelay $0x1  }
0x110: {  	[tilespmem:v26+s26+$0x0] =	vst.idx.msk $0xffff, v25  }
0x111: {  	v25 =	vld.idx.msk [tilespmem:v28+s25+$0x0], $0xffff  }
0x112: {  	v26 =	vld.idx.msk [tilespmem:v29+s6+$0x0], $0xffff;
	_ =	sdelay $0x1  }
0x113: {  	s16 =	sadd.s32 $0x320, s3  }
0x114: {  	v27 =	vmov s16  }
0x115: {  	v59 =	vor.u32 s15, v3  }
0x116: {  	v25 =	vmul.f32 v26, v25;
	_ =	sdelay $0x1  }
0x117: {  	[tilespmem:v29+s26+$0x0] =	vst.idx.msk $0xffff, v25  }
0x118: {  	v25 =	vld.idx.msk [tilespmem:v27+s25+$0x0], $0xffff  }
0x119: {  	v26 =	vld.idx.msk [tilespmem:v59+s6+$0x0], $0xffff;
	_ =	sdelay $0x1  }
0x11a: {  	s17 =	sadd.s32 $0x4B0, s3  }
0x11b: {  	v27 =	vmov s17  }
0x11c: {  	v60 =	vor.u32 s15, v4  }
0x11d: {  	v25 =	vmul.f32 v26, v25;
	_ =	sdelay $0x1  }
0x11e: {  	[tilespmem:v59+s26+$0x0] =	vst.idx.msk $0xffff, v25  }
0x11f: {  	v25 =	vld.idx.msk [tilespmem:v27+s25+$0x0], $0xffff  }
0x120: {  	v26 =	vld.idx.msk [tilespmem:v60+s6+$0x0], $0xffff;
	_ =	sdelay $0x1  }
0x121: {  	s21 =	sadd.s32 $0x640, s3  }
0x122: {  	v27 =	vmov s21  }
0x123: {  	v61 =	vor.u32 s15, v5  }
0x124: {  	v25 =	vmul.f32 v26, v25;
	_ =	sdelay $0x1  }
0x125: {  	[tilespmem:v60+s26+$0x0] =	vst.idx.msk $0xffff, v25  }
0x126: {  	v25 =	vld.idx.msk [tilespmem:v27+s25+$0x0], $0xffff  }
0x127: {  	v26 =	vld.idx.msk [tilespmem:v61+s6+$0x0], $0xffff;
	_ =	sdelay $0x1  }
0x128: {  	s28 =	sadd.s32 $0x7D0, s3  }
0x129: {  	v27 =	vmov s28  }
0x12a: {  	v62 =	vor.u32 s15, v6  }
0x12b: {  	v25 =	vmul.f32 v26, v25;
	_ =	sdelay $0x1  }
0x12c: {  	[tilespmem:v61+s26+$0x0] =	vst.idx.msk $0xffff, v25  }
0x12d: {  	v25 =	vld.idx.msk [tilespmem:v27+s25+$0x0], $0xffff  }
0x12e: {  	v26 =	vld.idx.msk [tilespmem:v62+s6+$0x0], $0xffff;
	_ =	sdelay $0x1  }
0x12f: {  	s30 =	sadd.s32 $0x960, s3  }
0x130: {  	v27 =	vmov s30  }
0x131: {  	v63 =	vor.u32 s15, v7  }
0x132: {  	v25 =	vmul.f32 v26, v25;
	_ =	sdelay $0x1  }
0x133: {  	[tilespmem:v62+s26+$0x0] =	vst.idx.msk $0xffff, v25  }
0x134: {  	v25 =	vld.idx.msk [tilespmem:v27+s25+$0x0], $0xffff  }
0x135: {  	v26 =	vld.idx.msk [tilespmem:v63+s6+$0x0], $0xffff;
	_ =	sdelay $0x4  }
0x136: {  	s3 =	sadd.s32 $0xAF0, s3;
	v25 =	vmul.f32 v26, v25  }
0x137: {  	v27 =	vmov s3  }
0x138: {  	[tilespmem:v63+s26+$0x0] =	vst.idx.msk $0xffff, v25;
	v25 =	vor.u32 s15, v8;
	_ =	sdelay $0x3  }
0x139: {  	s9 =	simm.s32 $0x1;
	v26 =	vld.idx.msk [tilespmem:v27+s25+$0x0], $0xffff  }
.LBB2_6:
0x13a: {  	p0 =	sne.s32 s9, $0x4F;
	v27 =	vld.idx.msk [tilespmem:v25+s6+$0x0], $0xffff;
	s3 =	smov.u32 s9;
	s9 =	sadd.s32 $0x1, s9  }
0x13b: {  	_ =	sdelay $0x1  }
0x13c: {  	s17 =	sadd.s32 s3, s8;
	s15 =	sshll.u32 s3, $0x7  }
0x13d: {  	v28 =	vmov s17;
	v29 =	vor.u32 s15, v0;
	s28 =	sadd.s32 $0x190, s17;
	s4 =	sadd.s32 $0x320, s17;
	s16 =	sadd.s32 $0x4B0, s17  }
0x13e: {  	s21 =	sadd.s32 $0x640, s17;
	s3 =	sadd.s32 $0x7D0, s17;
	s30 =	sadd.s32 $0x960, s17  }
0x13f: {  	s17 =	sadd.s32 $0xAF0, s17;
	v26 =	vmul.f32 v27, v26;
	_ =	sdelay $0x1  }
0x140: {  	[tilespmem:v25+s26+$0x0] =	vst.idx.msk $0xffff, v26  }
0x141: {  	v25 =	vld.idx.msk [tilespmem:v28+s25+$0x0], $0xffff  }
0x142: {  	v26 =	vld.idx.msk [tilespmem:v29+s6+$0x0], $0xffff;
	_ =	sdelay $0x3  }
0x143: {  	v27 =	vmov s28;
	v28 =	vor.u32 s15, v2;
	_ =	sdelay $0x1  }
0x144: {  	v25 =	vmul.f32 v26, v25;
	_ =	sdelay $0x1  }
0x145: {  	[tilespmem:v29+s26+$0x0] =	vst.idx.msk $0xffff, v25  }
0x146: {  	v25 =	vld.idx.msk [tilespmem:v27+s25+$0x0], $0xffff  }
0x147: {  	v26 =	vld.idx.msk [tilespmem:v28+s6+$0x0], $0xffff;
	_ =	sdelay $0x3  }
0x148: {  	v29 =	vor.u32 s15, v3;
	v27 =	vmov s4;
	_ =	sdelay $0x1  }
0x149: {  	v25 =	vmul.f32 v26, v25;
	_ =	sdelay $0x1  }
0x14a: {  	[tilespmem:v28+s26+$0x0] =	vst.idx.msk $0xffff, v25  }
0x14b: {  	v25 =	vld.idx.msk [tilespmem:v27+s25+$0x0], $0xffff  }
0x14c: {  	v26 =	vld.idx.msk [tilespmem:v29+s6+$0x0], $0xffff;
	_ =	sdelay $0x3  }
0x14d: {  	v28 =	vor.u32 s15, v4;
	v27 =	vmov s16;
	_ =	sdelay $0x1  }
0x14e: {  	v25 =	vmul.f32 v26, v25;
	_ =	sdelay $0x1  }
0x14f: {  	[tilespmem:v29+s26+$0x0] =	vst.idx.msk $0xffff, v25  }
0x150: {  	v25 =	vld.idx.msk [tilespmem:v27+s25+$0x0], $0xffff  }
0x151: {  	v26 =	vld.idx.msk [tilespmem:v28+s6+$0x0], $0xffff;
	_ =	sdelay $0x3  }
0x152: {  	v29 =	vor.u32 s15, v5;
	v27 =	vmov s21;
	_ =	sdelay $0x1  }
0x153: {  	v25 =	vmul.f32 v26, v25;
	_ =	sdelay $0x1  }
0x154: {  	[tilespmem:v28+s26+$0x0] =	vst.idx.msk $0xffff, v25  }
0x155: {  	v25 =	vld.idx.msk [tilespmem:v27+s25+$0x0], $0xffff  }
0x156: {  	v26 =	vld.idx.msk [tilespmem:v29+s6+$0x0], $0xffff;
	_ =	sdelay $0x3  }
0x157: {  	v28 =	vor.u32 s15, v6;
	v27 =	vmov s3;
	_ =	sdelay $0x1  }
0x158: {  	v25 =	vmul.f32 v26, v25;
	_ =	sdelay $0x1  }
0x159: {  	[tilespmem:v29+s26+$0x0] =	vst.idx.msk $0xffff, v25  }
0x15a: {  	v25 =	vld.idx.msk [tilespmem:v27+s25+$0x0], $0xffff  }
0x15b: {  	v26 =	vld.idx.msk [tilespmem:v28+s6+$0x0], $0xffff;
	_ =	sdelay $0x3  }
0x15c: {  	v29 =	vor.u32 s15, v7;
	v27 =	vmov s30;
	_ =	sdelay $0x1  }
0x15d: {  	v25 =	vmul.f32 v26, v25;
	_ =	sdelay $0x1  }
0x15e: {  	[tilespmem:v28+s26+$0x0] =	vst.idx.msk $0xffff, v25  }
0x15f: {  	v26 =	vld.idx.msk [tilespmem:v27+s25+$0x0], $0xffff  }
0x160: {  	v27 =	vld.idx.msk [tilespmem:v29+s6+$0x0], $0xffff;
	_ =	sdelay $0x3  }
0x161: {  	v28 =	vmov s17;
	v25 =	vor.u32 s15, v8  }
.Ltmp1:
0x162: {  	(pc) =	sbr.rel @p0 .LBB2_6-.Ltmp1, $3  }
0x163: {  	v26 =	vmul.f32 v27, v26;
	_ =	sdelay $0x1  }
0x164: {  	[tilespmem:v29+s26+$0x0] =	vst.idx.msk $0xffff, v26  }
0x165: {  	v26 =	vld.idx.msk [tilespmem:v28+s25+$0x0], $0xffff  }
0x166: {  	_ =	sdelay $0x3  }
0x167: {  	v27 =	vld.idx.msk [tilespmem:v25+s6+$0x0], $0xffff;
	_ =	sdelay $0x4  }
0x168: {  	v26 =	vmul.f32 v27, v26;
	_ =	sdelay $0x1  }
0x169: {  	s3 =	simm.s32 $0xD900;
	[tilespmem:v25+s26+$0x0] =	vst.idx.msk $0xffff, v26;
	(ifvalue) =	ssetifvalue $0x1400;
	v25 =	vmov s7  }
0x16a: {  	[spmem:s5] =	stream.indirect.scatter.add.f32 [tilespmem:s26], [sflag:$0x3], $0x80, s3, s2, $0x40b8;
	[tilespmem:$0x17AC0] =	vst v63  }
0x16b: {  	_ =	swait.ge [sflag:s29], $0x2800  }
0x16c: {  	s8 =	simm.s32 $0x0;
	[sflag:s29] =	ssyncset.done $0x0  }
0x16d: {  	s9 =	simm.s32 $0x40;
	v26 =	vor.u32 s13, v0;
	s7 =	simm.s32 $0x0;
	[sflag:s29] =	ssyncadd.s32 $0xFFFFD800  }
.LBB2_8:
0x16e: {  	p0 =	sne.s32 s9, $0x100;
	v27 =	vadd.s32 s8, v26;
	v28 =	vld.idx.msk [tilespmem:v25+s7+$0x50 ss:$0x1], $0xffff  }
0x16f: {  	v27 =	vshll.u32 v27, $0x3;
	_ =	sdelay $0x4  }
0x170: {  	[tilespmem:v27+s24+$0x0] =	vst.idx.msk $0xffff, v28  }
0x171: {  	v28 =	vld.idx.msk [tilespmem:v25+s7+$0x1E0 ss:$0x1], $0xffff  }
0x172: {  	v29 =	vor.u32 $0x1, v27;
	_ =	sdelay $0x4  }
0x173: {  	[tilespmem:v29+s24+$0x0] =	vst.idx.msk $0xffff, v28  }
0x174: {  	v28 =	vld.idx.msk [tilespmem:v25+s7+$0x370 ss:$0x1], $0xffff  }
0x175: {  	v29 =	vor.u32 $0x2, v27;
	_ =	sdelay $0x4  }
0x176: {  	[tilespmem:v29+s24+$0x0] =	vst.idx.msk $0xffff, v28  }
0x177: {  	v28 =	vld.idx.msk [tilespmem:v25+s7+$0x500 ss:$0x1], $0xffff  }
0x178: {  	v29 =	vor.u32 $0x3, v27;
	_ =	sdelay $0x4  }
0x179: {  	[tilespmem:v29+s24+$0x0] =	vst.idx.msk $0xffff, v28  }
0x17a: {  	v28 =	vld.idx.msk [tilespmem:v25+s7+$0x690 ss:$0x1], $0xffff  }
0x17b: {  	v29 =	vor.u32 $0x4, v27;
	_ =	sdelay $0x4  }
0x17c: {  	[tilespmem:v29+s24+$0x0] =	vst.idx.msk $0xffff, v28  }
0x17d: {  	v28 =	vld.idx.msk [tilespmem:v25+s7+$0x820 ss:$0x1], $0xffff  }
0x17e: {  	v29 =	vor.u32 $0x5, v27;
	_ =	sdelay $0x4  }
0x17f: {  	[tilespmem:v29+s24+$0x0] =	vst.idx.msk $0xffff, v28  }
0x180: {  	v28 =	vld.idx.msk [tilespmem:v25+s7+$0x9B0 ss:$0x1], $0xffff  }
0x181: {  	v29 =	vor.u32 $0x6, v27;
	_ =	sdelay $0x4  }
0x182: {  	[tilespmem:v29+s24+$0x0] =	vst.idx.msk $0xffff, v28  }
0x183: {  	v28 =	vld.idx.msk [tilespmem:v25+s7+$0xB40 ss:$0x1], $0xffff  }
0x184: {  	v27 =	vor.u32 $0x7, v27  }
.Ltmp2:
0x185: {  	(pc) =	sbr.rel @p0 .LBB2_8-.Ltmp2, $2  }
0x186: {  	_ =	sdelay $0x2  }
0x187: {  	s8 =	sadd.s32 $0x10, s8;
	s7 =	sshra.s32 s9, $0x2;
	s9 =	sadd.s32 $0x40, s9;
	[tilespmem:v27+s24+$0x0] =	vst.idx.msk $0xffff, v28  }
0x188: {  	_ =	sdelay $0x2  }
0x189: {  	v26 =	vadd.s32 s8, v26  }
0x18a: {  	v27 =	vld.idx.msk [tilespmem:v25+s7+$0x50 ss:$0x1], $0xffff;
	v26 =	vshll.u32 v26, $0x3;
	_ =	sdelay $0x4  }
0x18b: {  	[tilespmem:v26+s24+$0x0] =	vst.idx.msk $0xffff, v27  }
0x18c: {  	v28 =	vor.u32 $0x1, v26;
	v27 =	vld.idx.msk [tilespmem:v25+s7+$0x1E0 ss:$0x1], $0xffff;
	_ =	sdelay $0x4  }
0x18d: {  	[tilespmem:v28+s24+$0x0] =	vst.idx.msk $0xffff, v27  }
0x18e: {  	v28 =	vor.u32 $0x2, v26;
	v27 =	vld.idx.msk [tilespmem:v25+s7+$0x370 ss:$0x1], $0xffff;
	_ =	sdelay $0x4  }
0x18f: {  	[tilespmem:v28+s24+$0x0] =	vst.idx.msk $0xffff, v27  }
0x190: {  	v28 =	vor.u32 $0x3, v26;
	v27 =	vld.idx.msk [tilespmem:v25+s7+$0x500 ss:$0x1], $0xffff;
	_ =	sdelay $0x4  }
0x191: {  	[tilespmem:v28+s24+$0x0] =	vst.idx.msk $0xffff, v27  }
0x192: {  	v28 =	vor.u32 $0x4, v26;
	v27 =	vld.idx.msk [tilespmem:v25+s7+$0x690 ss:$0x1], $0xffff;
	_ =	sdelay $0x4  }
0x193: {  	[tilespmem:v28+s24+$0x0] =	vst.idx.msk $0xffff, v27  }
0x194: {  	v28 =	vor.u32 $0x5, v26;
	v27 =	vld.idx.msk [tilespmem:v25+s7+$0x820 ss:$0x1], $0xffff;
	_ =	sdelay $0x4  }
0x195: {  	[tilespmem:v28+s24+$0x0] =	vst.idx.msk $0xffff, v27  }
0x196: {  	v28 =	vor.u32 $0x6, v26;
	v27 =	vld.idx.msk [tilespmem:v25+s7+$0x9B0 ss:$0x1], $0xffff;
	_ =	sdelay $0x4  }
0x197: {  	[tilespmem:v28+s24+$0x0] =	vst.idx.msk $0xffff, v27  }
0x198: {  	s3 =	sadd.s32 $0x0, s14;
	s4 =	simm.s32 $0x0;
	v26 =	vor.u32 $0x7, v26;
	v25 =	vld.idx.msk [tilespmem:v25+s7+$0xB40 ss:$0x1], $0xffff  }
0x199: {  	s13 =	sadd.s32 $0x50, s3;
	v27 =	vor.u32 s4, v0  }
0x19a: {  	v28 =	vmov s13;
	_ =	sdelay $0x2  }
0x19b: {  	[tilespmem:v26+s24+$0x0] =	vst.idx.msk $0xffff, v25  }
0x19c: {  	v25 =	vld.idx.msk [tilespmem:v27+s22+$0x0], $0xffff  }
0x19d: {  	v26 =	vld.idx.msk [tilespmem:v28+s25+$0x0], $0xffff;
	_ =	sdelay $0x1  }
0x19e: {  	s15 =	sadd.s32 $0x1E0, s3  }
0x19f: {  	v28 =	vmov s15  }
0x1a0: {  	v29 =	vor.u32 s4, v2  }
0x1a1: {  	v25 =	vmul.f32 v25, v26;
	_ =	sdelay $0x1  }
0x1a2: {  	[tilespmem:v27+s12+$0x0] =	vst.idx.msk $0xffff, v25  }
0x1a3: {  	v25 =	vld.idx.msk [tilespmem:v28+s25+$0x0], $0xffff  }
0x1a4: {  	v26 =	vld.idx.msk [tilespmem:v29+s22+$0x0], $0xffff;
	_ =	sdelay $0x1  }
0x1a5: {  	s16 =	sadd.s32 $0x370, s3  }
0x1a6: {  	v27 =	vmov s16  }
0x1a7: {  	v28 =	vor.u32 s4, v3  }
0x1a8: {  	v25 =	vmul.f32 v26, v25;
	_ =	sdelay $0x1  }
0x1a9: {  	[tilespmem:v29+s12+$0x0] =	vst.idx.msk $0xffff, v25  }
0x1aa: {  	v25 =	vld.idx.msk [tilespmem:v27+s25+$0x0], $0xffff  }
0x1ab: {  	v26 =	vld.idx.msk [tilespmem:v28+s22+$0x0], $0xffff;
	_ =	sdelay $0x1  }
0x1ac: {  	s17 =	sadd.s32 $0x500, s3  }
0x1ad: {  	v27 =	vmov s17  }
0x1ae: {  	v29 =	vor.u32 s4, v4  }
0x1af: {  	v25 =	vmul.f32 v26, v25;
	_ =	sdelay $0x1  }
0x1b0: {  	[tilespmem:v28+s12+$0x0] =	vst.idx.msk $0xffff, v25  }
0x1b1: {  	v25 =	vld.idx.msk [tilespmem:v27+s25+$0x0], $0xffff  }
0x1b2: {  	v26 =	vld.idx.msk [tilespmem:v29+s22+$0x0], $0xffff;
	_ =	sdelay $0x1  }
0x1b3: {  	s21 =	sadd.s32 $0x690, s3  }
0x1b4: {  	v27 =	vmov s21  }
0x1b5: {  	v28 =	vor.u32 s4, v5  }
0x1b6: {  	v25 =	vmul.f32 v26, v25;
	_ =	sdelay $0x1  }
0x1b7: {  	[tilespmem:v29+s12+$0x0] =	vst.idx.msk $0xffff, v25  }
0x1b8: {  	v25 =	vld.idx.msk [tilespmem:v27+s25+$0x0], $0xffff  }
0x1b9: {  	v26 =	vld.idx.msk [tilespmem:v28+s22+$0x0], $0xffff;
	_ =	sdelay $0x1  }
0x1ba: {  	s28 =	sadd.s32 $0x820, s3  }
0x1bb: {  	v27 =	vmov s28  }
0x1bc: {  	v29 =	vor.u32 s4, v6  }
0x1bd: {  	v25 =	vmul.f32 v26, v25;
	_ =	sdelay $0x1  }
0x1be: {  	[tilespmem:v28+s12+$0x0] =	vst.idx.msk $0xffff, v25  }
0x1bf: {  	v25 =	vld.idx.msk [tilespmem:v27+s25+$0x0], $0xffff  }
0x1c0: {  	v26 =	vld.idx.msk [tilespmem:v29+s22+$0x0], $0xffff;
	_ =	sdelay $0x1  }
0x1c1: {  	s30 =	sadd.s32 $0x9B0, s3  }
0x1c2: {  	v27 =	vmov s30  }
0x1c3: {  	v28 =	vor.u32 s4, v7  }
0x1c4: {  	v25 =	vmul.f32 v26, v25;
	_ =	sdelay $0x1  }
0x1c5: {  	[tilespmem:v29+s12+$0x0] =	vst.idx.msk $0xffff, v25  }
0x1c6: {  	v26 =	vld.idx.msk [tilespmem:v27+s25+$0x0], $0xffff  }
0x1c7: {  	v27 =	vld.idx.msk [tilespmem:v28+s22+$0x0], $0xffff;
	_ =	sdelay $0x1  }
0x1c8: {  	s3 =	sadd.s32 $0xB40, s3  }
0x1c9: {  	v29 =	vmov s3  }
0x1ca: {  	v25 =	vor.u32 s4, v8  }
0x1cb: {  	v26 =	vmul.f32 v27, v26;
	_ =	sdelay $0x1  }
0x1cc: {  	[tilespmem:v28+s12+$0x0] =	vst.idx.msk $0xffff, v26  }
0x1cd: {  	v26 =	vld.idx.msk [tilespmem:v29+s25+$0x0], $0xffff  }
0x1ce: {  	s7 =	simm.s32 $0x1;
	v27 =	vld.idx.msk [tilespmem:v25+s22+$0x0], $0xffff  }
.LBB2_10:
0x1cf: {  	p0 =	sne.s32 s7, $0x4F;
	s3 =	smov.u32 s7;
	s7 =	sadd.s32 $0x1, s7  }
0x1d0: {  	_ = 	snop  }
0x1d1: {  	s4 =	sadd.s32 s3, s14;
	s8 =	sshll.u32 s3, $0x7  }
0x1d2: {  	s3 =	sadd.s32 $0x50, s4;
	v28 =	vor.u32 s8, v0;
	s16 =	sadd.s32 $0x1E0, s4;
	s17 =	sadd.s32 $0x370, s4  }
0x1d3: {  	s21 =	sadd.s32 $0x500, s4;
	s15 =	sadd.s32 $0x690, s4;
	v29 =	vmov s3;
	s3 =	sadd.s32 $0x820, s4  }
0x1d4: {  	s13 =	sadd.s32 $0x9B0, s4;
	s9 =	sadd.s32 $0xB40, s4;
	v26 =	vmul.f32 v27, v26;
	_ =	sdelay $0x1  }
0x1d5: {  	[tilespmem:v25+s12+$0x0] =	vst.idx.msk $0xffff, v26  }
0x1d6: {  	v25 =	vld.idx.msk [tilespmem:v28+s22+$0x0], $0xffff  }
0x1d7: {  	v26 =	vld.idx.msk [tilespmem:v29+s25+$0x0], $0xffff;
	_ =	sdelay $0x3  }
0x1d8: {  	v27 =	vmov s16;
	v29 =	vor.u32 s8, v2;
	_ =	sdelay $0x1  }
0x1d9: {  	v25 =	vmul.f32 v25, v26;
	_ =	sdelay $0x1  }
0x1da: {  	[tilespmem:v28+s12+$0x0] =	vst.idx.msk $0xffff, v25  }
0x1db: {  	v25 =	vld.idx.msk [tilespmem:v27+s25+$0x0], $0xffff  }
0x1dc: {  	v26 =	vld.idx.msk [tilespmem:v29+s22+$0x0], $0xffff;
	_ =	sdelay $0x3  }
0x1dd: {  	v28 =	vor.u32 s8, v3;
	v27 =	vmov s17;
	_ =	sdelay $0x1  }
0x1de: {  	v25 =	vmul.f32 v26, v25;
	_ =	sdelay $0x1  }
0x1df: {  	[tilespmem:v29+s12+$0x0] =	vst.idx.msk $0xffff, v25  }
0x1e0: {  	v25 =	vld.idx.msk [tilespmem:v27+s25+$0x0], $0xffff  }
0x1e1: {  	v26 =	vld.idx.msk [tilespmem:v28+s22+$0x0], $0xffff;
	_ =	sdelay $0x3  }
0x1e2: {  	v29 =	vor.u32 s8, v4;
	v27 =	vmov s21;
	_ =	sdelay $0x1  }
0x1e3: {  	v25 =	vmul.f32 v26, v25;
	_ =	sdelay $0x1  }
0x1e4: {  	[tilespmem:v28+s12+$0x0] =	vst.idx.msk $0xffff, v25  }
0x1e5: {  	v25 =	vld.idx.msk [tilespmem:v27+s25+$0x0], $0xffff  }
0x1e6: {  	v26 =	vld.idx.msk [tilespmem:v29+s22+$0x0], $0xffff;
	_ =	sdelay $0x3  }
0x1e7: {  	v28 =	vor.u32 s8, v5;
	v27 =	vmov s15;
	_ =	sdelay $0x1  }
0x1e8: {  	v25 =	vmul.f32 v26, v25;
	_ =	sdelay $0x1  }
0x1e9: {  	[tilespmem:v29+s12+$0x0] =	vst.idx.msk $0xffff, v25  }
0x1ea: {  	v25 =	vld.idx.msk [tilespmem:v27+s25+$0x0], $0xffff  }
0x1eb: {  	v26 =	vld.idx.msk [tilespmem:v28+s22+$0x0], $0xffff;
	_ =	sdelay $0x3  }
0x1ec: {  	v29 =	vor.u32 s8, v6;
	v27 =	vmov s3;
	_ =	sdelay $0x1  }
0x1ed: {  	v25 =	vmul.f32 v26, v25;
	_ =	sdelay $0x1  }
0x1ee: {  	[tilespmem:v28+s12+$0x0] =	vst.idx.msk $0xffff, v25  }
0x1ef: {  	v25 =	vld.idx.msk [tilespmem:v27+s25+$0x0], $0xffff  }
0x1f0: {  	v26 =	vld.idx.msk [tilespmem:v29+s22+$0x0], $0xffff;
	_ =	sdelay $0x3  }
0x1f1: {  	v28 =	vor.u32 s8, v7;
	v27 =	vmov s13;
	_ =	sdelay $0x1  }
0x1f2: {  	v25 =	vmul.f32 v26, v25;
	_ =	sdelay $0x1  }
0x1f3: {  	[tilespmem:v29+s12+$0x0] =	vst.idx.msk $0xffff, v25  }
0x1f4: {  	v26 =	vld.idx.msk [tilespmem:v27+s25+$0x0], $0xffff  }
0x1f5: {  	v27 =	vld.idx.msk [tilespmem:v28+s22+$0x0], $0xffff;
	_ =	sdelay $0x3  }
0x1f6: {  	v29 =	vmov s9;
	v25 =	vor.u32 s8, v8;
	_ =	sdelay $0x1  }
.Ltmp3:
0x1f7: {  	v26 =	vmul.f32 v27, v26;
	(pc) =	sbr.rel @p0 .LBB2_10-.Ltmp3, $4  }
0x1f8: {  	_ = 	snop  }
0x1f9: {  	[tilespmem:v28+s12+$0x0] =	vst.idx.msk $0xffff, v26  }
0x1fa: {  	v26 =	vld.idx.msk [tilespmem:v29+s25+$0x0], $0xffff  }
0x1fb: {  	v27 =	vld.idx.msk [tilespmem:v25+s22+$0x0], $0xffff  }
0x1fc: {  	_ =	sdelay $0x3  }
0x1fd: {  	v26 =	vmul.f32 v27, v26;
	_ =	sdelay $0x1  }
0x1fe: {  	s3 =	simm.s32 $0xDA00;
	s11 =	sadd.s32 $0x1, s11;
	[tilespmem:v25+s12+$0x0] =	vst.idx.msk $0xffff, v26;
	(ifvalue) =	ssetifvalue $0x1400  }
0x1ff: {  	[spmem:s5] =	stream.indirect.scatter.add.f32 [tilespmem:s12], [sflag:$0x4], $0x80, s3, s2, $0x40b8;
	[tilespmem:$0x17AC0] =	vst v63  }
0x200: {  	p0 =	sne.s32 s11, $0x5;
	_ =	swait.ge [sflag:s1], $0x2800  }
.Ltmp4:
0x201: {  	[sflag:s1] =	ssyncset.done $0x0;
	(pc) =	sbr.rel @p0 .LBB2_3-.Ltmp4, $4  }
0x202: {  	[sflag:s1] =	ssyncadd.s32 $0xFFFFD800  }
0x203: {  	_ =	swait.ge [sflag:s10], $0x2800  }
0x204: {  	s31 =	sadd.s32 $0xA0, s31;
	[sflag:s10] =	ssyncset.done $0x0  }
0x205: {  	s19 =	sadd.s32 $0xA0, s19;
	s20 =	sadd.s32 $0x2, s20;
	[sflag:s10] =	ssyncadd.s32 $0xFFFFD800  }
0x206: {  	s7 =	sld [smem:$0x7E0];
	_ =	sdelay $0x2  }
0x207: {  	s3 =	smul.u32 $0x320, s7  }
0x208: {  	s4 =	rddreg [dreg:$0xf];
	s7 =	sadd.s32 $0x1, s7  }
0x209: {  	p0 =	sne.s32 s7, $0x19;
	s3 =	sadd.s32 s3, s4  }
0x20a: {  	[hbm4b:s3+s6] =	stream.linear.scatter [tilespmem:s24], [sflag:$0x5], $0x1900, $0x38;
	[tilespmem:$0x17AC0] =	vst v63  }
.Ltmp5:
0x20b: {  	s20 =	simm.s32 $0x5;
	(pc) =	sbr.rel @p0 .LBB2_2-.Ltmp5, $4  }
0x20c: {  	_ =	swait.ge [sflag:s20], $0x1900  }
0x20d: {  	[sflag:s20] =	ssyncset.done $0x0  }
0x20e: {  	[sflag:s20] =	ssyncadd.s32 $0xFFFFE700  }
0x20f: {  	s31 =	rddreg [dreg:$0x1]  }
0x210: {  	[bflag:$0x0] =	sbarrier.arrive $0xFFFF  }
0x211: {  	s8 =	rddreg [dreg:$0x7]  }
0x212: {  	s9 =	rddreg [dreg:$0x8]  }
0x213: {  	s15 =	rddreg [dreg:$0x9]  }
0x214: {  	s11 =	simm.s32 $0x0;
	s17 =	rddreg [dreg:$0xa]  }
0x215: {  	s14 =	simm.s32 $0x0;
	s19 =	simm.s32 $0x800;
	s18 =	rddreg [dreg:$0x10]  }
.LBB2_14:
0x216: {  	s3 =	sshll.u32 s14, $0x4  }
0x217: {  	s3 =	sadd.s32 s18, s3  }
0x218: {  	s16 =	sshll.u32 s3, $0x7  }
0x219: {  	s4 =	sand.u32 $0x3FFFFF80, s16  }
0x21a: {  	v25 =	vmov s11;
	s4 =	sadd.s32 s4, s5  }
0x21b: {  	v25 =	vshll.u32 v25, $0x7;
	[tilespmem:s11], [sflag:$0x5] =	stream.linear.gather [spmem:s4], $0x800, $0x38;
	[tilespmem:$0x17AC0] =	vst v63  }
0x21c: {  	s3 =	sadd.s32 s15, s3;
	v25 =	vbroadcast v25, $0x0;
	_ =	swait.ge [sflag:s20], $0x800  }
0x21d: {  	s3 =	sshll.u32 s3, $0x4;
	[sflag:s20] =	ssyncset.done $0x0  }
0x21e: {  	s3 =	sadd.s32 s8, s3;
	v26 =	vor.u32 v0, v25;
	[sflag:s20] =	ssyncadd.s32 $0xFFFFF800  }
0x21f: {  	v27 =	vor.u32 v9, v25;
	[tilespmem:s19], [sflag:$0x5] =	stream.linear.gather [hbm4b:s3+s11], $0x800, $0x38;
	[tilespmem:$0x17AC0] =	vst v63  }
0x220: {  	_ =	swait.ge [sflag:s20], $0x800  }
0x221: {  	[sflag:s20] =	ssyncset.done $0x0  }
0x222: {  	[sflag:s20] =	ssyncadd.s32 $0xFFFFF800  }
0x223: {  	v26 =	vld.idx.msk [tilespmem:v26+s6+$0x0], $0xffff  }
0x224: {  	v27 =	vld.idx.msk [tilespmem:v27+s6+$0x0], $0xffff;
	_ =	sdelay $0x4  }
0x225: {  	v26 =	vadd.f32 v27, v26;
	_ =	sdelay $0x1  }
0x226: {  	v27 =	vmul.f32 $1.442695020e+00, v26;
	_ =	sdelay $0x1  }
0x227: {  	(erf) = vpow2.f32 v27;
	_ =	sdelay $0x7  }
0x228: {  	v27 =	vor.u32 v10, v25  }
0x229: {  	v28 =	vor.u32 v2, v25;
	v29 =	vpop (erf)  }
0x22a: {  	v30 =	vor.u32 v11, v25;
	v29 =	vadd.f32 $-1.000000000e+00, v29  }
0x22b: {  	vm0 =	vgt.f32 v26, $0.0e+00  }
0x22c: {  	v26 =	vsel vm0, v26, v29  }
0x22d: {  	[tilespmem:v27+s6+$0x0] =	vst.idx.msk $0xffff, v26  }
0x22e: {  	v26 =	vld.idx.msk [tilespmem:v28+s6+$0x0], $0xffff  }
0x22f: {  	v27 =	vld.idx.msk [tilespmem:v30+s6+$0x0], $0xffff;
	_ =	sdelay $0x4  }
0x230: {  	v26 =	vadd.f32 v27, v26;
	_ =	sdelay $0x1  }
0x231: {  	v27 =	vmul.f32 $1.442695020e+00, v26;
	_ =	sdelay $0x1  }
0x232: {  	(erf) = vpow2.f32 v27;
	_ =	sdelay $0x7  }
0x233: {  	v27 =	vor.u32 v12, v25  }
0x234: {  	v28 =	vor.u32 v3, v25;
	v29 =	vpop (erf)  }
0x235: {  	v58 =	vor.u32 v13, v25;
	v29 =	vadd.f32 $-1.000000000e+00, v29  }
0x236: {  	vm0 =	vgt.f32 v26, $0.0e+00  }
0x237: {  	v26 =	vsel vm0, v26, v29  }
0x238: {  	[tilespmem:v27+s6+$0x0] =	vst.idx.msk $0xffff, v26  }
0x239: {  	v26 =	vld.idx.msk [tilespmem:v28+s6+$0x0], $0xffff  }
0x23a: {  	v27 =	vld.idx.msk [tilespmem:v58+s6+$0x0], $0xffff;
	_ =	sdelay $0x4  }
0x23b: {  	v26 =	vadd.f32 v27, v26;
	_ =	sdelay $0x1  }
0x23c: {  	v27 =	vmul.f32 $1.442695020e+00, v26;
	_ =	sdelay $0x1  }
0x23d: {  	(erf) = vpow2.f32 v27;
	_ =	sdelay $0x7  }
0x23e: {  	v27 =	vor.u32 v14, v25  }
0x23f: {  	v28 =	vor.u32 v4, v25;
	v29 =	vpop (erf)  }
0x240: {  	v59 =	vor.u32 v15, v25;
	v29 =	vadd.f32 $-1.000000000e+00, v29  }
0x241: {  	vm0 =	vgt.f32 v26, $0.0e+00  }
0x242: {  	v26 =	vsel vm0, v26, v29  }
0x243: {  	[tilespmem:v27+s6+$0x0] =	vst.idx.msk $0xffff, v26  }
0x244: {  	v26 =	vld.idx.msk [tilespmem:v28+s6+$0x0], $0xffff  }
0x245: {  	v27 =	vld.idx.msk [tilespmem:v59+s6+$0x0], $0xffff;
	_ =	sdelay $0x4  }
0x246: {  	v26 =	vadd.f32 v27, v26;
	_ =	sdelay $0x1  }
0x247: {  	v27 =	vmul.f32 $1.442695020e+00, v26;
	_ =	sdelay $0x1  }
0x248: {  	(erf) = vpow2.f32 v27;
	_ =	sdelay $0x7  }
0x249: {  	v27 =	vor.u32 v16, v25  }
0x24a: {  	v28 =	vor.u32 v5, v25;
	v29 =	vpop (erf)  }
0x24b: {  	v60 =	vor.u32 v17, v25;
	v29 =	vadd.f32 $-1.000000000e+00, v29  }
0x24c: {  	vm0 =	vgt.f32 v26, $0.0e+00  }
0x24d: {  	v26 =	vsel vm0, v26, v29  }
0x24e: {  	[tilespmem:v27+s6+$0x0] =	vst.idx.msk $0xffff, v26  }
0x24f: {  	v26 =	vld.idx.msk [tilespmem:v28+s6+$0x0], $0xffff  }
0x250: {  	v27 =	vld.idx.msk [tilespmem:v60+s6+$0x0], $0xffff;
	_ =	sdelay $0x4  }
0x251: {  	v26 =	vadd.f32 v27, v26;
	_ =	sdelay $0x1  }
0x252: {  	v27 =	vmul.f32 $1.442695020e+00, v26;
	_ =	sdelay $0x1  }
0x253: {  	(erf) = vpow2.f32 v27;
	_ =	sdelay $0x7  }
0x254: {  	v27 =	vor.u32 v18, v25  }
0x255: {  	v28 =	vor.u32 v6, v25;
	v29 =	vpop (erf)  }
0x256: {  	v61 =	vor.u32 v19, v25;
	v29 =	vadd.f32 $-1.000000000e+00, v29  }
0x257: {  	vm0 =	vgt.f32 v26, $0.0e+00  }
0x258: {  	v26 =	vsel vm0, v26, v29  }
0x259: {  	[tilespmem:v27+s6+$0x0] =	vst.idx.msk $0xffff, v26  }
0x25a: {  	v26 =	vld.idx.msk [tilespmem:v28+s6+$0x0], $0xffff  }
0x25b: {  	v27 =	vld.idx.msk [tilespmem:v61+s6+$0x0], $0xffff;
	_ =	sdelay $0x4  }
0x25c: {  	v26 =	vadd.f32 v27, v26;
	_ =	sdelay $0x1  }
0x25d: {  	v27 =	vmul.f32 $1.442695020e+00, v26;
	_ =	sdelay $0x1  }
0x25e: {  	(erf) = vpow2.f32 v27;
	_ =	sdelay $0x7  }
0x25f: {  	v27 =	vor.u32 v20, v25  }
0x260: {  	v28 =	vor.u32 v7, v25;
	v29 =	vpop (erf)  }
0x261: {  	v62 =	vor.u32 v21, v25;
	v29 =	vadd.f32 $-1.000000000e+00, v29  }
0x262: {  	vm0 =	vgt.f32 v26, $0.0e+00  }
0x263: {  	v26 =	vsel vm0, v26, v29  }
0x264: {  	[tilespmem:v27+s6+$0x0] =	vst.idx.msk $0xffff, v26  }
0x265: {  	v26 =	vld.idx.msk [tilespmem:v28+s6+$0x0], $0xffff  }
0x266: {  	v27 =	vld.idx.msk [tilespmem:v62+s6+$0x0], $0xffff;
	_ =	sdelay $0x4  }
0x267: {  	v26 =	vadd.f32 v27, v26;
	_ =	sdelay $0x1  }
0x268: {  	v27 =	vmul.f32 $1.442695020e+00, v26;
	_ =	sdelay $0x1  }
0x269: {  	(erf) = vpow2.f32 v27;
	_ =	sdelay $0x7  }
0x26a: {  	v27 =	vor.u32 v22, v25  }
0x26b: {  	v28 =	vor.u32 v8, v25;
	v29 =	vpop (erf)  }
0x26c: {  	v63 =	vor.u32 v23, v25;
	v29 =	vadd.f32 $-1.000000000e+00, v29  }
0x26d: {  	vm0 =	vgt.f32 v26, $0.0e+00  }
0x26e: {  	v26 =	vsel vm0, v26, v29  }
0x26f: {  	[tilespmem:v27+s6+$0x0] =	vst.idx.msk $0xffff, v26  }
0x270: {  	v26 =	vld.idx.msk [tilespmem:v28+s6+$0x0], $0xffff  }
0x271: {  	v27 =	vld.idx.msk [tilespmem:v63+s6+$0x0], $0xffff;
	_ =	sdelay $0x4  }
0x272: {  	v26 =	vadd.f32 v27, v26;
	_ =	sdelay $0x1  }
0x273: {  	v28 =	vmul.f32 $1.442695020e+00, v26;
	_ =	sdelay $0x1  }
0x274: {  	(erf) = vpow2.f32 v28;
	_ =	sdelay $0x2  }
0x275: {  	s7 =	simm.s32 $0x1;
	s13 =	simm.s32 $0x2;
	v27 =	vor.u32 v24, v25;
	vm0 =	vgt.f32 v26, $0.0e+00  }
.LBB2_15:
0x276: {  	_ = 	snop  }
0x277: {  	p0 =	sne.s32 s13, $0xF;
	v25 =	vmov s7;
	s7 =	smov.u32 s13;
	s13 =	sadd.s32 $0x1, s13  }
0x278: {  	v25 =	vshll.u32 v25, $0x7  }
0x279: {  	v25 =	vbroadcast v25, $0x0;
	_ =	sdelay $0x1  }
0x27a: {  	v28 =	vor.u32 v0, v25;
	v29 =	vor.u32 v9, v25;
	v30 =	vpop (erf)  }
0x27b: {  	v30 =	vadd.f32 $-1.000000000e+00, v30;
	_ =	sdelay $0x1  }
0x27c: {  	v26 =	vsel vm0, v26, v30  }
0x27d: {  	[tilespmem:v27+s6+$0x0] =	vst.idx.msk $0xffff, v26  }
0x27e: {  	v26 =	vld.idx.msk [tilespmem:v28+s6+$0x0], $0xffff  }
0x27f: {  	v27 =	vld.idx.msk [tilespmem:v29+s6+$0x0], $0xffff;
	_ =	sdelay $0x5  }
0x280: {  	v26 =	vadd.f32 v27, v26;
	_ =	sdelay $0x1  }
0x281: {  	v27 =	vmul.f32 $1.442695020e+00, v26;
	_ =	sdelay $0x1  }
0x282: {  	(erf) = vpow2.f32 v27;
	_ =	sdelay $0x6  }
0x283: {  	v27 =	vor.u32 v10, v25;
	_ =	sdelay $0x1  }
0x284: {  	v28 =	vor.u32 v2, v25;
	v29 =	vor.u32 v11, v25;
	v30 =	vpop (erf)  }
0x285: {  	vm0 =	vgt.f32 v26, $0.0e+00;
	v30 =	vadd.f32 $-1.000000000e+00, v30;
	_ =	sdelay $0x1  }
0x286: {  	v26 =	vsel vm0, v26, v30  }
0x287: {  	[tilespmem:v27+s6+$0x0] =	vst.idx.msk $0xffff, v26  }
0x288: {  	v26 =	vld.idx.msk [tilespmem:v28+s6+$0x0], $0xffff  }
0x289: {  	v27 =	vld.idx.msk [tilespmem:v29+s6+$0x0], $0xffff;
	_ =	sdelay $0x5  }
0x28a: {  	v26 =	vadd.f32 v27, v26;
	_ =	sdelay $0x1  }
0x28b: {  	v27 =	vmul.f32 $1.442695020e+00, v26;
	_ =	sdelay $0x1  }
0x28c: {  	(erf) = vpow2.f32 v27;
	_ =	sdelay $0x5  }
0x28d: {  	v27 =	vor.u32 v12, v25;
	_ =	sdelay $0x2  }
0x28e: {  	v28 =	vor.u32 v3, v25;
	v29 =	vor.u32 v13, v25;
	vm0 =	vgt.f32 v26, $0.0e+00;
	v30 =	vpop (erf)  }
0x28f: {  	v30 =	vadd.f32 $-1.000000000e+00, v30;
	_ =	sdelay $0x1  }
0x290: {  	v26 =	vsel vm0, v26, v30  }
0x291: {  	[tilespmem:v27+s6+$0x0] =	vst.idx.msk $0xffff, v26  }
0x292: {  	v26 =	vld.idx.msk [tilespmem:v28+s6+$0x0], $0xffff  }
0x293: {  	v27 =	vld.idx.msk [tilespmem:v29+s6+$0x0], $0xffff;
	_ =	sdelay $0x5  }
0x294: {  	v26 =	vadd.f32 v27, v26;
	_ =	sdelay $0x1  }
0x295: {  	v27 =	vmul.f32 $1.442695020e+00, v26;
	_ =	sdelay $0x1  }
0x296: {  	(erf) = vpow2.f32 v27;
	_ =	sdelay $0x4  }
0x297: {  	v27 =	vor.u32 v14, v25;
	_ =	sdelay $0x2  }
0x298: {  	vm0 =	vgt.f32 v26, $0.0e+00  }
0x299: {  	v28 =	vor.u32 v4, v25;
	v29 =	vor.u32 v15, v25;
	v30 =	vpop (erf)  }
0x29a: {  	v30 =	vadd.f32 $-1.000000000e+00, v30;
	_ =	sdelay $0x1  }
0x29b: {  	v26 =	vsel vm0, v26, v30  }
0x29c: {  	[tilespmem:v27+s6+$0x0] =	vst.idx.msk $0xffff, v26  }
0x29d: {  	v26 =	vld.idx.msk [tilespmem:v28+s6+$0x0], $0xffff  }
0x29e: {  	v27 =	vld.idx.msk [tilespmem:v29+s6+$0x0], $0xffff;
	_ =	sdelay $0x5  }
0x29f: {  	v26 =	vadd.f32 v27, v26;
	_ =	sdelay $0x1  }
0x2a0: {  	v27 =	vmul.f32 $1.442695020e+00, v26;
	_ =	sdelay $0x1  }
0x2a1: {  	(erf) = vpow2.f32 v27;
	_ =	sdelay $0x3  }
0x2a2: {  	v27 =	vor.u32 v16, v25;
	_ =	sdelay $0x2  }
0x2a3: {  	vm0 =	vgt.f32 v26, $0.0e+00;
	_ =	sdelay $0x1  }
0x2a4: {  	v28 =	vor.u32 v5, v25;
	v29 =	vor.u32 v17, v25;
	v30 =	vpop (erf)  }
0x2a5: {  	v30 =	vadd.f32 $-1.000000000e+00, v30;
	_ =	sdelay $0x1  }
0x2a6: {  	v26 =	vsel vm0, v26, v30  }
0x2a7: {  	[tilespmem:v27+s6+$0x0] =	vst.idx.msk $0xffff, v26  }
0x2a8: {  	v26 =	vld.idx.msk [tilespmem:v28+s6+$0x0], $0xffff  }
0x2a9: {  	v27 =	vld.idx.msk [tilespmem:v29+s6+$0x0], $0xffff;
	_ =	sdelay $0x5  }
0x2aa: {  	v26 =	vadd.f32 v27, v26;
	_ =	sdelay $0x1  }
0x2ab: {  	v27 =	vmul.f32 $1.442695020e+00, v26;
	_ =	sdelay $0x1  }
0x2ac: {  	(erf) = vpow2.f32 v27;
	_ =	sdelay $0x2  }
0x2ad: {  	v27 =	vor.u32 v18, v25;
	_ =	sdelay $0x2  }
0x2ae: {  	vm0 =	vgt.f32 v26, $0.0e+00;
	_ =	sdelay $0x2  }
0x2af: {  	v28 =	vor.u32 v6, v25;
	v29 =	vor.u32 v19, v25;
	v30 =	vpop (erf)  }
0x2b0: {  	v30 =	vadd.f32 $-1.000000000e+00, v30;
	_ =	sdelay $0x1  }
0x2b1: {  	v26 =	vsel vm0, v26, v30  }
0x2b2: {  	[tilespmem:v27+s6+$0x0] =	vst.idx.msk $0xffff, v26  }
0x2b3: {  	v26 =	vld.idx.msk [tilespmem:v28+s6+$0x0], $0xffff  }
0x2b4: {  	v27 =	vld.idx.msk [tilespmem:v29+s6+$0x0], $0xffff;
	_ =	sdelay $0x5  }
0x2b5: {  	v26 =	vadd.f32 v27, v26;
	_ =	sdelay $0x1  }
0x2b6: {  	v27 =	vmul.f32 $1.442695020e+00, v26;
	_ =	sdelay $0x1  }
0x2b7: {  	(erf) = vpow2.f32 v27;
	_ =	sdelay $0x1  }
0x2b8: {  	v27 =	vor.u32 v20, v25;
	_ =	sdelay $0x2  }
0x2b9: {  	vm0 =	vgt.f32 v26, $0.0e+00;
	_ =	sdelay $0x3  }
0x2ba: {  	v28 =	vor.u32 v7, v25;
	v29 =	vor.u32 v21, v25;
	v30 =	vpop (erf)  }
0x2bb: {  	v30 =	vadd.f32 $-1.000000000e+00, v30;
	_ =	sdelay $0x1  }
0x2bc: {  	v26 =	vsel vm0, v26, v30  }
0x2bd: {  	[tilespmem:v27+s6+$0x0] =	vst.idx.msk $0xffff, v26  }
0x2be: {  	v26 =	vld.idx.msk [tilespmem:v28+s6+$0x0], $0xffff  }
0x2bf: {  	v27 =	vld.idx.msk [tilespmem:v29+s6+$0x0], $0xffff;
	_ =	sdelay $0x5  }
0x2c0: {  	v26 =	vadd.f32 v27, v26;
	_ =	sdelay $0x1  }
0x2c1: {  	v27 =	vmul.f32 $1.442695020e+00, v26;
	_ =	sdelay $0x1  }
0x2c2: {  	(erf) = vpow2.f32 v27  }
0x2c3: {  	v27 =	vor.u32 v22, v25;
	_ =	sdelay $0x2  }
0x2c4: {  	vm0 =	vgt.f32 v26, $0.0e+00;
	_ =	sdelay $0x4  }
0x2c5: {  	v28 =	vor.u32 v8, v25;
	v29 =	vor.u32 v23, v25;
	v30 =	vpop (erf)  }
0x2c6: {  	v30 =	vadd.f32 $-1.000000000e+00, v30;
	_ =	sdelay $0x1  }
0x2c7: {  	v26 =	vsel vm0, v26, v30  }
0x2c8: {  	[tilespmem:v27+s6+$0x0] =	vst.idx.msk $0xffff, v26  }
0x2c9: {  	v26 =	vld.idx.msk [tilespmem:v28+s6+$0x0], $0xffff  }
0x2ca: {  	v27 =	vld.idx.msk [tilespmem:v29+s6+$0x0], $0xffff;
	_ =	sdelay $0x5  }
0x2cb: {  	v26 =	vadd.f32 v27, v26;
	_ =	sdelay $0x1  }
0x2cc: {  	v28 =	vmul.f32 $1.442695020e+00, v26  }
.Ltmp6:
0x2cd: {  	(pc) =	sbr.rel @p0 .LBB2_15-.Ltmp6, $2  }
0x2ce: {  	v27 =	vor.u32 v24, v25;
	(erf) = vpow2.f32 v28;
	_ =	sdelay $0x2  }
0x2cf: {  	vm0 =	vgt.f32 v26, $0.0e+00  }
0x2d0: {  	_ = 	snop  }
0x2d1: {  	v25 =	vmov s7  }
0x2d2: {  	v25 =	vshll.u32 v25, $0x7  }
0x2d3: {  	v25 =	vbroadcast v25, $0x0;
	_ =	sdelay $0x1  }
0x2d4: {  	v28 =	vor.u32 v0, v25;
	v29 =	vpop (erf)  }
0x2d5: {  	v30 =	vor.u32 v9, v25;
	v29 =	vadd.f32 $-1.000000000e+00, v29;
	_ =	sdelay $0x1  }
0x2d6: {  	v26 =	vsel vm0, v26, v29  }
0x2d7: {  	[tilespmem:v27+s6+$0x0] =	vst.idx.msk $0xffff, v26  }
0x2d8: {  	v26 =	vld.idx.msk [tilespmem:v28+s6+$0x0], $0xffff  }
0x2d9: {  	v27 =	vld.idx.msk [tilespmem:v30+s6+$0x0], $0xffff;
	_ =	sdelay $0x4  }
0x2da: {  	v26 =	vadd.f32 v27, v26;
	_ =	sdelay $0x1  }
0x2db: {  	v27 =	vmul.f32 $1.442695020e+00, v26;
	_ =	sdelay $0x1  }
0x2dc: {  	(erf) = vpow2.f32 v27;
	_ =	sdelay $0x7  }
0x2dd: {  	v27 =	vor.u32 v10, v25  }
0x2de: {  	v43 =	vor.u32 v2, v25;
	v44 =	vpop (erf)  }
0x2df: {  	v45 =	vor.u32 v11, v25;
	v29 =	vadd.f32 $-1.000000000e+00, v44  }
0x2e0: {  	vm8 =	vgt.f32 v26, $0.0e+00  }
0x2e1: {  	v26 =	vsel vm8, v26, v29  }
0x2e2: {  	[tilespmem:v27+s6+$0x0] =	vst.idx.msk $0xffff, v26  }
0x2e3: {  	v26 =	vld.idx.msk [tilespmem:v43+s6+$0x0], $0xffff  }
0x2e4: {  	v27 =	vld.idx.msk [tilespmem:v45+s6+$0x0], $0xffff;
	_ =	sdelay $0x4  }
0x2e5: {  	v26 =	vadd.f32 v27, v26;
	_ =	sdelay $0x1  }
0x2e6: {  	v27 =	vmul.f32 $1.442695020e+00, v26;
	_ =	sdelay $0x1  }
0x2e7: {  	(erf) = vpow2.f32 v27;
	_ =	sdelay $0x7  }
0x2e8: {  	v27 =	vor.u32 v12, v25  }
0x2e9: {  	v46 =	vor.u32 v3, v25;
	v47 =	vpop (erf)  }
0x2ea: {  	v48 =	vor.u32 v13, v25;
	v29 =	vadd.f32 $-1.000000000e+00, v47  }
0x2eb: {  	vm9 =	vgt.f32 v26, $0.0e+00  }
0x2ec: {  	v26 =	vsel vm9, v26, v29  }
0x2ed: {  	[tilespmem:v27+s6+$0x0] =	vst.idx.msk $0xffff, v26  }
0x2ee: {  	v26 =	vld.idx.msk [tilespmem:v46+s6+$0x0], $0xffff  }
0x2ef: {  	v27 =	vld.idx.msk [tilespmem:v48+s6+$0x0], $0xffff;
	_ =	sdelay $0x4  }
0x2f0: {  	v26 =	vadd.f32 v27, v26;
	_ =	sdelay $0x1  }
0x2f1: {  	v27 =	vmul.f32 $1.442695020e+00, v26;
	_ =	sdelay $0x1  }
0x2f2: {  	(erf) = vpow2.f32 v27;
	_ =	sdelay $0x7  }
0x2f3: {  	v27 =	vor.u32 v14, v25  }
0x2f4: {  	v49 =	vor.u32 v4, v25;
	v50 =	vpop (erf)  }
0x2f5: {  	v51 =	vor.u32 v15, v25;
	v29 =	vadd.f32 $-1.000000000e+00, v50  }
0x2f6: {  	vm10 =	vgt.f32 v26, $0.0e+00  }
0x2f7: {  	v26 =	vsel vm10, v26, v29  }
0x2f8: {  	[tilespmem:v27+s6+$0x0] =	vst.idx.msk $0xffff, v26  }
0x2f9: {  	v26 =	vld.idx.msk [tilespmem:v49+s6+$0x0], $0xffff  }
0x2fa: {  	v27 =	vld.idx.msk [tilespmem:v51+s6+$0x0], $0xffff;
	_ =	sdelay $0x4  }
0x2fb: {  	v26 =	vadd.f32 v27, v26;
	_ =	sdelay $0x1  }
0x2fc: {  	v27 =	vmul.f32 $1.442695020e+00, v26;
	_ =	sdelay $0x1  }
0x2fd: {  	(erf) = vpow2.f32 v27;
	_ =	sdelay $0x7  }
0x2fe: {  	v27 =	vor.u32 v16, v25  }
0x2ff: {  	v52 =	vor.u32 v5, v25;
	v53 =	vpop (erf)  }
0x300: {  	v54 =	vor.u32 v17, v25;
	v29 =	vadd.f32 $-1.000000000e+00, v53  }
0x301: {  	vm11 =	vgt.f32 v26, $0.0e+00  }
0x302: {  	v26 =	vsel vm11, v26, v29  }
0x303: {  	[tilespmem:v27+s6+$0x0] =	vst.idx.msk $0xffff, v26  }
0x304: {  	v26 =	vld.idx.msk [tilespmem:v52+s6+$0x0], $0xffff  }
0x305: {  	v27 =	vld.idx.msk [tilespmem:v54+s6+$0x0], $0xffff;
	_ =	sdelay $0x4  }
0x306: {  	v26 =	vadd.f32 v27, v26;
	_ =	sdelay $0x1  }
0x307: {  	v27 =	vmul.f32 $1.442695020e+00, v26;
	_ =	sdelay $0x1  }
0x308: {  	(erf) = vpow2.f32 v27;
	_ =	sdelay $0x7  }
0x309: {  	v27 =	vor.u32 v18, v25  }
0x30a: {  	v55 =	vor.u32 v6, v25;
	v56 =	vpop (erf)  }
0x30b: {  	v57 =	vor.u32 v19, v25;
	v29 =	vadd.f32 $-1.000000000e+00, v56  }
0x30c: {  	vm12 =	vgt.f32 v26, $0.0e+00  }
0x30d: {  	v26 =	vsel vm12, v26, v29  }
0x30e: {  	[tilespmem:v27+s6+$0x0] =	vst.idx.msk $0xffff, v26  }
0x30f: {  	v26 =	vld.idx.msk [tilespmem:v55+s6+$0x0], $0xffff  }
0x310: {  	v27 =	vld.idx.msk [tilespmem:v57+s6+$0x0], $0xffff;
	_ =	sdelay $0x4  }
0x311: {  	v26 =	vadd.f32 v27, v26;
	_ =	sdelay $0x1  }
0x312: {  	v27 =	vmul.f32 $1.442695020e+00, v26;
	_ =	sdelay $0x1  }
0x313: {  	(erf) = vpow2.f32 v27;
	_ =	sdelay $0x7  }
0x314: {  	v27 =	vor.u32 v20, v25  }
0x315: {  	v58 =	vor.u32 v7, v25;
	v59 =	vpop (erf)  }
0x316: {  	v60 =	vor.u32 v21, v25;
	v29 =	vadd.f32 $-1.000000000e+00, v59  }
0x317: {  	vm13 =	vgt.f32 v26, $0.0e+00  }
0x318: {  	v26 =	vsel vm13, v26, v29  }
0x319: {  	[tilespmem:v27+s6+$0x0] =	vst.idx.msk $0xffff, v26  }
0x31a: {  	v26 =	vld.idx.msk [tilespmem:v58+s6+$0x0], $0xffff  }
0x31b: {  	v27 =	vld.idx.msk [tilespmem:v60+s6+$0x0], $0xffff;
	_ =	sdelay $0x4  }
0x31c: {  	v26 =	vadd.f32 v27, v26;
	_ =	sdelay $0x1  }
0x31d: {  	v27 =	vmul.f32 $1.442695020e+00, v26;
	_ =	sdelay $0x1  }
0x31e: {  	(erf) = vpow2.f32 v27;
	_ =	sdelay $0x7  }
0x31f: {  	v27 =	vor.u32 v22, v25  }
0x320: {  	v61 =	vor.u32 v8, v25;
	v62 =	vpop (erf)  }
0x321: {  	v63 =	vor.u32 v23, v25;
	v29 =	vadd.f32 $-1.000000000e+00, v62  }
0x322: {  	vm14 =	vgt.f32 v26, $0.0e+00  }
0x323: {  	v26 =	vsel vm14, v26, v29  }
0x324: {  	[tilespmem:v27+s6+$0x0] =	vst.idx.msk $0xffff, v26  }
0x325: {  	v26 =	vld.idx.msk [tilespmem:v61+s6+$0x0], $0xffff  }
0x326: {  	v27 =	vld.idx.msk [tilespmem:v63+s6+$0x0], $0xffff;
	_ =	sdelay $0x4  }
0x327: {  	v26 =	vadd.f32 v27, v26;
	_ =	sdelay $0x1  }
0x328: {  	v27 =	vmul.f32 $1.442695020e+00, v26;
	_ =	sdelay $0x1  }
0x329: {  	(erf) = vpow2.f32 v27;
	_ =	sdelay $0x7  }
0x32a: {  	v25 =	vor.u32 v24, v25  }
0x32b: {  	v27 =	vpop (erf)  }
0x32c: {  	v27 =	vadd.f32 $-1.000000000e+00, v27  }
0x32d: {  	s3 =	sadd.s32 s17, s16;
	s14 =	sadd.s32 $0x1, s14;
	vm15 =	vgt.f32 v26, $0.0e+00  }
0x32e: {  	s3 =	sshrl.u32 s3, $0x3;
	p0 =	sne.s32 s14, $0x14;
	v26 =	vsel vm15, v26, v27  }
.Ltmp7:
0x32f: {  	s4 =	simm.s32 $0x1000;
	s3 =	sadd.s32 s9, s3;
	[tilespmem:v25+s6+$0x0] =	vst.idx.msk $0xffff, v26;
	(pc) =	sbr.rel @p0 .LBB2_14-.Ltmp7, $4  }
0x330: {  	[hbm4b:s3+s6] =	stream.linear.scatter [tilespmem:s4], [sflag:$0x5], $0x800, $0x38;
	[tilespmem:$0x17AC0] =	vst v63  }
0x331: {  	_ =	swait.ge [sflag:s20], $0x800  }
0x332: {  	[sflag:s20] =	ssyncset.done $0x0  }
0x333: {  	[sflag:s20] =	ssyncadd.s32 $0xFFFFF800  }
0x334: {  	[bflag:$0x0] =	sbarrier.arrive $0xFFFF  }
0x335: {  	s7 =	sld [smem:$0x7E2]  }
0x336: {  	s3 =	rddreg [dreg:$0x3]  }
0x337: {  	s4 =	rddreg [dreg:$0xc]  }
0x338: {  	[spmem:s7], [sflag:s4] =	dma.local [hbm:s3], $0x100  }
0x339: {  	_ =	swait.ge [sflag:s20], $0x100  }
0x33a: {  	s17 =	sld [smem:$0x7E3]  }
0x33b: {  	[sflag:s20] =	ssyncset.done $0x0  }
0x33c: {  	[sflag:s20] =	ssyncadd.s32 $0xFFFFFF00  }
0x33d: {  	[spmem:s17], [sflag:s4] =	dma.local [hbm:s3], $0x100  }
0x33e: {  	_ =	swait.ge [sflag:s20], $0x100  }
0x33f: {  	s18 =	sld [smem:$0x7E4]  }
0x340: {  	[sflag:s20] =	ssyncset.done $0x0  }
0x341: {  	[sflag:s20] =	ssyncadd.s32 $0xFFFFFF00  }
0x342: {  	[spmem:s18], [sflag:s4] =	dma.local [hbm:s3], $0x100  }
0x343: {  	_ =	swait.ge [sflag:s20], $0x100  }
0x344: {  	s19 =	sld [smem:$0x7E5]  }
0x345: {  	[sflag:s20] =	ssyncset.done $0x0  }
0x346: {  	[sflag:s20] =	ssyncadd.s32 $0xFFFFFF00  }
0x347: {  	[spmem:s19], [sflag:s4] =	dma.local [hbm:s3], $0x100  }
0x348: {  	_ =	swait.ge [sflag:s20], $0x100  }
0x349: {  	s21 =	sld [smem:$0x7E6]  }
0x34a: {  	[sflag:s20] =	ssyncset.done $0x0  }
0x34b: {  	[sflag:s20] =	ssyncadd.s32 $0xFFFFFF00  }
0x34c: {  	[spmem:s21], [sflag:s4] =	dma.local [hbm:s3], $0x100  }
0x34d: {  	_ =	swait.ge [sflag:s20], $0x100  }
0x34e: {  	s28 =	sld [smem:$0x7E7]  }
0x34f: {  	[sflag:s20] =	ssyncset.done $0x0  }
0x350: {  	[sflag:s20] =	ssyncadd.s32 $0xFFFFFF00  }
0x351: {  	[spmem:s28], [sflag:s4] =	dma.local [hbm:s3], $0x100  }
0x352: {  	_ =	swait.ge [sflag:s20], $0x100  }
0x353: {  	s30 =	sld [smem:$0x7E8]  }
0x354: {  	[sflag:s20] =	ssyncset.done $0x0  }
0x355: {  	[sflag:s20] =	ssyncadd.s32 $0xFFFFFF00  }
0x356: {  	[spmem:s30], [sflag:s4] =	dma.local [hbm:s3], $0x100  }
0x357: {  	_ =	swait.ge [sflag:s20], $0x100  }
0x358: {  	s8 =	sld [smem:$0x7E9]  }
0x359: {  	[sflag:s20] =	ssyncset.done $0x0  }
0x35a: {  	[sflag:s20] =	ssyncadd.s32 $0xFFFFFF00  }
0x35b: {  	[spmem:s8], [sflag:s4] =	dma.local [hbm:s3], $0x100  }
0x35c: {  	_ =	swait.ge [sflag:s20], $0x100  }
0x35d: {  	s9 =	sld [smem:$0x7EA]  }
0x35e: {  	[sflag:s20] =	ssyncset.done $0x0  }
0x35f: {  	[sflag:s20] =	ssyncadd.s32 $0xFFFFFF00  }
0x360: {  	[spmem:s9], [sflag:s4] =	dma.local [hbm:s3], $0x100  }
0x361: {  	_ =	swait.ge [sflag:s20], $0x100  }
0x362: {  	s11 =	sld [smem:$0x7EB]  }
0x363: {  	[sflag:s20] =	ssyncset.done $0x0  }
0x364: {  	[sflag:s20] =	ssyncadd.s32 $0xFFFFFF00  }
0x365: {  	[spmem:s11], [sflag:s4] =	dma.local [hbm:s3], $0x100  }
0x366: {  	_ =	swait.ge [sflag:s20], $0x100  }
0x367: {  	s13 =	sld [smem:$0x7EC]  }
0x368: {  	[sflag:s20] =	ssyncset.done $0x0  }
0x369: {  	[sflag:s20] =	ssyncadd.s32 $0xFFFFFF00  }
0x36a: {  	[spmem:s13], [sflag:s4] =	dma.local [hbm:s3], $0x100  }
0x36b: {  	_ =	swait.ge [sflag:s20], $0x100  }
0x36c: {  	s14 =	sld [smem:$0x7ED]  }
0x36d: {  	[sflag:s20] =	ssyncset.done $0x0  }
0x36e: {  	[sflag:s20] =	ssyncadd.s32 $0xFFFFFF00  }
0x36f: {  	[spmem:s14], [sflag:s4] =	dma.local [hbm:s3], $0x100  }
0x370: {  	_ =	swait.ge [sflag:s20], $0x100  }
0x371: {  	s15 =	sld [smem:$0x7EE]  }
0x372: {  	[sflag:s20] =	ssyncset.done $0x0  }
0x373: {  	[sflag:s20] =	ssyncadd.s32 $0xFFFFFF00  }
0x374: {  	[spmem:s15], [sflag:s4] =	dma.local [hbm:s3], $0x100  }
0x375: {  	_ =	swait.ge [sflag:s20], $0x100  }
0x376: {  	s16 =	sld [smem:$0x7EF]  }
0x377: {  	[sflag:s20] =	ssyncset.done $0x0  }
0x378: {  	[sflag:s20] =	ssyncadd.s32 $0xFFFFFF00  }
0x379: {  	[spmem:s16], [sflag:s4] =	dma.local [hbm:s3], $0x100  }
0x37a: {  	_ =	swait.ge [sflag:s20], $0x100  }
0x37b: {  	s17 =	sld [smem:$0x7F0]  }
0x37c: {  	[sflag:s20] =	ssyncset.done $0x0  }
0x37d: {  	[sflag:s20] =	ssyncadd.s32 $0xFFFFFF00  }
0x37e: {  	[spmem:s17], [sflag:s4] =	dma.local [hbm:s3], $0x100  }
0x37f: {  	_ =	swait.ge [sflag:s20], $0x100  }
0x380: {  	s18 =	sld [smem:$0x7F1]  }
0x381: {  	[sflag:s20] =	ssyncset.done $0x0  }
0x382: {  	[sflag:s20] =	ssyncadd.s32 $0xFFFFFF00  }
0x383: {  	[spmem:s18], [sflag:s4] =	dma.local [hbm:s3], $0x100  }
0x384: {  	_ =	swait.ge [sflag:s20], $0x100  }
0x385: {  	s19 =	sld [smem:$0x7F2]  }
0x386: {  	[sflag:s20] =	ssyncset.done $0x0  }
0x387: {  	[sflag:s20] =	ssyncadd.s32 $0xFFFFFF00  }
0x388: {  	[spmem:s19], [sflag:s4] =	dma.local [hbm:s3], $0x100  }
0x389: {  	_ =	swait.ge [sflag:s20], $0x100  }
0x38a: {  	s21 =	sld [smem:$0x7F3]  }
0x38b: {  	[sflag:s20] =	ssyncset.done $0x0  }
0x38c: {  	[sflag:s20] =	ssyncadd.s32 $0xFFFFFF00  }
0x38d: {  	[spmem:s21], [sflag:s4] =	dma.local [hbm:s3], $0x100  }
0x38e: {  	_ =	swait.ge [sflag:s20], $0x100  }
0x38f: {  	s28 =	sld [smem:$0x7F4]  }
0x390: {  	[sflag:s20] =	ssyncset.done $0x0  }
0x391: {  	[sflag:s20] =	ssyncadd.s32 $0xFFFFFF00  }
0x392: {  	[spmem:s28], [sflag:s4] =	dma.local [hbm:s3], $0x100  }
0x393: {  	_ =	swait.ge [sflag:s20], $0x100  }
0x394: {  	s30 =	sld [smem:$0x7F5]  }
0x395: {  	[sflag:s20] =	ssyncset.done $0x0  }
0x396: {  	[sflag:s20] =	ssyncadd.s32 $0xFFFFFF00  }
0x397: {  	[spmem:s30], [sflag:s4] =	dma.local [hbm:s3], $0x100  }
0x398: {  	_ =	swait.ge [sflag:s20], $0x100  }
0x399: {  	[sflag:s20] =	ssyncset.done $0x0  }
0x39a: {  	[sflag:s20] =	ssyncadd.s32 $0xFFFFFF00  }
0x39b: {  	s11 =	simm.s32 $0x0;
	s14 =	simm.s32 $0x0;
	[bflag:$0x0] =	sbarrier.arrive $0xFFFF  }
.LBB2_18:
0x39c: {  	s3 =	smul.u32 $0x640, s14  }
0x39d: {  	s4 =	rddreg [dreg:$0x11]  }
0x39e: {  	s3 =	sadd.s32 s4, s3  }
0x39f: {  	s3 =	sshrl.u32 s3, $0x3  }
0x3a0: {  	s7 =	simm.s32 $0xA000;
	s3 =	sadd.s32 s31, s3  }
0x3a1: {  	[tilespmem:s7], [sflag:$0x5] =	stream.linear.gather [hbm4b:s3+s11], $0x640, $0x38;
	[tilespmem:$0x17AC0] =	vst v63  }
0x3a2: {  	s21 =	smul.u32 $0x1900, s14;
	_ =	swait.ge [sflag:s20], $0x640  }
0x3a3: {  	s28 =	rddreg [dreg:$0xe]  }
0x3a4: {  	s3 =	sadd.s32 s28, s21  }
0x3a5: {  	[sflag:s20] =	ssyncset.done $0x0;
	s30 =	rddreg [dreg:$0x6];
	s3 =	sshrl.u32 s3, $0x3  }
0x3a6: {  	[sflag:s20] =	ssyncadd.s32 $0xFFFFF9C0;
	s3 =	sadd.s32 s30, s3  }
0x3a7: {  	[tilespmem:s25], [sflag:$0x5] =	stream.linear.gather [hbm4b:s3+s11], $0x1900, $0x38;
	[tilespmem:$0x17AC0] =	vst v63  }
0x3a8: {  	_ =	swait.ge [sflag:s20], $0x1900  }
0x3a9: {  	s16 =	simm.s32 $0x1;
	[sflag:s20] =	ssyncset.done $0x0  }
0x3aa: {  	s18 =	simm.s32 $0x0;
	s19 =	simm.s32 $0x0;
	[sflag:s20] =	ssyncadd.s32 $0xFFFFE700  }
.LBB2_19:
0x3ab: {  	p0 =	sgt.u32 s19, $0x2;
	s3 =	smul.u32 $0xA0, s19;
	s7 =	simm.s32 $0xFFFFFE70  }
0x3ac: {  	s4 =	simm.s32 $0x320;
	s7 =	simm.s32 @!p0 $0x0  }
0x3ad: {  	s4 =	simm.s32 @!p0 $0x0;
	s3 =	sadd.s32 s3, s7  }
0x3ae: {  	s3 =	sadd.s32 s3, s4  }
0x3af: {  	v25 =	vld [tilespmem:s3+$0xA190]  }
0x3b0: {  	v26 =	vld [tilespmem:s3+$0xA000];
	_ =	sdelay $0x3  }
0x3b1: {  	v25 =	vadd.s32 $0xFFFFEC00, v25  }
0x3b2: {  	v26 =	vadd.s32 v1, v26;
	vm0 =	vlt.u32 v25, $0x1400;
	v25 =	vmin.u32 v25, $0x1400  }
0x3b3: {  	v26 =	vnsel vm0, $0xFFFFFFFF, v26;
	[tilespmem:$0xD900] =	vst v25  }
0x3b4: {  	[tilespmem:$0xD880] =	vst v26  }
0x3b5: {  	v25 =	vld [tilespmem:s3+$0xA1A0]  }
0x3b6: {  	v26 =	vld [tilespmem:s3+$0xA010];
	_ =	sdelay $0x3  }
0x3b7: {  	v25 =	vadd.s32 $0xFFFFEC00, v25  }
0x3b8: {  	v26 =	vadd.s32 v1, v26;
	vm7 =	vlt.u32 v25, $0x1400;
	v25 =	vmin.u32 v25, $0x1400  }
0x3b9: {  	v26 =	vnsel vm7, $0xFFFFFFFF, v26;
	[tilespmem:$0xD910] =	vst v25  }
0x3ba: {  	[tilespmem:$0xD890] =	vst v26  }
0x3bb: {  	v25 =	vld [tilespmem:s3+$0xA1B0]  }
0x3bc: {  	v26 =	vld [tilespmem:s3+$0xA020];
	_ =	sdelay $0x3  }
0x3bd: {  	v25 =	vadd.s32 $0xFFFFEC00, v25  }
0x3be: {  	v26 =	vadd.s32 v1, v26;
	vm8 =	vlt.u32 v25, $0x1400;
	v25 =	vmin.u32 v25, $0x1400  }
0x3bf: {  	v26 =	vnsel vm8, $0xFFFFFFFF, v26;
	[tilespmem:$0xD920] =	vst v25  }
0x3c0: {  	[tilespmem:$0xD8A0] =	vst v26  }
0x3c1: {  	v25 =	vld [tilespmem:s3+$0xA1C0]  }
0x3c2: {  	v26 =	vld [tilespmem:s3+$0xA030];
	_ =	sdelay $0x3  }
0x3c3: {  	v25 =	vadd.s32 $0xFFFFEC00, v25  }
0x3c4: {  	v26 =	vadd.s32 v1, v26;
	vm9 =	vlt.u32 v25, $0x1400;
	v25 =	vmin.u32 v25, $0x1400  }
0x3c5: {  	v26 =	vnsel vm9, $0xFFFFFFFF, v26;
	[tilespmem:$0xD930] =	vst v25  }
0x3c6: {  	[tilespmem:$0xD8B0] =	vst v26  }
0x3c7: {  	s21 =	sshllo.u32 s19, $0x1;
	v25 =	vld [tilespmem:s3+$0xA1D0]  }
0x3c8: {  	s28 =	smulhi.u32 $0x66666667, s21;
	v26 =	vld [tilespmem:s3+$0xA040];
	_ =	sdelay $0x1  }
0x3c9: {  	s4 =	sshrl.u32 s28, $0x1  }
0x3ca: {  	s8 =	smul.u32 $0xFFFFFE70, s4  }
0x3cb: {  	s4 =	smul.u32 $0xC80, s4;
	v25 =	vadd.s32 $0xFFFFEC00, v25  }
0x3cc: {  	s3 =	smul.u32 $0x50, s21;
	v26 =	vadd.s32 v1, v26;
	vm10 =	vlt.u32 v25, $0x1400;
	v25 =	vmin.u32 v25, $0x1400  }
0x3cd: {  	s9 =	simm.s32 $0x0;
	v26 =	vnsel vm10, $0xFFFFFFFF, v26;
	[tilespmem:$0xD940] =	vst v25  }
0x3ce: {  	s4 =	sshra.s32 s4, $0x2;
	s3 =	sadd.s32 s3, s8;
	[tilespmem:$0xD8C0] =	vst v26;
	(ifvalue) =	ssetifvalue $0xFFFFFFFF  }
0x3cf: {  	s13 =	simm.s32 $0xD880;
	s3 =	sadd.s32 s3, s4;
	(ifvalue) =	ssetifvalue $0xFFFFFFFF  }
0x3d0: {  	[tilespmem:s9], [sflag:$0x1] =	stream.indirect.gather [hbm4b:s0+s2], $0x80, s13, s2, $0x40b8;
	[tilespmem:$0x17AC0] =	vst v63  }
0x3d1: {  	v25 =	vld [tilespmem:s3+$0xA190]  }
0x3d2: {  	v26 =	vld [tilespmem:s3+$0xA000];
	_ =	sdelay $0x3  }
0x3d3: {  	v25 =	vadd.s32 $0xFFFFEC00, v25  }
0x3d4: {  	v26 =	vadd.s32 v1, v26;
	vm11 =	vlt.u32 v25, $0x1400;
	v25 =	vmin.u32 v25, $0x1400  }
0x3d5: {  	v26 =	vnsel vm11, $0xFFFFFFFF, v26;
	[tilespmem:$0xDA00] =	vst v25  }
0x3d6: {  	[tilespmem:$0xD980] =	vst v26  }
0x3d7: {  	v25 =	vld [tilespmem:s3+$0xA1A0]  }
0x3d8: {  	v26 =	vld [tilespmem:s3+$0xA010];
	_ =	sdelay $0x3  }
0x3d9: {  	v25 =	vadd.s32 $0xFFFFEC00, v25  }
0x3da: {  	v26 =	vadd.s32 v1, v26;
	vm12 =	vlt.u32 v25, $0x1400;
	v25 =	vmin.u32 v25, $0x1400  }
0x3db: {  	v26 =	vnsel vm12, $0xFFFFFFFF, v26;
	[tilespmem:$0xDA10] =	vst v25  }
0x3dc: {  	[tilespmem:$0xD990] =	vst v26  }
0x3dd: {  	v25 =	vld [tilespmem:s3+$0xA1B0]  }
0x3de: {  	v26 =	vld [tilespmem:s3+$0xA020];
	_ =	sdelay $0x3  }
0x3df: {  	v25 =	vadd.s32 $0xFFFFEC00, v25  }
0x3e0: {  	v26 =	vadd.s32 v1, v26;
	vm13 =	vlt.u32 v25, $0x1400;
	v25 =	vmin.u32 v25, $0x1400  }
0x3e1: {  	v26 =	vnsel vm13, $0xFFFFFFFF, v26;
	[tilespmem:$0xDA20] =	vst v25  }
0x3e2: {  	[tilespmem:$0xD9A0] =	vst v26  }
0x3e3: {  	v25 =	vld [tilespmem:s3+$0xA1C0]  }
0x3e4: {  	v26 =	vld [tilespmem:s3+$0xA030];
	_ =	sdelay $0x3  }
0x3e5: {  	v25 =	vadd.s32 $0xFFFFEC00, v25  }
0x3e6: {  	v26 =	vadd.s32 v1, v26;
	vm14 =	vlt.u32 v25, $0x1400;
	v25 =	vmin.u32 v25, $0x1400  }
0x3e7: {  	v26 =	vnsel vm14, $0xFFFFFFFF, v26;
	[tilespmem:$0xDA30] =	vst v25  }
0x3e8: {  	[tilespmem:$0xD9B0] =	vst v26  }
0x3e9: {  	v25 =	vld [tilespmem:s3+$0xA1D0]  }
0x3ea: {  	v26 =	vld [tilespmem:s3+$0xA040];
	_ =	sdelay $0x2  }
0x3eb: {  	s3 =	simm.s32 $0xC80  }
0x3ec: {  	s3 =	simm.s32 @!p0 $0x0;
	v25 =	vadd.s32 $0xFFFFEC00, v25  }
0x3ed: {  	s3 =	sadd.s32 s3, s7;
	v26 =	vadd.s32 v1, v26;
	vm15 =	vlt.u32 v25, $0x1400;
	v25 =	vmin.u32 v25, $0x1400  }
0x3ee: {  	s7 =	sadd.s32 s18, s3;
	v26 =	vnsel vm15, $0xFFFFFFFF, v26;
	[tilespmem:$0xDA40] =	vst v25  }
0x3ef: {  	s3 =	sadd.s32 $0x0, s7;
	[tilespmem:$0xD9C0] =	vst v26;
	(ifvalue) =	ssetifvalue $0xFFFFFFFF  }
0x3f0: {  	s30 =	simm.s32 $0xD980;
	s4 =	simm.s32 $0x0;
	v25 =	vmov s3;
	(ifvalue) =	ssetifvalue $0xFFFFFFFF  }
0x3f1: {  	v26 =	vor.u32 s4, v0;
	[tilespmem:s22], [sflag:$0x2] =	stream.indirect.gather [hbm4b:s0+s2], $0x80, s30, s2, $0x40b8;
	[tilespmem:$0x17AC0] =	vst v63  }
0x3f2: {  	_ =	swait.ge [sflag:s23], $0x2800  }
0x3f3: {  	[sflag:s23] =	ssyncset.done $0x0  }
0x3f4: {  	[sflag:s23] =	ssyncadd.s32 $0xFFFFD800  }
0x3f5: {  	v25 =	vld.idx.msk [tilespmem:v25+s25+$0x0], $0xffff  }
0x3f6: {  	v27 =	vld.idx.msk [tilespmem:v26+s6+$0x0], $0xffff;
	_ =	sdelay $0x1  }
0x3f7: {  	s9 =	sadd.s32 $0x190, s3  }
0x3f8: {  	v28 =	vmov s9  }
0x3f9: {  	v29 =	vor.u32 s4, v2  }
0x3fa: {  	v25 =	vmul.f32 v27, v25;
	_ =	sdelay $0x1  }
0x3fb: {  	[tilespmem:v26+s26+$0x0] =	vst.idx.msk $0xffff, v25  }
0x3fc: {  	v25 =	vld.idx.msk [tilespmem:v28+s25+$0x0], $0xffff  }
0x3fd: {  	v26 =	vld.idx.msk [tilespmem:v29+s6+$0x0], $0xffff;
	_ =	sdelay $0x1  }
0x3fe: {  	s13 =	sadd.s32 $0x320, s3  }
0x3ff: {  	v27 =	vmov s13  }
0x400: {  	v59 =	vor.u32 s4, v3  }
0x401: {  	v25 =	vmul.f32 v26, v25;
	_ =	sdelay $0x1  }
0x402: {  	[tilespmem:v29+s26+$0x0] =	vst.idx.msk $0xffff, v25  }
0x403: {  	v25 =	vld.idx.msk [tilespmem:v27+s25+$0x0], $0xffff  }
0x404: {  	v26 =	vld.idx.msk [tilespmem:v59+s6+$0x0], $0xffff;
	_ =	sdelay $0x1  }
0x405: {  	s15 =	sadd.s32 $0x4B0, s3  }
0x406: {  	v27 =	vmov s15  }
0x407: {  	v60 =	vor.u32 s4, v4  }
0x408: {  	v25 =	vmul.f32 v26, v25;
	_ =	sdelay $0x1  }
0x409: {  	[tilespmem:v59+s26+$0x0] =	vst.idx.msk $0xffff, v25  }
0x40a: {  	v25 =	vld.idx.msk [tilespmem:v27+s25+$0x0], $0xffff  }
0x40b: {  	v26 =	vld.idx.msk [tilespmem:v60+s6+$0x0], $0xffff;
	_ =	sdelay $0x1  }
0x40c: {  	s17 =	sadd.s32 $0x640, s3  }
0x40d: {  	v27 =	vmov s17  }
0x40e: {  	v61 =	vor.u32 s4, v5  }
0x40f: {  	v25 =	vmul.f32 v26, v25;
	_ =	sdelay $0x1  }
0x410: {  	[tilespmem:v60+s26+$0x0] =	vst.idx.msk $0xffff, v25  }
0x411: {  	v25 =	vld.idx.msk [tilespmem:v27+s25+$0x0], $0xffff  }
0x412: {  	v26 =	vld.idx.msk [tilespmem:v61+s6+$0x0], $0xffff;
	_ =	sdelay $0x1  }
0x413: {  	s20 =	sadd.s32 $0x7D0, s3  }
0x414: {  	v27 =	vmov s20  }
0x415: {  	v62 =	vor.u32 s4, v6  }
0x416: {  	v25 =	vmul.f32 v26, v25;
	_ =	sdelay $0x1  }
0x417: {  	[tilespmem:v61+s26+$0x0] =	vst.idx.msk $0xffff, v25  }
0x418: {  	v25 =	vld.idx.msk [tilespmem:v27+s25+$0x0], $0xffff  }
0x419: {  	v26 =	vld.idx.msk [tilespmem:v62+s6+$0x0], $0xffff;
	_ =	sdelay $0x1  }
0x41a: {  	s21 =	sadd.s32 $0x960, s3  }
0x41b: {  	v27 =	vmov s21  }
0x41c: {  	v63 =	vor.u32 s4, v7  }
0x41d: {  	v25 =	vmul.f32 v26, v25;
	_ =	sdelay $0x1  }
0x41e: {  	[tilespmem:v62+s26+$0x0] =	vst.idx.msk $0xffff, v25  }
0x41f: {  	v25 =	vld.idx.msk [tilespmem:v27+s25+$0x0], $0xffff  }
0x420: {  	v26 =	vld.idx.msk [tilespmem:v63+s6+$0x0], $0xffff;
	_ =	sdelay $0x4  }
0x421: {  	s3 =	sadd.s32 $0xAF0, s3;
	v25 =	vmul.f32 v26, v25  }
0x422: {  	s28 =	smulhi.u32 $0xCCCCCCCD, s16;
	v27 =	vmov s3  }
0x423: {  	[tilespmem:v63+s26+$0x0] =	vst.idx.msk $0xffff, v25;
	v25 =	vor.u32 s4, v8  }
0x424: {  	s30 =	sshrl.u32 s28, $0x2  }
0x425: {  	s3 =	smul.u32 $0xAF0, s30;
	_ =	sdelay $0x1  }
0x426: {  	s8 =	simm.s32 $0x1;
	s13 =	sadd.s32 s3, s18;
	v26 =	vld.idx.msk [tilespmem:v27+s25+$0x0], $0xffff  }
.LBB2_20:
0x427: {  	p0 =	sne.s32 s8, $0x4F;
	v27 =	vld.idx.msk [tilespmem:v25+s6+$0x0], $0xffff;
	s3 =	smov.u32 s8;
	s8 =	sadd.s32 $0x1, s8  }
0x428: {  	_ =	sdelay $0x1  }
0x429: {  	s4 =	sadd.s32 s3, s7;
	s9 =	sshll.u32 s3, $0x7  }
0x42a: {  	v28 =	vmov s4;
	v29 =	vor.u32 s9, v0;
	s21 =	sadd.s32 $0x190, s4;
	s28 =	sadd.s32 $0x320, s4;
	s30 =	sadd.s32 $0x4B0, s4  }
0x42b: {  	s20 =	sadd.s32 $0x640, s4;
	s3 =	sadd.s32 $0x7D0, s4;
	s17 =	sadd.s32 $0x960, s4  }
0x42c: {  	s15 =	sadd.s32 $0xAF0, s4;
	v26 =	vmul.f32 v27, v26;
	_ =	sdelay $0x1  }
0x42d: {  	[tilespmem:v25+s26+$0x0] =	vst.idx.msk $0xffff, v26  }
0x42e: {  	v25 =	vld.idx.msk [tilespmem:v28+s25+$0x0], $0xffff  }
0x42f: {  	v26 =	vld.idx.msk [tilespmem:v29+s6+$0x0], $0xffff;
	_ =	sdelay $0x3  }
0x430: {  	v27 =	vmov s21;
	v28 =	vor.u32 s9, v2;
	_ =	sdelay $0x1  }
0x431: {  	v25 =	vmul.f32 v26, v25;
	_ =	sdelay $0x1  }
0x432: {  	[tilespmem:v29+s26+$0x0] =	vst.idx.msk $0xffff, v25  }
0x433: {  	v25 =	vld.idx.msk [tilespmem:v27+s25+$0x0], $0xffff  }
0x434: {  	v26 =	vld.idx.msk [tilespmem:v28+s6+$0x0], $0xffff;
	_ =	sdelay $0x3  }
0x435: {  	v29 =	vor.u32 s9, v3;
	v27 =	vmov s28;
	_ =	sdelay $0x1  }
0x436: {  	v25 =	vmul.f32 v26, v25;
	_ =	sdelay $0x1  }
0x437: {  	[tilespmem:v28+s26+$0x0] =	vst.idx.msk $0xffff, v25  }
0x438: {  	v25 =	vld.idx.msk [tilespmem:v27+s25+$0x0], $0xffff  }
0x439: {  	v26 =	vld.idx.msk [tilespmem:v29+s6+$0x0], $0xffff;
	_ =	sdelay $0x3  }
0x43a: {  	v28 =	vor.u32 s9, v4;
	v27 =	vmov s30;
	_ =	sdelay $0x1  }
0x43b: {  	v25 =	vmul.f32 v26, v25;
	_ =	sdelay $0x1  }
0x43c: {  	[tilespmem:v29+s26+$0x0] =	vst.idx.msk $0xffff, v25  }
0x43d: {  	v25 =	vld.idx.msk [tilespmem:v27+s25+$0x0], $0xffff  }
0x43e: {  	v26 =	vld.idx.msk [tilespmem:v28+s6+$0x0], $0xffff;
	_ =	sdelay $0x3  }
0x43f: {  	v29 =	vor.u32 s9, v5;
	v27 =	vmov s20;
	_ =	sdelay $0x1  }
0x440: {  	v25 =	vmul.f32 v26, v25;
	_ =	sdelay $0x1  }
0x441: {  	[tilespmem:v28+s26+$0x0] =	vst.idx.msk $0xffff, v25  }
0x442: {  	v25 =	vld.idx.msk [tilespmem:v27+s25+$0x0], $0xffff  }
0x443: {  	v26 =	vld.idx.msk [tilespmem:v29+s6+$0x0], $0xffff;
	_ =	sdelay $0x3  }
0x444: {  	v28 =	vor.u32 s9, v6;
	v27 =	vmov s3;
	_ =	sdelay $0x1  }
0x445: {  	v25 =	vmul.f32 v26, v25;
	_ =	sdelay $0x1  }
0x446: {  	[tilespmem:v29+s26+$0x0] =	vst.idx.msk $0xffff, v25  }
0x447: {  	v25 =	vld.idx.msk [tilespmem:v27+s25+$0x0], $0xffff  }
0x448: {  	v26 =	vld.idx.msk [tilespmem:v28+s6+$0x0], $0xffff;
	_ =	sdelay $0x3  }
0x449: {  	v29 =	vor.u32 s9, v7;
	v27 =	vmov s17;
	_ =	sdelay $0x1  }
0x44a: {  	v25 =	vmul.f32 v26, v25;
	_ =	sdelay $0x1  }
0x44b: {  	[tilespmem:v28+s26+$0x0] =	vst.idx.msk $0xffff, v25  }
0x44c: {  	v26 =	vld.idx.msk [tilespmem:v27+s25+$0x0], $0xffff  }
0x44d: {  	v27 =	vld.idx.msk [tilespmem:v29+s6+$0x0], $0xffff;
	_ =	sdelay $0x3  }
0x44e: {  	v28 =	vmov s15;
	v25 =	vor.u32 s9, v8  }
.Ltmp8:
0x44f: {  	(pc) =	sbr.rel @p0 .LBB2_20-.Ltmp8, $3  }
0x450: {  	v26 =	vmul.f32 v27, v26;
	_ =	sdelay $0x1  }
0x451: {  	[tilespmem:v29+s26+$0x0] =	vst.idx.msk $0xffff, v26  }
0x452: {  	v26 =	vld.idx.msk [tilespmem:v28+s25+$0x0], $0xffff  }
0x453: {  	_ =	sdelay $0x3  }
0x454: {  	v27 =	vld.idx.msk [tilespmem:v25+s6+$0x0], $0xffff;
	_ =	sdelay $0x4  }
0x455: {  	v26 =	vmul.f32 v27, v26  }
0x456: {  	s3 =	sadd.s32 $0x0, s13;
	s4 =	simm.s32 $0x0  }
0x457: {  	s8 =	simm.s32 $0xD900;
	s7 =	sadd.s32 $0x50, s3;
	[tilespmem:v25+s26+$0x0] =	vst.idx.msk $0xffff, v26;
	(ifvalue) =	ssetifvalue $0x1400;
	v25 =	vor.u32 s4, v0  }
0x458: {  	[spmem:s5] =	stream.indirect.scatter.add.f32 [tilespmem:s26], [sflag:$0x3], $0x80, s8, s2, $0x40b8;
	v26 =	vmov s7;
	[tilespmem:$0x17AC0] =	vst v63  }
0x459: {  	_ =	swait.ge [sflag:s29], $0x2800  }
0x45a: {  	[sflag:s29] =	ssyncset.done $0x0  }
0x45b: {  	[sflag:s29] =	ssyncadd.s32 $0xFFFFD800  }
0x45c: {  	v27 =	vld.idx.msk [tilespmem:v25+s22+$0x0], $0xffff  }
0x45d: {  	v26 =	vld.idx.msk [tilespmem:v26+s25+$0x0], $0xffff;
	_ =	sdelay $0x1  }
0x45e: {  	s15 =	sadd.s32 $0x1E0, s3  }
0x45f: {  	v28 =	vmov s15  }
0x460: {  	v29 =	vor.u32 s4, v2  }
0x461: {  	v26 =	vmul.f32 v27, v26;
	_ =	sdelay $0x1  }
0x462: {  	[tilespmem:v25+s12+$0x0] =	vst.idx.msk $0xffff, v26  }
0x463: {  	v25 =	vld.idx.msk [tilespmem:v28+s25+$0x0], $0xffff  }
0x464: {  	v26 =	vld.idx.msk [tilespmem:v29+s22+$0x0], $0xffff;
	_ =	sdelay $0x1  }
0x465: {  	s17 =	sadd.s32 $0x370, s3  }
0x466: {  	v27 =	vmov s17  }
0x467: {  	v28 =	vor.u32 s4, v3  }
0x468: {  	v25 =	vmul.f32 v26, v25;
	_ =	sdelay $0x1  }
0x469: {  	[tilespmem:v29+s12+$0x0] =	vst.idx.msk $0xffff, v25  }
0x46a: {  	v25 =	vld.idx.msk [tilespmem:v27+s25+$0x0], $0xffff  }
0x46b: {  	v26 =	vld.idx.msk [tilespmem:v28+s22+$0x0], $0xffff;
	_ =	sdelay $0x1  }
0x46c: {  	s20 =	sadd.s32 $0x500, s3  }
0x46d: {  	v27 =	vmov s20  }
0x46e: {  	v29 =	vor.u32 s4, v4  }
0x46f: {  	v25 =	vmul.f32 v26, v25;
	_ =	sdelay $0x1  }
0x470: {  	[tilespmem:v28+s12+$0x0] =	vst.idx.msk $0xffff, v25  }
0x471: {  	v25 =	vld.idx.msk [tilespmem:v27+s25+$0x0], $0xffff  }
0x472: {  	v26 =	vld.idx.msk [tilespmem:v29+s22+$0x0], $0xffff;
	_ =	sdelay $0x1  }
0x473: {  	s21 =	sadd.s32 $0x690, s3  }
0x474: {  	v27 =	vmov s21  }
0x475: {  	v28 =	vor.u32 s4, v5  }
0x476: {  	v25 =	vmul.f32 v26, v25;
	_ =	sdelay $0x1  }
0x477: {  	[tilespmem:v29+s12+$0x0] =	vst.idx.msk $0xffff, v25  }
0x478: {  	v25 =	vld.idx.msk [tilespmem:v27+s25+$0x0], $0xffff  }
0x479: {  	v26 =	vld.idx.msk [tilespmem:v28+s22+$0x0], $0xffff;
	_ =	sdelay $0x1  }
0x47a: {  	s28 =	sadd.s32 $0x820, s3  }
0x47b: {  	v27 =	vmov s28  }
0x47c: {  	v29 =	vor.u32 s4, v6  }
0x47d: {  	v25 =	vmul.f32 v26, v25;
	_ =	sdelay $0x1  }
0x47e: {  	[tilespmem:v28+s12+$0x0] =	vst.idx.msk $0xffff, v25  }
0x47f: {  	v25 =	vld.idx.msk [tilespmem:v27+s25+$0x0], $0xffff  }
0x480: {  	v26 =	vld.idx.msk [tilespmem:v29+s22+$0x0], $0xffff;
	_ =	sdelay $0x1  }
0x481: {  	s30 =	sadd.s32 $0x9B0, s3  }
0x482: {  	v27 =	vmov s30  }
0x483: {  	v28 =	vor.u32 s4, v7  }
0x484: {  	v25 =	vmul.f32 v26, v25;
	_ =	sdelay $0x1  }
0x485: {  	[tilespmem:v29+s12+$0x0] =	vst.idx.msk $0xffff, v25  }
0x486: {  	v26 =	vld.idx.msk [tilespmem:v27+s25+$0x0], $0xffff  }
0x487: {  	v27 =	vld.idx.msk [tilespmem:v28+s22+$0x0], $0xffff;
	_ =	sdelay $0x1  }
0x488: {  	s3 =	sadd.s32 $0xB40, s3  }
0x489: {  	v29 =	vmov s3  }
0x48a: {  	v25 =	vor.u32 s4, v8  }
0x48b: {  	v26 =	vmul.f32 v27, v26;
	_ =	sdelay $0x1  }
0x48c: {  	[tilespmem:v28+s12+$0x0] =	vst.idx.msk $0xffff, v26  }
0x48d: {  	v26 =	vld.idx.msk [tilespmem:v29+s25+$0x0], $0xffff  }
0x48e: {  	s7 =	simm.s32 $0x1;
	v27 =	vld.idx.msk [tilespmem:v25+s22+$0x0], $0xffff  }
.LBB2_22:
0x48f: {  	p0 =	sne.s32 s7, $0x4F;
	s3 =	smov.u32 s7;
	s7 =	sadd.s32 $0x1, s7  }
0x490: {  	_ = 	snop  }
0x491: {  	s4 =	sadd.s32 s3, s13;
	s8 =	sshll.u32 s3, $0x7  }
0x492: {  	s3 =	sadd.s32 $0x50, s4;
	v28 =	vor.u32 s8, v0;
	s20 =	sadd.s32 $0x1E0, s4;
	s21 =	sadd.s32 $0x370, s4  }
0x493: {  	s28 =	sadd.s32 $0x500, s4;
	s17 =	sadd.s32 $0x690, s4;
	v29 =	vmov s3;
	s3 =	sadd.s32 $0x820, s4  }
0x494: {  	s15 =	sadd.s32 $0x9B0, s4;
	s9 =	sadd.s32 $0xB40, s4;
	v26 =	vmul.f32 v27, v26;
	_ =	sdelay $0x1  }
0x495: {  	[tilespmem:v25+s12+$0x0] =	vst.idx.msk $0xffff, v26  }
0x496: {  	v25 =	vld.idx.msk [tilespmem:v28+s22+$0x0], $0xffff  }
0x497: {  	v26 =	vld.idx.msk [tilespmem:v29+s25+$0x0], $0xffff;
	_ =	sdelay $0x3  }
0x498: {  	v27 =	vmov s20;
	v29 =	vor.u32 s8, v2;
	_ =	sdelay $0x1  }
0x499: {  	v25 =	vmul.f32 v25, v26;
	_ =	sdelay $0x1  }
0x49a: {  	[tilespmem:v28+s12+$0x0] =	vst.idx.msk $0xffff, v25  }
0x49b: {  	v25 =	vld.idx.msk [tilespmem:v27+s25+$0x0], $0xffff  }
0x49c: {  	v26 =	vld.idx.msk [tilespmem:v29+s22+$0x0], $0xffff;
	_ =	sdelay $0x3  }
0x49d: {  	v28 =	vor.u32 s8, v3;
	v27 =	vmov s21;
	_ =	sdelay $0x1  }
0x49e: {  	v25 =	vmul.f32 v26, v25;
	_ =	sdelay $0x1  }
0x49f: {  	[tilespmem:v29+s12+$0x0] =	vst.idx.msk $0xffff, v25  }
0x4a0: {  	v25 =	vld.idx.msk [tilespmem:v27+s25+$0x0], $0xffff  }
0x4a1: {  	v26 =	vld.idx.msk [tilespmem:v28+s22+$0x0], $0xffff;
	_ =	sdelay $0x3  }
0x4a2: {  	v29 =	vor.u32 s8, v4;
	v27 =	vmov s28;
	_ =	sdelay $0x1  }
0x4a3: {  	v25 =	vmul.f32 v26, v25;
	_ =	sdelay $0x1  }
0x4a4: {  	[tilespmem:v28+s12+$0x0] =	vst.idx.msk $0xffff, v25  }
0x4a5: {  	v25 =	vld.idx.msk [tilespmem:v27+s25+$0x0], $0xffff  }
0x4a6: {  	v26 =	vld.idx.msk [tilespmem:v29+s22+$0x0], $0xffff;
	_ =	sdelay $0x3  }
0x4a7: {  	v28 =	vor.u32 s8, v5;
	v27 =	vmov s17;
	_ =	sdelay $0x1  }
0x4a8: {  	v25 =	vmul.f32 v26, v25;
	_ =	sdelay $0x1  }
0x4a9: {  	[tilespmem:v29+s12+$0x0] =	vst.idx.msk $0xffff, v25  }
0x4aa: {  	v25 =	vld.idx.msk [tilespmem:v27+s25+$0x0], $0xffff  }
0x4ab: {  	v26 =	vld.idx.msk [tilespmem:v28+s22+$0x0], $0xffff;
	_ =	sdelay $0x3  }
0x4ac: {  	v29 =	vor.u32 s8, v6;
	v27 =	vmov s3;
	_ =	sdelay $0x1  }
0x4ad: {  	v25 =	vmul.f32 v26, v25;
	_ =	sdelay $0x1  }
0x4ae: {  	[tilespmem:v28+s12+$0x0] =	vst.idx.msk $0xffff, v25  }
0x4af: {  	v25 =	vld.idx.msk [tilespmem:v27+s25+$0x0], $0xffff  }
0x4b0: {  	v26 =	vld.idx.msk [tilespmem:v29+s22+$0x0], $0xffff;
	_ =	sdelay $0x3  }
0x4b1: {  	v28 =	vor.u32 s8, v7;
	v27 =	vmov s15;
	_ =	sdelay $0x1  }
0x4b2: {  	v25 =	vmul.f32 v26, v25;
	_ =	sdelay $0x1  }
0x4b3: {  	[tilespmem:v29+s12+$0x0] =	vst.idx.msk $0xffff, v25  }
0x4b4: {  	v26 =	vld.idx.msk [tilespmem:v27+s25+$0x0], $0xffff  }
0x4b5: {  	v27 =	vld.idx.msk [tilespmem:v28+s22+$0x0], $0xffff;
	_ =	sdelay $0x3  }
0x4b6: {  	v29 =	vmov s9;
	v25 =	vor.u32 s8, v8;
	_ =	sdelay $0x1  }
.Ltmp9:
0x4b7: {  	v26 =	vmul.f32 v27, v26;
	(pc) =	sbr.rel @p0 .LBB2_22-.Ltmp9, $4  }
0x4b8: {  	_ = 	snop  }
0x4b9: {  	[tilespmem:v28+s12+$0x0] =	vst.idx.msk $0xffff, v26  }
0x4ba: {  	v26 =	vld.idx.msk [tilespmem:v29+s25+$0x0], $0xffff  }
0x4bb: {  	v27 =	vld.idx.msk [tilespmem:v25+s22+$0x0], $0xffff  }
0x4bc: {  	_ =	sdelay $0x3  }
0x4bd: {  	v26 =	vmul.f32 v27, v26;
	_ =	sdelay $0x1  }
0x4be: {  	s3 =	simm.s32 $0xDA00;
	s19 =	sadd.s32 $0x1, s19;
	[tilespmem:v25+s12+$0x0] =	vst.idx.msk $0xffff, v26;
	(ifvalue) =	ssetifvalue $0x1400  }
0x4bf: {  	[spmem:s5] =	stream.indirect.scatter.add.f32 [tilespmem:s12], [sflag:$0x4], $0x80, s3, s2, $0x40b8;
	[tilespmem:$0x17AC0] =	vst v63  }
0x4c0: {  	p0 =	sne.s32 s19, $0x5;
	_ =	swait.ge [sflag:s1], $0x2800  }
.Ltmp10:
0x4c1: {  	[sflag:s1] =	ssyncset.done $0x0;
	(pc) =	sbr.rel @p0 .LBB2_19-.Ltmp10, $4  }
0x4c2: {  	[sflag:s1] =	ssyncadd.s32 $0xFFFFD800  }
0x4c3: {  	_ =	swait.ge [sflag:s10], $0x2800  }
0x4c4: {  	[sflag:s10] =	ssyncset.done $0x0  }
0x4c5: {  	s18 =	sadd.s32 $0xA0, s18;
	s16 =	sadd.s32 $0x2, s16;
	[sflag:s10] =	ssyncadd.s32 $0xFFFFD800  }
0x4c6: {  	s14 =	sadd.s32 $0x1, s14  }
0x4c7: {  	p0 =	sne.s32 s14, $0x19  }
.Ltmp11:
0x4c8: {  	_ = 	snop;
	(pc) =	sbr.rel @p0 .LBB2_18-.Ltmp11, $2  }
0x4c9: {  	_ =	sdelay $0x2  }
0x4ca: {  	s20 =	simm.s32 $0x5  }
0x4cb: {  	[bflag:$0x0] =	sbarrier.arrive $0xFFFF  }
0x4cc: {  	s15 =	rddreg [dreg:$0x7]  }
0x4cd: {  	s17 =	rddreg [dreg:$0x8]  }
0x4ce: {  	s8 =	rddreg [dreg:$0x10]  }
0x4cf: {  	s11 =	simm.s32 $0x0;
	s9 =	rddreg [dreg:$0x12]  }
0x4d0: {  	s14 =	simm.s32 $0x0;
	s19 =	simm.s32 $0x800;
	s18 =	rddreg [dreg:$0x13]  }
.LBB2_26:
0x4d1: {  	s3 =	sshll.u32 s14, $0x4  }
0x4d2: {  	s3 =	sadd.s32 s8, s3  }
0x4d3: {  	s16 =	sshll.u32 s3, $0x7  }
0x4d4: {  	s4 =	sand.u32 $0x3FFFFF80, s16  }
0x4d5: {  	v25 =	vmov s11;
	s4 =	sadd.s32 s4, s5  }
0x4d6: {  	v25 =	vshll.u32 v25, $0x7;
	[tilespmem:s11], [sflag:$0x5] =	stream.linear.gather [spmem:s4], $0x800, $0x38;
	[tilespmem:$0x17AC0] =	vst v63  }
0x4d7: {  	s3 =	sadd.s32 s3, s9;
	v25 =	vbroadcast v25, $0x0;
	_ =	swait.ge [sflag:s20], $0x800  }
0x4d8: {  	s3 =	sshll.u32 s3, $0x4;
	[sflag:s20] =	ssyncset.done $0x0  }
0x4d9: {  	s3 =	sadd.s32 s15, s3;
	v26 =	vor.u32 v0, v25;
	[sflag:s20] =	ssyncadd.s32 $0xFFFFF800  }
0x4da: {  	v27 =	vor.u32 v9, v25;
	[tilespmem:s19], [sflag:$0x5] =	stream.linear.gather [hbm4b:s3+s11], $0x800, $0x38;
	[tilespmem:$0x17AC0] =	vst v63  }
0x4db: {  	_ =	swait.ge [sflag:s20], $0x800  }
0x4dc: {  	[sflag:s20] =	ssyncset.done $0x0  }
0x4dd: {  	[sflag:s20] =	ssyncadd.s32 $0xFFFFF800  }
0x4de: {  	v26 =	vld.idx.msk [tilespmem:v26+s6+$0x0], $0xffff  }
0x4df: {  	v27 =	vld.idx.msk [tilespmem:v27+s6+$0x0], $0xffff;
	_ =	sdelay $0x4  }
0x4e0: {  	v26 =	vadd.f32 v27, v26;
	_ =	sdelay $0x1  }
0x4e1: {  	v27 =	vmul.f32 $1.442695020e+00, v26;
	_ =	sdelay $0x1  }
0x4e2: {  	(erf) = vpow2.f32 v27;
	_ =	sdelay $0x7  }
0x4e3: {  	v27 =	vor.u32 v10, v25  }
0x4e4: {  	v28 =	vor.u32 v2, v25;
	v29 =	vpop (erf)  }
0x4e5: {  	v30 =	vor.u32 v11, v25;
	v29 =	vadd.f32 $-1.000000000e+00, v29  }
0x4e6: {  	vm0 =	vgt.f32 v26, $0.0e+00  }
0x4e7: {  	v26 =	vsel vm0, v26, v29  }
0x4e8: {  	[tilespmem:v27+s6+$0x0] =	vst.idx.msk $0xffff, v26  }
0x4e9: {  	v26 =	vld.idx.msk [tilespmem:v28+s6+$0x0], $0xffff  }
0x4ea: {  	v27 =	vld.idx.msk [tilespmem:v30+s6+$0x0], $0xffff;
	_ =	sdelay $0x4  }
0x4eb: {  	v26 =	vadd.f32 v27, v26;
	_ =	sdelay $0x1  }
0x4ec: {  	v27 =	vmul.f32 $1.442695020e+00, v26;
	_ =	sdelay $0x1  }
0x4ed: {  	(erf) = vpow2.f32 v27;
	_ =	sdelay $0x7  }
0x4ee: {  	v27 =	vor.u32 v12, v25  }
0x4ef: {  	v28 =	vor.u32 v3, v25;
	v29 =	vpop (erf)  }
0x4f0: {  	v58 =	vor.u32 v13, v25;
	v29 =	vadd.f32 $-1.000000000e+00, v29  }
0x4f1: {  	vm0 =	vgt.f32 v26, $0.0e+00  }
0x4f2: {  	v26 =	vsel vm0, v26, v29  }
0x4f3: {  	[tilespmem:v27+s6+$0x0] =	vst.idx.msk $0xffff, v26  }
0x4f4: {  	v26 =	vld.idx.msk [tilespmem:v28+s6+$0x0], $0xffff  }
0x4f5: {  	v27 =	vld.idx.msk [tilespmem:v58+s6+$0x0], $0xffff;
	_ =	sdelay $0x4  }
0x4f6: {  	v26 =	vadd.f32 v27, v26;
	_ =	sdelay $0x1  }
0x4f7: {  	v27 =	vmul.f32 $1.442695020e+00, v26;
	_ =	sdelay $0x1  }
0x4f8: {  	(erf) = vpow2.f32 v27;
	_ =	sdelay $0x7  }
0x4f9: {  	v27 =	vor.u32 v14, v25  }
0x4fa: {  	v28 =	vor.u32 v4, v25;
	v29 =	vpop (erf)  }
0x4fb: {  	v59 =	vor.u32 v15, v25;
	v29 =	vadd.f32 $-1.000000000e+00, v29  }
0x4fc: {  	vm0 =	vgt.f32 v26, $0.0e+00  }
0x4fd: {  	v26 =	vsel vm0, v26, v29  }
0x4fe: {  	[tilespmem:v27+s6+$0x0] =	vst.idx.msk $0xffff, v26  }
0x4ff: {  	v26 =	vld.idx.msk [tilespmem:v28+s6+$0x0], $0xffff  }
0x500: {  	v27 =	vld.idx.msk [tilespmem:v59+s6+$0x0], $0xffff;
	_ =	sdelay $0x4  }
0x501: {  	v26 =	vadd.f32 v27, v26;
	_ =	sdelay $0x1  }
0x502: {  	v27 =	vmul.f32 $1.442695020e+00, v26;
	_ =	sdelay $0x1  }
0x503: {  	(erf) = vpow2.f32 v27;
	_ =	sdelay $0x7  }
0x504: {  	v27 =	vor.u32 v16, v25  }
0x505: {  	v28 =	vor.u32 v5, v25;
	v29 =	vpop (erf)  }
0x506: {  	v60 =	vor.u32 v17, v25;
	v29 =	vadd.f32 $-1.000000000e+00, v29  }
0x507: {  	vm0 =	vgt.f32 v26, $0.0e+00  }
0x508: {  	v26 =	vsel vm0, v26, v29  }
0x509: {  	[tilespmem:v27+s6+$0x0] =	vst.idx.msk $0xffff, v26  }
0x50a: {  	v26 =	vld.idx.msk [tilespmem:v28+s6+$0x0], $0xffff  }
0x50b: {  	v27 =	vld.idx.msk [tilespmem:v60+s6+$0x0], $0xffff;
	_ =	sdelay $0x4  }
0x50c: {  	v26 =	vadd.f32 v27, v26;
	_ =	sdelay $0x1  }
0x50d: {  	v27 =	vmul.f32 $1.442695020e+00, v26;
	_ =	sdelay $0x1  }
0x50e: {  	(erf) = vpow2.f32 v27;
	_ =	sdelay $0x7  }
0x50f: {  	v27 =	vor.u32 v18, v25  }
0x510: {  	v28 =	vor.u32 v6, v25;
	v29 =	vpop (erf)  }
0x511: {  	v61 =	vor.u32 v19, v25;
	v29 =	vadd.f32 $-1.000000000e+00, v29  }
0x512: {  	vm0 =	vgt.f32 v26, $0.0e+00  }
0x513: {  	v26 =	vsel vm0, v26, v29  }
0x514: {  	[tilespmem:v27+s6+$0x0] =	vst.idx.msk $0xffff, v26  }
0x515: {  	v26 =	vld.idx.msk [tilespmem:v28+s6+$0x0], $0xffff  }
0x516: {  	v27 =	vld.idx.msk [tilespmem:v61+s6+$0x0], $0xffff;
	_ =	sdelay $0x4  }
0x517: {  	v26 =	vadd.f32 v27, v26;
	_ =	sdelay $0x1  }
0x518: {  	v27 =	vmul.f32 $1.442695020e+00, v26;
	_ =	sdelay $0x1  }
0x519: {  	(erf) = vpow2.f32 v27;
	_ =	sdelay $0x7  }
0x51a: {  	v27 =	vor.u32 v20, v25  }
0x51b: {  	v28 =	vor.u32 v7, v25;
	v29 =	vpop (erf)  }
0x51c: {  	v62 =	vor.u32 v21, v25;
	v29 =	vadd.f32 $-1.000000000e+00, v29  }
0x51d: {  	vm0 =	vgt.f32 v26, $0.0e+00  }
0x51e: {  	v26 =	vsel vm0, v26, v29  }
0x51f: {  	[tilespmem:v27+s6+$0x0] =	vst.idx.msk $0xffff, v26  }
0x520: {  	v26 =	vld.idx.msk [tilespmem:v28+s6+$0x0], $0xffff  }
0x521: {  	v27 =	vld.idx.msk [tilespmem:v62+s6+$0x0], $0xffff;
	_ =	sdelay $0x4  }
0x522: {  	v26 =	vadd.f32 v27, v26;
	_ =	sdelay $0x1  }
0x523: {  	v27 =	vmul.f32 $1.442695020e+00, v26;
	_ =	sdelay $0x1  }
0x524: {  	(erf) = vpow2.f32 v27;
	_ =	sdelay $0x7  }
0x525: {  	v27 =	vor.u32 v22, v25  }
0x526: {  	v28 =	vor.u32 v8, v25;
	v29 =	vpop (erf)  }
0x527: {  	v63 =	vor.u32 v23, v25;
	v29 =	vadd.f32 $-1.000000000e+00, v29  }
0x528: {  	vm0 =	vgt.f32 v26, $0.0e+00  }
0x529: {  	v26 =	vsel vm0, v26, v29  }
0x52a: {  	[tilespmem:v27+s6+$0x0] =	vst.idx.msk $0xffff, v26  }
0x52b: {  	v26 =	vld.idx.msk [tilespmem:v28+s6+$0x0], $0xffff  }
0x52c: {  	v27 =	vld.idx.msk [tilespmem:v63+s6+$0x0], $0xffff;
	_ =	sdelay $0x4  }
0x52d: {  	v26 =	vadd.f32 v27, v26;
	_ =	sdelay $0x1  }
0x52e: {  	v28 =	vmul.f32 $1.442695020e+00, v26;
	_ =	sdelay $0x1  }
0x52f: {  	(erf) = vpow2.f32 v28;
	_ =	sdelay $0x2  }
0x530: {  	s7 =	simm.s32 $0x1;
	s13 =	simm.s32 $0x2;
	v27 =	vor.u32 v24, v25;
	vm0 =	vgt.f32 v26, $0.0e+00  }
.LBB2_27:
0x531: {  	_ = 	snop  }
0x532: {  	p0 =	sne.s32 s13, $0xF;
	v25 =	vmov s7;
	s7 =	smov.u32 s13;
	s13 =	sadd.s32 $0x1, s13  }
0x533: {  	v25 =	vshll.u32 v25, $0x7  }
0x534: {  	v25 =	vbroadcast v25, $0x0;
	_ =	sdelay $0x1  }
0x535: {  	v28 =	vor.u32 v0, v25;
	v29 =	vor.u32 v9, v25;
	v30 =	vpop (erf)  }
0x536: {  	v30 =	vadd.f32 $-1.000000000e+00, v30;
	_ =	sdelay $0x1  }
0x537: {  	v26 =	vsel vm0, v26, v30  }
0x538: {  	[tilespmem:v27+s6+$0x0] =	vst.idx.msk $0xffff, v26  }
0x539: {  	v26 =	vld.idx.msk [tilespmem:v28+s6+$0x0], $0xffff  }
0x53a: {  	v27 =	vld.idx.msk [tilespmem:v29+s6+$0x0], $0xffff;
	_ =	sdelay $0x5  }
0x53b: {  	v26 =	vadd.f32 v27, v26;
	_ =	sdelay $0x1  }
0x53c: {  	v27 =	vmul.f32 $1.442695020e+00, v26;
	_ =	sdelay $0x1  }
0x53d: {  	(erf) = vpow2.f32 v27;
	_ =	sdelay $0x6  }
0x53e: {  	v27 =	vor.u32 v10, v25;
	_ =	sdelay $0x1  }
0x53f: {  	v28 =	vor.u32 v2, v25;
	v29 =	vor.u32 v11, v25;
	v30 =	vpop (erf)  }
0x540: {  	vm0 =	vgt.f32 v26, $0.0e+00;
	v30 =	vadd.f32 $-1.000000000e+00, v30;
	_ =	sdelay $0x1  }
0x541: {  	v26 =	vsel vm0, v26, v30  }
0x542: {  	[tilespmem:v27+s6+$0x0] =	vst.idx.msk $0xffff, v26  }
0x543: {  	v26 =	vld.idx.msk [tilespmem:v28+s6+$0x0], $0xffff  }
0x544: {  	v27 =	vld.idx.msk [tilespmem:v29+s6+$0x0], $0xffff;
	_ =	sdelay $0x5  }
0x545: {  	v26 =	vadd.f32 v27, v26;
	_ =	sdelay $0x1  }
0x546: {  	v27 =	vmul.f32 $1.442695020e+00, v26;
	_ =	sdelay $0x1  }
0x547: {  	(erf) = vpow2.f32 v27;
	_ =	sdelay $0x5  }
0x548: {  	v27 =	vor.u32 v12, v25;
	_ =	sdelay $0x2  }
0x549: {  	v28 =	vor.u32 v3, v25;
	v29 =	vor.u32 v13, v25;
	vm0 =	vgt.f32 v26, $0.0e+00;
	v30 =	vpop (erf)  }
0x54a: {  	v30 =	vadd.f32 $-1.000000000e+00, v30;
	_ =	sdelay $0x1  }
0x54b: {  	v26 =	vsel vm0, v26, v30  }
0x54c: {  	[tilespmem:v27+s6+$0x0] =	vst.idx.msk $0xffff, v26  }
0x54d: {  	v26 =	vld.idx.msk [tilespmem:v28+s6+$0x0], $0xffff  }
0x54e: {  	v27 =	vld.idx.msk [tilespmem:v29+s6+$0x0], $0xffff;
	_ =	sdelay $0x5  }
0x54f: {  	v26 =	vadd.f32 v27, v26;
	_ =	sdelay $0x1  }
0x550: {  	v27 =	vmul.f32 $1.442695020e+00, v26;
	_ =	sdelay $0x1  }
0x551: {  	(erf) = vpow2.f32 v27;
	_ =	sdelay $0x4  }
0x552: {  	v27 =	vor.u32 v14, v25;
	_ =	sdelay $0x2  }
0x553: {  	vm0 =	vgt.f32 v26, $0.0e+00  }
0x554: {  	v28 =	vor.u32 v4, v25;
	v29 =	vor.u32 v15, v25;
	v30 =	vpop (erf)  }
0x555: {  	v30 =	vadd.f32 $-1.000000000e+00, v30;
	_ =	sdelay $0x1  }
0x556: {  	v26 =	vsel vm0, v26, v30  }
0x557: {  	[tilespmem:v27+s6+$0x0] =	vst.idx.msk $0xffff, v26  }
0x558: {  	v26 =	vld.idx.msk [tilespmem:v28+s6+$0x0], $0xffff  }
0x559: {  	v27 =	vld.idx.msk [tilespmem:v29+s6+$0x0], $0xffff;
	_ =	sdelay $0x5  }
0x55a: {  	v26 =	vadd.f32 v27, v26;
	_ =	sdelay $0x1  }
0x55b: {  	v27 =	vmul.f32 $1.442695020e+00, v26;
	_ =	sdelay $0x1  }
0x55c: {  	(erf) = vpow2.f32 v27;
	_ =	sdelay $0x3  }
0x55d: {  	v27 =	vor.u32 v16, v25;
	_ =	sdelay $0x2  }
0x55e: {  	vm0 =	vgt.f32 v26, $0.0e+00;
	_ =	sdelay $0x1  }
0x55f: {  	v28 =	vor.u32 v5, v25;
	v29 =	vor.u32 v17, v25;
	v30 =	vpop (erf)  }
0x560: {  	v30 =	vadd.f32 $-1.000000000e+00, v30;
	_ =	sdelay $0x1  }
0x561: {  	v26 =	vsel vm0, v26, v30  }
0x562: {  	[tilespmem:v27+s6+$0x0] =	vst.idx.msk $0xffff, v26  }
0x563: {  	v26 =	vld.idx.msk [tilespmem:v28+s6+$0x0], $0xffff  }
0x564: {  	v27 =	vld.idx.msk [tilespmem:v29+s6+$0x0], $0xffff;
	_ =	sdelay $0x5  }
0x565: {  	v26 =	vadd.f32 v27, v26;
	_ =	sdelay $0x1  }
0x566: {  	v27 =	vmul.f32 $1.442695020e+00, v26;
	_ =	sdelay $0x1  }
0x567: {  	(erf) = vpow2.f32 v27;
	_ =	sdelay $0x2  }
0x568: {  	v27 =	vor.u32 v18, v25;
	_ =	sdelay $0x2  }
0x569: {  	vm0 =	vgt.f32 v26, $0.0e+00;
	_ =	sdelay $0x2  }
0x56a: {  	v28 =	vor.u32 v6, v25;
	v29 =	vor.u32 v19, v25;
	v30 =	vpop (erf)  }
0x56b: {  	v30 =	vadd.f32 $-1.000000000e+00, v30;
	_ =	sdelay $0x1  }
0x56c: {  	v26 =	vsel vm0, v26, v30  }
0x56d: {  	[tilespmem:v27+s6+$0x0] =	vst.idx.msk $0xffff, v26  }
0x56e: {  	v26 =	vld.idx.msk [tilespmem:v28+s6+$0x0], $0xffff  }
0x56f: {  	v27 =	vld.idx.msk [tilespmem:v29+s6+$0x0], $0xffff;
	_ =	sdelay $0x5  }
0x570: {  	v26 =	vadd.f32 v27, v26;
	_ =	sdelay $0x1  }
0x571: {  	v27 =	vmul.f32 $1.442695020e+00, v26;
	_ =	sdelay $0x1  }
0x572: {  	(erf) = vpow2.f32 v27;
	_ =	sdelay $0x1  }
0x573: {  	v27 =	vor.u32 v20, v25;
	_ =	sdelay $0x2  }
0x574: {  	vm0 =	vgt.f32 v26, $0.0e+00;
	_ =	sdelay $0x3  }
0x575: {  	v28 =	vor.u32 v7, v25;
	v29 =	vor.u32 v21, v25;
	v30 =	vpop (erf)  }
0x576: {  	v30 =	vadd.f32 $-1.000000000e+00, v30;
	_ =	sdelay $0x1  }
0x577: {  	v26 =	vsel vm0, v26, v30  }
0x578: {  	[tilespmem:v27+s6+$0x0] =	vst.idx.msk $0xffff, v26  }
0x579: {  	v26 =	vld.idx.msk [tilespmem:v28+s6+$0x0], $0xffff  }
0x57a: {  	v27 =	vld.idx.msk [tilespmem:v29+s6+$0x0], $0xffff;
	_ =	sdelay $0x5  }
0x57b: {  	v26 =	vadd.f32 v27, v26;
	_ =	sdelay $0x1  }
0x57c: {  	v27 =	vmul.f32 $1.442695020e+00, v26;
	_ =	sdelay $0x1  }
0x57d: {  	(erf) = vpow2.f32 v27  }
0x57e: {  	v27 =	vor.u32 v22, v25;
	_ =	sdelay $0x2  }
0x57f: {  	vm0 =	vgt.f32 v26, $0.0e+00;
	_ =	sdelay $0x4  }
0x580: {  	v28 =	vor.u32 v8, v25;
	v29 =	vor.u32 v23, v25;
	v30 =	vpop (erf)  }
0x581: {  	v30 =	vadd.f32 $-1.000000000e+00, v30;
	_ =	sdelay $0x1  }
0x582: {  	v26 =	vsel vm0, v26, v30  }
0x583: {  	[tilespmem:v27+s6+$0x0] =	vst.idx.msk $0xffff, v26  }
0x584: {  	v26 =	vld.idx.msk [tilespmem:v28+s6+$0x0], $0xffff  }
0x585: {  	v27 =	vld.idx.msk [tilespmem:v29+s6+$0x0], $0xffff;
	_ =	sdelay $0x5  }
0x586: {  	v26 =	vadd.f32 v27, v26;
	_ =	sdelay $0x1  }
0x587: {  	v28 =	vmul.f32 $1.442695020e+00, v26  }
.Ltmp12:
0x588: {  	(pc) =	sbr.rel @p0 .LBB2_27-.Ltmp12, $2  }
0x589: {  	v27 =	vor.u32 v24, v25;
	(erf) = vpow2.f32 v28;
	_ =	sdelay $0x2  }
0x58a: {  	vm0 =	vgt.f32 v26, $0.0e+00  }
0x58b: {  	_ = 	snop  }
0x58c: {  	v25 =	vmov s7  }
0x58d: {  	v25 =	vshll.u32 v25, $0x7  }
0x58e: {  	v25 =	vbroadcast v25, $0x0;
	_ =	sdelay $0x1  }
0x58f: {  	v28 =	vor.u32 v0, v25;
	v29 =	vpop (erf)  }
0x590: {  	v30 =	vor.u32 v9, v25;
	v29 =	vadd.f32 $-1.000000000e+00, v29;
	_ =	sdelay $0x1  }
0x591: {  	v26 =	vsel vm0, v26, v29  }
0x592: {  	[tilespmem:v27+s6+$0x0] =	vst.idx.msk $0xffff, v26  }
0x593: {  	v26 =	vld.idx.msk [tilespmem:v28+s6+$0x0], $0xffff  }
0x594: {  	v27 =	vld.idx.msk [tilespmem:v30+s6+$0x0], $0xffff;
	_ =	sdelay $0x4  }
0x595: {  	v26 =	vadd.f32 v27, v26;
	_ =	sdelay $0x1  }
0x596: {  	v27 =	vmul.f32 $1.442695020e+00, v26;
	_ =	sdelay $0x1  }
0x597: {  	(erf) = vpow2.f32 v27;
	_ =	sdelay $0x7  }
0x598: {  	v27 =	vor.u32 v10, v25  }
0x599: {  	v43 =	vor.u32 v2, v25;
	v44 =	vpop (erf)  }
0x59a: {  	v45 =	vor.u32 v11, v25;
	v29 =	vadd.f32 $-1.000000000e+00, v44  }
0x59b: {  	vm8 =	vgt.f32 v26, $0.0e+00  }
0x59c: {  	v26 =	vsel vm8, v26, v29  }
0x59d: {  	[tilespmem:v27+s6+$0x0] =	vst.idx.msk $0xffff, v26  }
0x59e: {  	v26 =	vld.idx.msk [tilespmem:v43+s6+$0x0], $0xffff  }
0x59f: {  	v27 =	vld.idx.msk [tilespmem:v45+s6+$0x0], $0xffff;
	_ =	sdelay $0x4  }
0x5a0: {  	v26 =	vadd.f32 v27, v26;
	_ =	sdelay $0x1  }
0x5a1: {  	v27 =	vmul.f32 $1.442695020e+00, v26;
	_ =	sdelay $0x1  }
0x5a2: {  	(erf) = vpow2.f32 v27;
	_ =	sdelay $0x7  }
0x5a3: {  	v27 =	vor.u32 v12, v25  }
0x5a4: {  	v46 =	vor.u32 v3, v25;
	v47 =	vpop (erf)  }
0x5a5: {  	v48 =	vor.u32 v13, v25;
	v29 =	vadd.f32 $-1.000000000e+00, v47  }
0x5a6: {  	vm9 =	vgt.f32 v26, $0.0e+00  }
0x5a7: {  	v26 =	vsel vm9, v26, v29  }
0x5a8: {  	[tilespmem:v27+s6+$0x0] =	vst.idx.msk $0xffff, v26  }
0x5a9: {  	v26 =	vld.idx.msk [tilespmem:v46+s6+$0x0], $0xffff  }
0x5aa: {  	v27 =	vld.idx.msk [tilespmem:v48+s6+$0x0], $0xffff;
	_ =	sdelay $0x4  }
0x5ab: {  	v26 =	vadd.f32 v27, v26;
	_ =	sdelay $0x1  }
0x5ac: {  	v27 =	vmul.f32 $1.442695020e+00, v26;
	_ =	sdelay $0x1  }
0x5ad: {  	(erf) = vpow2.f32 v27;
	_ =	sdelay $0x7  }
0x5ae: {  	v27 =	vor.u32 v14, v25  }
0x5af: {  	v49 =	vor.u32 v4, v25;
	v50 =	vpop (erf)  }
0x5b0: {  	v51 =	vor.u32 v15, v25;
	v29 =	vadd.f32 $-1.000000000e+00, v50  }
0x5b1: {  	vm10 =	vgt.f32 v26, $0.0e+00  }
0x5b2: {  	v26 =	vsel vm10, v26, v29  }
0x5b3: {  	[tilespmem:v27+s6+$0x0] =	vst.idx.msk $0xffff, v26  }
0x5b4: {  	v26 =	vld.idx.msk [tilespmem:v49+s6+$0x0], $0xffff  }
0x5b5: {  	v27 =	vld.idx.msk [tilespmem:v51+s6+$0x0], $0xffff;
	_ =	sdelay $0x4  }
0x5b6: {  	v26 =	vadd.f32 v27, v26;
	_ =	sdelay $0x1  }
0x5b7: {  	v27 =	vmul.f32 $1.442695020e+00, v26;
	_ =	sdelay $0x1  }
0x5b8: {  	(erf) = vpow2.f32 v27;
	_ =	sdelay $0x7  }
0x5b9: {  	v27 =	vor.u32 v16, v25  }
0x5ba: {  	v52 =	vor.u32 v5, v25;
	v53 =	vpop (erf)  }
0x5bb: {  	v54 =	vor.u32 v17, v25;
	v29 =	vadd.f32 $-1.000000000e+00, v53  }
0x5bc: {  	vm11 =	vgt.f32 v26, $0.0e+00  }
0x5bd: {  	v26 =	vsel vm11, v26, v29  }
0x5be: {  	[tilespmem:v27+s6+$0x0] =	vst.idx.msk $0xffff, v26  }
0x5bf: {  	v26 =	vld.idx.msk [tilespmem:v52+s6+$0x0], $0xffff  }
0x5c0: {  	v27 =	vld.idx.msk [tilespmem:v54+s6+$0x0], $0xffff;
	_ =	sdelay $0x4  }
0x5c1: {  	v26 =	vadd.f32 v27, v26;
	_ =	sdelay $0x1  }
0x5c2: {  	v27 =	vmul.f32 $1.442695020e+00, v26;
	_ =	sdelay $0x1  }
0x5c3: {  	(erf) = vpow2.f32 v27;
	_ =	sdelay $0x7  }
0x5c4: {  	v27 =	vor.u32 v18, v25  }
0x5c5: {  	v55 =	vor.u32 v6, v25;
	v56 =	vpop (erf)  }
0x5c6: {  	v57 =	vor.u32 v19, v25;
	v29 =	vadd.f32 $-1.000000000e+00, v56  }
0x5c7: {  	vm12 =	vgt.f32 v26, $0.0e+00  }
0x5c8: {  	v26 =	vsel vm12, v26, v29  }
0x5c9: {  	[tilespmem:v27+s6+$0x0] =	vst.idx.msk $0xffff, v26  }
0x5ca: {  	v26 =	vld.idx.msk [tilespmem:v55+s6+$0x0], $0xffff  }
0x5cb: {  	v27 =	vld.idx.msk [tilespmem:v57+s6+$0x0], $0xffff;
	_ =	sdelay $0x4  }
0x5cc: {  	v26 =	vadd.f32 v27, v26;
	_ =	sdelay $0x1  }
0x5cd: {  	v27 =	vmul.f32 $1.442695020e+00, v26;
	_ =	sdelay $0x1  }
0x5ce: {  	(erf) = vpow2.f32 v27;
	_ =	sdelay $0x7  }
0x5cf: {  	v27 =	vor.u32 v20, v25  }
0x5d0: {  	v58 =	vor.u32 v7, v25;
	v59 =	vpop (erf)  }
0x5d1: {  	v60 =	vor.u32 v21, v25;
	v29 =	vadd.f32 $-1.000000000e+00, v59  }
0x5d2: {  	vm13 =	vgt.f32 v26, $0.0e+00  }
0x5d3: {  	v26 =	vsel vm13, v26, v29  }
0x5d4: {  	[tilespmem:v27+s6+$0x0] =	vst.idx.msk $0xffff, v26  }
0x5d5: {  	v26 =	vld.idx.msk [tilespmem:v58+s6+$0x0], $0xffff  }
0x5d6: {  	v27 =	vld.idx.msk [tilespmem:v60+s6+$0x0], $0xffff;
	_ =	sdelay $0x4  }
0x5d7: {  	v26 =	vadd.f32 v27, v26;
	_ =	sdelay $0x1  }
0x5d8: {  	v27 =	vmul.f32 $1.442695020e+00, v26;
	_ =	sdelay $0x1  }
0x5d9: {  	(erf) = vpow2.f32 v27;
	_ =	sdelay $0x7  }
0x5da: {  	v27 =	vor.u32 v22, v25  }
0x5db: {  	v61 =	vor.u32 v8, v25;
	v62 =	vpop (erf)  }
0x5dc: {  	v63 =	vor.u32 v23, v25;
	v29 =	vadd.f32 $-1.000000000e+00, v62  }
0x5dd: {  	vm14 =	vgt.f32 v26, $0.0e+00  }
0x5de: {  	v26 =	vsel vm14, v26, v29  }
0x5df: {  	[tilespmem:v27+s6+$0x0] =	vst.idx.msk $0xffff, v26  }
0x5e0: {  	v26 =	vld.idx.msk [tilespmem:v61+s6+$0x0], $0xffff  }
0x5e1: {  	v27 =	vld.idx.msk [tilespmem:v63+s6+$0x0], $0xffff;
	_ =	sdelay $0x4  }
0x5e2: {  	v26 =	vadd.f32 v27, v26;
	_ =	sdelay $0x1  }
0x5e3: {  	v27 =	vmul.f32 $1.442695020e+00, v26;
	_ =	sdelay $0x1  }
0x5e4: {  	(erf) = vpow2.f32 v27;
	_ =	sdelay $0x7  }
0x5e5: {  	v25 =	vor.u32 v24, v25  }
0x5e6: {  	v27 =	vpop (erf)  }
0x5e7: {  	v27 =	vadd.f32 $-1.000000000e+00, v27  }
0x5e8: {  	s3 =	sadd.s32 s16, s18;
	s14 =	sadd.s32 $0x1, s14;
	vm15 =	vgt.f32 v26, $0.0e+00  }
0x5e9: {  	s3 =	sshrl.u32 s3, $0x3;
	p0 =	sne.s32 s14, $0x14;
	v26 =	vsel vm15, v26, v27  }
.Ltmp13:
0x5ea: {  	s4 =	simm.s32 $0x1000;
	s3 =	sadd.s32 s17, s3;
	[tilespmem:v25+s6+$0x0] =	vst.idx.msk $0xffff, v26;
	(pc) =	sbr.rel @p0 .LBB2_26-.Ltmp13, $4  }
0x5eb: {  	[hbm4b:s3+s6] =	stream.linear.scatter [tilespmem:s4], [sflag:$0x5], $0x800, $0x38;
	[tilespmem:$0x17AC0] =	vst v63  }
0x5ec: {  	_ =	swait.ge [sflag:s20], $0x800  }
0x5ed: {  	[sflag:s20] =	ssyncset.done $0x0  }
0x5ee: {  	[sflag:s20] =	ssyncadd.s32 $0xFFFFF800  }
0x5ef: {  	s4 =	sld [smem:$0x7E1];
	_ =	sdelay $0x2  }
0x5f0: {  	s3 =	rddreg [dreg:$0x14];
	s4 =	sadd.s32 $0x1, s4  }
0x5f1: {  	p0 =	sne.s32 s4, s3  }
.Ltmp14:
0x5f2: {  	_ = 	snop;
	(pc) =	sbr.rel @p0 .LBB2_1-.Ltmp14, $2  }
0x5f3: {  	_ =	sdelay $0x1  }
0x5f4: {  	[bflag:$0x0] =	sbarrier.arrive $0xFFFF;
	_ =	sdelay $0x1  }
0x5f5: {  	_ =	sfence.sel $0x180000  }
0x5f6: {  	[bflag:$0x0] =	sbarrier.arrive $0xFFFF  }
0x5f7: {  	_ =	strace $0x9000004A  }
0x5f8: {  	s0 =	stileid.u32;
	[bflag:$0x2] =	sbarrier.arrive $0xFFFF  }
0x5f9: {  	p0 =	sne.s32 s0, $0x0;
	s0 =	rddreg [dreg:$0x5]  }
0x5fa: {  	s0 =	sadd.s32 @!p0 $0x100000, s0  }
0x5fb: {  	[sflag:s0] =	ssyncadd.tile.s32 @!p0 $0x1;
	_ =	shalt  }
.Lfunc_end2:
_tile_overlayer_lowered:
.L_overlay_start_2:
0x5fc: {  	(tag) =	ssettag $0x2  }
0x5fd: {  	s0 =	rddreg [dreg:$0x0];
	s2 =	stileid.u32  }
0x5fe: {  	s1 =	rddreg [dreg:$0x1];
	p0 =	sne.s32 s2, $0x0  }
0x5ff: {  	s3 =	rddreg [dreg:$0x2];
	[bflag:$0x3] =	sbarrier.arrive $0xFFFF;
	s2 =	simm.s32 @!p0 $0x1C05  }
0x600: {  	[timem:s3], [sflag:s2] =	dma.local @!p0 [hbm:s0], s1  }
0x601: {  	s0 =	simm.s32 @!p0 $0x5  }
0x602: {  	_ =	swait.ge @!p0 [sflag:s0], s1  }
0x603: {  	s1 =	ssub.s32 @!p0 $0x0, s1;
	[sflag:s0] =	ssyncset.done @!p0 $0x0  }
0x604: {  	[sflag:s0] =	ssyncadd.s32 @!p0 s1  }
0x605: {  	[bflag:$0x3] =	sbarrier.arrive $0xFFFF  }
0x606: {  	_ =	shalt  }

</sc_bundles>
